<compile_context>
chip_gen: v7x
topology: tpu7x:2x2x1
jax: 0.10.2.dev20260603
libtpu: 0.0.44.dev20260713+nightly
codegen_flags: <defaults>
</compile_context>

<pallas_src>
import functools

import jax
import jax.numpy as jnp
from jax import lax
from jax.experimental import pallas as pl
from jax.experimental.pallas import tpu as pltpu
from jax.experimental.pallas import tpu_sc as plsc

_N = 10000
_E = 320000
_HID = 64
_DIM = 32
_MIN_NORM = 1e-15

_NC = 2
_NS = 16
_NT = _NC * _NS
_C = 125
_EROWS = _E // _C
_NPAD = 10240
_NPT = _NPAD // _NS
_W = 128
_BR = 2000



def _artanh(v):
    v = jnp.clip(v, -1.0 + 1e-7, 1.0 - 1e-7)
    return 0.5 * jnp.log((1.0 + v) / (1.0 - v))


def _rnorm(v):
    return jnp.clip(jnp.sqrt(jnp.sum(v * v, axis=-1, keepdims=True)), _MIN_NORM)


def _proj(v, c):
    norm = _rnorm(v)
    maxnorm = (1.0 - 1e-5) / jnp.sqrt(c)
    return jnp.where(norm > maxnorm, v / norm * maxnorm, v)


def _expmap0(u, c):
    sqrt_c = jnp.sqrt(c)
    norm = _rnorm(u)
    return jnp.tanh(sqrt_c * norm) * u / (sqrt_c * norm)


def _logmap0(p, c):
    sqrt_c = jnp.sqrt(c)
    norm = _rnorm(p)
    return _artanh(sqrt_c * norm) * p / (sqrt_c * norm)


def _mobius_add(x, y, c):
    x2 = jnp.sum(x * x, axis=-1, keepdims=True)
    y2 = jnp.sum(y * y, axis=-1, keepdims=True)
    xy = jnp.sum(x * y, axis=-1, keepdims=True)
    num = (1.0 + 2.0 * c * xy + c * y2) * x + (1.0 - c * x2) * y
    den = 1.0 + 2.0 * c * xy + c * c * x2 * y2
    return num / jnp.clip(den, _MIN_NORM)


def _mobius_matvec(W, v, c):
    sqrt_c = jnp.sqrt(c)
    xn = _rnorm(v)
    mx = jnp.dot(v, W, preferred_element_type=jnp.float32)
    mxn = _rnorm(mx)
    return jnp.tanh(mxn / xn * _artanh(sqrt_c * xn)) * mx / (mxn * sqrt_c)


def _pre_agg(x_hyp, W, b, c):
    h = _proj(_mobius_matvec(W, x_hyp, c), c)
    bias = _proj(_expmap0(b, c), c)
    h = _proj(_mobius_add(h, bias, c), c)
    return _logmap0(h, c)


def _tc_stage1(x_ref, w1_ref, b1_ref, c_ref, out_ref):
    c = jnp.abs(c_ref[0, 0]) + 1e-6
    x_hyp = _proj(_expmap0(x_ref[...], c), c)
    t = _pre_agg(x_hyp, w1_ref[...], b1_ref[...], c)
    ones = jnp.ones((_BR, 8), jnp.float32)
    zeros = jnp.zeros((_BR, _W - _HID - 8), jnp.float32)
    out_ref[...] = jnp.concatenate([t, ones, zeros], axis=-1)


def _tc_stage2(sum1_ref, w2_ref, b2_ref, c_ref, t2_ref, deg_ref):
    c = jnp.abs(c_ref[0, 0]) + 1e-6
    s = sum1_ref[0, :, 0:_HID] + sum1_ref[1, :, 0:_HID]
    deg = jnp.clip(
        sum1_ref[0, :, _HID:_HID + 1] + sum1_ref[1, :, _HID:_HID + 1], 1.0)
    h_tan = jax.nn.relu(s / deg)
    z1 = _proj(_expmap0(h_tan, c), c)
    t2 = _pre_agg(z1, w2_ref[...], b2_ref[...], c)
    zeros = jnp.zeros((_BR, _W - _DIM), jnp.float32)
    t2_ref[...] = jnp.concatenate([t2, zeros], axis=-1)
    deg_ref[...] = jnp.broadcast_to(deg, (_BR, 8))


def _tc_stage3(sum2_ref, deg_ref, c_ref, out_ref):
    c = jnp.abs(c_ref[0, 0]) + 1e-6
    s = sum2_ref[0, :, 0:_DIM] + sum2_ref[1, :, 0:_DIM]
    deg = deg_ref[:, 0:1]
    h_tan = s / deg
    z0 = _proj(_expmap0(h_tan, c), c)
    z0_tan = _logmap0(z0, c)
    ones = jnp.ones((_BR, 8), jnp.float32)
    zeros = jnp.zeros((_BR, _W - _DIM - 8), jnp.float32)
    out_ref[...] = jnp.concatenate([z0_tan, ones, zeros], axis=-1)


def _tc_stage4(z0t_ref, vs_ref, aw_ref, c_ref, out_ref):
    c = jnp.abs(c_ref[0, 0]) + 1e-6
    views = [z0t_ref[:, 0:_DIM]]
    for l in range(4):
        s = vs_ref[l, :, 0:_DIM]
        dg = jnp.clip(vs_ref[l, :, _DIM:_DIM + 1], 1.0)
        views.append(s / dg)
    aw = aw_ref[...]
    scores = [jnp.sum(jnp.tanh(v) * aw, axis=-1, keepdims=True) for v in views]
    m = scores[0]
    for s in scores[1:]:
        m = jnp.maximum(m, s)
    es = [jnp.exp(s - m) for s in scores]
    z = es[0]
    for e in es[1:]:
        z = z + e
    comb = (es[0] / z) * views[0]
    for l in range(1, 5):
        comb = comb + (es[l] / z) * views[l]
    out_ref[...] = _proj(_expmap0(comb, c), c)


def _row_spec(shape):
    if shape[-2] > _BR:
        if len(shape) == 2:
            return pl.BlockSpec((_BR, shape[-1]), lambda i: (i, 0))
        return pl.BlockSpec((shape[0], _BR, shape[-1]), lambda i: (0, i, 0))
    nones = (0,) * len(shape)
    return pl.BlockSpec(shape, lambda i, _z=nones: _z)


def _tc_call(body, out_shapes, *args):
    single = not isinstance(out_shapes, list)
    shapes = [out_shapes] if single else out_shapes
    res = pl.pallas_call(
        body,
        grid=(_N // _BR,),
        in_specs=[_row_spec(a.shape) for a in args],
        out_specs=[_row_spec(s) for s in shapes],
        out_shape=[jax.ShapeDtypeStruct(s, jnp.float32) for s in shapes],
    )(*args)
    return res[0] if single else res



_MESH = plsc.VectorSubcoreMesh(core_axis_name="c", subcore_axis_name="s")

_SLAB = 40


def _sc_scratch():
    return (
        [pltpu.VMEM((_SLAB, _C), jnp.int32),
         pltpu.VMEM((_SLAB, _C), jnp.int32)]
        + [pltpu.VMEM((_C, _W), jnp.float32) for _ in range(2)]
        + [pltpu.VMEM_SHARED((_NPAD, _W), jnp.float32)]
        + [pltpu.SemaphoreType.DMA for _ in range(2)]
    )


def _sc_agg_body(table_h, out_h, accum, sidx, didx, bufs, gsems,
                 zeros_h, cc, ss, load_slab, rows_per_tile):
    my = pl.ds(pl.multiple_of(ss * _NPT, 8), _NPT)
    pltpu.sync_copy(zeros_h, accum.at[my])
    plsc.subcore_barrier()

    def gather(q, b):
        pltpu.async_copy(table_h.at[sidx.at[q]], bufs[b], gsems[b])

    def gather_wait(q, b):
        pltpu.make_async_copy(table_h.at[sidx.at[q]], bufs[b], gsems[b]).wait()

    def scatter(q, b):
        pltpu.sync_copy(bufs[b], accum.at[didx.at[q]], add=True)

    for phase in range(rows_per_tile // _SLAB):
        load_slab(phase)
        gather(0, 0)
        gather(1, 1)

        @pl.loop(0, _SLAB // 2 - 1)
        def _(t):
            q = t * 2
            gather_wait(q, 0)
            scatter(q, 0)
            gather(q + 2, 0)
            gather_wait(q + 1, 1)
            scatter(q + 1, 1)
            gather(q + 3, 1)

        gather_wait(_SLAB - 2, 0)
        scatter(_SLAB - 2, 0)
        gather_wait(_SLAB - 1, 1)
        scatter(_SLAB - 1, 1)

    plsc.subcore_barrier()
    pltpu.sync_copy(accum.at[my], out_h.at[cc, my])


def _sc_agg_half(table, src2d, dst2d, zeros_pad):
    rows_per_tile = _EROWS // _NT

    @functools.partial(
        pl.kernel,
        out_type=jax.ShapeDtypeStruct((_NC, _NPAD, _W), jnp.float32),
        mesh=_MESH,
        scratch_types=_sc_scratch(),
    )
    def k(table_h, src_h, dst_h, zeros_h, out_h, sidx, didx, b0, b1,
          accum, g0, g1):
        cc = lax.axis_index("c")
        ss = lax.axis_index("s")
        base_row = pl.multiple_of((cc * _NS + ss) * rows_per_tile, 8)

        def load_slab(phase):
            row0 = pl.multiple_of(base_row + phase * _SLAB, 8)
            pltpu.sync_copy(src_h.at[pl.ds(row0, _SLAB)], sidx)
            pltpu.sync_copy(dst_h.at[pl.ds(row0, _SLAB)], didx)

        _sc_agg_body(table_h, out_h, accum, sidx, didx, (b0, b1), (g0, g1),
                     zeros_h, cc, ss, load_slab, rows_per_tile)

    return k(table, src2d, dst2d, zeros_pad)


def _sc_agg_views(table, src4, dst4, zeros_pad):
    rows_per_tile = _EROWS // _NS

    @functools.partial(
        pl.kernel,
        out_type=jax.ShapeDtypeStruct((4, _NPAD, _W), jnp.float32),
        mesh=_MESH,
        scratch_types=_sc_scratch(),
    )
    def k(table_h, src_h, dst_h, zeros_h, out_h, sidx, didx, b0, b1,
          accum, g0, g1):
        cc = lax.axis_index("c")
        ss = lax.axis_index("s")
        my = pl.ds(pl.multiple_of(ss * _NPT, 8), _NPT)
        base_row = pl.multiple_of(ss * rows_per_tile, 8)

        for vp in range(2):
            lsel = vp * 2 + cc

            def load_slab(phase, lsel=lsel):
                row0 = pl.multiple_of(base_row + phase * _SLAB, 8)
                pltpu.sync_copy(src_h.at[lsel, pl.ds(row0, _SLAB)], sidx)
                pltpu.sync_copy(dst_h.at[lsel, pl.ds(row0, _SLAB)], didx)

            _sc_agg_body(table_h, out_h.at[pl.ds(vp * 2, 2)], accum, sidx,
                         didx, (b0, b1), (g0, g1), zeros_h, cc, ss,
                         load_slab, rows_per_tile)

    return k(table, src4, dst4, zeros_pad)



def kernel(x, adj, k_diffusion_in, k_diffusion_out, k_neighbor_in,
           k_neighbor_out, W1, b1, W2, b2, att_w, c_param):
    c2 = c_param.reshape(1, 1).astype(jnp.float32)
    b1r = b1.reshape(1, -1)
    b2r = b2.reshape(1, -1)
    awr = att_w.reshape(1, -1)

    def split(e):
        e = e.astype(jnp.int32)
        return e[0].reshape(_EROWS, _C), e[1].reshape(_EROWS, _C)

    src_a, dst_a = split(adj)
    view_src, view_dst = [], []
    for e in (k_diffusion_in, k_diffusion_out, k_neighbor_in, k_neighbor_out):
        s, dd = split(e)
        view_src.append(s)
        view_dst.append(dd)
    src_v = jnp.stack(view_src)
    dst_v = jnp.stack(view_dst)

    zeros_pad = jnp.zeros((_NPT, _W), jnp.float32)

    table1 = _tc_call(_tc_stage1, (_N, _W), x, W1, b1r, c2)
    sum1 = _sc_agg_half(table1, src_a, dst_a, zeros_pad)
    table2, deg8 = _tc_call(
        _tc_stage2, [(_N, _W), (_N, 8)], sum1, W2, b2r, c2)
    sum2 = _sc_agg_half(table2, src_a, dst_a, zeros_pad)
    z0table = _tc_call(_tc_stage3, (_N, _W), sum2, deg8, c2)
    vs = _sc_agg_views(z0table, src_v, dst_v, zeros_pad)
    return _tc_call(_tc_stage4, (_N, _DIM), z0table, vs, awr, c2)

# --- scband reference (transcript-rebuilt; emitter-appended) ---
"""Pipeline reference for scband-lpmodel-15745350107690 (READ-ONLY COPY).

The authoritative reference and input builder live on the scoring server;
editing this copy changes nothing except your own understanding.
"""

import jax
import jax.numpy as jnp
import numpy as np

N = 10000
E = 320000
FEAT = 128
HID = 64
DIM = 32
MIN_NORM = 1e-15


def artanh(x):
    x = jnp.clip(x, -1.0 + 1e-7, 1.0 - 1e-7)
    return 0.5 * jnp.log((1.0 + x) / (1.0 - x))


def proj(x, c):
    norm = jnp.clip(jnp.linalg.norm(x, axis=-1, keepdims=True), MIN_NORM)
    maxnorm = (1.0 - 1e-5) / jnp.sqrt(c)
    return jnp.where(norm > maxnorm, x / norm * maxnorm, x)


def expmap0(u, c):
    sqrt_c = jnp.sqrt(c)
    norm = jnp.clip(jnp.linalg.norm(u, axis=-1, keepdims=True), MIN_NORM)
    return jnp.tanh(sqrt_c * norm) * u / (sqrt_c * norm)


def logmap0(p, c):
    sqrt_c = jnp.sqrt(c)
    norm = jnp.clip(jnp.linalg.norm(p, axis=-1, keepdims=True), MIN_NORM)
    return artanh(sqrt_c * norm) * p / (sqrt_c * norm)


def mobius_add(x, y, c):
    x2 = jnp.sum(x * x, axis=-1, keepdims=True)
    y2 = jnp.sum(y * y, axis=-1, keepdims=True)
    xy = jnp.sum(x * y, axis=-1, keepdims=True)
    num = (1.0 + 2.0 * c * xy + c * y2) * x + (1.0 - c * x2) * y
    den = 1.0 + 2.0 * c * xy + c * c * x2 * y2
    return num / jnp.clip(den, MIN_NORM)


def mobius_matvec(W, x, c):
    sqrt_c = jnp.sqrt(c)
    xn = jnp.clip(jnp.linalg.norm(x, axis=-1, keepdims=True), MIN_NORM)
    mx = x @ W
    mxn = jnp.clip(jnp.linalg.norm(mx, axis=-1, keepdims=True), MIN_NORM)
    return jnp.tanh(mxn / xn * artanh(sqrt_c * xn)) * mx / (mxn * sqrt_c)


def mean_agg(h_tan, edge_index, n):
    src = edge_index[0]
    dst = edge_index[1]
    msg = h_tan[src]
    summed = jax.ops.segment_sum(msg, dst, num_segments=n)
    deg = jax.ops.segment_sum(jnp.ones((src.shape[0], 1), dtype=h_tan.dtype), dst, num_segments=n)
    return summed / jnp.clip(deg, 1.0)


def hgcn_layer(x_hyp, W, b, edge_index, c, n, act):
    h = proj(mobius_matvec(W, x_hyp, c), c)
    bias = proj(expmap0(b[None, :], c), c)
    h = proj(mobius_add(h, bias, c), c)
    h_tan = logmap0(h, c)
    h_tan = mean_agg(h_tan, edge_index, n)
    if act:
        h_tan = jax.nn.relu(h_tan)
    return proj(expmap0(h_tan, c), c)


def setup_inputs(seed: int = 0):
    key = jax.random.key(seed)
    ks = jax.random.split(key, 12)
    x = jax.random.normal(ks[0], (N, FEAT), dtype=jnp.float32)
    adj = jax.random.randint(ks[1], (2, E), 0, N)
    kdi = jax.random.randint(ks[2], (2, E), 0, N)
    kdo = jax.random.randint(ks[3], (2, E), 0, N)
    kni = jax.random.randint(ks[4], (2, E), 0, N)
    kno = jax.random.randint(ks[5], (2, E), 0, N)
    W1 = jax.random.normal(ks[6], (FEAT, HID), dtype=jnp.float32) * 0.05
    b1 = jnp.zeros((HID,), dtype=jnp.float32)
    W2 = jax.random.normal(ks[7], (HID, DIM), dtype=jnp.float32) * 0.05
    b2 = jnp.zeros((DIM,), dtype=jnp.float32)
    att_w = jax.random.normal(ks[8], (DIM,), dtype=jnp.float32) * 0.1
    c_param = jnp.ones((1,), dtype=jnp.float32)
    return {'x': x, 'adj': adj, 'k_diffusion_in': kdi, 'k_diffusion_out': kdo, 'k_neighbor_in': kni, 'k_neighbor_out': kno, 'W1': W1, 'b1': b1, 'W2': W2, 'b2': b2, 'att_w': att_w, 'c_param': c_param}


def reference(x, adj, k_diffusion_in, k_diffusion_out, k_neighbor_in, k_neighbor_out, W1, b1, W2, b2, att_w, c_param):
    c = jnp.abs(c_param[0]) + 1e-6
    n = x.shape[0]
    x_hyp = proj(expmap0(x, c), c)
    z1 = hgcn_layer(x_hyp, W1, b1, adj, c, n, act=True)
    z0 = hgcn_layer(z1, W2, b2, adj, c, n, act=False)
    z0_tan = logmap0(z0, c)
    views = [z0_tan]
    for e in (k_diffusion_in, k_diffusion_out, k_neighbor_in, k_neighbor_out):
        views.append(mean_agg(z0_tan, e, n))
    V = jnp.stack(views, axis=1)
    scores = jnp.tanh(V) @ att_w
    w = jax.nn.softmax(scores, axis=1)
    comb = jnp.sum(w[..., None] * V, axis=1)
    h = proj(expmap0(comb, c), c)
    return h

if __name__ == "__main__":
    import jax
    _d = setup_inputs()
    print(jax.jit(kernel)(*tuple(_d.values())))

</pallas_src>

<mosaic_0001>
#map = affine_map<(d0, d1) -> (0, 0)>
#map1 = affine_map<(d0, d1) -> (0, 0, 0)>
module attributes {stable_mosaic.version = 14 : i64} {
  func.func @k(%arg0: i32, %arg1: i32, %arg2: memref<10000x128xf32, #tpu.memory_space<hbm>>, %arg3: memref<4x2560x125xi32, #tpu.memory_space<hbm>>, %arg4: memref<4x2560x125xi32, #tpu.memory_space<hbm>>, %arg5: memref<640x128xf32, #tpu.memory_space<hbm>>, %arg6: memref<4x10240x128xf32, #tpu.memory_space<hbm>>, %arg7: memref<40x125xi32, #tpu.memory_space<vmem>>, %arg8: memref<40x125xi32, #tpu.memory_space<vmem>>, %arg9: memref<125x128xf32, #tpu.memory_space<vmem>>, %arg10: memref<125x128xf32, #tpu.memory_space<vmem>>, %arg11: memref<10240x128xf32, #tpu.memory_space<vmem_shared>>, %arg12: memref<!tpu.dma_semaphore, #tpu.memory_space<semaphore_mem>>, %arg13: memref<!tpu.dma_semaphore, #tpu.memory_space<semaphore_mem>>) attributes {dimension_semantics = [#tpu.dimension_semantics<core_parallel>, #tpu.dimension_semantics<subcore_parallel>], iteration_bounds = array<i64: 2, 16>, scalar_prefetch = 0 : i64, scratch_operands = 7 : i64, tpu.core_type = #tpu.core_type<sc_vector_subcore>, window_params = [{transform_indices = #map}, {transform_indices = #map1}, {transform_indices = #map1}, {transform_indices = #map}, {transform_indices = #map1}]} {
    %mul3A = arith.constant 640 : i32
    %mul3A_0 = arith.muli %arg1, %mul3A : i32
    %multiple_of3A = tpu.assume_multiple %mul3A_0, 8 : i32
    %mul3A_1 = arith.constant 160 : i32
    %mul3A_2 = arith.muli %arg1, %mul3A_1 : i32
    %multiple_of3A_3 = tpu.assume_multiple %mul3A_2, 8 : i32
    %add3A = arith.constant 0 : i32
    %add3A_4 = arith.addi %add3A, %arg0 : i32
    %mul3A_5 = arith.constant 640 : i32
    %mul3A_6 = arith.muli %arg1, %mul3A_5 : i32
    %multiple_of3A_7 = tpu.assume_multiple %mul3A_6, 8 : i32
    "tpu.region"() ({
      %run_scoped3A_316 = tpu.sem_alloc : memref<!tpu.dma_semaphore, #tpu.memory_space<semaphore_mem>>
      %dma_start3A_317 = arith.constant 0 : i32
      %dma_start3A_318 = tpu.memref_slice %arg11[%multiple_of3A_7, %dma_start3A_317] : memref<10240x128xf32, #tpu.memory_space<vmem_shared>> -> memref<640x128xf32, #tpu.memory_space<vmem_shared>>
      tpu.enqueue_dma source(%arg5 : memref<640x128xf32, #tpu.memory_space<hbm>>) target(%dma_start3A_318 : memref<640x128xf32, #tpu.memory_space<vmem_shared>>) target_semaphore(%run_scoped3A_316 : memref<!tpu.dma_semaphore, #tpu.memory_space<semaphore_mem>>)
      %dma_wait3A_319 = arith.constant 0 : i32
      %dma_wait3A_320 = tpu.memref_slice %arg11[%multiple_of3A_7, %dma_wait3A_319] : memref<10240x128xf32, #tpu.memory_space<vmem_shared>> -> memref<640x128xf32, #tpu.memory_space<vmem_shared>>
      tpu.wait_dma2 semaphore(%run_scoped3A_316 : memref<!tpu.dma_semaphore, #tpu.memory_space<semaphore_mem>>) src(%arg5 : memref<640x128xf32, #tpu.memory_space<hbm>>) dst(%dma_wait3A_320 : memref<640x128xf32, #tpu.memory_space<vmem_shared>>)
      tpu.yield
    }) : () -> ()
    %barrier3A = arith.constant 0 : index
    tpu.barrier barrier_id(%barrier3A)
    %add3A_8 = arith.constant 0 : i32
    %add3A_9 = arith.addi %multiple_of3A_3, %add3A_8 : i32
    %multiple_of3A_10 = tpu.assume_multiple %add3A_9, 8 : i32
    "tpu.region"() ({
      %run_scoped3A_316 = tpu.sem_alloc : memref<!tpu.dma_semaphore, #tpu.memory_space<semaphore_mem>>
      %dma_start3A_317 = arith.constant 0 : i32
      %dma_start3A_318 = tpu.memref_slice %arg3[%add3A_4, %multiple_of3A_10, %dma_start3A_317] : memref<4x2560x125xi32, #tpu.memory_space<hbm>> -> memref<1x40x125xi32, #tpu.memory_space<hbm>>
      %dma_start3A_319 = tpu.memref_squeeze %dma_start3A_318 : memref<1x40x125xi32, #tpu.memory_space<hbm>> -> memref<40x125xi32, #tpu.memory_space<hbm>>
      %dma_start3A_320 = arith.constant 0 : i32
      %dma_start3A_321 = tpu.memref_slice %arg3[%add3A_4, %multiple_of3A_10, %dma_start3A_320] : memref<4x2560x125xi32, #tpu.memory_space<hbm>> -> memref<1x40x125xi32, #tpu.memory_space<hbm>>
      %dma_start3A_322 = tpu.memref_squeeze %dma_start3A_321 : memref<1x40x125xi32, #tpu.memory_space<hbm>> -> memref<40x125xi32, #tpu.memory_space<hbm>>
      tpu.enqueue_dma source(%dma_start3A_322 : memref<40x125xi32, #tpu.memory_space<hbm>>) target(%arg7 : memref<40x125xi32, #tpu.memory_space<vmem>>) target_semaphore(%run_scoped3A_316 : memref<!tpu.dma_semaphore, #tpu.memory_space<semaphore_mem>>)
      %dma_wait3A_323 = arith.constant 0 : i32
      %dma_wait3A_324 = tpu.memref_slice %arg3[%add3A_4, %multiple_of3A_10, %dma_wait3A_323] : memref<4x2560x125xi32, #tpu.memory_space<hbm>> -> memref<1x40x125xi32, #tpu.memory_space<hbm>>
      %dma_wait3A_325 = tpu.memref_squeeze %dma_wait3A_324 : memref<1x40x125xi32, #tpu.memory_space<hbm>> -> memref<40x125xi32, #tpu.memory_space<hbm>>
      %dma_wait3A_326 = arith.constant 0 : i32
      %dma_wait3A_327 = tpu.memref_slice %arg3[%add3A_4, %multiple_of3A_10, %dma_wait3A_326] : memref<4x2560x125xi32, #tpu.memory_space<hbm>> -> memref<1x40x125xi32, #tpu.memory_space<hbm>>
      %dma_wait3A_328 = tpu.memref_squeeze %dma_wait3A_327 : memref<1x40x125xi32, #tpu.memory_space<hbm>> -> memref<40x125xi32, #tpu.memory_space<hbm>>
      tpu.wait_dma2 semaphore(%run_scoped3A_316 : memref<!tpu.dma_semaphore, #tpu.memory_space<semaphore_mem>>) src(%dma_wait3A_328 : memref<40x125xi32, #tpu.memory_space<hbm>>) dst(%arg7 : memref<40x125xi32, #tpu.memory_space<vmem>>)
      tpu.yield
    }) : () -> ()
    "tpu.region"() ({
      %run_scoped3A_316 = tpu.sem_alloc : memref<!tpu.dma_semaphore, #tpu.memory_space<semaphore_mem>>
      %dma_start3A_317 = arith.constant 0 : i32
      %dma_start3A_318 = tpu.memref_slice %arg4[%add3A_4, %multiple_of3A_10, %dma_start3A_317] : memref<4x2560x125xi32, #tpu.memory_space<hbm>> -> memref<1x40x125xi32, #tpu.memory_space<hbm>>
      %dma_start3A_319 = tpu.memref_squeeze %dma_start3A_318 : memref<1x40x125xi32, #tpu.memory_space<hbm>> -> memref<40x125xi32, #tpu.memory_space<hbm>>
      %dma_start3A_320 = arith.constant 0 : i32
      %dma_start3A_321 = tpu.memref_slice %arg4[%add3A_4, %multiple_of3A_10, %dma_start3A_320] : memref<4x2560x125xi32, #tpu.memory_space<hbm>> -> memref<1x40x125xi32, #tpu.memory_space<hbm>>
      %dma_start3A_322 = tpu.memref_squeeze %dma_start3A_321 : memref<1x40x125xi32, #tpu.memory_space<hbm>> -> memref<40x125xi32, #tpu.memory_space<hbm>>
      tpu.enqueue_dma source(%dma_start3A_322 : memref<40x125xi32, #tpu.memory_space<hbm>>) target(%arg8 : memref<40x125xi32, #tpu.memory_space<vmem>>) target_semaphore(%run_scoped3A_316 : memref<!tpu.dma_semaphore, #tpu.memory_space<semaphore_mem>>)
      %dma_wait3A_323 = arith.constant 0 : i32
      %dma_wait3A_324 = tpu.memref_slice %arg4[%add3A_4, %multiple_of3A_10, %dma_wait3A_323] : memref<4x2560x125xi32, #tpu.memory_space<hbm>> -> memref<1x40x125xi32, #tpu.memory_space<hbm>>
      %dma_wait3A_325 = tpu.memref_squeeze %dma_wait3A_324 : memref<1x40x125xi32, #tpu.memory_space<hbm>> -> memref<40x125xi32, #tpu.memory_space<hbm>>
      %dma_wait3A_326 = arith.constant 0 : i32
      %dma_wait3A_327 = tpu.memref_slice %arg4[%add3A_4, %multiple_of3A_10, %dma_wait3A_326] : memref<4x2560x125xi32, #tpu.memory_space<hbm>> -> memref<1x40x125xi32, #tpu.memory_space<hbm>>
      %dma_wait3A_328 = tpu.memref_squeeze %dma_wait3A_327 : memref<1x40x125xi32, #tpu.memory_space<hbm>> -> memref<40x125xi32, #tpu.memory_space<hbm>>
      tpu.wait_dma2 semaphore(%run_scoped3A_316 : memref<!tpu.dma_semaphore, #tpu.memory_space<semaphore_mem>>) src(%dma_wait3A_328 : memref<40x125xi32, #tpu.memory_space<hbm>>) dst(%arg8 : memref<40x125xi32, #tpu.memory_space<vmem>>)
      tpu.yield
    }) : () -> ()
    %dma_start3A = arith.constant 0 : i32
    %dma_start3A_11 = arith.constant 0 : i32
    %dma_start3A_12 = tpu.memref_slice %arg7[%dma_start3A, %dma_start3A_11] : memref<40x125xi32, #tpu.memory_space<vmem>> -> memref<1x125xi32, #tpu.memory_space<vmem>>
    %dma_start3A_13 = tpu.memref_squeeze %dma_start3A_12 : memref<1x125xi32, #tpu.memory_space<vmem>> -> memref<125xi32, #tpu.memory_space<vmem>>
    %dma_start3A_14 = arith.constant 0 : i32
    %dma_start3A_15 = arith.constant 0 : i32
    %dma_start3A_16 = tpu.memref_slice %arg2[%dma_start3A_14, %dma_start3A_15] : memref<10000x128xf32, #tpu.memory_space<hbm>> -> memref<10000x128xf32, #tpu.memory_space<hbm>>
    tpu.enqueue_indirect_dma source(%dma_start3A_16 : memref<10000x128xf32, #tpu.memory_space<hbm>>) target(%arg9 : memref<125x128xf32, #tpu.memory_space<vmem>>) offsets(%dma_start3A_13 : memref<125xi32, #tpu.memory_space<vmem>>) semaphore(%arg12 : memref<!tpu.dma_semaphore, #tpu.memory_space<semaphore_mem>>)
    %dma_start3A_17 = arith.constant 1 : i32
    %dma_start3A_18 = arith.constant 0 : i32
    %dma_start3A_19 = tpu.memref_slice %arg7[%dma_start3A_17, %dma_start3A_18] : memref<40x125xi32, #tpu.memory_space<vmem>> -> memref<1x125xi32, #tpu.memory_space<vmem>>
    %dma_start3A_20 = tpu.memref_squeeze %dma_start3A_19 : memref<1x125xi32, #tpu.memory_space<vmem>> -> memref<125xi32, #tpu.memory_space<vmem>>
    %dma_start3A_21 = arith.constant 0 : i32
    %dma_start3A_22 = arith.constant 0 : i32
    %dma_start3A_23 = tpu.memref_slice %arg2[%dma_start3A_21, %dma_start3A_22] : memref<10000x128xf32, #tpu.memory_space<hbm>> -> memref<10000x128xf32, #tpu.memory_space<hbm>>
    tpu.enqueue_indirect_dma source(%dma_start3A_23 : memref<10000x128xf32, #tpu.memory_space<hbm>>) target(%arg10 : memref<125x128xf32, #tpu.memory_space<vmem>>) offsets(%dma_start3A_20 : memref<125xi32, #tpu.memory_space<vmem>>) semaphore(%arg13 : memref<!tpu.dma_semaphore, #tpu.memory_space<semaphore_mem>>)
    %scan3A = arith.constant 0 : i32
    %scan3A_24 = arith.constant 19 : i32
    %scan3A_25 = arith.addi %scan3A, %scan3A_24 : i32
    %scan3A_26 = arith.constant 1 : i32
    scf.for %scan3A_316 = %scan3A to %scan3A_25 step %scan3A_26  : i32 {
      %mul3A_317 = arith.constant 1 : i32
      %mul3A_318 = arith.muli %scan3A_316, %mul3A_317 : i32
      %add3A_319 = arith.constant 0 : i32
      %add3A_320 = arith.addi %add3A_319, %mul3A_318 : i32
      %mul3A_321 = arith.constant 2 : i32
      %mul3A_322 = arith.muli %add3A_320, %mul3A_321 : i32
      %dma_wait3A_323 = arith.constant 0 : i32
      %dma_wait3A_324 = tpu.memref_slice %arg7[%mul3A_322, %dma_wait3A_323] : memref<40x125xi32, #tpu.memory_space<vmem>> -> memref<1x125xi32, #tpu.memory_space<vmem>>
      %dma_wait3A_325 = tpu.memref_squeeze %dma_wait3A_324 : memref<1x125xi32, #tpu.memory_space<vmem>> -> memref<125xi32, #tpu.memory_space<vmem>>
      %dma_wait3A_326 = arith.constant 0 : i32
      %dma_wait3A_327 = arith.constant 0 : i32
      %dma_wait3A_328 = tpu.memref_slice %arg2[%dma_wait3A_326, %dma_wait3A_327] : memref<10000x128xf32, #tpu.memory_space<hbm>> -> memref<10000x128xf32, #tpu.memory_space<hbm>>
      tpu.wait_indirect_dma semaphore(%arg12 : memref<!tpu.dma_semaphore, #tpu.memory_space<semaphore_mem>>) src(%dma_wait3A_328 : memref<10000x128xf32, #tpu.memory_space<hbm>>) dst(%arg9 : memref<125x128xf32, #tpu.memory_space<vmem>>)
      "tpu.region"() ({
        %run_scoped3A_355 = tpu.sem_alloc : memref<!tpu.dma_semaphore, #tpu.memory_space<semaphore_mem>>
        %dma_start3A_356 = arith.constant 0 : i32
        %dma_start3A_357 = tpu.memref_slice %arg8[%mul3A_322, %dma_start3A_356] : memref<40x125xi32, #tpu.memory_space<vmem>> -> memref<1x125xi32, #tpu.memory_space<vmem>>
        %dma_start3A_358 = tpu.memref_squeeze %dma_start3A_357 : memref<1x125xi32, #tpu.memory_space<vmem>> -> memref<125xi32, #tpu.memory_space<vmem>>
        %dma_start3A_359 = arith.constant 0 : i32
        %dma_start3A_360 = arith.constant 0 : i32
        %dma_start3A_361 = tpu.memref_slice %arg11[%dma_start3A_359, %dma_start3A_360] : memref<10240x128xf32, #tpu.memory_space<vmem_shared>> -> memref<10240x128xf32, #tpu.memory_space<vmem_shared>>
        tpu.enqueue_indirect_dma source(%arg9 : memref<125x128xf32, #tpu.memory_space<vmem>>) target(%dma_start3A_361 : memref<10240x128xf32, #tpu.memory_space<vmem_shared>>) offsets(%dma_start3A_358 : memref<125xi32, #tpu.memory_space<vmem>>) semaphore(%run_scoped3A_355 : memref<!tpu.dma_semaphore, #tpu.memory_space<semaphore_mem>>) {add = true}
        %dma_wait3A_362 = arith.constant 0 : i32
        %dma_wait3A_363 = tpu.memref_slice %arg8[%mul3A_322, %dma_wait3A_362] : memref<40x125xi32, #tpu.memory_space<vmem>> -> memref<1x125xi32, #tpu.memory_space<vmem>>
        %dma_wait3A_364 = tpu.memref_squeeze %dma_wait3A_363 : memref<1x125xi32, #tpu.memory_space<vmem>> -> memref<125xi32, #tpu.memory_space<vmem>>
        %dma_wait3A_365 = arith.constant 0 : i32
        %dma_wait3A_366 = arith.constant 0 : i32
        %dma_wait3A_367 = tpu.memref_slice %arg11[%dma_wait3A_365, %dma_wait3A_366] : memref<10240x128xf32, #tpu.memory_space<vmem_shared>> -> memref<10240x128xf32, #tpu.memory_space<vmem_shared>>
        tpu.wait_indirect_dma semaphore(%run_scoped3A_355 : memref<!tpu.dma_semaphore, #tpu.memory_space<semaphore_mem>>) src(%arg9 : memref<125x128xf32, #tpu.memory_space<vmem>>) dst(%dma_wait3A_367 : memref<10240x128xf32, #tpu.memory_space<vmem_shared>>)
        tpu.yield
      }) : () -> ()
      %add3A_329 = arith.constant 2 : i32
      %add3A_330 = arith.addi %mul3A_322, %add3A_329 : i32
      %dma_start3A_331 = arith.constant 0 : i32
      %dma_start3A_332 = tpu.memref_slice %arg7[%add3A_330, %dma_start3A_331] : memref<40x125xi32, #tpu.memory_space<vmem>> -> memref<1x125xi32, #tpu.memory_space<vmem>>
      %dma_start3A_333 = tpu.memref_squeeze %dma_start3A_332 : memref<1x125xi32, #tpu.memory_space<vmem>> -> memref<125xi32, #tpu.memory_space<vmem>>
      %dma_start3A_334 = arith.constant 0 : i32
      %dma_start3A_335 = arith.constant 0 : i32
      %dma_start3A_336 = tpu.memref_slice %arg2[%dma_start3A_334, %dma_start3A_335] : memref<10000x128xf32, #tpu.memory_space<hbm>> -> memref<10000x128xf32, #tpu.memory_space<hbm>>
      tpu.enqueue_indirect_dma source(%dma_start3A_336 : memref<10000x128xf32, #tpu.memory_space<hbm>>) target(%arg9 : memref<125x128xf32, #tpu.memory_space<vmem>>) offsets(%dma_start3A_333 : memref<125xi32, #tpu.memory_space<vmem>>) semaphore(%arg12 : memref<!tpu.dma_semaphore, #tpu.memory_space<semaphore_mem>>)
      %add3A_337 = arith.constant 1 : i32
      %add3A_338 = arith.addi %mul3A_322, %add3A_337 : i32
      %dma_wait3A_339 = arith.constant 0 : i32
      %dma_wait3A_340 = tpu.memref_slice %arg7[%add3A_338, %dma_wait3A_339] : memref<40x125xi32, #tpu.memory_space<vmem>> -> memref<1x125xi32, #tpu.memory_space<vmem>>
      %dma_wait3A_341 = tpu.memref_squeeze %dma_wait3A_340 : memref<1x125xi32, #tpu.memory_space<vmem>> -> memref<125xi32, #tpu.memory_space<vmem>>
      %dma_wait3A_342 = arith.constant 0 : i32
      %dma_wait3A_343 = arith.constant 0 : i32
      %dma_wait3A_344 = tpu.memref_slice %arg2[%dma_wait3A_342, %dma_wait3A_343] : memref<10000x128xf32, #tpu.memory_space<hbm>> -> memref<10000x128xf32, #tpu.memory_space<hbm>>
      tpu.wait_indirect_dma semaphore(%arg13 : memref<!tpu.dma_semaphore, #tpu.memory_space<semaphore_mem>>) src(%dma_wait3A_344 : memref<10000x128xf32, #tpu.memory_space<hbm>>) dst(%arg10 : memref<125x128xf32, #tpu.memory_space<vmem>>)
      %add3A_345 = arith.constant 1 : i32
      %add3A_346 = arith.addi %mul3A_322, %add3A_345 : i32
      "tpu.region"() ({
        %run_scoped3A_355 = tpu.sem_alloc : memref<!tpu.dma_semaphore, #tpu.memory_space<semaphore_mem>>
        %dma_start3A_356 = arith.constant 0 : i32
        %dma_start3A_357 = tpu.memref_slice %arg8[%add3A_346, %dma_start3A_356] : memref<40x125xi32, #tpu.memory_space<vmem>> -> memref<1x125xi32, #tpu.memory_space<vmem>>
        %dma_start3A_358 = tpu.memref_squeeze %dma_start3A_357 : memref<1x125xi32, #tpu.memory_space<vmem>> -> memref<125xi32, #tpu.memory_space<vmem>>
        %dma_start3A_359 = arith.constant 0 : i32
        %dma_start3A_360 = arith.constant 0 : i32
        %dma_start3A_361 = tpu.memref_slice %arg11[%dma_start3A_359, %dma_start3A_360] : memref<10240x128xf32, #tpu.memory_space<vmem_shared>> -> memref<10240x128xf32, #tpu.memory_space<vmem_shared>>
        tpu.enqueue_indirect_dma source(%arg10 : memref<125x128xf32, #tpu.memory_space<vmem>>) target(%dma_start3A_361 : memref<10240x128xf32, #tpu.memory_space<vmem_shared>>) offsets(%dma_start3A_358 : memref<125xi32, #tpu.memory_space<vmem>>) semaphore(%run_scoped3A_355 : memref<!tpu.dma_semaphore, #tpu.memory_space<semaphore_mem>>) {add = true}
        %dma_wait3A_362 = arith.constant 0 : i32
        %dma_wait3A_363 = tpu.memref_slice %arg8[%add3A_346, %dma_wait3A_362] : memref<40x125xi32, #tpu.memory_space<vmem>> -> memref<1x125xi32, #tpu.memory_space<vmem>>
        %dma_wait3A_364 = tpu.memref_squeeze %dma_wait3A_363 : memref<1x125xi32, #tpu.memory_space<vmem>> -> memref<125xi32, #tpu.memory_space<vmem>>
        %dma_wait3A_365 = arith.constant 0 : i32
        %dma_wait3A_366 = arith.constant 0 : i32
        %dma_wait3A_367 = tpu.memref_slice %arg11[%dma_wait3A_365, %dma_wait3A_366] : memref<10240x128xf32, #tpu.memory_space<vmem_shared>> -> memref<10240x128xf32, #tpu.memory_space<vmem_shared>>
        tpu.wait_indirect_dma semaphore(%run_scoped3A_355 : memref<!tpu.dma_semaphore, #tpu.memory_space<semaphore_mem>>) src(%arg10 : memref<125x128xf32, #tpu.memory_space<vmem>>) dst(%dma_wait3A_367 : memref<10240x128xf32, #tpu.memory_space<vmem_shared>>)
        tpu.yield
      }) : () -> ()
      %add3A_347 = arith.constant 3 : i32
      %add3A_348 = arith.addi %mul3A_322, %add3A_347 : i32
      %dma_start3A_349 = arith.constant 0 : i32
      %dma_start3A_350 = tpu.memref_slice %arg7[%add3A_348, %dma_start3A_349] : memref<40x125xi32, #tpu.memory_space<vmem>> -> memref<1x125xi32, #tpu.memory_space<vmem>>
      %dma_start3A_351 = tpu.memref_squeeze %dma_start3A_350 : memref<1x125xi32, #tpu.memory_space<vmem>> -> memref<125xi32, #tpu.memory_space<vmem>>
      %dma_start3A_352 = arith.constant 0 : i32
      %dma_start3A_353 = arith.constant 0 : i32
      %dma_start3A_354 = tpu.memref_slice %arg2[%dma_start3A_352, %dma_start3A_353] : memref<10000x128xf32, #tpu.memory_space<hbm>> -> memref<10000x128xf32, #tpu.memory_space<hbm>>
      tpu.enqueue_indirect_dma source(%dma_start3A_354 : memref<10000x128xf32, #tpu.memory_space<hbm>>) target(%arg10 : memref<125x128xf32, #tpu.memory_space<vmem>>) offsets(%dma_start3A_351 : memref<125xi32, #tpu.memory_space<vmem>>) semaphore(%arg13 : memref<!tpu.dma_semaphore, #tpu.memory_space<semaphore_mem>>)
    }
    %scan3A_27 = arith.constant 19 : i32
    %dma_wait3A = arith.constant 38 : i32
    %dma_wait3A_28 = arith.constant 0 : i32
    %dma_wait3A_29 = tpu.memref_slice %arg7[%dma_wait3A, %dma_wait3A_28] : memref<40x125xi32, #tpu.memory_space<vmem>> -> memref<1x125xi32, #tpu.memory_space<vmem>>
    %dma_wait3A_30 = tpu.memref_squeeze %dma_wait3A_29 : memref<1x125xi32, #tpu.memory_space<vmem>> -> memref<125xi32, #tpu.memory_space<vmem>>
    %dma_wait3A_31 = arith.constant 0 : i32
    %dma_wait3A_32 = arith.constant 0 : i32
    %dma_wait3A_33 = tpu.memref_slice %arg2[%dma_wait3A_31, %dma_wait3A_32] : memref<10000x128xf32, #tpu.memory_space<hbm>> -> memref<10000x128xf32, #tpu.memory_space<hbm>>
    tpu.wait_indirect_dma semaphore(%arg12 : memref<!tpu.dma_semaphore, #tpu.memory_space<semaphore_mem>>) src(%dma_wait3A_33 : memref<10000x128xf32, #tpu.memory_space<hbm>>) dst(%arg9 : memref<125x128xf32, #tpu.memory_space<vmem>>)
    %run_scoped3A = arith.constant 38 : i32
    "tpu.region"() ({
      %run_scoped3A_316 = tpu.sem_alloc : memref<!tpu.dma_semaphore, #tpu.memory_space<semaphore_mem>>
      %dma_start3A_317 = arith.constant 0 : i32
      %dma_start3A_318 = tpu.memref_slice %arg8[%run_scoped3A, %dma_start3A_317] : memref<40x125xi32, #tpu.memory_space<vmem>> -> memref<1x125xi32, #tpu.memory_space<vmem>>
      %dma_start3A_319 = tpu.memref_squeeze %dma_start3A_318 : memref<1x125xi32, #tpu.memory_space<vmem>> -> memref<125xi32, #tpu.memory_space<vmem>>
      %dma_start3A_320 = arith.constant 0 : i32
      %dma_start3A_321 = arith.constant 0 : i32
      %dma_start3A_322 = tpu.memref_slice %arg11[%dma_start3A_320, %dma_start3A_321] : memref<10240x128xf32, #tpu.memory_space<vmem_shared>> -> memref<10240x128xf32, #tpu.memory_space<vmem_shared>>
      tpu.enqueue_indirect_dma source(%arg9 : memref<125x128xf32, #tpu.memory_space<vmem>>) target(%dma_start3A_322 : memref<10240x128xf32, #tpu.memory_space<vmem_shared>>) offsets(%dma_start3A_319 : memref<125xi32, #tpu.memory_space<vmem>>) semaphore(%run_scoped3A_316 : memref<!tpu.dma_semaphore, #tpu.memory_space<semaphore_mem>>) {add = true}
      %dma_wait3A_323 = arith.constant 0 : i32
      %dma_wait3A_324 = tpu.memref_slice %arg8[%run_scoped3A, %dma_wait3A_323] : memref<40x125xi32, #tpu.memory_space<vmem>> -> memref<1x125xi32, #tpu.memory_space<vmem>>
      %dma_wait3A_325 = tpu.memref_squeeze %dma_wait3A_324 : memref<1x125xi32, #tpu.memory_space<vmem>> -> memref<125xi32, #tpu.memory_space<vmem>>
      %dma_wait3A_326 = arith.constant 0 : i32
      %dma_wait3A_327 = arith.constant 0 : i32
      %dma_wait3A_328 = tpu.memref_slice %arg11[%dma_wait3A_326, %dma_wait3A_327] : memref<10240x128xf32, #tpu.memory_space<vmem_shared>> -> memref<10240x128xf32, #tpu.memory_space<vmem_shared>>
      tpu.wait_indirect_dma semaphore(%run_scoped3A_316 : memref<!tpu.dma_semaphore, #tpu.memory_space<semaphore_mem>>) src(%arg9 : memref<125x128xf32, #tpu.memory_space<vmem>>) dst(%dma_wait3A_328 : memref<10240x128xf32, #tpu.memory_space<vmem_shared>>)
      tpu.yield
    }) : () -> ()
    %dma_wait3A_34 = arith.constant 39 : i32
    %dma_wait3A_35 = arith.constant 0 : i32
    %dma_wait3A_36 = tpu.memref_slice %arg7[%dma_wait3A_34, %dma_wait3A_35] : memref<40x125xi32, #tpu.memory_space<vmem>> -> memref<1x125xi32, #tpu.memory_space<vmem>>
    %dma_wait3A_37 = tpu.memref_squeeze %dma_wait3A_36 : memref<1x125xi32, #tpu.memory_space<vmem>> -> memref<125xi32, #tpu.memory_space<vmem>>
    %dma_wait3A_38 = arith.constant 0 : i32
    %dma_wait3A_39 = arith.constant 0 : i32
    %dma_wait3A_40 = tpu.memref_slice %arg2[%dma_wait3A_38, %dma_wait3A_39] : memref<10000x128xf32, #tpu.memory_space<hbm>> -> memref<10000x128xf32, #tpu.memory_space<hbm>>
    tpu.wait_indirect_dma semaphore(%arg13 : memref<!tpu.dma_semaphore, #tpu.memory_space<semaphore_mem>>) src(%dma_wait3A_40 : memref<10000x128xf32, #tpu.memory_space<hbm>>) dst(%arg10 : memref<125x128xf32, #tpu.memory_space<vmem>>)
    %run_scoped3A_41 = arith.constant 39 : i32
    "tpu.region"() ({
      %run_scoped3A_316 = tpu.sem_alloc : memref<!tpu.dma_semaphore, #tpu.memory_space<semaphore_mem>>
      %dma_start3A_317 = arith.constant 0 : i32
      %dma_start3A_318 = tpu.memref_slice %arg8[%run_scoped3A_41, %dma_start3A_317] : memref<40x125xi32, #tpu.memory_space<vmem>> -> memref<1x125xi32, #tpu.memory_space<vmem>>
      %dma_start3A_319 = tpu.memref_squeeze %dma_start3A_318 : memref<1x125xi32, #tpu.memory_space<vmem>> -> memref<125xi32, #tpu.memory_space<vmem>>
      %dma_start3A_320 = arith.constant 0 : i32
      %dma_start3A_321 = arith.constant 0 : i32
      %dma_start3A_322 = tpu.memref_slice %arg11[%dma_start3A_320, %dma_start3A_321] : memref<10240x128xf32, #tpu.memory_space<vmem_shared>> -> memref<10240x128xf32, #tpu.memory_space<vmem_shared>>
      tpu.enqueue_indirect_dma source(%arg10 : memref<125x128xf32, #tpu.memory_space<vmem>>) target(%dma_start3A_322 : memref<10240x128xf32, #tpu.memory_space<vmem_shared>>) offsets(%dma_start3A_319 : memref<125xi32, #tpu.memory_space<vmem>>) semaphore(%run_scoped3A_316 : memref<!tpu.dma_semaphore, #tpu.memory_space<semaphore_mem>>) {add = true}
      %dma_wait3A_323 = arith.constant 0 : i32
      %dma_wait3A_324 = tpu.memref_slice %arg8[%run_scoped3A_41, %dma_wait3A_323] : memref<40x125xi32, #tpu.memory_space<vmem>> -> memref<1x125xi32, #tpu.memory_space<vmem>>
      %dma_wait3A_325 = tpu.memref_squeeze %dma_wait3A_324 : memref<1x125xi32, #tpu.memory_space<vmem>> -> memref<125xi32, #tpu.memory_space<vmem>>
      %dma_wait3A_326 = arith.constant 0 : i32
      %dma_wait3A_327 = arith.constant 0 : i32
      %dma_wait3A_328 = tpu.memref_slice %arg11[%dma_wait3A_326, %dma_wait3A_327] : memref<10240x128xf32, #tpu.memory_space<vmem_shared>> -> memref<10240x128xf32, #tpu.memory_space<vmem_shared>>
      tpu.wait_indirect_dma semaphore(%run_scoped3A_316 : memref<!tpu.dma_semaphore, #tpu.memory_space<semaphore_mem>>) src(%arg10 : memref<125x128xf32, #tpu.memory_space<vmem>>) dst(%dma_wait3A_328 : memref<10240x128xf32, #tpu.memory_space<vmem_shared>>)
      tpu.yield
    }) : () -> ()
    %add3A_42 = arith.constant 40 : i32
    %add3A_43 = arith.addi %multiple_of3A_3, %add3A_42 : i32
    %multiple_of3A_44 = tpu.assume_multiple %add3A_43, 8 : i32
    "tpu.region"() ({
      %run_scoped3A_316 = tpu.sem_alloc : memref<!tpu.dma_semaphore, #tpu.memory_space<semaphore_mem>>
      %dma_start3A_317 = arith.constant 0 : i32
      %dma_start3A_318 = tpu.memref_slice %arg3[%add3A_4, %multiple_of3A_44, %dma_start3A_317] : memref<4x2560x125xi32, #tpu.memory_space<hbm>> -> memref<1x40x125xi32, #tpu.memory_space<hbm>>
      %dma_start3A_319 = tpu.memref_squeeze %dma_start3A_318 : memref<1x40x125xi32, #tpu.memory_space<hbm>> -> memref<40x125xi32, #tpu.memory_space<hbm>>
      %dma_start3A_320 = arith.constant 0 : i32
      %dma_start3A_321 = tpu.memref_slice %arg3[%add3A_4, %multiple_of3A_44, %dma_start3A_320] : memref<4x2560x125xi32, #tpu.memory_space<hbm>> -> memref<1x40x125xi32, #tpu.memory_space<hbm>>
      %dma_start3A_322 = tpu.memref_squeeze %dma_start3A_321 : memref<1x40x125xi32, #tpu.memory_space<hbm>> -> memref<40x125xi32, #tpu.memory_space<hbm>>
      tpu.enqueue_dma source(%dma_start3A_322 : memref<40x125xi32, #tpu.memory_space<hbm>>) target(%arg7 : memref<40x125xi32, #tpu.memory_space<vmem>>) target_semaphore(%run_scoped3A_316 : memref<!tpu.dma_semaphore, #tpu.memory_space<semaphore_mem>>)
      %dma_wait3A_323 = arith.constant 0 : i32
      %dma_wait3A_324 = tpu.memref_slice %arg3[%add3A_4, %multiple_of3A_44, %dma_wait3A_323] : memref<4x2560x125xi32, #tpu.memory_space<hbm>> -> memref<1x40x125xi32, #tpu.memory_space<hbm>>
      %dma_wait3A_325 = tpu.memref_squeeze %dma_wait3A_324 : memref<1x40x125xi32, #tpu.memory_space<hbm>> -> memref<40x125xi32, #tpu.memory_space<hbm>>
      %dma_wait3A_326 = arith.constant 0 : i32
      %dma_wait3A_327 = tpu.memref_slice %arg3[%add3A_4, %multiple_of3A_44, %dma_wait3A_326] : memref<4x2560x125xi32, #tpu.memory_space<hbm>> -> memref<1x40x125xi32, #tpu.memory_space<hbm>>
      %dma_wait3A_328 = tpu.memref_squeeze %dma_wait3A_327 : memref<1x40x125xi32, #tpu.memory_space<hbm>> -> memref<40x125xi32, #tpu.memory_space<hbm>>
      tpu.wait_dma2 semaphore(%run_scoped3A_316 : memref<!tpu.dma_semaphore, #tpu.memory_space<semaphore_mem>>) src(%dma_wait3A_328 : memref<40x125xi32, #tpu.memory_space<hbm>>) dst(%arg7 : memref<40x125xi32, #tpu.memory_space<vmem>>)
      tpu.yield
    }) : () -> ()
    "tpu.region"() ({
      %run_scoped3A_316 = tpu.sem_alloc : memref<!tpu.dma_semaphore, #tpu.memory_space<semaphore_mem>>
      %dma_start3A_317 = arith.constant 0 : i32
      %dma_start3A_318 = tpu.memref_slice %arg4[%add3A_4, %multiple_of3A_44, %dma_start3A_317] : memref<4x2560x125xi32, #tpu.memory_space<hbm>> -> memref<1x40x125xi32, #tpu.memory_space<hbm>>
      %dma_start3A_319 = tpu.memref_squeeze %dma_start3A_318 : memref<1x40x125xi32, #tpu.memory_space<hbm>> -> memref<40x125xi32, #tpu.memory_space<hbm>>
      %dma_start3A_320 = arith.constant 0 : i32
      %dma_start3A_321 = tpu.memref_slice %arg4[%add3A_4, %multiple_of3A_44, %dma_start3A_320] : memref<4x2560x125xi32, #tpu.memory_space<hbm>> -> memref<1x40x125xi32, #tpu.memory_space<hbm>>
      %dma_start3A_322 = tpu.memref_squeeze %dma_start3A_321 : memref<1x40x125xi32, #tpu.memory_space<hbm>> -> memref<40x125xi32, #tpu.memory_space<hbm>>
      tpu.enqueue_dma source(%dma_start3A_322 : memref<40x125xi32, #tpu.memory_space<hbm>>) target(%arg8 : memref<40x125xi32, #tpu.memory_space<vmem>>) target_semaphore(%run_scoped3A_316 : memref<!tpu.dma_semaphore, #tpu.memory_space<semaphore_mem>>)
      %dma_wait3A_323 = arith.constant 0 : i32
      %dma_wait3A_324 = tpu.memref_slice %arg4[%add3A_4, %multiple_of3A_44, %dma_wait3A_323] : memref<4x2560x125xi32, #tpu.memory_space<hbm>> -> memref<1x40x125xi32, #tpu.memory_space<hbm>>
      %dma_wait3A_325 = tpu.memref_squeeze %dma_wait3A_324 : memref<1x40x125xi32, #tpu.memory_space<hbm>> -> memref<40x125xi32, #tpu.memory_space<hbm>>
      %dma_wait3A_326 = arith.constant 0 : i32
      %dma_wait3A_327 = tpu.memref_slice %arg4[%add3A_4, %multiple_of3A_44, %dma_wait3A_326] : memref<4x2560x125xi32, #tpu.memory_space<hbm>> -> memref<1x40x125xi32, #tpu.memory_space<hbm>>
      %dma_wait3A_328 = tpu.memref_squeeze %dma_wait3A_327 : memref<1x40x125xi32, #tpu.memory_space<hbm>> -> memref<40x125xi32, #tpu.memory_space<hbm>>
      tpu.wait_dma2 semaphore(%run_scoped3A_316 : memref<!tpu.dma_semaphore, #tpu.memory_space<semaphore_mem>>) src(%dma_wait3A_328 : memref<40x125xi32, #tpu.memory_space<hbm>>) dst(%arg8 : memref<40x125xi32, #tpu.memory_space<vmem>>)
      tpu.yield
    }) : () -> ()
    %dma_start3A_45 = arith.constant 0 : i32
    %dma_start3A_46 = arith.constant 0 : i32
    %dma_start3A_47 = tpu.memref_slice %arg7[%dma_start3A_45, %dma_start3A_46] : memref<40x125xi32, #tpu.memory_space<vmem>> -> memref<1x125xi32, #tpu.memory_space<vmem>>
    %dma_start3A_48 = tpu.memref_squeeze %dma_start3A_47 : memref<1x125xi32, #tpu.memory_space<vmem>> -> memref<125xi32, #tpu.memory_space<vmem>>
    %dma_start3A_49 = arith.constant 0 : i32
    %dma_start3A_50 = arith.constant 0 : i32
    %dma_start3A_51 = tpu.memref_slice %arg2[%dma_start3A_49, %dma_start3A_50] : memref<10000x128xf32, #tpu.memory_space<hbm>> -> memref<10000x128xf32, #tpu.memory_space<hbm>>
    tpu.enqueue_indirect_dma source(%dma_start3A_51 : memref<10000x128xf32, #tpu.memory_space<hbm>>) target(%arg9 : memref<125x128xf32, #tpu.memory_space<vmem>>) offsets(%dma_start3A_48 : memref<125xi32, #tpu.memory_space<vmem>>) semaphore(%arg12 : memref<!tpu.dma_semaphore, #tpu.memory_space<semaphore_mem>>)
    %dma_start3A_52 = arith.constant 1 : i32
    %dma_start3A_53 = arith.constant 0 : i32
    %dma_start3A_54 = tpu.memref_slice %arg7[%dma_start3A_52, %dma_start3A_53] : memref<40x125xi32, #tpu.memory_space<vmem>> -> memref<1x125xi32, #tpu.memory_space<vmem>>
    %dma_start3A_55 = tpu.memref_squeeze %dma_start3A_54 : memref<1x125xi32, #tpu.memory_space<vmem>> -> memref<125xi32, #tpu.memory_space<vmem>>
    %dma_start3A_56 = arith.constant 0 : i32
    %dma_start3A_57 = arith.constant 0 : i32
    %dma_start3A_58 = tpu.memref_slice %arg2[%dma_start3A_56, %dma_start3A_57] : memref<10000x128xf32, #tpu.memory_space<hbm>> -> memref<10000x128xf32, #tpu.memory_space<hbm>>
    tpu.enqueue_indirect_dma source(%dma_start3A_58 : memref<10000x128xf32, #tpu.memory_space<hbm>>) target(%arg10 : memref<125x128xf32, #tpu.memory_space<vmem>>) offsets(%dma_start3A_55 : memref<125xi32, #tpu.memory_space<vmem>>) semaphore(%arg13 : memref<!tpu.dma_semaphore, #tpu.memory_space<semaphore_mem>>)
    %scan3A_59 = arith.constant 0 : i32
    %scan3A_60 = arith.constant 19 : i32
    %scan3A_61 = arith.addi %scan3A_59, %scan3A_60 : i32
    %scan3A_62 = arith.constant 1 : i32
    scf.for %scan3A_316 = %scan3A_59 to %scan3A_61 step %scan3A_62  : i32 {
      %mul3A_317 = arith.constant 1 : i32
      %mul3A_318 = arith.muli %scan3A_316, %mul3A_317 : i32
      %add3A_319 = arith.constant 0 : i32
      %add3A_320 = arith.addi %add3A_319, %mul3A_318 : i32
      %mul3A_321 = arith.constant 2 : i32
      %mul3A_322 = arith.muli %add3A_320, %mul3A_321 : i32
      %dma_wait3A_323 = arith.constant 0 : i32
      %dma_wait3A_324 = tpu.memref_slice %arg7[%mul3A_322, %dma_wait3A_323] : memref<40x125xi32, #tpu.memory_space<vmem>> -> memref<1x125xi32, #tpu.memory_space<vmem>>
      %dma_wait3A_325 = tpu.memref_squeeze %dma_wait3A_324 : memref<1x125xi32, #tpu.memory_space<vmem>> -> memref<125xi32, #tpu.memory_space<vmem>>
      %dma_wait3A_326 = arith.constant 0 : i32
      %dma_wait3A_327 = arith.constant 0 : i32
      %dma_wait3A_328 = tpu.memref_slice %arg2[%dma_wait3A_326, %dma_wait3A_327] : memref<10000x128xf32, #tpu.memory_space<hbm>> -> memref<10000x128xf32, #tpu.memory_space<hbm>>
      tpu.wait_indirect_dma semaphore(%arg12 : memref<!tpu.dma_semaphore, #tpu.memory_space<semaphore_mem>>) src(%dma_wait3A_328 : memref<10000x128xf32, #tpu.memory_space<hbm>>) dst(%arg9 : memref<125x128xf32, #tpu.memory_space<vmem>>)
      "tpu.region"() ({
        %run_scoped3A_355 = tpu.sem_alloc : memref<!tpu.dma_semaphore, #tpu.memory_space<semaphore_mem>>
        %dma_start3A_356 = arith.constant 0 : i32
        %dma_start3A_357 = tpu.memref_slice %arg8[%mul3A_322, %dma_start3A_356] : memref<40x125xi32, #tpu.memory_space<vmem>> -> memref<1x125xi32, #tpu.memory_space<vmem>>
        %dma_start3A_358 = tpu.memref_squeeze %dma_start3A_357 : memref<1x125xi32, #tpu.memory_space<vmem>> -> memref<125xi32, #tpu.memory_space<vmem>>
        %dma_start3A_359 = arith.constant 0 : i32
        %dma_start3A_360 = arith.constant 0 : i32
        %dma_start3A_361 = tpu.memref_slice %arg11[%dma_start3A_359, %dma_start3A_360] : memref<10240x128xf32, #tpu.memory_space<vmem_shared>> -> memref<10240x128xf32, #tpu.memory_space<vmem_shared>>
        tpu.enqueue_indirect_dma source(%arg9 : memref<125x128xf32, #tpu.memory_space<vmem>>) target(%dma_start3A_361 : memref<10240x128xf32, #tpu.memory_space<vmem_shared>>) offsets(%dma_start3A_358 : memref<125xi32, #tpu.memory_space<vmem>>) semaphore(%run_scoped3A_355 : memref<!tpu.dma_semaphore, #tpu.memory_space<semaphore_mem>>) {add = true}
        %dma_wait3A_362 = arith.constant 0 : i32
        %dma_wait3A_363 = tpu.memref_slice %arg8[%mul3A_322, %dma_wait3A_362] : memref<40x125xi32, #tpu.memory_space<vmem>> -> memref<1x125xi32, #tpu.memory_space<vmem>>
        %dma_wait3A_364 = tpu.memref_squeeze %dma_wait3A_363 : memref<1x125xi32, #tpu.memory_space<vmem>> -> memref<125xi32, #tpu.memory_space<vmem>>
        %dma_wait3A_365 = arith.constant 0 : i32
        %dma_wait3A_366 = arith.constant 0 : i32
        %dma_wait3A_367 = tpu.memref_slice %arg11[%dma_wait3A_365, %dma_wait3A_366] : memref<10240x128xf32, #tpu.memory_space<vmem_shared>> -> memref<10240x128xf32, #tpu.memory_space<vmem_shared>>
        tpu.wait_indirect_dma semaphore(%run_scoped3A_355 : memref<!tpu.dma_semaphore, #tpu.memory_space<semaphore_mem>>) src(%arg9 : memref<125x128xf32, #tpu.memory_space<vmem>>) dst(%dma_wait3A_367 : memref<10240x128xf32, #tpu.memory_space<vmem_shared>>)
        tpu.yield
      }) : () -> ()
      %add3A_329 = arith.constant 2 : i32
      %add3A_330 = arith.addi %mul3A_322, %add3A_329 : i32
      %dma_start3A_331 = arith.constant 0 : i32
      %dma_start3A_332 = tpu.memref_slice %arg7[%add3A_330, %dma_start3A_331] : memref<40x125xi32, #tpu.memory_space<vmem>> -> memref<1x125xi32, #tpu.memory_space<vmem>>
      %dma_start3A_333 = tpu.memref_squeeze %dma_start3A_332 : memref<1x125xi32, #tpu.memory_space<vmem>> -> memref<125xi32, #tpu.memory_space<vmem>>
      %dma_start3A_334 = arith.constant 0 : i32
      %dma_start3A_335 = arith.constant 0 : i32
      %dma_start3A_336 = tpu.memref_slice %arg2[%dma_start3A_334, %dma_start3A_335] : memref<10000x128xf32, #tpu.memory_space<hbm>> -> memref<10000x128xf32, #tpu.memory_space<hbm>>
      tpu.enqueue_indirect_dma source(%dma_start3A_336 : memref<10000x128xf32, #tpu.memory_space<hbm>>) target(%arg9 : memref<125x128xf32, #tpu.memory_space<vmem>>) offsets(%dma_start3A_333 : memref<125xi32, #tpu.memory_space<vmem>>) semaphore(%arg12 : memref<!tpu.dma_semaphore, #tpu.memory_space<semaphore_mem>>)
      %add3A_337 = arith.constant 1 : i32
      %add3A_338 = arith.addi %mul3A_322, %add3A_337 : i32
      %dma_wait3A_339 = arith.constant 0 : i32
      %dma_wait3A_340 = tpu.memref_slice %arg7[%add3A_338, %dma_wait3A_339] : memref<40x125xi32, #tpu.memory_space<vmem>> -> memref<1x125xi32, #tpu.memory_space<vmem>>
      %dma_wait3A_341 = tpu.memref_squeeze %dma_wait3A_340 : memref<1x125xi32, #tpu.memory_space<vmem>> -> memref<125xi32, #tpu.memory_space<vmem>>
      %dma_wait3A_342 = arith.constant 0 : i32
      %dma_wait3A_343 = arith.constant 0 : i32
      %dma_wait3A_344 = tpu.memref_slice %arg2[%dma_wait3A_342, %dma_wait3A_343] : memref<10000x128xf32, #tpu.memory_space<hbm>> -> memref<10000x128xf32, #tpu.memory_space<hbm>>
      tpu.wait_indirect_dma semaphore(%arg13 : memref<!tpu.dma_semaphore, #tpu.memory_space<semaphore_mem>>) src(%dma_wait3A_344 : memref<10000x128xf32, #tpu.memory_space<hbm>>) dst(%arg10 : memref<125x128xf32, #tpu.memory_space<vmem>>)
      %add3A_345 = arith.constant 1 : i32
      %add3A_346 = arith.addi %mul3A_322, %add3A_345 : i32
      "tpu.region"() ({
        %run_scoped3A_355 = tpu.sem_alloc : memref<!tpu.dma_semaphore, #tpu.memory_space<semaphore_mem>>
        %dma_start3A_356 = arith.constant 0 : i32
        %dma_start3A_357 = tpu.memref_slice %arg8[%add3A_346, %dma_start3A_356] : memref<40x125xi32, #tpu.memory_space<vmem>> -> memref<1x125xi32, #tpu.memory_space<vmem>>
        %dma_start3A_358 = tpu.memref_squeeze %dma_start3A_357 : memref<1x125xi32, #tpu.memory_space<vmem>> -> memref<125xi32, #tpu.memory_space<vmem>>
        %dma_start3A_359 = arith.constant 0 : i32
        %dma_start3A_360 = arith.constant 0 : i32
        %dma_start3A_361 = tpu.memref_slice %arg11[%dma_start3A_359, %dma_start3A_360] : memref<10240x128xf32, #tpu.memory_space<vmem_shared>> -> memref<10240x128xf32, #tpu.memory_space<vmem_shared>>
        tpu.enqueue_indirect_dma source(%arg10 : memref<125x128xf32, #tpu.memory_space<vmem>>) target(%dma_start3A_361 : memref<10240x128xf32, #tpu.memory_space<vmem_shared>>) offsets(%dma_start3A_358 : memref<125xi32, #tpu.memory_space<vmem>>) semaphore(%run_scoped3A_355 : memref<!tpu.dma_semaphore, #tpu.memory_space<semaphore_mem>>) {add = true}
        %dma_wait3A_362 = arith.constant 0 : i32
        %dma_wait3A_363 = tpu.memref_slice %arg8[%add3A_346, %dma_wait3A_362] : memref<40x125xi32, #tpu.memory_space<vmem>> -> memref<1x125xi32, #tpu.memory_space<vmem>>
        %dma_wait3A_364 = tpu.memref_squeeze %dma_wait3A_363 : memref<1x125xi32, #tpu.memory_space<vmem>> -> memref<125xi32, #tpu.memory_space<vmem>>
        %dma_wait3A_365 = arith.constant 0 : i32
        %dma_wait3A_366 = arith.constant 0 : i32
        %dma_wait3A_367 = tpu.memref_slice %arg11[%dma_wait3A_365, %dma_wait3A_366] : memref<10240x128xf32, #tpu.memory_space<vmem_shared>> -> memref<10240x128xf32, #tpu.memory_space<vmem_shared>>
        tpu.wait_indirect_dma semaphore(%run_scoped3A_355 : memref<!tpu.dma_semaphore, #tpu.memory_space<semaphore_mem>>) src(%arg10 : memref<125x128xf32, #tpu.memory_space<vmem>>) dst(%dma_wait3A_367 : memref<10240x128xf32, #tpu.memory_space<vmem_shared>>)
        tpu.yield
      }) : () -> ()
      %add3A_347 = arith.constant 3 : i32
      %add3A_348 = arith.addi %mul3A_322, %add3A_347 : i32
      %dma_start3A_349 = arith.constant 0 : i32
      %dma_start3A_350 = tpu.memref_slice %arg7[%add3A_348, %dma_start3A_349] : memref<40x125xi32, #tpu.memory_space<vmem>> -> memref<1x125xi32, #tpu.memory_space<vmem>>
      %dma_start3A_351 = tpu.memref_squeeze %dma_start3A_350 : memref<1x125xi32, #tpu.memory_space<vmem>> -> memref<125xi32, #tpu.memory_space<vmem>>
      %dma_start3A_352 = arith.constant 0 : i32
      %dma_start3A_353 = arith.constant 0 : i32
      %dma_start3A_354 = tpu.memref_slice %arg2[%dma_start3A_352, %dma_start3A_353] : memref<10000x128xf32, #tpu.memory_space<hbm>> -> memref<10000x128xf32, #tpu.memory_space<hbm>>
      tpu.enqueue_indirect_dma source(%dma_start3A_354 : memref<10000x128xf32, #tpu.memory_space<hbm>>) target(%arg10 : memref<125x128xf32, #tpu.memory_space<vmem>>) offsets(%dma_start3A_351 : memref<125xi32, #tpu.memory_space<vmem>>) semaphore(%arg13 : memref<!tpu.dma_semaphore, #tpu.memory_space<semaphore_mem>>)
    }
    %scan3A_63 = arith.constant 19 : i32
    %dma_wait3A_64 = arith.constant 38 : i32
    %dma_wait3A_65 = arith.constant 0 : i32
    %dma_wait3A_66 = tpu.memref_slice %arg7[%dma_wait3A_64, %dma_wait3A_65] : memref<40x125xi32, #tpu.memory_space<vmem>> -> memref<1x125xi32, #tpu.memory_space<vmem>>
    %dma_wait3A_67 = tpu.memref_squeeze %dma_wait3A_66 : memref<1x125xi32, #tpu.memory_space<vmem>> -> memref<125xi32, #tpu.memory_space<vmem>>
    %dma_wait3A_68 = arith.constant 0 : i32
    %dma_wait3A_69 = arith.constant 0 : i32
    %dma_wait3A_70 = tpu.memref_slice %arg2[%dma_wait3A_68, %dma_wait3A_69] : memref<10000x128xf32, #tpu.memory_space<hbm>> -> memref<10000x128xf32, #tpu.memory_space<hbm>>
    tpu.wait_indirect_dma semaphore(%arg12 : memref<!tpu.dma_semaphore, #tpu.memory_space<semaphore_mem>>) src(%dma_wait3A_70 : memref<10000x128xf32, #tpu.memory_space<hbm>>) dst(%arg9 : memref<125x128xf32, #tpu.memory_space<vmem>>)
    %run_scoped3A_71 = arith.constant 38 : i32
    "tpu.region"() ({
      %run_scoped3A_316 = tpu.sem_alloc : memref<!tpu.dma_semaphore, #tpu.memory_space<semaphore_mem>>
      %dma_start3A_317 = arith.constant 0 : i32
      %dma_start3A_318 = tpu.memref_slice %arg8[%run_scoped3A_71, %dma_start3A_317] : memref<40x125xi32, #tpu.memory_space<vmem>> -> memref<1x125xi32, #tpu.memory_space<vmem>>
      %dma_start3A_319 = tpu.memref_squeeze %dma_start3A_318 : memref<1x125xi32, #tpu.memory_space<vmem>> -> memref<125xi32, #tpu.memory_space<vmem>>
      %dma_start3A_320 = arith.constant 0 : i32
      %dma_start3A_321 = arith.constant 0 : i32
      %dma_start3A_322 = tpu.memref_slice %arg11[%dma_start3A_320, %dma_start3A_321] : memref<10240x128xf32, #tpu.memory_space<vmem_shared>> -> memref<10240x128xf32, #tpu.memory_space<vmem_shared>>
      tpu.enqueue_indirect_dma source(%arg9 : memref<125x128xf32, #tpu.memory_space<vmem>>) target(%dma_start3A_322 : memref<10240x128xf32, #tpu.memory_space<vmem_shared>>) offsets(%dma_start3A_319 : memref<125xi32, #tpu.memory_space<vmem>>) semaphore(%run_scoped3A_316 : memref<!tpu.dma_semaphore, #tpu.memory_space<semaphore_mem>>) {add = true}
      %dma_wait3A_323 = arith.constant 0 : i32
      %dma_wait3A_324 = tpu.memref_slice %arg8[%run_scoped3A_71, %dma_wait3A_323] : memref<40x125xi32, #tpu.memory_space<vmem>> -> memref<1x125xi32, #tpu.memory_space<vmem>>
      %dma_wait3A_325 = tpu.memref_squeeze %dma_wait3A_324 : memref<1x125xi32, #tpu.memory_space<vmem>> -> memref<125xi32, #tpu.memory_space<vmem>>
      %dma_wait3A_326 = arith.constant 0 : i32
      %dma_wait3A_327 = arith.constant 0 : i32
      %dma_wait3A_328 = tpu.memref_slice %arg11[%dma_wait3A_326, %dma_wait3A_327] : memref<10240x128xf32, #tpu.memory_space<vmem_shared>> -> memref<10240x128xf32, #tpu.memory_space<vmem_shared>>
      tpu.wait_indirect_dma semaphore(%run_scoped3A_316 : memref<!tpu.dma_semaphore, #tpu.memory_space<semaphore_mem>>) src(%arg9 : memref<125x128xf32, #tpu.memory_space<vmem>>) dst(%dma_wait3A_328 : memref<10240x128xf32, #tpu.memory_space<vmem_shared>>)
      tpu.yield
    }) : () -> ()
    %dma_wait3A_72 = arith.constant 39 : i32
    %dma_wait3A_73 = arith.constant 0 : i32
    %dma_wait3A_74 = tpu.memref_slice %arg7[%dma_wait3A_72, %dma_wait3A_73] : memref<40x125xi32, #tpu.memory_space<vmem>> -> memref<1x125xi32, #tpu.memory_space<vmem>>
    %dma_wait3A_75 = tpu.memref_squeeze %dma_wait3A_74 : memref<1x125xi32, #tpu.memory_space<vmem>> -> memref<125xi32, #tpu.memory_space<vmem>>
    %dma_wait3A_76 = arith.constant 0 : i32
    %dma_wait3A_77 = arith.constant 0 : i32
    %dma_wait3A_78 = tpu.memref_slice %arg2[%dma_wait3A_76, %dma_wait3A_77] : memref<10000x128xf32, #tpu.memory_space<hbm>> -> memref<10000x128xf32, #tpu.memory_space<hbm>>
    tpu.wait_indirect_dma semaphore(%arg13 : memref<!tpu.dma_semaphore, #tpu.memory_space<semaphore_mem>>) src(%dma_wait3A_78 : memref<10000x128xf32, #tpu.memory_space<hbm>>) dst(%arg10 : memref<125x128xf32, #tpu.memory_space<vmem>>)
    %run_scoped3A_79 = arith.constant 39 : i32
    "tpu.region"() ({
      %run_scoped3A_316 = tpu.sem_alloc : memref<!tpu.dma_semaphore, #tpu.memory_space<semaphore_mem>>
      %dma_start3A_317 = arith.constant 0 : i32
      %dma_start3A_318 = tpu.memref_slice %arg8[%run_scoped3A_79, %dma_start3A_317] : memref<40x125xi32, #tpu.memory_space<vmem>> -> memref<1x125xi32, #tpu.memory_space<vmem>>
      %dma_start3A_319 = tpu.memref_squeeze %dma_start3A_318 : memref<1x125xi32, #tpu.memory_space<vmem>> -> memref<125xi32, #tpu.memory_space<vmem>>
      %dma_start3A_320 = arith.constant 0 : i32
      %dma_start3A_321 = arith.constant 0 : i32
      %dma_start3A_322 = tpu.memref_slice %arg11[%dma_start3A_320, %dma_start3A_321] : memref<10240x128xf32, #tpu.memory_space<vmem_shared>> -> memref<10240x128xf32, #tpu.memory_space<vmem_shared>>
      tpu.enqueue_indirect_dma source(%arg10 : memref<125x128xf32, #tpu.memory_space<vmem>>) target(%dma_start3A_322 : memref<10240x128xf32, #tpu.memory_space<vmem_shared>>) offsets(%dma_start3A_319 : memref<125xi32, #tpu.memory_space<vmem>>) semaphore(%run_scoped3A_316 : memref<!tpu.dma_semaphore, #tpu.memory_space<semaphore_mem>>) {add = true}
      %dma_wait3A_323 = arith.constant 0 : i32
      %dma_wait3A_324 = tpu.memref_slice %arg8[%run_scoped3A_79, %dma_wait3A_323] : memref<40x125xi32, #tpu.memory_space<vmem>> -> memref<1x125xi32, #tpu.memory_space<vmem>>
      %dma_wait3A_325 = tpu.memref_squeeze %dma_wait3A_324 : memref<1x125xi32, #tpu.memory_space<vmem>> -> memref<125xi32, #tpu.memory_space<vmem>>
      %dma_wait3A_326 = arith.constant 0 : i32
      %dma_wait3A_327 = arith.constant 0 : i32
      %dma_wait3A_328 = tpu.memref_slice %arg11[%dma_wait3A_326, %dma_wait3A_327] : memref<10240x128xf32, #tpu.memory_space<vmem_shared>> -> memref<10240x128xf32, #tpu.memory_space<vmem_shared>>
      tpu.wait_indirect_dma semaphore(%run_scoped3A_316 : memref<!tpu.dma_semaphore, #tpu.memory_space<semaphore_mem>>) src(%arg10 : memref<125x128xf32, #tpu.memory_space<vmem>>) dst(%dma_wait3A_328 : memref<10240x128xf32, #tpu.memory_space<vmem_shared>>)
      tpu.yield
    }) : () -> ()
    %add3A_80 = arith.constant 80 : i32
    %add3A_81 = arith.addi %multiple_of3A_3, %add3A_80 : i32
    %multiple_of3A_82 = tpu.assume_multiple %add3A_81, 8 : i32
    "tpu.region"() ({
      %run_scoped3A_316 = tpu.sem_alloc : memref<!tpu.dma_semaphore, #tpu.memory_space<semaphore_mem>>
      %dma_start3A_317 = arith.constant 0 : i32
      %dma_start3A_318 = tpu.memref_slice %arg3[%add3A_4, %multiple_of3A_82, %dma_start3A_317] : memref<4x2560x125xi32, #tpu.memory_space<hbm>> -> memref<1x40x125xi32, #tpu.memory_space<hbm>>
      %dma_start3A_319 = tpu.memref_squeeze %dma_start3A_318 : memref<1x40x125xi32, #tpu.memory_space<hbm>> -> memref<40x125xi32, #tpu.memory_space<hbm>>
      %dma_start3A_320 = arith.constant 0 : i32
      %dma_start3A_321 = tpu.memref_slice %arg3[%add3A_4, %multiple_of3A_82, %dma_start3A_320] : memref<4x2560x125xi32, #tpu.memory_space<hbm>> -> memref<1x40x125xi32, #tpu.memory_space<hbm>>
      %dma_start3A_322 = tpu.memref_squeeze %dma_start3A_321 : memref<1x40x125xi32, #tpu.memory_space<hbm>> -> memref<40x125xi32, #tpu.memory_space<hbm>>
      tpu.enqueue_dma source(%dma_start3A_322 : memref<40x125xi32, #tpu.memory_space<hbm>>) target(%arg7 : memref<40x125xi32, #tpu.memory_space<vmem>>) target_semaphore(%run_scoped3A_316 : memref<!tpu.dma_semaphore, #tpu.memory_space<semaphore_mem>>)
      %dma_wait3A_323 = arith.constant 0 : i32
      %dma_wait3A_324 = tpu.memref_slice %arg3[%add3A_4, %multiple_of3A_82, %dma_wait3A_323] : memref<4x2560x125xi32, #tpu.memory_space<hbm>> -> memref<1x40x125xi32, #tpu.memory_space<hbm>>
      %dma_wait3A_325 = tpu.memref_squeeze %dma_wait3A_324 : memref<1x40x125xi32, #tpu.memory_space<hbm>> -> memref<40x125xi32, #tpu.memory_space<hbm>>
      %dma_wait3A_326 = arith.constant 0 : i32
      %dma_wait3A_327 = tpu.memref_slice %arg3[%add3A_4, %multiple_of3A_82, %dma_wait3A_326] : memref<4x2560x125xi32, #tpu.memory_space<hbm>> -> memref<1x40x125xi32, #tpu.memory_space<hbm>>
      %dma_wait3A_328 = tpu.memref_squeeze %dma_wait3A_327 : memref<1x40x125xi32, #tpu.memory_space<hbm>> -> memref<40x125xi32, #tpu.memory_space<hbm>>
      tpu.wait_dma2 semaphore(%run_scoped3A_316 : memref<!tpu.dma_semaphore, #tpu.memory_space<semaphore_mem>>) src(%dma_wait3A_328 : memref<40x125xi32, #tpu.memory_space<hbm>>) dst(%arg7 : memref<40x125xi32, #tpu.memory_space<vmem>>)
      tpu.yield
    }) : () -> ()
    "tpu.region"() ({
      %run_scoped3A_316 = tpu.sem_alloc : memref<!tpu.dma_semaphore, #tpu.memory_space<semaphore_mem>>
      %dma_start3A_317 = arith.constant 0 : i32
      %dma_start3A_318 = tpu.memref_slice %arg4[%add3A_4, %multiple_of3A_82, %dma_start3A_317] : memref<4x2560x125xi32, #tpu.memory_space<hbm>> -> memref<1x40x125xi32, #tpu.memory_space<hbm>>
      %dma_start3A_319 = tpu.memref_squeeze %dma_start3A_318 : memref<1x40x125xi32, #tpu.memory_space<hbm>> -> memref<40x125xi32, #tpu.memory_space<hbm>>
      %dma_start3A_320 = arith.constant 0 : i32
      %dma_start3A_321 = tpu.memref_slice %arg4[%add3A_4, %multiple_of3A_82, %dma_start3A_320] : memref<4x2560x125xi32, #tpu.memory_space<hbm>> -> memref<1x40x125xi32, #tpu.memory_space<hbm>>
      %dma_start3A_322 = tpu.memref_squeeze %dma_start3A_321 : memref<1x40x125xi32, #tpu.memory_space<hbm>> -> memref<40x125xi32, #tpu.memory_space<hbm>>
      tpu.enqueue_dma source(%dma_start3A_322 : memref<40x125xi32, #tpu.memory_space<hbm>>) target(%arg8 : memref<40x125xi32, #tpu.memory_space<vmem>>) target_semaphore(%run_scoped3A_316 : memref<!tpu.dma_semaphore, #tpu.memory_space<semaphore_mem>>)
      %dma_wait3A_323 = arith.constant 0 : i32
      %dma_wait3A_324 = tpu.memref_slice %arg4[%add3A_4, %multiple_of3A_82, %dma_wait3A_323] : memref<4x2560x125xi32, #tpu.memory_space<hbm>> -> memref<1x40x125xi32, #tpu.memory_space<hbm>>
      %dma_wait3A_325 = tpu.memref_squeeze %dma_wait3A_324 : memref<1x40x125xi32, #tpu.memory_space<hbm>> -> memref<40x125xi32, #tpu.memory_space<hbm>>
      %dma_wait3A_326 = arith.constant 0 : i32
      %dma_wait3A_327 = tpu.memref_slice %arg4[%add3A_4, %multiple_of3A_82, %dma_wait3A_326] : memref<4x2560x125xi32, #tpu.memory_space<hbm>> -> memref<1x40x125xi32, #tpu.memory_space<hbm>>
      %dma_wait3A_328 = tpu.memref_squeeze %dma_wait3A_327 : memref<1x40x125xi32, #tpu.memory_space<hbm>> -> memref<40x125xi32, #tpu.memory_space<hbm>>
      tpu.wait_dma2 semaphore(%run_scoped3A_316 : memref<!tpu.dma_semaphore, #tpu.memory_space<semaphore_mem>>) src(%dma_wait3A_328 : memref<40x125xi32, #tpu.memory_space<hbm>>) dst(%arg8 : memref<40x125xi32, #tpu.memory_space<vmem>>)
      tpu.yield
    }) : () -> ()
    %dma_start3A_83 = arith.constant 0 : i32
    %dma_start3A_84 = arith.constant 0 : i32
    %dma_start3A_85 = tpu.memref_slice %arg7[%dma_start3A_83, %dma_start3A_84] : memref<40x125xi32, #tpu.memory_space<vmem>> -> memref<1x125xi32, #tpu.memory_space<vmem>>
    %dma_start3A_86 = tpu.memref_squeeze %dma_start3A_85 : memref<1x125xi32, #tpu.memory_space<vmem>> -> memref<125xi32, #tpu.memory_space<vmem>>
    %dma_start3A_87 = arith.constant 0 : i32
    %dma_start3A_88 = arith.constant 0 : i32
    %dma_start3A_89 = tpu.memref_slice %arg2[%dma_start3A_87, %dma_start3A_88] : memref<10000x128xf32, #tpu.memory_space<hbm>> -> memref<10000x128xf32, #tpu.memory_space<hbm>>
    tpu.enqueue_indirect_dma source(%dma_start3A_89 : memref<10000x128xf32, #tpu.memory_space<hbm>>) target(%arg9 : memref<125x128xf32, #tpu.memory_space<vmem>>) offsets(%dma_start3A_86 : memref<125xi32, #tpu.memory_space<vmem>>) semaphore(%arg12 : memref<!tpu.dma_semaphore, #tpu.memory_space<semaphore_mem>>)
    %dma_start3A_90 = arith.constant 1 : i32
    %dma_start3A_91 = arith.constant 0 : i32
    %dma_start3A_92 = tpu.memref_slice %arg7[%dma_start3A_90, %dma_start3A_91] : memref<40x125xi32, #tpu.memory_space<vmem>> -> memref<1x125xi32, #tpu.memory_space<vmem>>
    %dma_start3A_93 = tpu.memref_squeeze %dma_start3A_92 : memref<1x125xi32, #tpu.memory_space<vmem>> -> memref<125xi32, #tpu.memory_space<vmem>>
    %dma_start3A_94 = arith.constant 0 : i32
    %dma_start3A_95 = arith.constant 0 : i32
    %dma_start3A_96 = tpu.memref_slice %arg2[%dma_start3A_94, %dma_start3A_95] : memref<10000x128xf32, #tpu.memory_space<hbm>> -> memref<10000x128xf32, #tpu.memory_space<hbm>>
    tpu.enqueue_indirect_dma source(%dma_start3A_96 : memref<10000x128xf32, #tpu.memory_space<hbm>>) target(%arg10 : memref<125x128xf32, #tpu.memory_space<vmem>>) offsets(%dma_start3A_93 : memref<125xi32, #tpu.memory_space<vmem>>) semaphore(%arg13 : memref<!tpu.dma_semaphore, #tpu.memory_space<semaphore_mem>>)
    %scan3A_97 = arith.constant 0 : i32
    %scan3A_98 = arith.constant 19 : i32
    %scan3A_99 = arith.addi %scan3A_97, %scan3A_98 : i32
    %scan3A_100 = arith.constant 1 : i32
    scf.for %scan3A_316 = %scan3A_97 to %scan3A_99 step %scan3A_100  : i32 {
      %mul3A_317 = arith.constant 1 : i32
      %mul3A_318 = arith.muli %scan3A_316, %mul3A_317 : i32
      %add3A_319 = arith.constant 0 : i32
      %add3A_320 = arith.addi %add3A_319, %mul3A_318 : i32
      %mul3A_321 = arith.constant 2 : i32
      %mul3A_322 = arith.muli %add3A_320, %mul3A_321 : i32
      %dma_wait3A_323 = arith.constant 0 : i32
      %dma_wait3A_324 = tpu.memref_slice %arg7[%mul3A_322, %dma_wait3A_323] : memref<40x125xi32, #tpu.memory_space<vmem>> -> memref<1x125xi32, #tpu.memory_space<vmem>>
      %dma_wait3A_325 = tpu.memref_squeeze %dma_wait3A_324 : memref<1x125xi32, #tpu.memory_space<vmem>> -> memref<125xi32, #tpu.memory_space<vmem>>
      %dma_wait3A_326 = arith.constant 0 : i32
      %dma_wait3A_327 = arith.constant 0 : i32
      %dma_wait3A_328 = tpu.memref_slice %arg2[%dma_wait3A_326, %dma_wait3A_327] : memref<10000x128xf32, #tpu.memory_space<hbm>> -> memref<10000x128xf32, #tpu.memory_space<hbm>>
      tpu.wait_indirect_dma semaphore(%arg12 : memref<!tpu.dma_semaphore, #tpu.memory_space<semaphore_mem>>) src(%dma_wait3A_328 : memref<10000x128xf32, #tpu.memory_space<hbm>>) dst(%arg9 : memref<125x128xf32, #tpu.memory_space<vmem>>)
      "tpu.region"() ({
        %run_scoped3A_355 = tpu.sem_alloc : memref<!tpu.dma_semaphore, #tpu.memory_space<semaphore_mem>>
        %dma_start3A_356 = arith.constant 0 : i32
        %dma_start3A_357 = tpu.memref_slice %arg8[%mul3A_322, %dma_start3A_356] : memref<40x125xi32, #tpu.memory_space<vmem>> -> memref<1x125xi32, #tpu.memory_space<vmem>>
        %dma_start3A_358 = tpu.memref_squeeze %dma_start3A_357 : memref<1x125xi32, #tpu.memory_space<vmem>> -> memref<125xi32, #tpu.memory_space<vmem>>
        %dma_start3A_359 = arith.constant 0 : i32
        %dma_start3A_360 = arith.constant 0 : i32
        %dma_start3A_361 = tpu.memref_slice %arg11[%dma_start3A_359, %dma_start3A_360] : memref<10240x128xf32, #tpu.memory_space<vmem_shared>> -> memref<10240x128xf32, #tpu.memory_space<vmem_shared>>
        tpu.enqueue_indirect_dma source(%arg9 : memref<125x128xf32, #tpu.memory_space<vmem>>) target(%dma_start3A_361 : memref<10240x128xf32, #tpu.memory_space<vmem_shared>>) offsets(%dma_start3A_358 : memref<125xi32, #tpu.memory_space<vmem>>) semaphore(%run_scoped3A_355 : memref<!tpu.dma_semaphore, #tpu.memory_space<semaphore_mem>>) {add = true}
        %dma_wait3A_362 = arith.constant 0 : i32
        %dma_wait3A_363 = tpu.memref_slice %arg8[%mul3A_322, %dma_wait3A_362] : memref<40x125xi32, #tpu.memory_space<vmem>> -> memref<1x125xi32, #tpu.memory_space<vmem>>
        %dma_wait3A_364 = tpu.memref_squeeze %dma_wait3A_363 : memref<1x125xi32, #tpu.memory_space<vmem>> -> memref<125xi32, #tpu.memory_space<vmem>>
        %dma_wait3A_365 = arith.constant 0 : i32
        %dma_wait3A_366 = arith.constant 0 : i32
        %dma_wait3A_367 = tpu.memref_slice %arg11[%dma_wait3A_365, %dma_wait3A_366] : memref<10240x128xf32, #tpu.memory_space<vmem_shared>> -> memref<10240x128xf32, #tpu.memory_space<vmem_shared>>
        tpu.wait_indirect_dma semaphore(%run_scoped3A_355 : memref<!tpu.dma_semaphore, #tpu.memory_space<semaphore_mem>>) src(%arg9 : memref<125x128xf32, #tpu.memory_space<vmem>>) dst(%dma_wait3A_367 : memref<10240x128xf32, #tpu.memory_space<vmem_shared>>)
        tpu.yield
      }) : () -> ()
      %add3A_329 = arith.constant 2 : i32
      %add3A_330 = arith.addi %mul3A_322, %add3A_329 : i32
      %dma_start3A_331 = arith.constant 0 : i32
      %dma_start3A_332 = tpu.memref_slice %arg7[%add3A_330, %dma_start3A_331] : memref<40x125xi32, #tpu.memory_space<vmem>> -> memref<1x125xi32, #tpu.memory_space<vmem>>
      %dma_start3A_333 = tpu.memref_squeeze %dma_start3A_332 : memref<1x125xi32, #tpu.memory_space<vmem>> -> memref<125xi32, #tpu.memory_space<vmem>>
      %dma_start3A_334 = arith.constant 0 : i32
      %dma_start3A_335 = arith.constant 0 : i32
      %dma_start3A_336 = tpu.memref_slice %arg2[%dma_start3A_334, %dma_start3A_335] : memref<10000x128xf32, #tpu.memory_space<hbm>> -> memref<10000x128xf32, #tpu.memory_space<hbm>>
      tpu.enqueue_indirect_dma source(%dma_start3A_336 : memref<10000x128xf32, #tpu.memory_space<hbm>>) target(%arg9 : memref<125x128xf32, #tpu.memory_space<vmem>>) offsets(%dma_start3A_333 : memref<125xi32, #tpu.memory_space<vmem>>) semaphore(%arg12 : memref<!tpu.dma_semaphore, #tpu.memory_space<semaphore_mem>>)
      %add3A_337 = arith.constant 1 : i32
      %add3A_338 = arith.addi %mul3A_322, %add3A_337 : i32
      %dma_wait3A_339 = arith.constant 0 : i32
      %dma_wait3A_340 = tpu.memref_slice %arg7[%add3A_338, %dma_wait3A_339] : memref<40x125xi32, #tpu.memory_space<vmem>> -> memref<1x125xi32, #tpu.memory_space<vmem>>
      %dma_wait3A_341 = tpu.memref_squeeze %dma_wait3A_340 : memref<1x125xi32, #tpu.memory_space<vmem>> -> memref<125xi32, #tpu.memory_space<vmem>>
      %dma_wait3A_342 = arith.constant 0 : i32
      %dma_wait3A_343 = arith.constant 0 : i32
      %dma_wait3A_344 = tpu.memref_slice %arg2[%dma_wait3A_342, %dma_wait3A_343] : memref<10000x128xf32, #tpu.memory_space<hbm>> -> memref<10000x128xf32, #tpu.memory_space<hbm>>
      tpu.wait_indirect_dma semaphore(%arg13 : memref<!tpu.dma_semaphore, #tpu.memory_space<semaphore_mem>>) src(%dma_wait3A_344 : memref<10000x128xf32, #tpu.memory_space<hbm>>) dst(%arg10 : memref<125x128xf32, #tpu.memory_space<vmem>>)
      %add3A_345 = arith.constant 1 : i32
      %add3A_346 = arith.addi %mul3A_322, %add3A_345 : i32
      "tpu.region"() ({
        %run_scoped3A_355 = tpu.sem_alloc : memref<!tpu.dma_semaphore, #tpu.memory_space<semaphore_mem>>
        %dma_start3A_356 = arith.constant 0 : i32
        %dma_start3A_357 = tpu.memref_slice %arg8[%add3A_346, %dma_start3A_356] : memref<40x125xi32, #tpu.memory_space<vmem>> -> memref<1x125xi32, #tpu.memory_space<vmem>>
        %dma_start3A_358 = tpu.memref_squeeze %dma_start3A_357 : memref<1x125xi32, #tpu.memory_space<vmem>> -> memref<125xi32, #tpu.memory_space<vmem>>
        %dma_start3A_359 = arith.constant 0 : i32
        %dma_start3A_360 = arith.constant 0 : i32
        %dma_start3A_361 = tpu.memref_slice %arg11[%dma_start3A_359, %dma_start3A_360] : memref<10240x128xf32, #tpu.memory_space<vmem_shared>> -> memref<10240x128xf32, #tpu.memory_space<vmem_shared>>
        tpu.enqueue_indirect_dma source(%arg10 : memref<125x128xf32, #tpu.memory_space<vmem>>) target(%dma_start3A_361 : memref<10240x128xf32, #tpu.memory_space<vmem_shared>>) offsets(%dma_start3A_358 : memref<125xi32, #tpu.memory_space<vmem>>) semaphore(%run_scoped3A_355 : memref<!tpu.dma_semaphore, #tpu.memory_space<semaphore_mem>>) {add = true}
        %dma_wait3A_362 = arith.constant 0 : i32
        %dma_wait3A_363 = tpu.memref_slice %arg8[%add3A_346, %dma_wait3A_362] : memref<40x125xi32, #tpu.memory_space<vmem>> -> memref<1x125xi32, #tpu.memory_space<vmem>>
        %dma_wait3A_364 = tpu.memref_squeeze %dma_wait3A_363 : memref<1x125xi32, #tpu.memory_space<vmem>> -> memref<125xi32, #tpu.memory_space<vmem>>
        %dma_wait3A_365 = arith.constant 0 : i32
        %dma_wait3A_366 = arith.constant 0 : i32
        %dma_wait3A_367 = tpu.memref_slice %arg11[%dma_wait3A_365, %dma_wait3A_366] : memref<10240x128xf32, #tpu.memory_space<vmem_shared>> -> memref<10240x128xf32, #tpu.memory_space<vmem_shared>>
        tpu.wait_indirect_dma semaphore(%run_scoped3A_355 : memref<!tpu.dma_semaphore, #tpu.memory_space<semaphore_mem>>) src(%arg10 : memref<125x128xf32, #tpu.memory_space<vmem>>) dst(%dma_wait3A_367 : memref<10240x128xf32, #tpu.memory_space<vmem_shared>>)
        tpu.yield
      }) : () -> ()
      %add3A_347 = arith.constant 3 : i32
      %add3A_348 = arith.addi %mul3A_322, %add3A_347 : i32
      %dma_start3A_349 = arith.constant 0 : i32
      %dma_start3A_350 = tpu.memref_slice %arg7[%add3A_348, %dma_start3A_349] : memref<40x125xi32, #tpu.memory_space<vmem>> -> memref<1x125xi32, #tpu.memory_space<vmem>>
      %dma_start3A_351 = tpu.memref_squeeze %dma_start3A_350 : memref<1x125xi32, #tpu.memory_space<vmem>> -> memref<125xi32, #tpu.memory_space<vmem>>
      %dma_start3A_352 = arith.constant 0 : i32
      %dma_start3A_353 = arith.constant 0 : i32
      %dma_start3A_354 = tpu.memref_slice %arg2[%dma_start3A_352, %dma_start3A_353] : memref<10000x128xf32, #tpu.memory_space<hbm>> -> memref<10000x128xf32, #tpu.memory_space<hbm>>
      tpu.enqueue_indirect_dma source(%dma_start3A_354 : memref<10000x128xf32, #tpu.memory_space<hbm>>) target(%arg10 : memref<125x128xf32, #tpu.memory_space<vmem>>) offsets(%dma_start3A_351 : memref<125xi32, #tpu.memory_space<vmem>>) semaphore(%arg13 : memref<!tpu.dma_semaphore, #tpu.memory_space<semaphore_mem>>)
    }
    %scan3A_101 = arith.constant 19 : i32
    %dma_wait3A_102 = arith.constant 38 : i32
    %dma_wait3A_103 = arith.constant 0 : i32
    %dma_wait3A_104 = tpu.memref_slice %arg7[%dma_wait3A_102, %dma_wait3A_103] : memref<40x125xi32, #tpu.memory_space<vmem>> -> memref<1x125xi32, #tpu.memory_space<vmem>>
    %dma_wait3A_105 = tpu.memref_squeeze %dma_wait3A_104 : memref<1x125xi32, #tpu.memory_space<vmem>> -> memref<125xi32, #tpu.memory_space<vmem>>
    %dma_wait3A_106 = arith.constant 0 : i32
    %dma_wait3A_107 = arith.constant 0 : i32
    %dma_wait3A_108 = tpu.memref_slice %arg2[%dma_wait3A_106, %dma_wait3A_107] : memref<10000x128xf32, #tpu.memory_space<hbm>> -> memref<10000x128xf32, #tpu.memory_space<hbm>>
    tpu.wait_indirect_dma semaphore(%arg12 : memref<!tpu.dma_semaphore, #tpu.memory_space<semaphore_mem>>) src(%dma_wait3A_108 : memref<10000x128xf32, #tpu.memory_space<hbm>>) dst(%arg9 : memref<125x128xf32, #tpu.memory_space<vmem>>)
    %run_scoped3A_109 = arith.constant 38 : i32
    "tpu.region"() ({
      %run_scoped3A_316 = tpu.sem_alloc : memref<!tpu.dma_semaphore, #tpu.memory_space<semaphore_mem>>
      %dma_start3A_317 = arith.constant 0 : i32
      %dma_start3A_318 = tpu.memref_slice %arg8[%run_scoped3A_109, %dma_start3A_317] : memref<40x125xi32, #tpu.memory_space<vmem>> -> memref<1x125xi32, #tpu.memory_space<vmem>>
      %dma_start3A_319 = tpu.memref_squeeze %dma_start3A_318 : memref<1x125xi32, #tpu.memory_space<vmem>> -> memref<125xi32, #tpu.memory_space<vmem>>
      %dma_start3A_320 = arith.constant 0 : i32
      %dma_start3A_321 = arith.constant 0 : i32
      %dma_start3A_322 = tpu.memref_slice %arg11[%dma_start3A_320, %dma_start3A_321] : memref<10240x128xf32, #tpu.memory_space<vmem_shared>> -> memref<10240x128xf32, #tpu.memory_space<vmem_shared>>
      tpu.enqueue_indirect_dma source(%arg9 : memref<125x128xf32, #tpu.memory_space<vmem>>) target(%dma_start3A_322 : memref<10240x128xf32, #tpu.memory_space<vmem_shared>>) offsets(%dma_start3A_319 : memref<125xi32, #tpu.memory_space<vmem>>) semaphore(%run_scoped3A_316 : memref<!tpu.dma_semaphore, #tpu.memory_space<semaphore_mem>>) {add = true}
      %dma_wait3A_323 = arith.constant 0 : i32
      %dma_wait3A_324 = tpu.memref_slice %arg8[%run_scoped3A_109, %dma_wait3A_323] : memref<40x125xi32, #tpu.memory_space<vmem>> -> memref<1x125xi32, #tpu.memory_space<vmem>>
      %dma_wait3A_325 = tpu.memref_squeeze %dma_wait3A_324 : memref<1x125xi32, #tpu.memory_space<vmem>> -> memref<125xi32, #tpu.memory_space<vmem>>
      %dma_wait3A_326 = arith.constant 0 : i32
      %dma_wait3A_327 = arith.constant 0 : i32
      %dma_wait3A_328 = tpu.memref_slice %arg11[%dma_wait3A_326, %dma_wait3A_327] : memref<10240x128xf32, #tpu.memory_space<vmem_shared>> -> memref<10240x128xf32, #tpu.memory_space<vmem_shared>>
      tpu.wait_indirect_dma semaphore(%run_scoped3A_316 : memref<!tpu.dma_semaphore, #tpu.memory_space<semaphore_mem>>) src(%arg9 : memref<125x128xf32, #tpu.memory_space<vmem>>) dst(%dma_wait3A_328 : memref<10240x128xf32, #tpu.memory_space<vmem_shared>>)
      tpu.yield
    }) : () -> ()
    %dma_wait3A_110 = arith.constant 39 : i32
    %dma_wait3A_111 = arith.constant 0 : i32
    %dma_wait3A_112 = tpu.memref_slice %arg7[%dma_wait3A_110, %dma_wait3A_111] : memref<40x125xi32, #tpu.memory_space<vmem>> -> memref<1x125xi32, #tpu.memory_space<vmem>>
    %dma_wait3A_113 = tpu.memref_squeeze %dma_wait3A_112 : memref<1x125xi32, #tpu.memory_space<vmem>> -> memref<125xi32, #tpu.memory_space<vmem>>
    %dma_wait3A_114 = arith.constant 0 : i32
    %dma_wait3A_115 = arith.constant 0 : i32
    %dma_wait3A_116 = tpu.memref_slice %arg2[%dma_wait3A_114, %dma_wait3A_115] : memref<10000x128xf32, #tpu.memory_space<hbm>> -> memref<10000x128xf32, #tpu.memory_space<hbm>>
    tpu.wait_indirect_dma semaphore(%arg13 : memref<!tpu.dma_semaphore, #tpu.memory_space<semaphore_mem>>) src(%dma_wait3A_116 : memref<10000x128xf32, #tpu.memory_space<hbm>>) dst(%arg10 : memref<125x128xf32, #tpu.memory_space<vmem>>)
    %run_scoped3A_117 = arith.constant 39 : i32
    "tpu.region"() ({
      %run_scoped3A_316 = tpu.sem_alloc : memref<!tpu.dma_semaphore, #tpu.memory_space<semaphore_mem>>
      %dma_start3A_317 = arith.constant 0 : i32
      %dma_start3A_318 = tpu.memref_slice %arg8[%run_scoped3A_117, %dma_start3A_317] : memref<40x125xi32, #tpu.memory_space<vmem>> -> memref<1x125xi32, #tpu.memory_space<vmem>>
      %dma_start3A_319 = tpu.memref_squeeze %dma_start3A_318 : memref<1x125xi32, #tpu.memory_space<vmem>> -> memref<125xi32, #tpu.memory_space<vmem>>
      %dma_start3A_320 = arith.constant 0 : i32
      %dma_start3A_321 = arith.constant 0 : i32
      %dma_start3A_322 = tpu.memref_slice %arg11[%dma_start3A_320, %dma_start3A_321] : memref<10240x128xf32, #tpu.memory_space<vmem_shared>> -> memref<10240x128xf32, #tpu.memory_space<vmem_shared>>
      tpu.enqueue_indirect_dma source(%arg10 : memref<125x128xf32, #tpu.memory_space<vmem>>) target(%dma_start3A_322 : memref<10240x128xf32, #tpu.memory_space<vmem_shared>>) offsets(%dma_start3A_319 : memref<125xi32, #tpu.memory_space<vmem>>) semaphore(%run_scoped3A_316 : memref<!tpu.dma_semaphore, #tpu.memory_space<semaphore_mem>>) {add = true}
      %dma_wait3A_323 = arith.constant 0 : i32
      %dma_wait3A_324 = tpu.memref_slice %arg8[%run_scoped3A_117, %dma_wait3A_323] : memref<40x125xi32, #tpu.memory_space<vmem>> -> memref<1x125xi32, #tpu.memory_space<vmem>>
      %dma_wait3A_325 = tpu.memref_squeeze %dma_wait3A_324 : memref<1x125xi32, #tpu.memory_space<vmem>> -> memref<125xi32, #tpu.memory_space<vmem>>
      %dma_wait3A_326 = arith.constant 0 : i32
      %dma_wait3A_327 = arith.constant 0 : i32
      %dma_wait3A_328 = tpu.memref_slice %arg11[%dma_wait3A_326, %dma_wait3A_327] : memref<10240x128xf32, #tpu.memory_space<vmem_shared>> -> memref<10240x128xf32, #tpu.memory_space<vmem_shared>>
      tpu.wait_indirect_dma semaphore(%run_scoped3A_316 : memref<!tpu.dma_semaphore, #tpu.memory_space<semaphore_mem>>) src(%arg10 : memref<125x128xf32, #tpu.memory_space<vmem>>) dst(%dma_wait3A_328 : memref<10240x128xf32, #tpu.memory_space<vmem_shared>>)
      tpu.yield
    }) : () -> ()
    %add3A_118 = arith.constant 120 : i32
    %add3A_119 = arith.addi %multiple_of3A_3, %add3A_118 : i32
    %multiple_of3A_120 = tpu.assume_multiple %add3A_119, 8 : i32
    "tpu.region"() ({
      %run_scoped3A_316 = tpu.sem_alloc : memref<!tpu.dma_semaphore, #tpu.memory_space<semaphore_mem>>
      %dma_start3A_317 = arith.constant 0 : i32
      %dma_start3A_318 = tpu.memref_slice %arg3[%add3A_4, %multiple_of3A_120, %dma_start3A_317] : memref<4x2560x125xi32, #tpu.memory_space<hbm>> -> memref<1x40x125xi32, #tpu.memory_space<hbm>>
      %dma_start3A_319 = tpu.memref_squeeze %dma_start3A_318 : memref<1x40x125xi32, #tpu.memory_space<hbm>> -> memref<40x125xi32, #tpu.memory_space<hbm>>
      %dma_start3A_320 = arith.constant 0 : i32
      %dma_start3A_321 = tpu.memref_slice %arg3[%add3A_4, %multiple_of3A_120, %dma_start3A_320] : memref<4x2560x125xi32, #tpu.memory_space<hbm>> -> memref<1x40x125xi32, #tpu.memory_space<hbm>>
      %dma_start3A_322 = tpu.memref_squeeze %dma_start3A_321 : memref<1x40x125xi32, #tpu.memory_space<hbm>> -> memref<40x125xi32, #tpu.memory_space<hbm>>
      tpu.enqueue_dma source(%dma_start3A_322 : memref<40x125xi32, #tpu.memory_space<hbm>>) target(%arg7 : memref<40x125xi32, #tpu.memory_space<vmem>>) target_semaphore(%run_scoped3A_316 : memref<!tpu.dma_semaphore, #tpu.memory_space<semaphore_mem>>)
      %dma_wait3A_323 = arith.constant 0 : i32
      %dma_wait3A_324 = tpu.memref_slice %arg3[%add3A_4, %multiple_of3A_120, %dma_wait3A_323] : memref<4x2560x125xi32, #tpu.memory_space<hbm>> -> memref<1x40x125xi32, #tpu.memory_space<hbm>>
      %dma_wait3A_325 = tpu.memref_squeeze %dma_wait3A_324 : memref<1x40x125xi32, #tpu.memory_space<hbm>> -> memref<40x125xi32, #tpu.memory_space<hbm>>
      %dma_wait3A_326 = arith.constant 0 : i32
      %dma_wait3A_327 = tpu.memref_slice %arg3[%add3A_4, %multiple_of3A_120, %dma_wait3A_326] : memref<4x2560x125xi32, #tpu.memory_space<hbm>> -> memref<1x40x125xi32, #tpu.memory_space<hbm>>
      %dma_wait3A_328 = tpu.memref_squeeze %dma_wait3A_327 : memref<1x40x125xi32, #tpu.memory_space<hbm>> -> memref<40x125xi32, #tpu.memory_space<hbm>>
      tpu.wait_dma2 semaphore(%run_scoped3A_316 : memref<!tpu.dma_semaphore, #tpu.memory_space<semaphore_mem>>) src(%dma_wait3A_328 : memref<40x125xi32, #tpu.memory_space<hbm>>) dst(%arg7 : memref<40x125xi32, #tpu.memory_space<vmem>>)
      tpu.yield
    }) : () -> ()
    "tpu.region"() ({
      %run_scoped3A_316 = tpu.sem_alloc : memref<!tpu.dma_semaphore, #tpu.memory_space<semaphore_mem>>
      %dma_start3A_317 = arith.constant 0 : i32
      %dma_start3A_318 = tpu.memref_slice %arg4[%add3A_4, %multiple_of3A_120, %dma_start3A_317] : memref<4x2560x125xi32, #tpu.memory_space<hbm>> -> memref<1x40x125xi32, #tpu.memory_space<hbm>>
      %dma_start3A_319 = tpu.memref_squeeze %dma_start3A_318 : memref<1x40x125xi32, #tpu.memory_space<hbm>> -> memref<40x125xi32, #tpu.memory_space<hbm>>
      %dma_start3A_320 = arith.constant 0 : i32
      %dma_start3A_321 = tpu.memref_slice %arg4[%add3A_4, %multiple_of3A_120, %dma_start3A_320] : memref<4x2560x125xi32, #tpu.memory_space<hbm>> -> memref<1x40x125xi32, #tpu.memory_space<hbm>>
      %dma_start3A_322 = tpu.memref_squeeze %dma_start3A_321 : memref<1x40x125xi32, #tpu.memory_space<hbm>> -> memref<40x125xi32, #tpu.memory_space<hbm>>
      tpu.enqueue_dma source(%dma_start3A_322 : memref<40x125xi32, #tpu.memory_space<hbm>>) target(%arg8 : memref<40x125xi32, #tpu.memory_space<vmem>>) target_semaphore(%run_scoped3A_316 : memref<!tpu.dma_semaphore, #tpu.memory_space<semaphore_mem>>)
      %dma_wait3A_323 = arith.constant 0 : i32
      %dma_wait3A_324 = tpu.memref_slice %arg4[%add3A_4, %multiple_of3A_120, %dma_wait3A_323] : memref<4x2560x125xi32, #tpu.memory_space<hbm>> -> memref<1x40x125xi32, #tpu.memory_space<hbm>>
      %dma_wait3A_325 = tpu.memref_squeeze %dma_wait3A_324 : memref<1x40x125xi32, #tpu.memory_space<hbm>> -> memref<40x125xi32, #tpu.memory_space<hbm>>
      %dma_wait3A_326 = arith.constant 0 : i32
      %dma_wait3A_327 = tpu.memref_slice %arg4[%add3A_4, %multiple_of3A_120, %dma_wait3A_326] : memref<4x2560x125xi32, #tpu.memory_space<hbm>> -> memref<1x40x125xi32, #tpu.memory_space<hbm>>
      %dma_wait3A_328 = tpu.memref_squeeze %dma_wait3A_327 : memref<1x40x125xi32, #tpu.memory_space<hbm>> -> memref<40x125xi32, #tpu.memory_space<hbm>>
      tpu.wait_dma2 semaphore(%run_scoped3A_316 : memref<!tpu.dma_semaphore, #tpu.memory_space<semaphore_mem>>) src(%dma_wait3A_328 : memref<40x125xi32, #tpu.memory_space<hbm>>) dst(%arg8 : memref<40x125xi32, #tpu.memory_space<vmem>>)
      tpu.yield
    }) : () -> ()
    %dma_start3A_121 = arith.constant 0 : i32
    %dma_start3A_122 = arith.constant 0 : i32
    %dma_start3A_123 = tpu.memref_slice %arg7[%dma_start3A_121, %dma_start3A_122] : memref<40x125xi32, #tpu.memory_space<vmem>> -> memref<1x125xi32, #tpu.memory_space<vmem>>
    %dma_start3A_124 = tpu.memref_squeeze %dma_start3A_123 : memref<1x125xi32, #tpu.memory_space<vmem>> -> memref<125xi32, #tpu.memory_space<vmem>>
    %dma_start3A_125 = arith.constant 0 : i32
    %dma_start3A_126 = arith.constant 0 : i32
    %dma_start3A_127 = tpu.memref_slice %arg2[%dma_start3A_125, %dma_start3A_126] : memref<10000x128xf32, #tpu.memory_space<hbm>> -> memref<10000x128xf32, #tpu.memory_space<hbm>>
    tpu.enqueue_indirect_dma source(%dma_start3A_127 : memref<10000x128xf32, #tpu.memory_space<hbm>>) target(%arg9 : memref<125x128xf32, #tpu.memory_space<vmem>>) offsets(%dma_start3A_124 : memref<125xi32, #tpu.memory_space<vmem>>) semaphore(%arg12 : memref<!tpu.dma_semaphore, #tpu.memory_space<semaphore_mem>>)
    %dma_start3A_128 = arith.constant 1 : i32
    %dma_start3A_129 = arith.constant 0 : i32
    %dma_start3A_130 = tpu.memref_slice %arg7[%dma_start3A_128, %dma_start3A_129] : memref<40x125xi32, #tpu.memory_space<vmem>> -> memref<1x125xi32, #tpu.memory_space<vmem>>
    %dma_start3A_131 = tpu.memref_squeeze %dma_start3A_130 : memref<1x125xi32, #tpu.memory_space<vmem>> -> memref<125xi32, #tpu.memory_space<vmem>>
    %dma_start3A_132 = arith.constant 0 : i32
    %dma_start3A_133 = arith.constant 0 : i32
    %dma_start3A_134 = tpu.memref_slice %arg2[%dma_start3A_132, %dma_start3A_133] : memref<10000x128xf32, #tpu.memory_space<hbm>> -> memref<10000x128xf32, #tpu.memory_space<hbm>>
    tpu.enqueue_indirect_dma source(%dma_start3A_134 : memref<10000x128xf32, #tpu.memory_space<hbm>>) target(%arg10 : memref<125x128xf32, #tpu.memory_space<vmem>>) offsets(%dma_start3A_131 : memref<125xi32, #tpu.memory_space<vmem>>) semaphore(%arg13 : memref<!tpu.dma_semaphore, #tpu.memory_space<semaphore_mem>>)
    %scan3A_135 = arith.constant 0 : i32
    %scan3A_136 = arith.constant 19 : i32
    %scan3A_137 = arith.addi %scan3A_135, %scan3A_136 : i32
    %scan3A_138 = arith.constant 1 : i32
    scf.for %scan3A_316 = %scan3A_135 to %scan3A_137 step %scan3A_138  : i32 {
      %mul3A_317 = arith.constant 1 : i32
      %mul3A_318 = arith.muli %scan3A_316, %mul3A_317 : i32
      %add3A_319 = arith.constant 0 : i32
      %add3A_320 = arith.addi %add3A_319, %mul3A_318 : i32
      %mul3A_321 = arith.constant 2 : i32
      %mul3A_322 = arith.muli %add3A_320, %mul3A_321 : i32
      %dma_wait3A_323 = arith.constant 0 : i32
      %dma_wait3A_324 = tpu.memref_slice %arg7[%mul3A_322, %dma_wait3A_323] : memref<40x125xi32, #tpu.memory_space<vmem>> -> memref<1x125xi32, #tpu.memory_space<vmem>>
      %dma_wait3A_325 = tpu.memref_squeeze %dma_wait3A_324 : memref<1x125xi32, #tpu.memory_space<vmem>> -> memref<125xi32, #tpu.memory_space<vmem>>
      %dma_wait3A_326 = arith.constant 0 : i32
      %dma_wait3A_327 = arith.constant 0 : i32
      %dma_wait3A_328 = tpu.memref_slice %arg2[%dma_wait3A_326, %dma_wait3A_327] : memref<10000x128xf32, #tpu.memory_space<hbm>> -> memref<10000x128xf32, #tpu.memory_space<hbm>>
      tpu.wait_indirect_dma semaphore(%arg12 : memref<!tpu.dma_semaphore, #tpu.memory_space<semaphore_mem>>) src(%dma_wait3A_328 : memref<10000x128xf32, #tpu.memory_space<hbm>>) dst(%arg9 : memref<125x128xf32, #tpu.memory_space<vmem>>)
      "tpu.region"() ({
        %run_scoped3A_355 = tpu.sem_alloc : memref<!tpu.dma_semaphore, #tpu.memory_space<semaphore_mem>>
        %dma_start3A_356 = arith.constant 0 : i32
        %dma_start3A_357 = tpu.memref_slice %arg8[%mul3A_322, %dma_start3A_356] : memref<40x125xi32, #tpu.memory_space<vmem>> -> memref<1x125xi32, #tpu.memory_space<vmem>>
        %dma_start3A_358 = tpu.memref_squeeze %dma_start3A_357 : memref<1x125xi32, #tpu.memory_space<vmem>> -> memref<125xi32, #tpu.memory_space<vmem>>
        %dma_start3A_359 = arith.constant 0 : i32
        %dma_start3A_360 = arith.constant 0 : i32
        %dma_start3A_361 = tpu.memref_slice %arg11[%dma_start3A_359, %dma_start3A_360] : memref<10240x128xf32, #tpu.memory_space<vmem_shared>> -> memref<10240x128xf32, #tpu.memory_space<vmem_shared>>
        tpu.enqueue_indirect_dma source(%arg9 : memref<125x128xf32, #tpu.memory_space<vmem>>) target(%dma_start3A_361 : memref<10240x128xf32, #tpu.memory_space<vmem_shared>>) offsets(%dma_start3A_358 : memref<125xi32, #tpu.memory_space<vmem>>) semaphore(%run_scoped3A_355 : memref<!tpu.dma_semaphore, #tpu.memory_space<semaphore_mem>>) {add = true}
        %dma_wait3A_362 = arith.constant 0 : i32
        %dma_wait3A_363 = tpu.memref_slice %arg8[%mul3A_322, %dma_wait3A_362] : memref<40x125xi32, #tpu.memory_space<vmem>> -> memref<1x125xi32, #tpu.memory_space<vmem>>
        %dma_wait3A_364 = tpu.memref_squeeze %dma_wait3A_363 : memref<1x125xi32, #tpu.memory_space<vmem>> -> memref<125xi32, #tpu.memory_space<vmem>>
        %dma_wait3A_365 = arith.constant 0 : i32
        %dma_wait3A_366 = arith.constant 0 : i32
        %dma_wait3A_367 = tpu.memref_slice %arg11[%dma_wait3A_365, %dma_wait3A_366] : memref<10240x128xf32, #tpu.memory_space<vmem_shared>> -> memref<10240x128xf32, #tpu.memory_space<vmem_shared>>
        tpu.wait_indirect_dma semaphore(%run_scoped3A_355 : memref<!tpu.dma_semaphore, #tpu.memory_space<semaphore_mem>>) src(%arg9 : memref<125x128xf32, #tpu.memory_space<vmem>>) dst(%dma_wait3A_367 : memref<10240x128xf32, #tpu.memory_space<vmem_shared>>)
        tpu.yield
      }) : () -> ()
      %add3A_329 = arith.constant 2 : i32
      %add3A_330 = arith.addi %mul3A_322, %add3A_329 : i32
      %dma_start3A_331 = arith.constant 0 : i32
      %dma_start3A_332 = tpu.memref_slice %arg7[%add3A_330, %dma_start3A_331] : memref<40x125xi32, #tpu.memory_space<vmem>> -> memref<1x125xi32, #tpu.memory_space<vmem>>
      %dma_start3A_333 = tpu.memref_squeeze %dma_start3A_332 : memref<1x125xi32, #tpu.memory_space<vmem>> -> memref<125xi32, #tpu.memory_space<vmem>>
      %dma_start3A_334 = arith.constant 0 : i32
      %dma_start3A_335 = arith.constant 0 : i32
      %dma_start3A_336 = tpu.memref_slice %arg2[%dma_start3A_334, %dma_start3A_335] : memref<10000x128xf32, #tpu.memory_space<hbm>> -> memref<10000x128xf32, #tpu.memory_space<hbm>>
      tpu.enqueue_indirect_dma source(%dma_start3A_336 : memref<10000x128xf32, #tpu.memory_space<hbm>>) target(%arg9 : memref<125x128xf32, #tpu.memory_space<vmem>>) offsets(%dma_start3A_333 : memref<125xi32, #tpu.memory_space<vmem>>) semaphore(%arg12 : memref<!tpu.dma_semaphore, #tpu.memory_space<semaphore_mem>>)
      %add3A_337 = arith.constant 1 : i32
      %add3A_338 = arith.addi %mul3A_322, %add3A_337 : i32
      %dma_wait3A_339 = arith.constant 0 : i32
      %dma_wait3A_340 = tpu.memref_slice %arg7[%add3A_338, %dma_wait3A_339] : memref<40x125xi32, #tpu.memory_space<vmem>> -> memref<1x125xi32, #tpu.memory_space<vmem>>
      %dma_wait3A_341 = tpu.memref_squeeze %dma_wait3A_340 : memref<1x125xi32, #tpu.memory_space<vmem>> -> memref<125xi32, #tpu.memory_space<vmem>>
      %dma_wait3A_342 = arith.constant 0 : i32
      %dma_wait3A_343 = arith.constant 0 : i32
      %dma_wait3A_344 = tpu.memref_slice %arg2[%dma_wait3A_342, %dma_wait3A_343] : memref<10000x128xf32, #tpu.memory_space<hbm>> -> memref<10000x128xf32, #tpu.memory_space<hbm>>
      tpu.wait_indirect_dma semaphore(%arg13 : memref<!tpu.dma_semaphore, #tpu.memory_space<semaphore_mem>>) src(%dma_wait3A_344 : memref<10000x128xf32, #tpu.memory_space<hbm>>) dst(%arg10 : memref<125x128xf32, #tpu.memory_space<vmem>>)
      %add3A_345 = arith.constant 1 : i32
      %add3A_346 = arith.addi %mul3A_322, %add3A_345 : i32
      "tpu.region"() ({
        %run_scoped3A_355 = tpu.sem_alloc : memref<!tpu.dma_semaphore, #tpu.memory_space<semaphore_mem>>
        %dma_start3A_356 = arith.constant 0 : i32
        %dma_start3A_357 = tpu.memref_slice %arg8[%add3A_346, %dma_start3A_356] : memref<40x125xi32, #tpu.memory_space<vmem>> -> memref<1x125xi32, #tpu.memory_space<vmem>>
        %dma_start3A_358 = tpu.memref_squeeze %dma_start3A_357 : memref<1x125xi32, #tpu.memory_space<vmem>> -> memref<125xi32, #tpu.memory_space<vmem>>
        %dma_start3A_359 = arith.constant 0 : i32
        %dma_start3A_360 = arith.constant 0 : i32
        %dma_start3A_361 = tpu.memref_slice %arg11[%dma_start3A_359, %dma_start3A_360] : memref<10240x128xf32, #tpu.memory_space<vmem_shared>> -> memref<10240x128xf32, #tpu.memory_space<vmem_shared>>
        tpu.enqueue_indirect_dma source(%arg10 : memref<125x128xf32, #tpu.memory_space<vmem>>) target(%dma_start3A_361 : memref<10240x128xf32, #tpu.memory_space<vmem_shared>>) offsets(%dma_start3A_358 : memref<125xi32, #tpu.memory_space<vmem>>) semaphore(%run_scoped3A_355 : memref<!tpu.dma_semaphore, #tpu.memory_space<semaphore_mem>>) {add = true}
        %dma_wait3A_362 = arith.constant 0 : i32
        %dma_wait3A_363 = tpu.memref_slice %arg8[%add3A_346, %dma_wait3A_362] : memref<40x125xi32, #tpu.memory_space<vmem>> -> memref<1x125xi32, #tpu.memory_space<vmem>>
        %dma_wait3A_364 = tpu.memref_squeeze %dma_wait3A_363 : memref<1x125xi32, #tpu.memory_space<vmem>> -> memref<125xi32, #tpu.memory_space<vmem>>
        %dma_wait3A_365 = arith.constant 0 : i32
        %dma_wait3A_366 = arith.constant 0 : i32
        %dma_wait3A_367 = tpu.memref_slice %arg11[%dma_wait3A_365, %dma_wait3A_366] : memref<10240x128xf32, #tpu.memory_space<vmem_shared>> -> memref<10240x128xf32, #tpu.memory_space<vmem_shared>>
        tpu.wait_indirect_dma semaphore(%run_scoped3A_355 : memref<!tpu.dma_semaphore, #tpu.memory_space<semaphore_mem>>) src(%arg10 : memref<125x128xf32, #tpu.memory_space<vmem>>) dst(%dma_wait3A_367 : memref<10240x128xf32, #tpu.memory_space<vmem_shared>>)
        tpu.yield
      }) : () -> ()
      %add3A_347 = arith.constant 3 : i32
      %add3A_348 = arith.addi %mul3A_322, %add3A_347 : i32
      %dma_start3A_349 = arith.constant 0 : i32
      %dma_start3A_350 = tpu.memref_slice %arg7[%add3A_348, %dma_start3A_349] : memref<40x125xi32, #tpu.memory_space<vmem>> -> memref<1x125xi32, #tpu.memory_space<vmem>>
      %dma_start3A_351 = tpu.memref_squeeze %dma_start3A_350 : memref<1x125xi32, #tpu.memory_space<vmem>> -> memref<125xi32, #tpu.memory_space<vmem>>
      %dma_start3A_352 = arith.constant 0 : i32
      %dma_start3A_353 = arith.constant 0 : i32
      %dma_start3A_354 = tpu.memref_slice %arg2[%dma_start3A_352, %dma_start3A_353] : memref<10000x128xf32, #tpu.memory_space<hbm>> -> memref<10000x128xf32, #tpu.memory_space<hbm>>
      tpu.enqueue_indirect_dma source(%dma_start3A_354 : memref<10000x128xf32, #tpu.memory_space<hbm>>) target(%arg10 : memref<125x128xf32, #tpu.memory_space<vmem>>) offsets(%dma_start3A_351 : memref<125xi32, #tpu.memory_space<vmem>>) semaphore(%arg13 : memref<!tpu.dma_semaphore, #tpu.memory_space<semaphore_mem>>)
    }
    %scan3A_139 = arith.constant 19 : i32
    %dma_wait3A_140 = arith.constant 38 : i32
    %dma_wait3A_141 = arith.constant 0 : i32
    %dma_wait3A_142 = tpu.memref_slice %arg7[%dma_wait3A_140, %dma_wait3A_141] : memref<40x125xi32, #tpu.memory_space<vmem>> -> memref<1x125xi32, #tpu.memory_space<vmem>>
    %dma_wait3A_143 = tpu.memref_squeeze %dma_wait3A_142 : memref<1x125xi32, #tpu.memory_space<vmem>> -> memref<125xi32, #tpu.memory_space<vmem>>
    %dma_wait3A_144 = arith.constant 0 : i32
    %dma_wait3A_145 = arith.constant 0 : i32
    %dma_wait3A_146 = tpu.memref_slice %arg2[%dma_wait3A_144, %dma_wait3A_145] : memref<10000x128xf32, #tpu.memory_space<hbm>> -> memref<10000x128xf32, #tpu.memory_space<hbm>>
    tpu.wait_indirect_dma semaphore(%arg12 : memref<!tpu.dma_semaphore, #tpu.memory_space<semaphore_mem>>) src(%dma_wait3A_146 : memref<10000x128xf32, #tpu.memory_space<hbm>>) dst(%arg9 : memref<125x128xf32, #tpu.memory_space<vmem>>)
    %run_scoped3A_147 = arith.constant 38 : i32
    "tpu.region"() ({
      %run_scoped3A_316 = tpu.sem_alloc : memref<!tpu.dma_semaphore, #tpu.memory_space<semaphore_mem>>
      %dma_start3A_317 = arith.constant 0 : i32
      %dma_start3A_318 = tpu.memref_slice %arg8[%run_scoped3A_147, %dma_start3A_317] : memref<40x125xi32, #tpu.memory_space<vmem>> -> memref<1x125xi32, #tpu.memory_space<vmem>>
      %dma_start3A_319 = tpu.memref_squeeze %dma_start3A_318 : memref<1x125xi32, #tpu.memory_space<vmem>> -> memref<125xi32, #tpu.memory_space<vmem>>
      %dma_start3A_320 = arith.constant 0 : i32
      %dma_start3A_321 = arith.constant 0 : i32
      %dma_start3A_322 = tpu.memref_slice %arg11[%dma_start3A_320, %dma_start3A_321] : memref<10240x128xf32, #tpu.memory_space<vmem_shared>> -> memref<10240x128xf32, #tpu.memory_space<vmem_shared>>
      tpu.enqueue_indirect_dma source(%arg9 : memref<125x128xf32, #tpu.memory_space<vmem>>) target(%dma_start3A_322 : memref<10240x128xf32, #tpu.memory_space<vmem_shared>>) offsets(%dma_start3A_319 : memref<125xi32, #tpu.memory_space<vmem>>) semaphore(%run_scoped3A_316 : memref<!tpu.dma_semaphore, #tpu.memory_space<semaphore_mem>>) {add = true}
      %dma_wait3A_323 = arith.constant 0 : i32
      %dma_wait3A_324 = tpu.memref_slice %arg8[%run_scoped3A_147, %dma_wait3A_323] : memref<40x125xi32, #tpu.memory_space<vmem>> -> memref<1x125xi32, #tpu.memory_space<vmem>>
      %dma_wait3A_325 = tpu.memref_squeeze %dma_wait3A_324 : memref<1x125xi32, #tpu.memory_space<vmem>> -> memref<125xi32, #tpu.memory_space<vmem>>
      %dma_wait3A_326 = arith.constant 0 : i32
      %dma_wait3A_327 = arith.constant 0 : i32
      %dma_wait3A_328 = tpu.memref_slice %arg11[%dma_wait3A_326, %dma_wait3A_327] : memref<10240x128xf32, #tpu.memory_space<vmem_shared>> -> memref<10240x128xf32, #tpu.memory_space<vmem_shared>>
      tpu.wait_indirect_dma semaphore(%run_scoped3A_316 : memref<!tpu.dma_semaphore, #tpu.memory_space<semaphore_mem>>) src(%arg9 : memref<125x128xf32, #tpu.memory_space<vmem>>) dst(%dma_wait3A_328 : memref<10240x128xf32, #tpu.memory_space<vmem_shared>>)
      tpu.yield
    }) : () -> ()
    %dma_wait3A_148 = arith.constant 39 : i32
    %dma_wait3A_149 = arith.constant 0 : i32
    %dma_wait3A_150 = tpu.memref_slice %arg7[%dma_wait3A_148, %dma_wait3A_149] : memref<40x125xi32, #tpu.memory_space<vmem>> -> memref<1x125xi32, #tpu.memory_space<vmem>>
    %dma_wait3A_151 = tpu.memref_squeeze %dma_wait3A_150 : memref<1x125xi32, #tpu.memory_space<vmem>> -> memref<125xi32, #tpu.memory_space<vmem>>
    %dma_wait3A_152 = arith.constant 0 : i32
    %dma_wait3A_153 = arith.constant 0 : i32
    %dma_wait3A_154 = tpu.memref_slice %arg2[%dma_wait3A_152, %dma_wait3A_153] : memref<10000x128xf32, #tpu.memory_space<hbm>> -> memref<10000x128xf32, #tpu.memory_space<hbm>>
    tpu.wait_indirect_dma semaphore(%arg13 : memref<!tpu.dma_semaphore, #tpu.memory_space<semaphore_mem>>) src(%dma_wait3A_154 : memref<10000x128xf32, #tpu.memory_space<hbm>>) dst(%arg10 : memref<125x128xf32, #tpu.memory_space<vmem>>)
    %run_scoped3A_155 = arith.constant 39 : i32
    "tpu.region"() ({
      %run_scoped3A_316 = tpu.sem_alloc : memref<!tpu.dma_semaphore, #tpu.memory_space<semaphore_mem>>
      %dma_start3A_317 = arith.constant 0 : i32
      %dma_start3A_318 = tpu.memref_slice %arg8[%run_scoped3A_155, %dma_start3A_317] : memref<40x125xi32, #tpu.memory_space<vmem>> -> memref<1x125xi32, #tpu.memory_space<vmem>>
      %dma_start3A_319 = tpu.memref_squeeze %dma_start3A_318 : memref<1x125xi32, #tpu.memory_space<vmem>> -> memref<125xi32, #tpu.memory_space<vmem>>
      %dma_start3A_320 = arith.constant 0 : i32
      %dma_start3A_321 = arith.constant 0 : i32
      %dma_start3A_322 = tpu.memref_slice %arg11[%dma_start3A_320, %dma_start3A_321] : memref<10240x128xf32, #tpu.memory_space<vmem_shared>> -> memref<10240x128xf32, #tpu.memory_space<vmem_shared>>
      tpu.enqueue_indirect_dma source(%arg10 : memref<125x128xf32, #tpu.memory_space<vmem>>) target(%dma_start3A_322 : memref<10240x128xf32, #tpu.memory_space<vmem_shared>>) offsets(%dma_start3A_319 : memref<125xi32, #tpu.memory_space<vmem>>) semaphore(%run_scoped3A_316 : memref<!tpu.dma_semaphore, #tpu.memory_space<semaphore_mem>>) {add = true}
      %dma_wait3A_323 = arith.constant 0 : i32
      %dma_wait3A_324 = tpu.memref_slice %arg8[%run_scoped3A_155, %dma_wait3A_323] : memref<40x125xi32, #tpu.memory_space<vmem>> -> memref<1x125xi32, #tpu.memory_space<vmem>>
      %dma_wait3A_325 = tpu.memref_squeeze %dma_wait3A_324 : memref<1x125xi32, #tpu.memory_space<vmem>> -> memref<125xi32, #tpu.memory_space<vmem>>
      %dma_wait3A_326 = arith.constant 0 : i32
      %dma_wait3A_327 = arith.constant 0 : i32
      %dma_wait3A_328 = tpu.memref_slice %arg11[%dma_wait3A_326, %dma_wait3A_327] : memref<10240x128xf32, #tpu.memory_space<vmem_shared>> -> memref<10240x128xf32, #tpu.memory_space<vmem_shared>>
      tpu.wait_indirect_dma semaphore(%run_scoped3A_316 : memref<!tpu.dma_semaphore, #tpu.memory_space<semaphore_mem>>) src(%arg10 : memref<125x128xf32, #tpu.memory_space<vmem>>) dst(%dma_wait3A_328 : memref<10240x128xf32, #tpu.memory_space<vmem_shared>>)
      tpu.yield
    }) : () -> ()
    %barrier3A_156 = arith.constant 0 : index
    tpu.barrier barrier_id(%barrier3A_156)
    "tpu.region"() ({
      %run_scoped3A_316 = tpu.sem_alloc : memref<!tpu.dma_semaphore, #tpu.memory_space<semaphore_mem>>
      %dma_start3A_317 = arith.constant 0 : i32
      %dma_start3A_318 = arith.constant 0 : i32
      %dma_start3A_319 = arith.constant 0 : i32
      %dma_start3A_320 = tpu.memref_slice %arg6[%dma_start3A_317, %dma_start3A_318, %dma_start3A_319] : memref<4x10240x128xf32, #tpu.memory_space<hbm>> -> memref<2x10240x128xf32, #tpu.memory_space<hbm>>
      %dma_start3A_321 = arith.constant 0 : i32
      %dma_start3A_322 = tpu.memref_slice %dma_start3A_320[%arg0, %multiple_of3A_7, %dma_start3A_321] : memref<2x10240x128xf32, #tpu.memory_space<hbm>> -> memref<1x640x128xf32, #tpu.memory_space<hbm>>
      %dma_start3A_323 = tpu.memref_squeeze %dma_start3A_322 : memref<1x640x128xf32, #tpu.memory_space<hbm>> -> memref<640x128xf32, #tpu.memory_space<hbm>>
      %dma_start3A_324 = arith.constant 0 : i32
      %dma_start3A_325 = tpu.memref_slice %arg11[%multiple_of3A_7, %dma_start3A_324] : memref<10240x128xf32, #tpu.memory_space<vmem_shared>> -> memref<640x128xf32, #tpu.memory_space<vmem_shared>>
      tpu.enqueue_dma source(%dma_start3A_325 : memref<640x128xf32, #tpu.memory_space<vmem_shared>>) target(%dma_start3A_323 : memref<640x128xf32, #tpu.memory_space<hbm>>) target_semaphore(%run_scoped3A_316 : memref<!tpu.dma_semaphore, #tpu.memory_space<semaphore_mem>>)
      %dma_wait3A_326 = arith.constant 0 : i32
      %dma_wait3A_327 = arith.constant 0 : i32
      %dma_wait3A_328 = arith.constant 0 : i32
      %dma_wait3A_329 = tpu.memref_slice %arg6[%dma_wait3A_326, %dma_wait3A_327, %dma_wait3A_328] : memref<4x10240x128xf32, #tpu.memory_space<hbm>> -> memref<2x10240x128xf32, #tpu.memory_space<hbm>>
      %dma_wait3A_330 = arith.constant 0 : i32
      %dma_wait3A_331 = tpu.memref_slice %dma_wait3A_329[%arg0, %multiple_of3A_7, %dma_wait3A_330] : memref<2x10240x128xf32, #tpu.memory_space<hbm>> -> memref<1x640x128xf32, #tpu.memory_space<hbm>>
      %dma_wait3A_332 = tpu.memref_squeeze %dma_wait3A_331 : memref<1x640x128xf32, #tpu.memory_space<hbm>> -> memref<640x128xf32, #tpu.memory_space<hbm>>
      %dma_wait3A_333 = arith.constant 0 : i32
      %dma_wait3A_334 = tpu.memref_slice %arg11[%multiple_of3A_7, %dma_wait3A_333] : memref<10240x128xf32, #tpu.memory_space<vmem_shared>> -> memref<640x128xf32, #tpu.memory_space<vmem_shared>>
      tpu.wait_dma2 semaphore(%run_scoped3A_316 : memref<!tpu.dma_semaphore, #tpu.memory_space<semaphore_mem>>) src(%dma_wait3A_334 : memref<640x128xf32, #tpu.memory_space<vmem_shared>>) dst(%dma_wait3A_332 : memref<640x128xf32, #tpu.memory_space<hbm>>)
      tpu.yield
    }) : () -> ()
    %add3A_157 = arith.constant 2 : i32
    %add3A_158 = arith.addi %add3A_157, %arg0 : i32
    %mul3A_159 = arith.constant 640 : i32
    %mul3A_160 = arith.muli %arg1, %mul3A_159 : i32
    %multiple_of3A_161 = tpu.assume_multiple %mul3A_160, 8 : i32
    "tpu.region"() ({
      %run_scoped3A_316 = tpu.sem_alloc : memref<!tpu.dma_semaphore, #tpu.memory_space<semaphore_mem>>
      %dma_start3A_317 = arith.constant 0 : i32
      %dma_start3A_318 = tpu.memref_slice %arg11[%multiple_of3A_161, %dma_start3A_317] : memref<10240x128xf32, #tpu.memory_space<vmem_shared>> -> memref<640x128xf32, #tpu.memory_space<vmem_shared>>
      tpu.enqueue_dma source(%arg5 : memref<640x128xf32, #tpu.memory_space<hbm>>) target(%dma_start3A_318 : memref<640x128xf32, #tpu.memory_space<vmem_shared>>) target_semaphore(%run_scoped3A_316 : memref<!tpu.dma_semaphore, #tpu.memory_space<semaphore_mem>>)
      %dma_wait3A_319 = arith.constant 0 : i32
      %dma_wait3A_320 = tpu.memref_slice %arg11[%multiple_of3A_161, %dma_wait3A_319] : memref<10240x128xf32, #tpu.memory_space<vmem_shared>> -> memref<640x128xf32, #tpu.memory_space<vmem_shared>>
      tpu.wait_dma2 semaphore(%run_scoped3A_316 : memref<!tpu.dma_semaphore, #tpu.memory_space<semaphore_mem>>) src(%arg5 : memref<640x128xf32, #tpu.memory_space<hbm>>) dst(%dma_wait3A_320 : memref<640x128xf32, #tpu.memory_space<vmem_shared>>)
      tpu.yield
    }) : () -> ()
    %barrier3A_162 = arith.constant 0 : index
    tpu.barrier barrier_id(%barrier3A_162)
    %add3A_163 = arith.constant 0 : i32
    %add3A_164 = arith.addi %multiple_of3A_3, %add3A_163 : i32
    %multiple_of3A_165 = tpu.assume_multiple %add3A_164, 8 : i32
    "tpu.region"() ({
      %run_scoped3A_316 = tpu.sem_alloc : memref<!tpu.dma_semaphore, #tpu.memory_space<semaphore_mem>>
      %dma_start3A_317 = arith.constant 0 : i32
      %dma_start3A_318 = tpu.memref_slice %arg3[%add3A_158, %multiple_of3A_165, %dma_start3A_317] : memref<4x2560x125xi32, #tpu.memory_space<hbm>> -> memref<1x40x125xi32, #tpu.memory_space<hbm>>
      %dma_start3A_319 = tpu.memref_squeeze %dma_start3A_318 : memref<1x40x125xi32, #tpu.memory_space<hbm>> -> memref<40x125xi32, #tpu.memory_space<hbm>>
      %dma_start3A_320 = arith.constant 0 : i32
      %dma_start3A_321 = tpu.memref_slice %arg3[%add3A_158, %multiple_of3A_165, %dma_start3A_320] : memref<4x2560x125xi32, #tpu.memory_space<hbm>> -> memref<1x40x125xi32, #tpu.memory_space<hbm>>
      %dma_start3A_322 = tpu.memref_squeeze %dma_start3A_321 : memref<1x40x125xi32, #tpu.memory_space<hbm>> -> memref<40x125xi32, #tpu.memory_space<hbm>>
      tpu.enqueue_dma source(%dma_start3A_322 : memref<40x125xi32, #tpu.memory_space<hbm>>) target(%arg7 : memref<40x125xi32, #tpu.memory_space<vmem>>) target_semaphore(%run_scoped3A_316 : memref<!tpu.dma_semaphore, #tpu.memory_space<semaphore_mem>>)
      %dma_wait3A_323 = arith.constant 0 : i32
      %dma_wait3A_324 = tpu.memref_slice %arg3[%add3A_158, %multiple_of3A_165, %dma_wait3A_323] : memref<4x2560x125xi32, #tpu.memory_space<hbm>> -> memref<1x40x125xi32, #tpu.memory_space<hbm>>
      %dma_wait3A_325 = tpu.memref_squeeze %dma_wait3A_324 : memref<1x40x125xi32, #tpu.memory_space<hbm>> -> memref<40x125xi32, #tpu.memory_space<hbm>>
      %dma_wait3A_326 = arith.constant 0 : i32
      %dma_wait3A_327 = tpu.memref_slice %arg3[%add3A_158, %multiple_of3A_165, %dma_wait3A_326] : memref<4x2560x125xi32, #tpu.memory_space<hbm>> -> memref<1x40x125xi32, #tpu.memory_space<hbm>>
      %dma_wait3A_328 = tpu.memref_squeeze %dma_wait3A_327 : memref<1x40x125xi32, #tpu.memory_space<hbm>> -> memref<40x125xi32, #tpu.memory_space<hbm>>
      tpu.wait_dma2 semaphore(%run_scoped3A_316 : memref<!tpu.dma_semaphore, #tpu.memory_space<semaphore_mem>>) src(%dma_wait3A_328 : memref<40x125xi32, #tpu.memory_space<hbm>>) dst(%arg7 : memref<40x125xi32, #tpu.memory_space<vmem>>)
      tpu.yield
    }) : () -> ()
    "tpu.region"() ({
      %run_scoped3A_316 = tpu.sem_alloc : memref<!tpu.dma_semaphore, #tpu.memory_space<semaphore_mem>>
      %dma_start3A_317 = arith.constant 0 : i32
      %dma_start3A_318 = tpu.memref_slice %arg4[%add3A_158, %multiple_of3A_165, %dma_start3A_317] : memref<4x2560x125xi32, #tpu.memory_space<hbm>> -> memref<1x40x125xi32, #tpu.memory_space<hbm>>
      %dma_start3A_319 = tpu.memref_squeeze %dma_start3A_318 : memref<1x40x125xi32, #tpu.memory_space<hbm>> -> memref<40x125xi32, #tpu.memory_space<hbm>>
      %dma_start3A_320 = arith.constant 0 : i32
      %dma_start3A_321 = tpu.memref_slice %arg4[%add3A_158, %multiple_of3A_165, %dma_start3A_320] : memref<4x2560x125xi32, #tpu.memory_space<hbm>> -> memref<1x40x125xi32, #tpu.memory_space<hbm>>
      %dma_start3A_322 = tpu.memref_squeeze %dma_start3A_321 : memref<1x40x125xi32, #tpu.memory_space<hbm>> -> memref<40x125xi32, #tpu.memory_space<hbm>>
      tpu.enqueue_dma source(%dma_start3A_322 : memref<40x125xi32, #tpu.memory_space<hbm>>) target(%arg8 : memref<40x125xi32, #tpu.memory_space<vmem>>) target_semaphore(%run_scoped3A_316 : memref<!tpu.dma_semaphore, #tpu.memory_space<semaphore_mem>>)
      %dma_wait3A_323 = arith.constant 0 : i32
      %dma_wait3A_324 = tpu.memref_slice %arg4[%add3A_158, %multiple_of3A_165, %dma_wait3A_323] : memref<4x2560x125xi32, #tpu.memory_space<hbm>> -> memref<1x40x125xi32, #tpu.memory_space<hbm>>
      %dma_wait3A_325 = tpu.memref_squeeze %dma_wait3A_324 : memref<1x40x125xi32, #tpu.memory_space<hbm>> -> memref<40x125xi32, #tpu.memory_space<hbm>>
      %dma_wait3A_326 = arith.constant 0 : i32
      %dma_wait3A_327 = tpu.memref_slice %arg4[%add3A_158, %multiple_of3A_165, %dma_wait3A_326] : memref<4x2560x125xi32, #tpu.memory_space<hbm>> -> memref<1x40x125xi32, #tpu.memory_space<hbm>>
      %dma_wait3A_328 = tpu.memref_squeeze %dma_wait3A_327 : memref<1x40x125xi32, #tpu.memory_space<hbm>> -> memref<40x125xi32, #tpu.memory_space<hbm>>
      tpu.wait_dma2 semaphore(%run_scoped3A_316 : memref<!tpu.dma_semaphore, #tpu.memory_space<semaphore_mem>>) src(%dma_wait3A_328 : memref<40x125xi32, #tpu.memory_space<hbm>>) dst(%arg8 : memref<40x125xi32, #tpu.memory_space<vmem>>)
      tpu.yield
    }) : () -> ()
    %dma_start3A_166 = arith.constant 0 : i32
    %dma_start3A_167 = arith.constant 0 : i32
    %dma_start3A_168 = tpu.memref_slice %arg7[%dma_start3A_166, %dma_start3A_167] : memref<40x125xi32, #tpu.memory_space<vmem>> -> memref<1x125xi32, #tpu.memory_space<vmem>>
    %dma_start3A_169 = tpu.memref_squeeze %dma_start3A_168 : memref<1x125xi32, #tpu.memory_space<vmem>> -> memref<125xi32, #tpu.memory_space<vmem>>
    %dma_start3A_170 = arith.constant 0 : i32
    %dma_start3A_171 = arith.constant 0 : i32
    %dma_start3A_172 = tpu.memref_slice %arg2[%dma_start3A_170, %dma_start3A_171] : memref<10000x128xf32, #tpu.memory_space<hbm>> -> memref<10000x128xf32, #tpu.memory_space<hbm>>
    tpu.enqueue_indirect_dma source(%dma_start3A_172 : memref<10000x128xf32, #tpu.memory_space<hbm>>) target(%arg9 : memref<125x128xf32, #tpu.memory_space<vmem>>) offsets(%dma_start3A_169 : memref<125xi32, #tpu.memory_space<vmem>>) semaphore(%arg12 : memref<!tpu.dma_semaphore, #tpu.memory_space<semaphore_mem>>)
    %dma_start3A_173 = arith.constant 1 : i32
    %dma_start3A_174 = arith.constant 0 : i32
    %dma_start3A_175 = tpu.memref_slice %arg7[%dma_start3A_173, %dma_start3A_174] : memref<40x125xi32, #tpu.memory_space<vmem>> -> memref<1x125xi32, #tpu.memory_space<vmem>>
    %dma_start3A_176 = tpu.memref_squeeze %dma_start3A_175 : memref<1x125xi32, #tpu.memory_space<vmem>> -> memref<125xi32, #tpu.memory_space<vmem>>
    %dma_start3A_177 = arith.constant 0 : i32
    %dma_start3A_178 = arith.constant 0 : i32
    %dma_start3A_179 = tpu.memref_slice %arg2[%dma_start3A_177, %dma_start3A_178] : memref<10000x128xf32, #tpu.memory_space<hbm>> -> memref<10000x128xf32, #tpu.memory_space<hbm>>
    tpu.enqueue_indirect_dma source(%dma_start3A_179 : memref<10000x128xf32, #tpu.memory_space<hbm>>) target(%arg10 : memref<125x128xf32, #tpu.memory_space<vmem>>) offsets(%dma_start3A_176 : memref<125xi32, #tpu.memory_space<vmem>>) semaphore(%arg13 : memref<!tpu.dma_semaphore, #tpu.memory_space<semaphore_mem>>)
    %scan3A_180 = arith.constant 0 : i32
    %scan3A_181 = arith.constant 19 : i32
    %scan3A_182 = arith.addi %scan3A_180, %scan3A_181 : i32
    %scan3A_183 = arith.constant 1 : i32
    scf.for %scan3A_316 = %scan3A_180 to %scan3A_182 step %scan3A_183  : i32 {
      %mul3A_317 = arith.constant 1 : i32
      %mul3A_318 = arith.muli %scan3A_316, %mul3A_317 : i32
      %add3A_319 = arith.constant 0 : i32
      %add3A_320 = arith.addi %add3A_319, %mul3A_318 : i32
      %mul3A_321 = arith.constant 2 : i32
      %mul3A_322 = arith.muli %add3A_320, %mul3A_321 : i32
      %dma_wait3A_323 = arith.constant 0 : i32
      %dma_wait3A_324 = tpu.memref_slice %arg7[%mul3A_322, %dma_wait3A_323] : memref<40x125xi32, #tpu.memory_space<vmem>> -> memref<1x125xi32, #tpu.memory_space<vmem>>
      %dma_wait3A_325 = tpu.memref_squeeze %dma_wait3A_324 : memref<1x125xi32, #tpu.memory_space<vmem>> -> memref<125xi32, #tpu.memory_space<vmem>>
      %dma_wait3A_326 = arith.constant 0 : i32
      %dma_wait3A_327 = arith.constant 0 : i32
      %dma_wait3A_328 = tpu.memref_slice %arg2[%dma_wait3A_326, %dma_wait3A_327] : memref<10000x128xf32, #tpu.memory_space<hbm>> -> memref<10000x128xf32, #tpu.memory_space<hbm>>
      tpu.wait_indirect_dma semaphore(%arg12 : memref<!tpu.dma_semaphore, #tpu.memory_space<semaphore_mem>>) src(%dma_wait3A_328 : memref<10000x128xf32, #tpu.memory_space<hbm>>) dst(%arg9 : memref<125x128xf32, #tpu.memory_space<vmem>>)
      "tpu.region"() ({
        %run_scoped3A_355 = tpu.sem_alloc : memref<!tpu.dma_semaphore, #tpu.memory_space<semaphore_mem>>
        %dma_start3A_356 = arith.constant 0 : i32
        %dma_start3A_357 = tpu.memref_slice %arg8[%mul3A_322, %dma_start3A_356] : memref<40x125xi32, #tpu.memory_space<vmem>> -> memref<1x125xi32, #tpu.memory_space<vmem>>
        %dma_start3A_358 = tpu.memref_squeeze %dma_start3A_357 : memref<1x125xi32, #tpu.memory_space<vmem>> -> memref<125xi32, #tpu.memory_space<vmem>>
        %dma_start3A_359 = arith.constant 0 : i32
        %dma_start3A_360 = arith.constant 0 : i32
        %dma_start3A_361 = tpu.memref_slice %arg11[%dma_start3A_359, %dma_start3A_360] : memref<10240x128xf32, #tpu.memory_space<vmem_shared>> -> memref<10240x128xf32, #tpu.memory_space<vmem_shared>>
        tpu.enqueue_indirect_dma source(%arg9 : memref<125x128xf32, #tpu.memory_space<vmem>>) target(%dma_start3A_361 : memref<10240x128xf32, #tpu.memory_space<vmem_shared>>) offsets(%dma_start3A_358 : memref<125xi32, #tpu.memory_space<vmem>>) semaphore(%run_scoped3A_355 : memref<!tpu.dma_semaphore, #tpu.memory_space<semaphore_mem>>) {add = true}
        %dma_wait3A_362 = arith.constant 0 : i32
        %dma_wait3A_363 = tpu.memref_slice %arg8[%mul3A_322, %dma_wait3A_362] : memref<40x125xi32, #tpu.memory_space<vmem>> -> memref<1x125xi32, #tpu.memory_space<vmem>>
        %dma_wait3A_364 = tpu.memref_squeeze %dma_wait3A_363 : memref<1x125xi32, #tpu.memory_space<vmem>> -> memref<125xi32, #tpu.memory_space<vmem>>
        %dma_wait3A_365 = arith.constant 0 : i32
        %dma_wait3A_366 = arith.constant 0 : i32
        %dma_wait3A_367 = tpu.memref_slice %arg11[%dma_wait3A_365, %dma_wait3A_366] : memref<10240x128xf32, #tpu.memory_space<vmem_shared>> -> memref<10240x128xf32, #tpu.memory_space<vmem_shared>>
        tpu.wait_indirect_dma semaphore(%run_scoped3A_355 : memref<!tpu.dma_semaphore, #tpu.memory_space<semaphore_mem>>) src(%arg9 : memref<125x128xf32, #tpu.memory_space<vmem>>) dst(%dma_wait3A_367 : memref<10240x128xf32, #tpu.memory_space<vmem_shared>>)
        tpu.yield
      }) : () -> ()
      %add3A_329 = arith.constant 2 : i32
      %add3A_330 = arith.addi %mul3A_322, %add3A_329 : i32
      %dma_start3A_331 = arith.constant 0 : i32
      %dma_start3A_332 = tpu.memref_slice %arg7[%add3A_330, %dma_start3A_331] : memref<40x125xi32, #tpu.memory_space<vmem>> -> memref<1x125xi32, #tpu.memory_space<vmem>>
      %dma_start3A_333 = tpu.memref_squeeze %dma_start3A_332 : memref<1x125xi32, #tpu.memory_space<vmem>> -> memref<125xi32, #tpu.memory_space<vmem>>
      %dma_start3A_334 = arith.constant 0 : i32
      %dma_start3A_335 = arith.constant 0 : i32
      %dma_start3A_336 = tpu.memref_slice %arg2[%dma_start3A_334, %dma_start3A_335] : memref<10000x128xf32, #tpu.memory_space<hbm>> -> memref<10000x128xf32, #tpu.memory_space<hbm>>
      tpu.enqueue_indirect_dma source(%dma_start3A_336 : memref<10000x128xf32, #tpu.memory_space<hbm>>) target(%arg9 : memref<125x128xf32, #tpu.memory_space<vmem>>) offsets(%dma_start3A_333 : memref<125xi32, #tpu.memory_space<vmem>>) semaphore(%arg12 : memref<!tpu.dma_semaphore, #tpu.memory_space<semaphore_mem>>)
      %add3A_337 = arith.constant 1 : i32
      %add3A_338 = arith.addi %mul3A_322, %add3A_337 : i32
      %dma_wait3A_339 = arith.constant 0 : i32
      %dma_wait3A_340 = tpu.memref_slice %arg7[%add3A_338, %dma_wait3A_339] : memref<40x125xi32, #tpu.memory_space<vmem>> -> memref<1x125xi32, #tpu.memory_space<vmem>>
      %dma_wait3A_341 = tpu.memref_squeeze %dma_wait3A_340 : memref<1x125xi32, #tpu.memory_space<vmem>> -> memref<125xi32, #tpu.memory_space<vmem>>
      %dma_wait3A_342 = arith.constant 0 : i32
      %dma_wait3A_343 = arith.constant 0 : i32
      %dma_wait3A_344 = tpu.memref_slice %arg2[%dma_wait3A_342, %dma_wait3A_343] : memref<10000x128xf32, #tpu.memory_space<hbm>> -> memref<10000x128xf32, #tpu.memory_space<hbm>>
      tpu.wait_indirect_dma semaphore(%arg13 : memref<!tpu.dma_semaphore, #tpu.memory_space<semaphore_mem>>) src(%dma_wait3A_344 : memref<10000x128xf32, #tpu.memory_space<hbm>>) dst(%arg10 : memref<125x128xf32, #tpu.memory_space<vmem>>)
      %add3A_345 = arith.constant 1 : i32
      %add3A_346 = arith.addi %mul3A_322, %add3A_345 : i32
      "tpu.region"() ({
        %run_scoped3A_355 = tpu.sem_alloc : memref<!tpu.dma_semaphore, #tpu.memory_space<semaphore_mem>>
        %dma_start3A_356 = arith.constant 0 : i32
        %dma_start3A_357 = tpu.memref_slice %arg8[%add3A_346, %dma_start3A_356] : memref<40x125xi32, #tpu.memory_space<vmem>> -> memref<1x125xi32, #tpu.memory_space<vmem>>
        %dma_start3A_358 = tpu.memref_squeeze %dma_start3A_357 : memref<1x125xi32, #tpu.memory_space<vmem>> -> memref<125xi32, #tpu.memory_space<vmem>>
        %dma_start3A_359 = arith.constant 0 : i32
        %dma_start3A_360 = arith.constant 0 : i32
        %dma_start3A_361 = tpu.memref_slice %arg11[%dma_start3A_359, %dma_start3A_360] : memref<10240x128xf32, #tpu.memory_space<vmem_shared>> -> memref<10240x128xf32, #tpu.memory_space<vmem_shared>>
        tpu.enqueue_indirect_dma source(%arg10 : memref<125x128xf32, #tpu.memory_space<vmem>>) target(%dma_start3A_361 : memref<10240x128xf32, #tpu.memory_space<vmem_shared>>) offsets(%dma_start3A_358 : memref<125xi32, #tpu.memory_space<vmem>>) semaphore(%run_scoped3A_355 : memref<!tpu.dma_semaphore, #tpu.memory_space<semaphore_mem>>) {add = true}
        %dma_wait3A_362 = arith.constant 0 : i32
        %dma_wait3A_363 = tpu.memref_slice %arg8[%add3A_346, %dma_wait3A_362] : memref<40x125xi32, #tpu.memory_space<vmem>> -> memref<1x125xi32, #tpu.memory_space<vmem>>
        %dma_wait3A_364 = tpu.memref_squeeze %dma_wait3A_363 : memref<1x125xi32, #tpu.memory_space<vmem>> -> memref<125xi32, #tpu.memory_space<vmem>>
        %dma_wait3A_365 = arith.constant 0 : i32
        %dma_wait3A_366 = arith.constant 0 : i32
        %dma_wait3A_367 = tpu.memref_slice %arg11[%dma_wait3A_365, %dma_wait3A_366] : memref<10240x128xf32, #tpu.memory_space<vmem_shared>> -> memref<10240x128xf32, #tpu.memory_space<vmem_shared>>
        tpu.wait_indirect_dma semaphore(%run_scoped3A_355 : memref<!tpu.dma_semaphore, #tpu.memory_space<semaphore_mem>>) src(%arg10 : memref<125x128xf32, #tpu.memory_space<vmem>>) dst(%dma_wait3A_367 : memref<10240x128xf32, #tpu.memory_space<vmem_shared>>)
        tpu.yield
      }) : () -> ()
      %add3A_347 = arith.constant 3 : i32
      %add3A_348 = arith.addi %mul3A_322, %add3A_347 : i32
      %dma_start3A_349 = arith.constant 0 : i32
      %dma_start3A_350 = tpu.memref_slice %arg7[%add3A_348, %dma_start3A_349] : memref<40x125xi32, #tpu.memory_space<vmem>> -> memref<1x125xi32, #tpu.memory_space<vmem>>
      %dma_start3A_351 = tpu.memref_squeeze %dma_start3A_350 : memref<1x125xi32, #tpu.memory_space<vmem>> -> memref<125xi32, #tpu.memory_space<vmem>>
      %dma_start3A_352 = arith.constant 0 : i32
      %dma_start3A_353 = arith.constant 0 : i32
      %dma_start3A_354 = tpu.memref_slice %arg2[%dma_start3A_352, %dma_start3A_353] : memref<10000x128xf32, #tpu.memory_space<hbm>> -> memref<10000x128xf32, #tpu.memory_space<hbm>>
      tpu.enqueue_indirect_dma source(%dma_start3A_354 : memref<10000x128xf32, #tpu.memory_space<hbm>>) target(%arg10 : memref<125x128xf32, #tpu.memory_space<vmem>>) offsets(%dma_start3A_351 : memref<125xi32, #tpu.memory_space<vmem>>) semaphore(%arg13 : memref<!tpu.dma_semaphore, #tpu.memory_space<semaphore_mem>>)
    }
    %scan3A_184 = arith.constant 19 : i32
    %dma_wait3A_185 = arith.constant 38 : i32
    %dma_wait3A_186 = arith.constant 0 : i32
    %dma_wait3A_187 = tpu.memref_slice %arg7[%dma_wait3A_185, %dma_wait3A_186] : memref<40x125xi32, #tpu.memory_space<vmem>> -> memref<1x125xi32, #tpu.memory_space<vmem>>
    %dma_wait3A_188 = tpu.memref_squeeze %dma_wait3A_187 : memref<1x125xi32, #tpu.memory_space<vmem>> -> memref<125xi32, #tpu.memory_space<vmem>>
    %dma_wait3A_189 = arith.constant 0 : i32
    %dma_wait3A_190 = arith.constant 0 : i32
    %dma_wait3A_191 = tpu.memref_slice %arg2[%dma_wait3A_189, %dma_wait3A_190] : memref<10000x128xf32, #tpu.memory_space<hbm>> -> memref<10000x128xf32, #tpu.memory_space<hbm>>
    tpu.wait_indirect_dma semaphore(%arg12 : memref<!tpu.dma_semaphore, #tpu.memory_space<semaphore_mem>>) src(%dma_wait3A_191 : memref<10000x128xf32, #tpu.memory_space<hbm>>) dst(%arg9 : memref<125x128xf32, #tpu.memory_space<vmem>>)
    %run_scoped3A_192 = arith.constant 38 : i32
    "tpu.region"() ({
      %run_scoped3A_316 = tpu.sem_alloc : memref<!tpu.dma_semaphore, #tpu.memory_space<semaphore_mem>>
      %dma_start3A_317 = arith.constant 0 : i32
      %dma_start3A_318 = tpu.memref_slice %arg8[%run_scoped3A_192, %dma_start3A_317] : memref<40x125xi32, #tpu.memory_space<vmem>> -> memref<1x125xi32, #tpu.memory_space<vmem>>
      %dma_start3A_319 = tpu.memref_squeeze %dma_start3A_318 : memref<1x125xi32, #tpu.memory_space<vmem>> -> memref<125xi32, #tpu.memory_space<vmem>>
      %dma_start3A_320 = arith.constant 0 : i32
      %dma_start3A_321 = arith.constant 0 : i32
      %dma_start3A_322 = tpu.memref_slice %arg11[%dma_start3A_320, %dma_start3A_321] : memref<10240x128xf32, #tpu.memory_space<vmem_shared>> -> memref<10240x128xf32, #tpu.memory_space<vmem_shared>>
      tpu.enqueue_indirect_dma source(%arg9 : memref<125x128xf32, #tpu.memory_space<vmem>>) target(%dma_start3A_322 : memref<10240x128xf32, #tpu.memory_space<vmem_shared>>) offsets(%dma_start3A_319 : memref<125xi32, #tpu.memory_space<vmem>>) semaphore(%run_scoped3A_316 : memref<!tpu.dma_semaphore, #tpu.memory_space<semaphore_mem>>) {add = true}
      %dma_wait3A_323 = arith.constant 0 : i32
      %dma_wait3A_324 = tpu.memref_slice %arg8[%run_scoped3A_192, %dma_wait3A_323] : memref<40x125xi32, #tpu.memory_space<vmem>> -> memref<1x125xi32, #tpu.memory_space<vmem>>
      %dma_wait3A_325 = tpu.memref_squeeze %dma_wait3A_324 : memref<1x125xi32, #tpu.memory_space<vmem>> -> memref<125xi32, #tpu.memory_space<vmem>>
      %dma_wait3A_326 = arith.constant 0 : i32
      %dma_wait3A_327 = arith.constant 0 : i32
      %dma_wait3A_328 = tpu.memref_slice %arg11[%dma_wait3A_326, %dma_wait3A_327] : memref<10240x128xf32, #tpu.memory_space<vmem_shared>> -> memref<10240x128xf32, #tpu.memory_space<vmem_shared>>
      tpu.wait_indirect_dma semaphore(%run_scoped3A_316 : memref<!tpu.dma_semaphore, #tpu.memory_space<semaphore_mem>>) src(%arg9 : memref<125x128xf32, #tpu.memory_space<vmem>>) dst(%dma_wait3A_328 : memref<10240x128xf32, #tpu.memory_space<vmem_shared>>)
      tpu.yield
    }) : () -> ()
    %dma_wait3A_193 = arith.constant 39 : i32
    %dma_wait3A_194 = arith.constant 0 : i32
    %dma_wait3A_195 = tpu.memref_slice %arg7[%dma_wait3A_193, %dma_wait3A_194] : memref<40x125xi32, #tpu.memory_space<vmem>> -> memref<1x125xi32, #tpu.memory_space<vmem>>
    %dma_wait3A_196 = tpu.memref_squeeze %dma_wait3A_195 : memref<1x125xi32, #tpu.memory_space<vmem>> -> memref<125xi32, #tpu.memory_space<vmem>>
    %dma_wait3A_197 = arith.constant 0 : i32
    %dma_wait3A_198 = arith.constant 0 : i32
    %dma_wait3A_199 = tpu.memref_slice %arg2[%dma_wait3A_197, %dma_wait3A_198] : memref<10000x128xf32, #tpu.memory_space<hbm>> -> memref<10000x128xf32, #tpu.memory_space<hbm>>
    tpu.wait_indirect_dma semaphore(%arg13 : memref<!tpu.dma_semaphore, #tpu.memory_space<semaphore_mem>>) src(%dma_wait3A_199 : memref<10000x128xf32, #tpu.memory_space<hbm>>) dst(%arg10 : memref<125x128xf32, #tpu.memory_space<vmem>>)
    %run_scoped3A_200 = arith.constant 39 : i32
    "tpu.region"() ({
      %run_scoped3A_316 = tpu.sem_alloc : memref<!tpu.dma_semaphore, #tpu.memory_space<semaphore_mem>>
      %dma_start3A_317 = arith.constant 0 : i32
      %dma_start3A_318 = tpu.memref_slice %arg8[%run_scoped3A_200, %dma_start3A_317] : memref<40x125xi32, #tpu.memory_space<vmem>> -> memref<1x125xi32, #tpu.memory_space<vmem>>
      %dma_start3A_319 = tpu.memref_squeeze %dma_start3A_318 : memref<1x125xi32, #tpu.memory_space<vmem>> -> memref<125xi32, #tpu.memory_space<vmem>>
      %dma_start3A_320 = arith.constant 0 : i32
      %dma_start3A_321 = arith.constant 0 : i32
      %dma_start3A_322 = tpu.memref_slice %arg11[%dma_start3A_320, %dma_start3A_321] : memref<10240x128xf32, #tpu.memory_space<vmem_shared>> -> memref<10240x128xf32, #tpu.memory_space<vmem_shared>>
      tpu.enqueue_indirect_dma source(%arg10 : memref<125x128xf32, #tpu.memory_space<vmem>>) target(%dma_start3A_322 : memref<10240x128xf32, #tpu.memory_space<vmem_shared>>) offsets(%dma_start3A_319 : memref<125xi32, #tpu.memory_space<vmem>>) semaphore(%run_scoped3A_316 : memref<!tpu.dma_semaphore, #tpu.memory_space<semaphore_mem>>) {add = true}
      %dma_wait3A_323 = arith.constant 0 : i32
      %dma_wait3A_324 = tpu.memref_slice %arg8[%run_scoped3A_200, %dma_wait3A_323] : memref<40x125xi32, #tpu.memory_space<vmem>> -> memref<1x125xi32, #tpu.memory_space<vmem>>
      %dma_wait3A_325 = tpu.memref_squeeze %dma_wait3A_324 : memref<1x125xi32, #tpu.memory_space<vmem>> -> memref<125xi32, #tpu.memory_space<vmem>>
      %dma_wait3A_326 = arith.constant 0 : i32
      %dma_wait3A_327 = arith.constant 0 : i32
      %dma_wait3A_328 = tpu.memref_slice %arg11[%dma_wait3A_326, %dma_wait3A_327] : memref<10240x128xf32, #tpu.memory_space<vmem_shared>> -> memref<10240x128xf32, #tpu.memory_space<vmem_shared>>
      tpu.wait_indirect_dma semaphore(%run_scoped3A_316 : memref<!tpu.dma_semaphore, #tpu.memory_space<semaphore_mem>>) src(%arg10 : memref<125x128xf32, #tpu.memory_space<vmem>>) dst(%dma_wait3A_328 : memref<10240x128xf32, #tpu.memory_space<vmem_shared>>)
      tpu.yield
    }) : () -> ()
    %add3A_201 = arith.constant 40 : i32
    %add3A_202 = arith.addi %multiple_of3A_3, %add3A_201 : i32
    %multiple_of3A_203 = tpu.assume_multiple %add3A_202, 8 : i32
    "tpu.region"() ({
      %run_scoped3A_316 = tpu.sem_alloc : memref<!tpu.dma_semaphore, #tpu.memory_space<semaphore_mem>>
      %dma_start3A_317 = arith.constant 0 : i32
      %dma_start3A_318 = tpu.memref_slice %arg3[%add3A_158, %multiple_of3A_203, %dma_start3A_317] : memref<4x2560x125xi32, #tpu.memory_space<hbm>> -> memref<1x40x125xi32, #tpu.memory_space<hbm>>
      %dma_start3A_319 = tpu.memref_squeeze %dma_start3A_318 : memref<1x40x125xi32, #tpu.memory_space<hbm>> -> memref<40x125xi32, #tpu.memory_space<hbm>>
      %dma_start3A_320 = arith.constant 0 : i32
      %dma_start3A_321 = tpu.memref_slice %arg3[%add3A_158, %multiple_of3A_203, %dma_start3A_320] : memref<4x2560x125xi32, #tpu.memory_space<hbm>> -> memref<1x40x125xi32, #tpu.memory_space<hbm>>
      %dma_start3A_322 = tpu.memref_squeeze %dma_start3A_321 : memref<1x40x125xi32, #tpu.memory_space<hbm>> -> memref<40x125xi32, #tpu.memory_space<hbm>>
      tpu.enqueue_dma source(%dma_start3A_322 : memref<40x125xi32, #tpu.memory_space<hbm>>) target(%arg7 : memref<40x125xi32, #tpu.memory_space<vmem>>) target_semaphore(%run_scoped3A_316 : memref<!tpu.dma_semaphore, #tpu.memory_space<semaphore_mem>>)
      %dma_wait3A_323 = arith.constant 0 : i32
      %dma_wait3A_324 = tpu.memref_slice %arg3[%add3A_158, %multiple_of3A_203, %dma_wait3A_323] : memref<4x2560x125xi32, #tpu.memory_space<hbm>> -> memref<1x40x125xi32, #tpu.memory_space<hbm>>
      %dma_wait3A_325 = tpu.memref_squeeze %dma_wait3A_324 : memref<1x40x125xi32, #tpu.memory_space<hbm>> -> memref<40x125xi32, #tpu.memory_space<hbm>>
      %dma_wait3A_326 = arith.constant 0 : i32
      %dma_wait3A_327 = tpu.memref_slice %arg3[%add3A_158, %multiple_of3A_203, %dma_wait3A_326] : memref<4x2560x125xi32, #tpu.memory_space<hbm>> -> memref<1x40x125xi32, #tpu.memory_space<hbm>>
      %dma_wait3A_328 = tpu.memref_squeeze %dma_wait3A_327 : memref<1x40x125xi32, #tpu.memory_space<hbm>> -> memref<40x125xi32, #tpu.memory_space<hbm>>
      tpu.wait_dma2 semaphore(%run_scoped3A_316 : memref<!tpu.dma_semaphore, #tpu.memory_space<semaphore_mem>>) src(%dma_wait3A_328 : memref<40x125xi32, #tpu.memory_space<hbm>>) dst(%arg7 : memref<40x125xi32, #tpu.memory_space<vmem>>)
      tpu.yield
    }) : () -> ()
    "tpu.region"() ({
      %run_scoped3A_316 = tpu.sem_alloc : memref<!tpu.dma_semaphore, #tpu.memory_space<semaphore_mem>>
      %dma_start3A_317 = arith.constant 0 : i32
      %dma_start3A_318 = tpu.memref_slice %arg4[%add3A_158, %multiple_of3A_203, %dma_start3A_317] : memref<4x2560x125xi32, #tpu.memory_space<hbm>> -> memref<1x40x125xi32, #tpu.memory_space<hbm>>
      %dma_start3A_319 = tpu.memref_squeeze %dma_start3A_318 : memref<1x40x125xi32, #tpu.memory_space<hbm>> -> memref<40x125xi32, #tpu.memory_space<hbm>>
      %dma_start3A_320 = arith.constant 0 : i32
      %dma_start3A_321 = tpu.memref_slice %arg4[%add3A_158, %multiple_of3A_203, %dma_start3A_320] : memref<4x2560x125xi32, #tpu.memory_space<hbm>> -> memref<1x40x125xi32, #tpu.memory_space<hbm>>
      %dma_start3A_322 = tpu.memref_squeeze %dma_start3A_321 : memref<1x40x125xi32, #tpu.memory_space<hbm>> -> memref<40x125xi32, #tpu.memory_space<hbm>>
      tpu.enqueue_dma source(%dma_start3A_322 : memref<40x125xi32, #tpu.memory_space<hbm>>) target(%arg8 : memref<40x125xi32, #tpu.memory_space<vmem>>) target_semaphore(%run_scoped3A_316 : memref<!tpu.dma_semaphore, #tpu.memory_space<semaphore_mem>>)
      %dma_wait3A_323 = arith.constant 0 : i32
      %dma_wait3A_324 = tpu.memref_slice %arg4[%add3A_158, %multiple_of3A_203, %dma_wait3A_323] : memref<4x2560x125xi32, #tpu.memory_space<hbm>> -> memref<1x40x125xi32, #tpu.memory_space<hbm>>
      %dma_wait3A_325 = tpu.memref_squeeze %dma_wait3A_324 : memref<1x40x125xi32, #tpu.memory_space<hbm>> -> memref<40x125xi32, #tpu.memory_space<hbm>>
      %dma_wait3A_326 = arith.constant 0 : i32
      %dma_wait3A_327 = tpu.memref_slice %arg4[%add3A_158, %multiple_of3A_203, %dma_wait3A_326] : memref<4x2560x125xi32, #tpu.memory_space<hbm>> -> memref<1x40x125xi32, #tpu.memory_space<hbm>>
      %dma_wait3A_328 = tpu.memref_squeeze %dma_wait3A_327 : memref<1x40x125xi32, #tpu.memory_space<hbm>> -> memref<40x125xi32, #tpu.memory_space<hbm>>
      tpu.wait_dma2 semaphore(%run_scoped3A_316 : memref<!tpu.dma_semaphore, #tpu.memory_space<semaphore_mem>>) src(%dma_wait3A_328 : memref<40x125xi32, #tpu.memory_space<hbm>>) dst(%arg8 : memref<40x125xi32, #tpu.memory_space<vmem>>)
      tpu.yield
    }) : () -> ()
    %dma_start3A_204 = arith.constant 0 : i32
    %dma_start3A_205 = arith.constant 0 : i32
    %dma_start3A_206 = tpu.memref_slice %arg7[%dma_start3A_204, %dma_start3A_205] : memref<40x125xi32, #tpu.memory_space<vmem>> -> memref<1x125xi32, #tpu.memory_space<vmem>>
    %dma_start3A_207 = tpu.memref_squeeze %dma_start3A_206 : memref<1x125xi32, #tpu.memory_space<vmem>> -> memref<125xi32, #tpu.memory_space<vmem>>
    %dma_start3A_208 = arith.constant 0 : i32
    %dma_start3A_209 = arith.constant 0 : i32
    %dma_start3A_210 = tpu.memref_slice %arg2[%dma_start3A_208, %dma_start3A_209] : memref<10000x128xf32, #tpu.memory_space<hbm>> -> memref<10000x128xf32, #tpu.memory_space<hbm>>
    tpu.enqueue_indirect_dma source(%dma_start3A_210 : memref<10000x128xf32, #tpu.memory_space<hbm>>) target(%arg9 : memref<125x128xf32, #tpu.memory_space<vmem>>) offsets(%dma_start3A_207 : memref<125xi32, #tpu.memory_space<vmem>>) semaphore(%arg12 : memref<!tpu.dma_semaphore, #tpu.memory_space<semaphore_mem>>)
    %dma_start3A_211 = arith.constant 1 : i32
    %dma_start3A_212 = arith.constant 0 : i32
    %dma_start3A_213 = tpu.memref_slice %arg7[%dma_start3A_211, %dma_start3A_212] : memref<40x125xi32, #tpu.memory_space<vmem>> -> memref<1x125xi32, #tpu.memory_space<vmem>>
    %dma_start3A_214 = tpu.memref_squeeze %dma_start3A_213 : memref<1x125xi32, #tpu.memory_space<vmem>> -> memref<125xi32, #tpu.memory_space<vmem>>
    %dma_start3A_215 = arith.constant 0 : i32
    %dma_start3A_216 = arith.constant 0 : i32
    %dma_start3A_217 = tpu.memref_slice %arg2[%dma_start3A_215, %dma_start3A_216] : memref<10000x128xf32, #tpu.memory_space<hbm>> -> memref<10000x128xf32, #tpu.memory_space<hbm>>
    tpu.enqueue_indirect_dma source(%dma_start3A_217 : memref<10000x128xf32, #tpu.memory_space<hbm>>) target(%arg10 : memref<125x128xf32, #tpu.memory_space<vmem>>) offsets(%dma_start3A_214 : memref<125xi32, #tpu.memory_space<vmem>>) semaphore(%arg13 : memref<!tpu.dma_semaphore, #tpu.memory_space<semaphore_mem>>)
    %scan3A_218 = arith.constant 0 : i32
    %scan3A_219 = arith.constant 19 : i32
    %scan3A_220 = arith.addi %scan3A_218, %scan3A_219 : i32
    %scan3A_221 = arith.constant 1 : i32
    scf.for %scan3A_316 = %scan3A_218 to %scan3A_220 step %scan3A_221  : i32 {
      %mul3A_317 = arith.constant 1 : i32
      %mul3A_318 = arith.muli %scan3A_316, %mul3A_317 : i32
      %add3A_319 = arith.constant 0 : i32
      %add3A_320 = arith.addi %add3A_319, %mul3A_318 : i32
      %mul3A_321 = arith.constant 2 : i32
      %mul3A_322 = arith.muli %add3A_320, %mul3A_321 : i32
      %dma_wait3A_323 = arith.constant 0 : i32
      %dma_wait3A_324 = tpu.memref_slice %arg7[%mul3A_322, %dma_wait3A_323] : memref<40x125xi32, #tpu.memory_space<vmem>> -> memref<1x125xi32, #tpu.memory_space<vmem>>
      %dma_wait3A_325 = tpu.memref_squeeze %dma_wait3A_324 : memref<1x125xi32, #tpu.memory_space<vmem>> -> memref<125xi32, #tpu.memory_space<vmem>>
      %dma_wait3A_326 = arith.constant 0 : i32
      %dma_wait3A_327 = arith.constant 0 : i32
      %dma_wait3A_328 = tpu.memref_slice %arg2[%dma_wait3A_326, %dma_wait3A_327] : memref<10000x128xf32, #tpu.memory_space<hbm>> -> memref<10000x128xf32, #tpu.memory_space<hbm>>
      tpu.wait_indirect_dma semaphore(%arg12 : memref<!tpu.dma_semaphore, #tpu.memory_space<semaphore_mem>>) src(%dma_wait3A_328 : memref<10000x128xf32, #tpu.memory_space<hbm>>) dst(%arg9 : memref<125x128xf32, #tpu.memory_space<vmem>>)
      "tpu.region"() ({
        %run_scoped3A_355 = tpu.sem_alloc : memref<!tpu.dma_semaphore, #tpu.memory_space<semaphore_mem>>
        %dma_start3A_356 = arith.constant 0 : i32
        %dma_start3A_357 = tpu.memref_slice %arg8[%mul3A_322, %dma_start3A_356] : memref<40x125xi32, #tpu.memory_space<vmem>> -> memref<1x125xi32, #tpu.memory_space<vmem>>
        %dma_start3A_358 = tpu.memref_squeeze %dma_start3A_357 : memref<1x125xi32, #tpu.memory_space<vmem>> -> memref<125xi32, #tpu.memory_space<vmem>>
        %dma_start3A_359 = arith.constant 0 : i32
        %dma_start3A_360 = arith.constant 0 : i32
        %dma_start3A_361 = tpu.memref_slice %arg11[%dma_start3A_359, %dma_start3A_360] : memref<10240x128xf32, #tpu.memory_space<vmem_shared>> -> memref<10240x128xf32, #tpu.memory_space<vmem_shared>>
        tpu.enqueue_indirect_dma source(%arg9 : memref<125x128xf32, #tpu.memory_space<vmem>>) target(%dma_start3A_361 : memref<10240x128xf32, #tpu.memory_space<vmem_shared>>) offsets(%dma_start3A_358 : memref<125xi32, #tpu.memory_space<vmem>>) semaphore(%run_scoped3A_355 : memref<!tpu.dma_semaphore, #tpu.memory_space<semaphore_mem>>) {add = true}
        %dma_wait3A_362 = arith.constant 0 : i32
        %dma_wait3A_363 = tpu.memref_slice %arg8[%mul3A_322, %dma_wait3A_362] : memref<40x125xi32, #tpu.memory_space<vmem>> -> memref<1x125xi32, #tpu.memory_space<vmem>>
        %dma_wait3A_364 = tpu.memref_squeeze %dma_wait3A_363 : memref<1x125xi32, #tpu.memory_space<vmem>> -> memref<125xi32, #tpu.memory_space<vmem>>
        %dma_wait3A_365 = arith.constant 0 : i32
        %dma_wait3A_366 = arith.constant 0 : i32
        %dma_wait3A_367 = tpu.memref_slice %arg11[%dma_wait3A_365, %dma_wait3A_366] : memref<10240x128xf32, #tpu.memory_space<vmem_shared>> -> memref<10240x128xf32, #tpu.memory_space<vmem_shared>>
        tpu.wait_indirect_dma semaphore(%run_scoped3A_355 : memref<!tpu.dma_semaphore, #tpu.memory_space<semaphore_mem>>) src(%arg9 : memref<125x128xf32, #tpu.memory_space<vmem>>) dst(%dma_wait3A_367 : memref<10240x128xf32, #tpu.memory_space<vmem_shared>>)
        tpu.yield
      }) : () -> ()
      %add3A_329 = arith.constant 2 : i32
      %add3A_330 = arith.addi %mul3A_322, %add3A_329 : i32
      %dma_start3A_331 = arith.constant 0 : i32
      %dma_start3A_332 = tpu.memref_slice %arg7[%add3A_330, %dma_start3A_331] : memref<40x125xi32, #tpu.memory_space<vmem>> -> memref<1x125xi32, #tpu.memory_space<vmem>>
      %dma_start3A_333 = tpu.memref_squeeze %dma_start3A_332 : memref<1x125xi32, #tpu.memory_space<vmem>> -> memref<125xi32, #tpu.memory_space<vmem>>
      %dma_start3A_334 = arith.constant 0 : i32
      %dma_start3A_335 = arith.constant 0 : i32
      %dma_start3A_336 = tpu.memref_slice %arg2[%dma_start3A_334, %dma_start3A_335] : memref<10000x128xf32, #tpu.memory_space<hbm>> -> memref<10000x128xf32, #tpu.memory_space<hbm>>
      tpu.enqueue_indirect_dma source(%dma_start3A_336 : memref<10000x128xf32, #tpu.memory_space<hbm>>) target(%arg9 : memref<125x128xf32, #tpu.memory_space<vmem>>) offsets(%dma_start3A_333 : memref<125xi32, #tpu.memory_space<vmem>>) semaphore(%arg12 : memref<!tpu.dma_semaphore, #tpu.memory_space<semaphore_mem>>)
      %add3A_337 = arith.constant 1 : i32
      %add3A_338 = arith.addi %mul3A_322, %add3A_337 : i32
      %dma_wait3A_339 = arith.constant 0 : i32
      %dma_wait3A_340 = tpu.memref_slice %arg7[%add3A_338, %dma_wait3A_339] : memref<40x125xi32, #tpu.memory_space<vmem>> -> memref<1x125xi32, #tpu.memory_space<vmem>>
      %dma_wait3A_341 = tpu.memref_squeeze %dma_wait3A_340 : memref<1x125xi32, #tpu.memory_space<vmem>> -> memref<125xi32, #tpu.memory_space<vmem>>
      %dma_wait3A_342 = arith.constant 0 : i32
      %dma_wait3A_343 = arith.constant 0 : i32
      %dma_wait3A_344 = tpu.memref_slice %arg2[%dma_wait3A_342, %dma_wait3A_343] : memref<10000x128xf32, #tpu.memory_space<hbm>> -> memref<10000x128xf32, #tpu.memory_space<hbm>>
      tpu.wait_indirect_dma semaphore(%arg13 : memref<!tpu.dma_semaphore, #tpu.memory_space<semaphore_mem>>) src(%dma_wait3A_344 : memref<10000x128xf32, #tpu.memory_space<hbm>>) dst(%arg10 : memref<125x128xf32, #tpu.memory_space<vmem>>)
      %add3A_345 = arith.constant 1 : i32
      %add3A_346 = arith.addi %mul3A_322, %add3A_345 : i32
      "tpu.region"() ({
        %run_scoped3A_355 = tpu.sem_alloc : memref<!tpu.dma_semaphore, #tpu.memory_space<semaphore_mem>>
        %dma_start3A_356 = arith.constant 0 : i32
        %dma_start3A_357 = tpu.memref_slice %arg8[%add3A_346, %dma_start3A_356] : memref<40x125xi32, #tpu.memory_space<vmem>> -> memref<1x125xi32, #tpu.memory_space<vmem>>
        %dma_start3A_358 = tpu.memref_squeeze %dma_start3A_357 : memref<1x125xi32, #tpu.memory_space<vmem>> -> memref<125xi32, #tpu.memory_space<vmem>>
        %dma_start3A_359 = arith.constant 0 : i32
        %dma_start3A_360 = arith.constant 0 : i32
        %dma_start3A_361 = tpu.memref_slice %arg11[%dma_start3A_359, %dma_start3A_360] : memref<10240x128xf32, #tpu.memory_space<vmem_shared>> -> memref<10240x128xf32, #tpu.memory_space<vmem_shared>>
        tpu.enqueue_indirect_dma source(%arg10 : memref<125x128xf32, #tpu.memory_space<vmem>>) target(%dma_start3A_361 : memref<10240x128xf32, #tpu.memory_space<vmem_shared>>) offsets(%dma_start3A_358 : memref<125xi32, #tpu.memory_space<vmem>>) semaphore(%run_scoped3A_355 : memref<!tpu.dma_semaphore, #tpu.memory_space<semaphore_mem>>) {add = true}
        %dma_wait3A_362 = arith.constant 0 : i32
        %dma_wait3A_363 = tpu.memref_slice %arg8[%add3A_346, %dma_wait3A_362] : memref<40x125xi32, #tpu.memory_space<vmem>> -> memref<1x125xi32, #tpu.memory_space<vmem>>
        %dma_wait3A_364 = tpu.memref_squeeze %dma_wait3A_363 : memref<1x125xi32, #tpu.memory_space<vmem>> -> memref<125xi32, #tpu.memory_space<vmem>>
        %dma_wait3A_365 = arith.constant 0 : i32
        %dma_wait3A_366 = arith.constant 0 : i32
        %dma_wait3A_367 = tpu.memref_slice %arg11[%dma_wait3A_365, %dma_wait3A_366] : memref<10240x128xf32, #tpu.memory_space<vmem_shared>> -> memref<10240x128xf32, #tpu.memory_space<vmem_shared>>
        tpu.wait_indirect_dma semaphore(%run_scoped3A_355 : memref<!tpu.dma_semaphore, #tpu.memory_space<semaphore_mem>>) src(%arg10 : memref<125x128xf32, #tpu.memory_space<vmem>>) dst(%dma_wait3A_367 : memref<10240x128xf32, #tpu.memory_space<vmem_shared>>)
        tpu.yield
      }) : () -> ()
      %add3A_347 = arith.constant 3 : i32
      %add3A_348 = arith.addi %mul3A_322, %add3A_347 : i32
      %dma_start3A_349 = arith.constant 0 : i32
      %dma_start3A_350 = tpu.memref_slice %arg7[%add3A_348, %dma_start3A_349] : memref<40x125xi32, #tpu.memory_space<vmem>> -> memref<1x125xi32, #tpu.memory_space<vmem>>
      %dma_start3A_351 = tpu.memref_squeeze %dma_start3A_350 : memref<1x125xi32, #tpu.memory_space<vmem>> -> memref<125xi32, #tpu.memory_space<vmem>>
      %dma_start3A_352 = arith.constant 0 : i32
      %dma_start3A_353 = arith.constant 0 : i32
      %dma_start3A_354 = tpu.memref_slice %arg2[%dma_start3A_352, %dma_start3A_353] : memref<10000x128xf32, #tpu.memory_space<hbm>> -> memref<10000x128xf32, #tpu.memory_space<hbm>>
      tpu.enqueue_indirect_dma source(%dma_start3A_354 : memref<10000x128xf32, #tpu.memory_space<hbm>>) target(%arg10 : memref<125x128xf32, #tpu.memory_space<vmem>>) offsets(%dma_start3A_351 : memref<125xi32, #tpu.memory_space<vmem>>) semaphore(%arg13 : memref<!tpu.dma_semaphore, #tpu.memory_space<semaphore_mem>>)
    }
    %scan3A_222 = arith.constant 19 : i32
    %dma_wait3A_223 = arith.constant 38 : i32
    %dma_wait3A_224 = arith.constant 0 : i32
    %dma_wait3A_225 = tpu.memref_slice %arg7[%dma_wait3A_223, %dma_wait3A_224] : memref<40x125xi32, #tpu.memory_space<vmem>> -> memref<1x125xi32, #tpu.memory_space<vmem>>
    %dma_wait3A_226 = tpu.memref_squeeze %dma_wait3A_225 : memref<1x125xi32, #tpu.memory_space<vmem>> -> memref<125xi32, #tpu.memory_space<vmem>>
    %dma_wait3A_227 = arith.constant 0 : i32
    %dma_wait3A_228 = arith.constant 0 : i32
    %dma_wait3A_229 = tpu.memref_slice %arg2[%dma_wait3A_227, %dma_wait3A_228] : memref<10000x128xf32, #tpu.memory_space<hbm>> -> memref<10000x128xf32, #tpu.memory_space<hbm>>
    tpu.wait_indirect_dma semaphore(%arg12 : memref<!tpu.dma_semaphore, #tpu.memory_space<semaphore_mem>>) src(%dma_wait3A_229 : memref<10000x128xf32, #tpu.memory_space<hbm>>) dst(%arg9 : memref<125x128xf32, #tpu.memory_space<vmem>>)
    %run_scoped3A_230 = arith.constant 38 : i32
    "tpu.region"() ({
      %run_scoped3A_316 = tpu.sem_alloc : memref<!tpu.dma_semaphore, #tpu.memory_space<semaphore_mem>>
      %dma_start3A_317 = arith.constant 0 : i32
      %dma_start3A_318 = tpu.memref_slice %arg8[%run_scoped3A_230, %dma_start3A_317] : memref<40x125xi32, #tpu.memory_space<vmem>> -> memref<1x125xi32, #tpu.memory_space<vmem>>
      %dma_start3A_319 = tpu.memref_squeeze %dma_start3A_318 : memref<1x125xi32, #tpu.memory_space<vmem>> -> memref<125xi32, #tpu.memory_space<vmem>>
      %dma_start3A_320 = arith.constant 0 : i32
      %dma_start3A_321 = arith.constant 0 : i32
      %dma_start3A_322 = tpu.memref_slice %arg11[%dma_start3A_320, %dma_start3A_321] : memref<10240x128xf32, #tpu.memory_space<vmem_shared>> -> memref<10240x128xf32, #tpu.memory_space<vmem_shared>>
      tpu.enqueue_indirect_dma source(%arg9 : memref<125x128xf32, #tpu.memory_space<vmem>>) target(%dma_start3A_322 : memref<10240x128xf32, #tpu.memory_space<vmem_shared>>) offsets(%dma_start3A_319 : memref<125xi32, #tpu.memory_space<vmem>>) semaphore(%run_scoped3A_316 : memref<!tpu.dma_semaphore, #tpu.memory_space<semaphore_mem>>) {add = true}
      %dma_wait3A_323 = arith.constant 0 : i32
      %dma_wait3A_324 = tpu.memref_slice %arg8[%run_scoped3A_230, %dma_wait3A_323] : memref<40x125xi32, #tpu.memory_space<vmem>> -> memref<1x125xi32, #tpu.memory_space<vmem>>
      %dma_wait3A_325 = tpu.memref_squeeze %dma_wait3A_324 : memref<1x125xi32, #tpu.memory_space<vmem>> -> memref<125xi32, #tpu.memory_space<vmem>>
      %dma_wait3A_326 = arith.constant 0 : i32
      %dma_wait3A_327 = arith.constant 0 : i32
      %dma_wait3A_328 = tpu.memref_slice %arg11[%dma_wait3A_326, %dma_wait3A_327] : memref<10240x128xf32, #tpu.memory_space<vmem_shared>> -> memref<10240x128xf32, #tpu.memory_space<vmem_shared>>
      tpu.wait_indirect_dma semaphore(%run_scoped3A_316 : memref<!tpu.dma_semaphore, #tpu.memory_space<semaphore_mem>>) src(%arg9 : memref<125x128xf32, #tpu.memory_space<vmem>>) dst(%dma_wait3A_328 : memref<10240x128xf32, #tpu.memory_space<vmem_shared>>)
      tpu.yield
    }) : () -> ()
    %dma_wait3A_231 = arith.constant 39 : i32
    %dma_wait3A_232 = arith.constant 0 : i32
    %dma_wait3A_233 = tpu.memref_slice %arg7[%dma_wait3A_231, %dma_wait3A_232] : memref<40x125xi32, #tpu.memory_space<vmem>> -> memref<1x125xi32, #tpu.memory_space<vmem>>
    %dma_wait3A_234 = tpu.memref_squeeze %dma_wait3A_233 : memref<1x125xi32, #tpu.memory_space<vmem>> -> memref<125xi32, #tpu.memory_space<vmem>>
    %dma_wait3A_235 = arith.constant 0 : i32
    %dma_wait3A_236 = arith.constant 0 : i32
    %dma_wait3A_237 = tpu.memref_slice %arg2[%dma_wait3A_235, %dma_wait3A_236] : memref<10000x128xf32, #tpu.memory_space<hbm>> -> memref<10000x128xf32, #tpu.memory_space<hbm>>
    tpu.wait_indirect_dma semaphore(%arg13 : memref<!tpu.dma_semaphore, #tpu.memory_space<semaphore_mem>>) src(%dma_wait3A_237 : memref<10000x128xf32, #tpu.memory_space<hbm>>) dst(%arg10 : memref<125x128xf32, #tpu.memory_space<vmem>>)
    %run_scoped3A_238 = arith.constant 39 : i32
    "tpu.region"() ({
      %run_scoped3A_316 = tpu.sem_alloc : memref<!tpu.dma_semaphore, #tpu.memory_space<semaphore_mem>>
      %dma_start3A_317 = arith.constant 0 : i32
      %dma_start3A_318 = tpu.memref_slice %arg8[%run_scoped3A_238, %dma_start3A_317] : memref<40x125xi32, #tpu.memory_space<vmem>> -> memref<1x125xi32, #tpu.memory_space<vmem>>
      %dma_start3A_319 = tpu.memref_squeeze %dma_start3A_318 : memref<1x125xi32, #tpu.memory_space<vmem>> -> memref<125xi32, #tpu.memory_space<vmem>>
      %dma_start3A_320 = arith.constant 0 : i32
      %dma_start3A_321 = arith.constant 0 : i32
      %dma_start3A_322 = tpu.memref_slice %arg11[%dma_start3A_320, %dma_start3A_321] : memref<10240x128xf32, #tpu.memory_space<vmem_shared>> -> memref<10240x128xf32, #tpu.memory_space<vmem_shared>>
      tpu.enqueue_indirect_dma source(%arg10 : memref<125x128xf32, #tpu.memory_space<vmem>>) target(%dma_start3A_322 : memref<10240x128xf32, #tpu.memory_space<vmem_shared>>) offsets(%dma_start3A_319 : memref<125xi32, #tpu.memory_space<vmem>>) semaphore(%run_scoped3A_316 : memref<!tpu.dma_semaphore, #tpu.memory_space<semaphore_mem>>) {add = true}
      %dma_wait3A_323 = arith.constant 0 : i32
      %dma_wait3A_324 = tpu.memref_slice %arg8[%run_scoped3A_238, %dma_wait3A_323] : memref<40x125xi32, #tpu.memory_space<vmem>> -> memref<1x125xi32, #tpu.memory_space<vmem>>
      %dma_wait3A_325 = tpu.memref_squeeze %dma_wait3A_324 : memref<1x125xi32, #tpu.memory_space<vmem>> -> memref<125xi32, #tpu.memory_space<vmem>>
      %dma_wait3A_326 = arith.constant 0 : i32
      %dma_wait3A_327 = arith.constant 0 : i32
      %dma_wait3A_328 = tpu.memref_slice %arg11[%dma_wait3A_326, %dma_wait3A_327] : memref<10240x128xf32, #tpu.memory_space<vmem_shared>> -> memref<10240x128xf32, #tpu.memory_space<vmem_shared>>
      tpu.wait_indirect_dma semaphore(%run_scoped3A_316 : memref<!tpu.dma_semaphore, #tpu.memory_space<semaphore_mem>>) src(%arg10 : memref<125x128xf32, #tpu.memory_space<vmem>>) dst(%dma_wait3A_328 : memref<10240x128xf32, #tpu.memory_space<vmem_shared>>)
      tpu.yield
    }) : () -> ()
    %add3A_239 = arith.constant 80 : i32
    %add3A_240 = arith.addi %multiple_of3A_3, %add3A_239 : i32
    %multiple_of3A_241 = tpu.assume_multiple %add3A_240, 8 : i32
    "tpu.region"() ({
      %run_scoped3A_316 = tpu.sem_alloc : memref<!tpu.dma_semaphore, #tpu.memory_space<semaphore_mem>>
      %dma_start3A_317 = arith.constant 0 : i32
      %dma_start3A_318 = tpu.memref_slice %arg3[%add3A_158, %multiple_of3A_241, %dma_start3A_317] : memref<4x2560x125xi32, #tpu.memory_space<hbm>> -> memref<1x40x125xi32, #tpu.memory_space<hbm>>
      %dma_start3A_319 = tpu.memref_squeeze %dma_start3A_318 : memref<1x40x125xi32, #tpu.memory_space<hbm>> -> memref<40x125xi32, #tpu.memory_space<hbm>>
      %dma_start3A_320 = arith.constant 0 : i32
      %dma_start3A_321 = tpu.memref_slice %arg3[%add3A_158, %multiple_of3A_241, %dma_start3A_320] : memref<4x2560x125xi32, #tpu.memory_space<hbm>> -> memref<1x40x125xi32, #tpu.memory_space<hbm>>
      %dma_start3A_322 = tpu.memref_squeeze %dma_start3A_321 : memref<1x40x125xi32, #tpu.memory_space<hbm>> -> memref<40x125xi32, #tpu.memory_space<hbm>>
      tpu.enqueue_dma source(%dma_start3A_322 : memref<40x125xi32, #tpu.memory_space<hbm>>) target(%arg7 : memref<40x125xi32, #tpu.memory_space<vmem>>) target_semaphore(%run_scoped3A_316 : memref<!tpu.dma_semaphore, #tpu.memory_space<semaphore_mem>>)
      %dma_wait3A_323 = arith.constant 0 : i32
      %dma_wait3A_324 = tpu.memref_slice %arg3[%add3A_158, %multiple_of3A_241, %dma_wait3A_323] : memref<4x2560x125xi32, #tpu.memory_space<hbm>> -> memref<1x40x125xi32, #tpu.memory_space<hbm>>
      %dma_wait3A_325 = tpu.memref_squeeze %dma_wait3A_324 : memref<1x40x125xi32, #tpu.memory_space<hbm>> -> memref<40x125xi32, #tpu.memory_space<hbm>>
      %dma_wait3A_326 = arith.constant 0 : i32
      %dma_wait3A_327 = tpu.memref_slice %arg3[%add3A_158, %multiple_of3A_241, %dma_wait3A_326] : memref<4x2560x125xi32, #tpu.memory_space<hbm>> -> memref<1x40x125xi32, #tpu.memory_space<hbm>>
      %dma_wait3A_328 = tpu.memref_squeeze %dma_wait3A_327 : memref<1x40x125xi32, #tpu.memory_space<hbm>> -> memref<40x125xi32, #tpu.memory_space<hbm>>
      tpu.wait_dma2 semaphore(%run_scoped3A_316 : memref<!tpu.dma_semaphore, #tpu.memory_space<semaphore_mem>>) src(%dma_wait3A_328 : memref<40x125xi32, #tpu.memory_space<hbm>>) dst(%arg7 : memref<40x125xi32, #tpu.memory_space<vmem>>)
      tpu.yield
    }) : () -> ()
    "tpu.region"() ({
      %run_scoped3A_316 = tpu.sem_alloc : memref<!tpu.dma_semaphore, #tpu.memory_space<semaphore_mem>>
      %dma_start3A_317 = arith.constant 0 : i32
      %dma_start3A_318 = tpu.memref_slice %arg4[%add3A_158, %multiple_of3A_241, %dma_start3A_317] : memref<4x2560x125xi32, #tpu.memory_space<hbm>> -> memref<1x40x125xi32, #tpu.memory_space<hbm>>
      %dma_start3A_319 = tpu.memref_squeeze %dma_start3A_318 : memref<1x40x125xi32, #tpu.memory_space<hbm>> -> memref<40x125xi32, #tpu.memory_space<hbm>>
      %dma_start3A_320 = arith.constant 0 : i32
      %dma_start3A_321 = tpu.memref_slice %arg4[%add3A_158, %multiple_of3A_241, %dma_start3A_320] : memref<4x2560x125xi32, #tpu.memory_space<hbm>> -> memref<1x40x125xi32, #tpu.memory_space<hbm>>
      %dma_start3A_322 = tpu.memref_squeeze %dma_start3A_321 : memref<1x40x125xi32, #tpu.memory_space<hbm>> -> memref<40x125xi32, #tpu.memory_space<hbm>>
      tpu.enqueue_dma source(%dma_start3A_322 : memref<40x125xi32, #tpu.memory_space<hbm>>) target(%arg8 : memref<40x125xi32, #tpu.memory_space<vmem>>) target_semaphore(%run_scoped3A_316 : memref<!tpu.dma_semaphore, #tpu.memory_space<semaphore_mem>>)
      %dma_wait3A_323 = arith.constant 0 : i32
      %dma_wait3A_324 = tpu.memref_slice %arg4[%add3A_158, %multiple_of3A_241, %dma_wait3A_323] : memref<4x2560x125xi32, #tpu.memory_space<hbm>> -> memref<1x40x125xi32, #tpu.memory_space<hbm>>
      %dma_wait3A_325 = tpu.memref_squeeze %dma_wait3A_324 : memref<1x40x125xi32, #tpu.memory_space<hbm>> -> memref<40x125xi32, #tpu.memory_space<hbm>>
      %dma_wait3A_326 = arith.constant 0 : i32
      %dma_wait3A_327 = tpu.memref_slice %arg4[%add3A_158, %multiple_of3A_241, %dma_wait3A_326] : memref<4x2560x125xi32, #tpu.memory_space<hbm>> -> memref<1x40x125xi32, #tpu.memory_space<hbm>>
      %dma_wait3A_328 = tpu.memref_squeeze %dma_wait3A_327 : memref<1x40x125xi32, #tpu.memory_space<hbm>> -> memref<40x125xi32, #tpu.memory_space<hbm>>
      tpu.wait_dma2 semaphore(%run_scoped3A_316 : memref<!tpu.dma_semaphore, #tpu.memory_space<semaphore_mem>>) src(%dma_wait3A_328 : memref<40x125xi32, #tpu.memory_space<hbm>>) dst(%arg8 : memref<40x125xi32, #tpu.memory_space<vmem>>)
      tpu.yield
    }) : () -> ()
    %dma_start3A_242 = arith.constant 0 : i32
    %dma_start3A_243 = arith.constant 0 : i32
    %dma_start3A_244 = tpu.memref_slice %arg7[%dma_start3A_242, %dma_start3A_243] : memref<40x125xi32, #tpu.memory_space<vmem>> -> memref<1x125xi32, #tpu.memory_space<vmem>>
    %dma_start3A_245 = tpu.memref_squeeze %dma_start3A_244 : memref<1x125xi32, #tpu.memory_space<vmem>> -> memref<125xi32, #tpu.memory_space<vmem>>
    %dma_start3A_246 = arith.constant 0 : i32
    %dma_start3A_247 = arith.constant 0 : i32
    %dma_start3A_248 = tpu.memref_slice %arg2[%dma_start3A_246, %dma_start3A_247] : memref<10000x128xf32, #tpu.memory_space<hbm>> -> memref<10000x128xf32, #tpu.memory_space<hbm>>
    tpu.enqueue_indirect_dma source(%dma_start3A_248 : memref<10000x128xf32, #tpu.memory_space<hbm>>) target(%arg9 : memref<125x128xf32, #tpu.memory_space<vmem>>) offsets(%dma_start3A_245 : memref<125xi32, #tpu.memory_space<vmem>>) semaphore(%arg12 : memref<!tpu.dma_semaphore, #tpu.memory_space<semaphore_mem>>)
    %dma_start3A_249 = arith.constant 1 : i32
    %dma_start3A_250 = arith.constant 0 : i32
    %dma_start3A_251 = tpu.memref_slice %arg7[%dma_start3A_249, %dma_start3A_250] : memref<40x125xi32, #tpu.memory_space<vmem>> -> memref<1x125xi32, #tpu.memory_space<vmem>>
    %dma_start3A_252 = tpu.memref_squeeze %dma_start3A_251 : memref<1x125xi32, #tpu.memory_space<vmem>> -> memref<125xi32, #tpu.memory_space<vmem>>
    %dma_start3A_253 = arith.constant 0 : i32
    %dma_start3A_254 = arith.constant 0 : i32
    %dma_start3A_255 = tpu.memref_slice %arg2[%dma_start3A_253, %dma_start3A_254] : memref<10000x128xf32, #tpu.memory_space<hbm>> -> memref<10000x128xf32, #tpu.memory_space<hbm>>
    tpu.enqueue_indirect_dma source(%dma_start3A_255 : memref<10000x128xf32, #tpu.memory_space<hbm>>) target(%arg10 : memref<125x128xf32, #tpu.memory_space<vmem>>) offsets(%dma_start3A_252 : memref<125xi32, #tpu.memory_space<vmem>>) semaphore(%arg13 : memref<!tpu.dma_semaphore, #tpu.memory_space<semaphore_mem>>)
    %scan3A_256 = arith.constant 0 : i32
    %scan3A_257 = arith.constant 19 : i32
    %scan3A_258 = arith.addi %scan3A_256, %scan3A_257 : i32
    %scan3A_259 = arith.constant 1 : i32
    scf.for %scan3A_316 = %scan3A_256 to %scan3A_258 step %scan3A_259  : i32 {
      %mul3A_317 = arith.constant 1 : i32
      %mul3A_318 = arith.muli %scan3A_316, %mul3A_317 : i32
      %add3A_319 = arith.constant 0 : i32
      %add3A_320 = arith.addi %add3A_319, %mul3A_318 : i32
      %mul3A_321 = arith.constant 2 : i32
      %mul3A_322 = arith.muli %add3A_320, %mul3A_321 : i32
      %dma_wait3A_323 = arith.constant 0 : i32
      %dma_wait3A_324 = tpu.memref_slice %arg7[%mul3A_322, %dma_wait3A_323] : memref<40x125xi32, #tpu.memory_space<vmem>> -> memref<1x125xi32, #tpu.memory_space<vmem>>
      %dma_wait3A_325 = tpu.memref_squeeze %dma_wait3A_324 : memref<1x125xi32, #tpu.memory_space<vmem>> -> memref<125xi32, #tpu.memory_space<vmem>>
      %dma_wait3A_326 = arith.constant 0 : i32
      %dma_wait3A_327 = arith.constant 0 : i32
      %dma_wait3A_328 = tpu.memref_slice %arg2[%dma_wait3A_326, %dma_wait3A_327] : memref<10000x128xf32, #tpu.memory_space<hbm>> -> memref<10000x128xf32, #tpu.memory_space<hbm>>
      tpu.wait_indirect_dma semaphore(%arg12 : memref<!tpu.dma_semaphore, #tpu.memory_space<semaphore_mem>>) src(%dma_wait3A_328 : memref<10000x128xf32, #tpu.memory_space<hbm>>) dst(%arg9 : memref<125x128xf32, #tpu.memory_space<vmem>>)
      "tpu.region"() ({
        %run_scoped3A_355 = tpu.sem_alloc : memref<!tpu.dma_semaphore, #tpu.memory_space<semaphore_mem>>
        %dma_start3A_356 = arith.constant 0 : i32
        %dma_start3A_357 = tpu.memref_slice %arg8[%mul3A_322, %dma_start3A_356] : memref<40x125xi32, #tpu.memory_space<vmem>> -> memref<1x125xi32, #tpu.memory_space<vmem>>
        %dma_start3A_358 = tpu.memref_squeeze %dma_start3A_357 : memref<1x125xi32, #tpu.memory_space<vmem>> -> memref<125xi32, #tpu.memory_space<vmem>>
        %dma_start3A_359 = arith.constant 0 : i32
        %dma_start3A_360 = arith.constant 0 : i32
        %dma_start3A_361 = tpu.memref_slice %arg11[%dma_start3A_359, %dma_start3A_360] : memref<10240x128xf32, #tpu.memory_space<vmem_shared>> -> memref<10240x128xf32, #tpu.memory_space<vmem_shared>>
        tpu.enqueue_indirect_dma source(%arg9 : memref<125x128xf32, #tpu.memory_space<vmem>>) target(%dma_start3A_361 : memref<10240x128xf32, #tpu.memory_space<vmem_shared>>) offsets(%dma_start3A_358 : memref<125xi32, #tpu.memory_space<vmem>>) semaphore(%run_scoped3A_355 : memref<!tpu.dma_semaphore, #tpu.memory_space<semaphore_mem>>) {add = true}
        %dma_wait3A_362 = arith.constant 0 : i32
        %dma_wait3A_363 = tpu.memref_slice %arg8[%mul3A_322, %dma_wait3A_362] : memref<40x125xi32, #tpu.memory_space<vmem>> -> memref<1x125xi32, #tpu.memory_space<vmem>>
        %dma_wait3A_364 = tpu.memref_squeeze %dma_wait3A_363 : memref<1x125xi32, #tpu.memory_space<vmem>> -> memref<125xi32, #tpu.memory_space<vmem>>
        %dma_wait3A_365 = arith.constant 0 : i32
        %dma_wait3A_366 = arith.constant 0 : i32
        %dma_wait3A_367 = tpu.memref_slice %arg11[%dma_wait3A_365, %dma_wait3A_366] : memref<10240x128xf32, #tpu.memory_space<vmem_shared>> -> memref<10240x128xf32, #tpu.memory_space<vmem_shared>>
        tpu.wait_indirect_dma semaphore(%run_scoped3A_355 : memref<!tpu.dma_semaphore, #tpu.memory_space<semaphore_mem>>) src(%arg9 : memref<125x128xf32, #tpu.memory_space<vmem>>) dst(%dma_wait3A_367 : memref<10240x128xf32, #tpu.memory_space<vmem_shared>>)
        tpu.yield
      }) : () -> ()
      %add3A_329 = arith.constant 2 : i32
      %add3A_330 = arith.addi %mul3A_322, %add3A_329 : i32
      %dma_start3A_331 = arith.constant 0 : i32
      %dma_start3A_332 = tpu.memref_slice %arg7[%add3A_330, %dma_start3A_331] : memref<40x125xi32, #tpu.memory_space<vmem>> -> memref<1x125xi32, #tpu.memory_space<vmem>>
      %dma_start3A_333 = tpu.memref_squeeze %dma_start3A_332 : memref<1x125xi32, #tpu.memory_space<vmem>> -> memref<125xi32, #tpu.memory_space<vmem>>
      %dma_start3A_334 = arith.constant 0 : i32
      %dma_start3A_335 = arith.constant 0 : i32
      %dma_start3A_336 = tpu.memref_slice %arg2[%dma_start3A_334, %dma_start3A_335] : memref<10000x128xf32, #tpu.memory_space<hbm>> -> memref<10000x128xf32, #tpu.memory_space<hbm>>
      tpu.enqueue_indirect_dma source(%dma_start3A_336 : memref<10000x128xf32, #tpu.memory_space<hbm>>) target(%arg9 : memref<125x128xf32, #tpu.memory_space<vmem>>) offsets(%dma_start3A_333 : memref<125xi32, #tpu.memory_space<vmem>>) semaphore(%arg12 : memref<!tpu.dma_semaphore, #tpu.memory_space<semaphore_mem>>)
      %add3A_337 = arith.constant 1 : i32
      %add3A_338 = arith.addi %mul3A_322, %add3A_337 : i32
      %dma_wait3A_339 = arith.constant 0 : i32
      %dma_wait3A_340 = tpu.memref_slice %arg7[%add3A_338, %dma_wait3A_339] : memref<40x125xi32, #tpu.memory_space<vmem>> -> memref<1x125xi32, #tpu.memory_space<vmem>>
      %dma_wait3A_341 = tpu.memref_squeeze %dma_wait3A_340 : memref<1x125xi32, #tpu.memory_space<vmem>> -> memref<125xi32, #tpu.memory_space<vmem>>
      %dma_wait3A_342 = arith.constant 0 : i32
      %dma_wait3A_343 = arith.constant 0 : i32
      %dma_wait3A_344 = tpu.memref_slice %arg2[%dma_wait3A_342, %dma_wait3A_343] : memref<10000x128xf32, #tpu.memory_space<hbm>> -> memref<10000x128xf32, #tpu.memory_space<hbm>>
      tpu.wait_indirect_dma semaphore(%arg13 : memref<!tpu.dma_semaphore, #tpu.memory_space<semaphore_mem>>) src(%dma_wait3A_344 : memref<10000x128xf32, #tpu.memory_space<hbm>>) dst(%arg10 : memref<125x128xf32, #tpu.memory_space<vmem>>)
      %add3A_345 = arith.constant 1 : i32
      %add3A_346 = arith.addi %mul3A_322, %add3A_345 : i32
      "tpu.region"() ({
        %run_scoped3A_355 = tpu.sem_alloc : memref<!tpu.dma_semaphore, #tpu.memory_space<semaphore_mem>>
        %dma_start3A_356 = arith.constant 0 : i32
        %dma_start3A_357 = tpu.memref_slice %arg8[%add3A_346, %dma_start3A_356] : memref<40x125xi32, #tpu.memory_space<vmem>> -> memref<1x125xi32, #tpu.memory_space<vmem>>
        %dma_start3A_358 = tpu.memref_squeeze %dma_start3A_357 : memref<1x125xi32, #tpu.memory_space<vmem>> -> memref<125xi32, #tpu.memory_space<vmem>>
        %dma_start3A_359 = arith.constant 0 : i32
        %dma_start3A_360 = arith.constant 0 : i32
        %dma_start3A_361 = tpu.memref_slice %arg11[%dma_start3A_359, %dma_start3A_360] : memref<10240x128xf32, #tpu.memory_space<vmem_shared>> -> memref<10240x128xf32, #tpu.memory_space<vmem_shared>>
        tpu.enqueue_indirect_dma source(%arg10 : memref<125x128xf32, #tpu.memory_space<vmem>>) target(%dma_start3A_361 : memref<10240x128xf32, #tpu.memory_space<vmem_shared>>) offsets(%dma_start3A_358 : memref<125xi32, #tpu.memory_space<vmem>>) semaphore(%run_scoped3A_355 : memref<!tpu.dma_semaphore, #tpu.memory_space<semaphore_mem>>) {add = true}
        %dma_wait3A_362 = arith.constant 0 : i32
        %dma_wait3A_363 = tpu.memref_slice %arg8[%add3A_346, %dma_wait3A_362] : memref<40x125xi32, #tpu.memory_space<vmem>> -> memref<1x125xi32, #tpu.memory_space<vmem>>
        %dma_wait3A_364 = tpu.memref_squeeze %dma_wait3A_363 : memref<1x125xi32, #tpu.memory_space<vmem>> -> memref<125xi32, #tpu.memory_space<vmem>>
        %dma_wait3A_365 = arith.constant 0 : i32
        %dma_wait3A_366 = arith.constant 0 : i32
        %dma_wait3A_367 = tpu.memref_slice %arg11[%dma_wait3A_365, %dma_wait3A_366] : memref<10240x128xf32, #tpu.memory_space<vmem_shared>> -> memref<10240x128xf32, #tpu.memory_space<vmem_shared>>
        tpu.wait_indirect_dma semaphore(%run_scoped3A_355 : memref<!tpu.dma_semaphore, #tpu.memory_space<semaphore_mem>>) src(%arg10 : memref<125x128xf32, #tpu.memory_space<vmem>>) dst(%dma_wait3A_367 : memref<10240x128xf32, #tpu.memory_space<vmem_shared>>)
        tpu.yield
      }) : () -> ()
      %add3A_347 = arith.constant 3 : i32
      %add3A_348 = arith.addi %mul3A_322, %add3A_347 : i32
      %dma_start3A_349 = arith.constant 0 : i32
      %dma_start3A_350 = tpu.memref_slice %arg7[%add3A_348, %dma_start3A_349] : memref<40x125xi32, #tpu.memory_space<vmem>> -> memref<1x125xi32, #tpu.memory_space<vmem>>
      %dma_start3A_351 = tpu.memref_squeeze %dma_start3A_350 : memref<1x125xi32, #tpu.memory_space<vmem>> -> memref<125xi32, #tpu.memory_space<vmem>>
      %dma_start3A_352 = arith.constant 0 : i32
      %dma_start3A_353 = arith.constant 0 : i32
      %dma_start3A_354 = tpu.memref_slice %arg2[%dma_start3A_352, %dma_start3A_353] : memref<10000x128xf32, #tpu.memory_space<hbm>> -> memref<10000x128xf32, #tpu.memory_space<hbm>>
      tpu.enqueue_indirect_dma source(%dma_start3A_354 : memref<10000x128xf32, #tpu.memory_space<hbm>>) target(%arg10 : memref<125x128xf32, #tpu.memory_space<vmem>>) offsets(%dma_start3A_351 : memref<125xi32, #tpu.memory_space<vmem>>) semaphore(%arg13 : memref<!tpu.dma_semaphore, #tpu.memory_space<semaphore_mem>>)
    }
    %scan3A_260 = arith.constant 19 : i32
    %dma_wait3A_261 = arith.constant 38 : i32
    %dma_wait3A_262 = arith.constant 0 : i32
    %dma_wait3A_263 = tpu.memref_slice %arg7[%dma_wait3A_261, %dma_wait3A_262] : memref<40x125xi32, #tpu.memory_space<vmem>> -> memref<1x125xi32, #tpu.memory_space<vmem>>
    %dma_wait3A_264 = tpu.memref_squeeze %dma_wait3A_263 : memref<1x125xi32, #tpu.memory_space<vmem>> -> memref<125xi32, #tpu.memory_space<vmem>>
    %dma_wait3A_265 = arith.constant 0 : i32
    %dma_wait3A_266 = arith.constant 0 : i32
    %dma_wait3A_267 = tpu.memref_slice %arg2[%dma_wait3A_265, %dma_wait3A_266] : memref<10000x128xf32, #tpu.memory_space<hbm>> -> memref<10000x128xf32, #tpu.memory_space<hbm>>
    tpu.wait_indirect_dma semaphore(%arg12 : memref<!tpu.dma_semaphore, #tpu.memory_space<semaphore_mem>>) src(%dma_wait3A_267 : memref<10000x128xf32, #tpu.memory_space<hbm>>) dst(%arg9 : memref<125x128xf32, #tpu.memory_space<vmem>>)
    %run_scoped3A_268 = arith.constant 38 : i32
    "tpu.region"() ({
      %run_scoped3A_316 = tpu.sem_alloc : memref<!tpu.dma_semaphore, #tpu.memory_space<semaphore_mem>>
      %dma_start3A_317 = arith.constant 0 : i32
      %dma_start3A_318 = tpu.memref_slice %arg8[%run_scoped3A_268, %dma_start3A_317] : memref<40x125xi32, #tpu.memory_space<vmem>> -> memref<1x125xi32, #tpu.memory_space<vmem>>
      %dma_start3A_319 = tpu.memref_squeeze %dma_start3A_318 : memref<1x125xi32, #tpu.memory_space<vmem>> -> memref<125xi32, #tpu.memory_space<vmem>>
      %dma_start3A_320 = arith.constant 0 : i32
      %dma_start3A_321 = arith.constant 0 : i32
      %dma_start3A_322 = tpu.memref_slice %arg11[%dma_start3A_320, %dma_start3A_321] : memref<10240x128xf32, #tpu.memory_space<vmem_shared>> -> memref<10240x128xf32, #tpu.memory_space<vmem_shared>>
      tpu.enqueue_indirect_dma source(%arg9 : memref<125x128xf32, #tpu.memory_space<vmem>>) target(%dma_start3A_322 : memref<10240x128xf32, #tpu.memory_space<vmem_shared>>) offsets(%dma_start3A_319 : memref<125xi32, #tpu.memory_space<vmem>>) semaphore(%run_scoped3A_316 : memref<!tpu.dma_semaphore, #tpu.memory_space<semaphore_mem>>) {add = true}
      %dma_wait3A_323 = arith.constant 0 : i32
      %dma_wait3A_324 = tpu.memref_slice %arg8[%run_scoped3A_268, %dma_wait3A_323] : memref<40x125xi32, #tpu.memory_space<vmem>> -> memref<1x125xi32, #tpu.memory_space<vmem>>
      %dma_wait3A_325 = tpu.memref_squeeze %dma_wait3A_324 : memref<1x125xi32, #tpu.memory_space<vmem>> -> memref<125xi32, #tpu.memory_space<vmem>>
      %dma_wait3A_326 = arith.constant 0 : i32
      %dma_wait3A_327 = arith.constant 0 : i32
      %dma_wait3A_328 = tpu.memref_slice %arg11[%dma_wait3A_326, %dma_wait3A_327] : memref<10240x128xf32, #tpu.memory_space<vmem_shared>> -> memref<10240x128xf32, #tpu.memory_space<vmem_shared>>
      tpu.wait_indirect_dma semaphore(%run_scoped3A_316 : memref<!tpu.dma_semaphore, #tpu.memory_space<semaphore_mem>>) src(%arg9 : memref<125x128xf32, #tpu.memory_space<vmem>>) dst(%dma_wait3A_328 : memref<10240x128xf32, #tpu.memory_space<vmem_shared>>)
      tpu.yield
    }) : () -> ()
    %dma_wait3A_269 = arith.constant 39 : i32
    %dma_wait3A_270 = arith.constant 0 : i32
    %dma_wait3A_271 = tpu.memref_slice %arg7[%dma_wait3A_269, %dma_wait3A_270] : memref<40x125xi32, #tpu.memory_space<vmem>> -> memref<1x125xi32, #tpu.memory_space<vmem>>
    %dma_wait3A_272 = tpu.memref_squeeze %dma_wait3A_271 : memref<1x125xi32, #tpu.memory_space<vmem>> -> memref<125xi32, #tpu.memory_space<vmem>>
    %dma_wait3A_273 = arith.constant 0 : i32
    %dma_wait3A_274 = arith.constant 0 : i32
    %dma_wait3A_275 = tpu.memref_slice %arg2[%dma_wait3A_273, %dma_wait3A_274] : memref<10000x128xf32, #tpu.memory_space<hbm>> -> memref<10000x128xf32, #tpu.memory_space<hbm>>
    tpu.wait_indirect_dma semaphore(%arg13 : memref<!tpu.dma_semaphore, #tpu.memory_space<semaphore_mem>>) src(%dma_wait3A_275 : memref<10000x128xf32, #tpu.memory_space<hbm>>) dst(%arg10 : memref<125x128xf32, #tpu.memory_space<vmem>>)
    %run_scoped3A_276 = arith.constant 39 : i32
    "tpu.region"() ({
      %run_scoped3A_316 = tpu.sem_alloc : memref<!tpu.dma_semaphore, #tpu.memory_space<semaphore_mem>>
      %dma_start3A_317 = arith.constant 0 : i32
      %dma_start3A_318 = tpu.memref_slice %arg8[%run_scoped3A_276, %dma_start3A_317] : memref<40x125xi32, #tpu.memory_space<vmem>> -> memref<1x125xi32, #tpu.memory_space<vmem>>
      %dma_start3A_319 = tpu.memref_squeeze %dma_start3A_318 : memref<1x125xi32, #tpu.memory_space<vmem>> -> memref<125xi32, #tpu.memory_space<vmem>>
      %dma_start3A_320 = arith.constant 0 : i32
      %dma_start3A_321 = arith.constant 0 : i32
      %dma_start3A_322 = tpu.memref_slice %arg11[%dma_start3A_320, %dma_start3A_321] : memref<10240x128xf32, #tpu.memory_space<vmem_shared>> -> memref<10240x128xf32, #tpu.memory_space<vmem_shared>>
      tpu.enqueue_indirect_dma source(%arg10 : memref<125x128xf32, #tpu.memory_space<vmem>>) target(%dma_start3A_322 : memref<10240x128xf32, #tpu.memory_space<vmem_shared>>) offsets(%dma_start3A_319 : memref<125xi32, #tpu.memory_space<vmem>>) semaphore(%run_scoped3A_316 : memref<!tpu.dma_semaphore, #tpu.memory_space<semaphore_mem>>) {add = true}
      %dma_wait3A_323 = arith.constant 0 : i32
      %dma_wait3A_324 = tpu.memref_slice %arg8[%run_scoped3A_276, %dma_wait3A_323] : memref<40x125xi32, #tpu.memory_space<vmem>> -> memref<1x125xi32, #tpu.memory_space<vmem>>
      %dma_wait3A_325 = tpu.memref_squeeze %dma_wait3A_324 : memref<1x125xi32, #tpu.memory_space<vmem>> -> memref<125xi32, #tpu.memory_space<vmem>>
      %dma_wait3A_326 = arith.constant 0 : i32
      %dma_wait3A_327 = arith.constant 0 : i32
      %dma_wait3A_328 = tpu.memref_slice %arg11[%dma_wait3A_326, %dma_wait3A_327] : memref<10240x128xf32, #tpu.memory_space<vmem_shared>> -> memref<10240x128xf32, #tpu.memory_space<vmem_shared>>
      tpu.wait_indirect_dma semaphore(%run_scoped3A_316 : memref<!tpu.dma_semaphore, #tpu.memory_space<semaphore_mem>>) src(%arg10 : memref<125x128xf32, #tpu.memory_space<vmem>>) dst(%dma_wait3A_328 : memref<10240x128xf32, #tpu.memory_space<vmem_shared>>)
      tpu.yield
    }) : () -> ()
    %add3A_277 = arith.constant 120 : i32
    %add3A_278 = arith.addi %multiple_of3A_3, %add3A_277 : i32
    %multiple_of3A_279 = tpu.assume_multiple %add3A_278, 8 : i32
    "tpu.region"() ({
      %run_scoped3A_316 = tpu.sem_alloc : memref<!tpu.dma_semaphore, #tpu.memory_space<semaphore_mem>>
      %dma_start3A_317 = arith.constant 0 : i32
      %dma_start3A_318 = tpu.memref_slice %arg3[%add3A_158, %multiple_of3A_279, %dma_start3A_317] : memref<4x2560x125xi32, #tpu.memory_space<hbm>> -> memref<1x40x125xi32, #tpu.memory_space<hbm>>
      %dma_start3A_319 = tpu.memref_squeeze %dma_start3A_318 : memref<1x40x125xi32, #tpu.memory_space<hbm>> -> memref<40x125xi32, #tpu.memory_space<hbm>>
      %dma_start3A_320 = arith.constant 0 : i32
      %dma_start3A_321 = tpu.memref_slice %arg3[%add3A_158, %multiple_of3A_279, %dma_start3A_320] : memref<4x2560x125xi32, #tpu.memory_space<hbm>> -> memref<1x40x125xi32, #tpu.memory_space<hbm>>
      %dma_start3A_322 = tpu.memref_squeeze %dma_start3A_321 : memref<1x40x125xi32, #tpu.memory_space<hbm>> -> memref<40x125xi32, #tpu.memory_space<hbm>>
      tpu.enqueue_dma source(%dma_start3A_322 : memref<40x125xi32, #tpu.memory_space<hbm>>) target(%arg7 : memref<40x125xi32, #tpu.memory_space<vmem>>) target_semaphore(%run_scoped3A_316 : memref<!tpu.dma_semaphore, #tpu.memory_space<semaphore_mem>>)
      %dma_wait3A_323 = arith.constant 0 : i32
      %dma_wait3A_324 = tpu.memref_slice %arg3[%add3A_158, %multiple_of3A_279, %dma_wait3A_323] : memref<4x2560x125xi32, #tpu.memory_space<hbm>> -> memref<1x40x125xi32, #tpu.memory_space<hbm>>
      %dma_wait3A_325 = tpu.memref_squeeze %dma_wait3A_324 : memref<1x40x125xi32, #tpu.memory_space<hbm>> -> memref<40x125xi32, #tpu.memory_space<hbm>>
      %dma_wait3A_326 = arith.constant 0 : i32
      %dma_wait3A_327 = tpu.memref_slice %arg3[%add3A_158, %multiple_of3A_279, %dma_wait3A_326] : memref<4x2560x125xi32, #tpu.memory_space<hbm>> -> memref<1x40x125xi32, #tpu.memory_space<hbm>>
      %dma_wait3A_328 = tpu.memref_squeeze %dma_wait3A_327 : memref<1x40x125xi32, #tpu.memory_space<hbm>> -> memref<40x125xi32, #tpu.memory_space<hbm>>
      tpu.wait_dma2 semaphore(%run_scoped3A_316 : memref<!tpu.dma_semaphore, #tpu.memory_space<semaphore_mem>>) src(%dma_wait3A_328 : memref<40x125xi32, #tpu.memory_space<hbm>>) dst(%arg7 : memref<40x125xi32, #tpu.memory_space<vmem>>)
      tpu.yield
    }) : () -> ()
    "tpu.region"() ({
      %run_scoped3A_316 = tpu.sem_alloc : memref<!tpu.dma_semaphore, #tpu.memory_space<semaphore_mem>>
      %dma_start3A_317 = arith.constant 0 : i32
      %dma_start3A_318 = tpu.memref_slice %arg4[%add3A_158, %multiple_of3A_279, %dma_start3A_317] : memref<4x2560x125xi32, #tpu.memory_space<hbm>> -> memref<1x40x125xi32, #tpu.memory_space<hbm>>
      %dma_start3A_319 = tpu.memref_squeeze %dma_start3A_318 : memref<1x40x125xi32, #tpu.memory_space<hbm>> -> memref<40x125xi32, #tpu.memory_space<hbm>>
      %dma_start3A_320 = arith.constant 0 : i32
      %dma_start3A_321 = tpu.memref_slice %arg4[%add3A_158, %multiple_of3A_279, %dma_start3A_320] : memref<4x2560x125xi32, #tpu.memory_space<hbm>> -> memref<1x40x125xi32, #tpu.memory_space<hbm>>
      %dma_start3A_322 = tpu.memref_squeeze %dma_start3A_321 : memref<1x40x125xi32, #tpu.memory_space<hbm>> -> memref<40x125xi32, #tpu.memory_space<hbm>>
      tpu.enqueue_dma source(%dma_start3A_322 : memref<40x125xi32, #tpu.memory_space<hbm>>) target(%arg8 : memref<40x125xi32, #tpu.memory_space<vmem>>) target_semaphore(%run_scoped3A_316 : memref<!tpu.dma_semaphore, #tpu.memory_space<semaphore_mem>>)
      %dma_wait3A_323 = arith.constant 0 : i32
      %dma_wait3A_324 = tpu.memref_slice %arg4[%add3A_158, %multiple_of3A_279, %dma_wait3A_323] : memref<4x2560x125xi32, #tpu.memory_space<hbm>> -> memref<1x40x125xi32, #tpu.memory_space<hbm>>
      %dma_wait3A_325 = tpu.memref_squeeze %dma_wait3A_324 : memref<1x40x125xi32, #tpu.memory_space<hbm>> -> memref<40x125xi32, #tpu.memory_space<hbm>>
      %dma_wait3A_326 = arith.constant 0 : i32
      %dma_wait3A_327 = tpu.memref_slice %arg4[%add3A_158, %multiple_of3A_279, %dma_wait3A_326] : memref<4x2560x125xi32, #tpu.memory_space<hbm>> -> memref<1x40x125xi32, #tpu.memory_space<hbm>>
      %dma_wait3A_328 = tpu.memref_squeeze %dma_wait3A_327 : memref<1x40x125xi32, #tpu.memory_space<hbm>> -> memref<40x125xi32, #tpu.memory_space<hbm>>
      tpu.wait_dma2 semaphore(%run_scoped3A_316 : memref<!tpu.dma_semaphore, #tpu.memory_space<semaphore_mem>>) src(%dma_wait3A_328 : memref<40x125xi32, #tpu.memory_space<hbm>>) dst(%arg8 : memref<40x125xi32, #tpu.memory_space<vmem>>)
      tpu.yield
    }) : () -> ()
    %dma_start3A_280 = arith.constant 0 : i32
    %dma_start3A_281 = arith.constant 0 : i32
    %dma_start3A_282 = tpu.memref_slice %arg7[%dma_start3A_280, %dma_start3A_281] : memref<40x125xi32, #tpu.memory_space<vmem>> -> memref<1x125xi32, #tpu.memory_space<vmem>>
    %dma_start3A_283 = tpu.memref_squeeze %dma_start3A_282 : memref<1x125xi32, #tpu.memory_space<vmem>> -> memref<125xi32, #tpu.memory_space<vmem>>
    %dma_start3A_284 = arith.constant 0 : i32
    %dma_start3A_285 = arith.constant 0 : i32
    %dma_start3A_286 = tpu.memref_slice %arg2[%dma_start3A_284, %dma_start3A_285] : memref<10000x128xf32, #tpu.memory_space<hbm>> -> memref<10000x128xf32, #tpu.memory_space<hbm>>
    tpu.enqueue_indirect_dma source(%dma_start3A_286 : memref<10000x128xf32, #tpu.memory_space<hbm>>) target(%arg9 : memref<125x128xf32, #tpu.memory_space<vmem>>) offsets(%dma_start3A_283 : memref<125xi32, #tpu.memory_space<vmem>>) semaphore(%arg12 : memref<!tpu.dma_semaphore, #tpu.memory_space<semaphore_mem>>)
    %dma_start3A_287 = arith.constant 1 : i32
    %dma_start3A_288 = arith.constant 0 : i32
    %dma_start3A_289 = tpu.memref_slice %arg7[%dma_start3A_287, %dma_start3A_288] : memref<40x125xi32, #tpu.memory_space<vmem>> -> memref<1x125xi32, #tpu.memory_space<vmem>>
    %dma_start3A_290 = tpu.memref_squeeze %dma_start3A_289 : memref<1x125xi32, #tpu.memory_space<vmem>> -> memref<125xi32, #tpu.memory_space<vmem>>
    %dma_start3A_291 = arith.constant 0 : i32
    %dma_start3A_292 = arith.constant 0 : i32
    %dma_start3A_293 = tpu.memref_slice %arg2[%dma_start3A_291, %dma_start3A_292] : memref<10000x128xf32, #tpu.memory_space<hbm>> -> memref<10000x128xf32, #tpu.memory_space<hbm>>
    tpu.enqueue_indirect_dma source(%dma_start3A_293 : memref<10000x128xf32, #tpu.memory_space<hbm>>) target(%arg10 : memref<125x128xf32, #tpu.memory_space<vmem>>) offsets(%dma_start3A_290 : memref<125xi32, #tpu.memory_space<vmem>>) semaphore(%arg13 : memref<!tpu.dma_semaphore, #tpu.memory_space<semaphore_mem>>)
    %scan3A_294 = arith.constant 0 : i32
    %scan3A_295 = arith.constant 19 : i32
    %scan3A_296 = arith.addi %scan3A_294, %scan3A_295 : i32
    %scan3A_297 = arith.constant 1 : i32
    scf.for %scan3A_316 = %scan3A_294 to %scan3A_296 step %scan3A_297  : i32 {
      %mul3A_317 = arith.constant 1 : i32
      %mul3A_318 = arith.muli %scan3A_316, %mul3A_317 : i32
      %add3A_319 = arith.constant 0 : i32
      %add3A_320 = arith.addi %add3A_319, %mul3A_318 : i32
      %mul3A_321 = arith.constant 2 : i32
      %mul3A_322 = arith.muli %add3A_320, %mul3A_321 : i32
      %dma_wait3A_323 = arith.constant 0 : i32
      %dma_wait3A_324 = tpu.memref_slice %arg7[%mul3A_322, %dma_wait3A_323] : memref<40x125xi32, #tpu.memory_space<vmem>> -> memref<1x125xi32, #tpu.memory_space<vmem>>
      %dma_wait3A_325 = tpu.memref_squeeze %dma_wait3A_324 : memref<1x125xi32, #tpu.memory_space<vmem>> -> memref<125xi32, #tpu.memory_space<vmem>>
      %dma_wait3A_326 = arith.constant 0 : i32
      %dma_wait3A_327 = arith.constant 0 : i32
      %dma_wait3A_328 = tpu.memref_slice %arg2[%dma_wait3A_326, %dma_wait3A_327] : memref<10000x128xf32, #tpu.memory_space<hbm>> -> memref<10000x128xf32, #tpu.memory_space<hbm>>
      tpu.wait_indirect_dma semaphore(%arg12 : memref<!tpu.dma_semaphore, #tpu.memory_space<semaphore_mem>>) src(%dma_wait3A_328 : memref<10000x128xf32, #tpu.memory_space<hbm>>) dst(%arg9 : memref<125x128xf32, #tpu.memory_space<vmem>>)
      "tpu.region"() ({
        %run_scoped3A_355 = tpu.sem_alloc : memref<!tpu.dma_semaphore, #tpu.memory_space<semaphore_mem>>
        %dma_start3A_356 = arith.constant 0 : i32
        %dma_start3A_357 = tpu.memref_slice %arg8[%mul3A_322, %dma_start3A_356] : memref<40x125xi32, #tpu.memory_space<vmem>> -> memref<1x125xi32, #tpu.memory_space<vmem>>
        %dma_start3A_358 = tpu.memref_squeeze %dma_start3A_357 : memref<1x125xi32, #tpu.memory_space<vmem>> -> memref<125xi32, #tpu.memory_space<vmem>>
        %dma_start3A_359 = arith.constant 0 : i32
        %dma_start3A_360 = arith.constant 0 : i32
        %dma_start3A_361 = tpu.memref_slice %arg11[%dma_start3A_359, %dma_start3A_360] : memref<10240x128xf32, #tpu.memory_space<vmem_shared>> -> memref<10240x128xf32, #tpu.memory_space<vmem_shared>>
        tpu.enqueue_indirect_dma source(%arg9 : memref<125x128xf32, #tpu.memory_space<vmem>>) target(%dma_start3A_361 : memref<10240x128xf32, #tpu.memory_space<vmem_shared>>) offsets(%dma_start3A_358 : memref<125xi32, #tpu.memory_space<vmem>>) semaphore(%run_scoped3A_355 : memref<!tpu.dma_semaphore, #tpu.memory_space<semaphore_mem>>) {add = true}
        %dma_wait3A_362 = arith.constant 0 : i32
        %dma_wait3A_363 = tpu.memref_slice %arg8[%mul3A_322, %dma_wait3A_362] : memref<40x125xi32, #tpu.memory_space<vmem>> -> memref<1x125xi32, #tpu.memory_space<vmem>>
        %dma_wait3A_364 = tpu.memref_squeeze %dma_wait3A_363 : memref<1x125xi32, #tpu.memory_space<vmem>> -> memref<125xi32, #tpu.memory_space<vmem>>
        %dma_wait3A_365 = arith.constant 0 : i32
        %dma_wait3A_366 = arith.constant 0 : i32
        %dma_wait3A_367 = tpu.memref_slice %arg11[%dma_wait3A_365, %dma_wait3A_366] : memref<10240x128xf32, #tpu.memory_space<vmem_shared>> -> memref<10240x128xf32, #tpu.memory_space<vmem_shared>>
        tpu.wait_indirect_dma semaphore(%run_scoped3A_355 : memref<!tpu.dma_semaphore, #tpu.memory_space<semaphore_mem>>) src(%arg9 : memref<125x128xf32, #tpu.memory_space<vmem>>) dst(%dma_wait3A_367 : memref<10240x128xf32, #tpu.memory_space<vmem_shared>>)
        tpu.yield
      }) : () -> ()
      %add3A_329 = arith.constant 2 : i32
      %add3A_330 = arith.addi %mul3A_322, %add3A_329 : i32
      %dma_start3A_331 = arith.constant 0 : i32
      %dma_start3A_332 = tpu.memref_slice %arg7[%add3A_330, %dma_start3A_331] : memref<40x125xi32, #tpu.memory_space<vmem>> -> memref<1x125xi32, #tpu.memory_space<vmem>>
      %dma_start3A_333 = tpu.memref_squeeze %dma_start3A_332 : memref<1x125xi32, #tpu.memory_space<vmem>> -> memref<125xi32, #tpu.memory_space<vmem>>
      %dma_start3A_334 = arith.constant 0 : i32
      %dma_start3A_335 = arith.constant 0 : i32
      %dma_start3A_336 = tpu.memref_slice %arg2[%dma_start3A_334, %dma_start3A_335] : memref<10000x128xf32, #tpu.memory_space<hbm>> -> memref<10000x128xf32, #tpu.memory_space<hbm>>
      tpu.enqueue_indirect_dma source(%dma_start3A_336 : memref<10000x128xf32, #tpu.memory_space<hbm>>) target(%arg9 : memref<125x128xf32, #tpu.memory_space<vmem>>) offsets(%dma_start3A_333 : memref<125xi32, #tpu.memory_space<vmem>>) semaphore(%arg12 : memref<!tpu.dma_semaphore, #tpu.memory_space<semaphore_mem>>)
      %add3A_337 = arith.constant 1 : i32
      %add3A_338 = arith.addi %mul3A_322, %add3A_337 : i32
      %dma_wait3A_339 = arith.constant 0 : i32
      %dma_wait3A_340 = tpu.memref_slice %arg7[%add3A_338, %dma_wait3A_339] : memref<40x125xi32, #tpu.memory_space<vmem>> -> memref<1x125xi32, #tpu.memory_space<vmem>>
      %dma_wait3A_341 = tpu.memref_squeeze %dma_wait3A_340 : memref<1x125xi32, #tpu.memory_space<vmem>> -> memref<125xi32, #tpu.memory_space<vmem>>
      %dma_wait3A_342 = arith.constant 0 : i32
      %dma_wait3A_343 = arith.constant 0 : i32
      %dma_wait3A_344 = tpu.memref_slice %arg2[%dma_wait3A_342, %dma_wait3A_343] : memref<10000x128xf32, #tpu.memory_space<hbm>> -> memref<10000x128xf32, #tpu.memory_space<hbm>>
      tpu.wait_indirect_dma semaphore(%arg13 : memref<!tpu.dma_semaphore, #tpu.memory_space<semaphore_mem>>) src(%dma_wait3A_344 : memref<10000x128xf32, #tpu.memory_space<hbm>>) dst(%arg10 : memref<125x128xf32, #tpu.memory_space<vmem>>)
      %add3A_345 = arith.constant 1 : i32
      %add3A_346 = arith.addi %mul3A_322, %add3A_345 : i32
      "tpu.region"() ({
        %run_scoped3A_355 = tpu.sem_alloc : memref<!tpu.dma_semaphore, #tpu.memory_space<semaphore_mem>>
        %dma_start3A_356 = arith.constant 0 : i32
        %dma_start3A_357 = tpu.memref_slice %arg8[%add3A_346, %dma_start3A_356] : memref<40x125xi32, #tpu.memory_space<vmem>> -> memref<1x125xi32, #tpu.memory_space<vmem>>
        %dma_start3A_358 = tpu.memref_squeeze %dma_start3A_357 : memref<1x125xi32, #tpu.memory_space<vmem>> -> memref<125xi32, #tpu.memory_space<vmem>>
        %dma_start3A_359 = arith.constant 0 : i32
        %dma_start3A_360 = arith.constant 0 : i32
        %dma_start3A_361 = tpu.memref_slice %arg11[%dma_start3A_359, %dma_start3A_360] : memref<10240x128xf32, #tpu.memory_space<vmem_shared>> -> memref<10240x128xf32, #tpu.memory_space<vmem_shared>>
        tpu.enqueue_indirect_dma source(%arg10 : memref<125x128xf32, #tpu.memory_space<vmem>>) target(%dma_start3A_361 : memref<10240x128xf32, #tpu.memory_space<vmem_shared>>) offsets(%dma_start3A_358 : memref<125xi32, #tpu.memory_space<vmem>>) semaphore(%run_scoped3A_355 : memref<!tpu.dma_semaphore, #tpu.memory_space<semaphore_mem>>) {add = true}
        %dma_wait3A_362 = arith.constant 0 : i32
        %dma_wait3A_363 = tpu.memref_slice %arg8[%add3A_346, %dma_wait3A_362] : memref<40x125xi32, #tpu.memory_space<vmem>> -> memref<1x125xi32, #tpu.memory_space<vmem>>
        %dma_wait3A_364 = tpu.memref_squeeze %dma_wait3A_363 : memref<1x125xi32, #tpu.memory_space<vmem>> -> memref<125xi32, #tpu.memory_space<vmem>>
        %dma_wait3A_365 = arith.constant 0 : i32
        %dma_wait3A_366 = arith.constant 0 : i32
        %dma_wait3A_367 = tpu.memref_slice %arg11[%dma_wait3A_365, %dma_wait3A_366] : memref<10240x128xf32, #tpu.memory_space<vmem_shared>> -> memref<10240x128xf32, #tpu.memory_space<vmem_shared>>
        tpu.wait_indirect_dma semaphore(%run_scoped3A_355 : memref<!tpu.dma_semaphore, #tpu.memory_space<semaphore_mem>>) src(%arg10 : memref<125x128xf32, #tpu.memory_space<vmem>>) dst(%dma_wait3A_367 : memref<10240x128xf32, #tpu.memory_space<vmem_shared>>)
        tpu.yield
      }) : () -> ()
      %add3A_347 = arith.constant 3 : i32
      %add3A_348 = arith.addi %mul3A_322, %add3A_347 : i32
      %dma_start3A_349 = arith.constant 0 : i32
      %dma_start3A_350 = tpu.memref_slice %arg7[%add3A_348, %dma_start3A_349] : memref<40x125xi32, #tpu.memory_space<vmem>> -> memref<1x125xi32, #tpu.memory_space<vmem>>
      %dma_start3A_351 = tpu.memref_squeeze %dma_start3A_350 : memref<1x125xi32, #tpu.memory_space<vmem>> -> memref<125xi32, #tpu.memory_space<vmem>>
      %dma_start3A_352 = arith.constant 0 : i32
      %dma_start3A_353 = arith.constant 0 : i32
      %dma_start3A_354 = tpu.memref_slice %arg2[%dma_start3A_352, %dma_start3A_353] : memref<10000x128xf32, #tpu.memory_space<hbm>> -> memref<10000x128xf32, #tpu.memory_space<hbm>>
      tpu.enqueue_indirect_dma source(%dma_start3A_354 : memref<10000x128xf32, #tpu.memory_space<hbm>>) target(%arg10 : memref<125x128xf32, #tpu.memory_space<vmem>>) offsets(%dma_start3A_351 : memref<125xi32, #tpu.memory_space<vmem>>) semaphore(%arg13 : memref<!tpu.dma_semaphore, #tpu.memory_space<semaphore_mem>>)
    }
    %scan3A_298 = arith.constant 19 : i32
    %dma_wait3A_299 = arith.constant 38 : i32
    %dma_wait3A_300 = arith.constant 0 : i32
    %dma_wait3A_301 = tpu.memref_slice %arg7[%dma_wait3A_299, %dma_wait3A_300] : memref<40x125xi32, #tpu.memory_space<vmem>> -> memref<1x125xi32, #tpu.memory_space<vmem>>
    %dma_wait3A_302 = tpu.memref_squeeze %dma_wait3A_301 : memref<1x125xi32, #tpu.memory_space<vmem>> -> memref<125xi32, #tpu.memory_space<vmem>>
    %dma_wait3A_303 = arith.constant 0 : i32
    %dma_wait3A_304 = arith.constant 0 : i32
    %dma_wait3A_305 = tpu.memref_slice %arg2[%dma_wait3A_303, %dma_wait3A_304] : memref<10000x128xf32, #tpu.memory_space<hbm>> -> memref<10000x128xf32, #tpu.memory_space<hbm>>
    tpu.wait_indirect_dma semaphore(%arg12 : memref<!tpu.dma_semaphore, #tpu.memory_space<semaphore_mem>>) src(%dma_wait3A_305 : memref<10000x128xf32, #tpu.memory_space<hbm>>) dst(%arg9 : memref<125x128xf32, #tpu.memory_space<vmem>>)
    %run_scoped3A_306 = arith.constant 38 : i32
    "tpu.region"() ({
      %run_scoped3A_316 = tpu.sem_alloc : memref<!tpu.dma_semaphore, #tpu.memory_space<semaphore_mem>>
      %dma_start3A_317 = arith.constant 0 : i32
      %dma_start3A_318 = tpu.memref_slice %arg8[%run_scoped3A_306, %dma_start3A_317] : memref<40x125xi32, #tpu.memory_space<vmem>> -> memref<1x125xi32, #tpu.memory_space<vmem>>
      %dma_start3A_319 = tpu.memref_squeeze %dma_start3A_318 : memref<1x125xi32, #tpu.memory_space<vmem>> -> memref<125xi32, #tpu.memory_space<vmem>>
      %dma_start3A_320 = arith.constant 0 : i32
      %dma_start3A_321 = arith.constant 0 : i32
      %dma_start3A_322 = tpu.memref_slice %arg11[%dma_start3A_320, %dma_start3A_321] : memref<10240x128xf32, #tpu.memory_space<vmem_shared>> -> memref<10240x128xf32, #tpu.memory_space<vmem_shared>>
      tpu.enqueue_indirect_dma source(%arg9 : memref<125x128xf32, #tpu.memory_space<vmem>>) target(%dma_start3A_322 : memref<10240x128xf32, #tpu.memory_space<vmem_shared>>) offsets(%dma_start3A_319 : memref<125xi32, #tpu.memory_space<vmem>>) semaphore(%run_scoped3A_316 : memref<!tpu.dma_semaphore, #tpu.memory_space<semaphore_mem>>) {add = true}
      %dma_wait3A_323 = arith.constant 0 : i32
      %dma_wait3A_324 = tpu.memref_slice %arg8[%run_scoped3A_306, %dma_wait3A_323] : memref<40x125xi32, #tpu.memory_space<vmem>> -> memref<1x125xi32, #tpu.memory_space<vmem>>
      %dma_wait3A_325 = tpu.memref_squeeze %dma_wait3A_324 : memref<1x125xi32, #tpu.memory_space<vmem>> -> memref<125xi32, #tpu.memory_space<vmem>>
      %dma_wait3A_326 = arith.constant 0 : i32
      %dma_wait3A_327 = arith.constant 0 : i32
      %dma_wait3A_328 = tpu.memref_slice %arg11[%dma_wait3A_326, %dma_wait3A_327] : memref<10240x128xf32, #tpu.memory_space<vmem_shared>> -> memref<10240x128xf32, #tpu.memory_space<vmem_shared>>
      tpu.wait_indirect_dma semaphore(%run_scoped3A_316 : memref<!tpu.dma_semaphore, #tpu.memory_space<semaphore_mem>>) src(%arg9 : memref<125x128xf32, #tpu.memory_space<vmem>>) dst(%dma_wait3A_328 : memref<10240x128xf32, #tpu.memory_space<vmem_shared>>)
      tpu.yield
    }) : () -> ()
    %dma_wait3A_307 = arith.constant 39 : i32
    %dma_wait3A_308 = arith.constant 0 : i32
    %dma_wait3A_309 = tpu.memref_slice %arg7[%dma_wait3A_307, %dma_wait3A_308] : memref<40x125xi32, #tpu.memory_space<vmem>> -> memref<1x125xi32, #tpu.memory_space<vmem>>
    %dma_wait3A_310 = tpu.memref_squeeze %dma_wait3A_309 : memref<1x125xi32, #tpu.memory_space<vmem>> -> memref<125xi32, #tpu.memory_space<vmem>>
    %dma_wait3A_311 = arith.constant 0 : i32
    %dma_wait3A_312 = arith.constant 0 : i32
    %dma_wait3A_313 = tpu.memref_slice %arg2[%dma_wait3A_311, %dma_wait3A_312] : memref<10000x128xf32, #tpu.memory_space<hbm>> -> memref<10000x128xf32, #tpu.memory_space<hbm>>
    tpu.wait_indirect_dma semaphore(%arg13 : memref<!tpu.dma_semaphore, #tpu.memory_space<semaphore_mem>>) src(%dma_wait3A_313 : memref<10000x128xf32, #tpu.memory_space<hbm>>) dst(%arg10 : memref<125x128xf32, #tpu.memory_space<vmem>>)
    %run_scoped3A_314 = arith.constant 39 : i32
    "tpu.region"() ({
      %run_scoped3A_316 = tpu.sem_alloc : memref<!tpu.dma_semaphore, #tpu.memory_space<semaphore_mem>>
      %dma_start3A_317 = arith.constant 0 : i32
      %dma_start3A_318 = tpu.memref_slice %arg8[%run_scoped3A_314, %dma_start3A_317] : memref<40x125xi32, #tpu.memory_space<vmem>> -> memref<1x125xi32, #tpu.memory_space<vmem>>
      %dma_start3A_319 = tpu.memref_squeeze %dma_start3A_318 : memref<1x125xi32, #tpu.memory_space<vmem>> -> memref<125xi32, #tpu.memory_space<vmem>>
      %dma_start3A_320 = arith.constant 0 : i32
      %dma_start3A_321 = arith.constant 0 : i32
      %dma_start3A_322 = tpu.memref_slice %arg11[%dma_start3A_320, %dma_start3A_321] : memref<10240x128xf32, #tpu.memory_space<vmem_shared>> -> memref<10240x128xf32, #tpu.memory_space<vmem_shared>>
      tpu.enqueue_indirect_dma source(%arg10 : memref<125x128xf32, #tpu.memory_space<vmem>>) target(%dma_start3A_322 : memref<10240x128xf32, #tpu.memory_space<vmem_shared>>) offsets(%dma_start3A_319 : memref<125xi32, #tpu.memory_space<vmem>>) semaphore(%run_scoped3A_316 : memref<!tpu.dma_semaphore, #tpu.memory_space<semaphore_mem>>) {add = true}
      %dma_wait3A_323 = arith.constant 0 : i32
      %dma_wait3A_324 = tpu.memref_slice %arg8[%run_scoped3A_314, %dma_wait3A_323] : memref<40x125xi32, #tpu.memory_space<vmem>> -> memref<1x125xi32, #tpu.memory_space<vmem>>
      %dma_wait3A_325 = tpu.memref_squeeze %dma_wait3A_324 : memref<1x125xi32, #tpu.memory_space<vmem>> -> memref<125xi32, #tpu.memory_space<vmem>>
      %dma_wait3A_326 = arith.constant 0 : i32
      %dma_wait3A_327 = arith.constant 0 : i32
      %dma_wait3A_328 = tpu.memref_slice %arg11[%dma_wait3A_326, %dma_wait3A_327] : memref<10240x128xf32, #tpu.memory_space<vmem_shared>> -> memref<10240x128xf32, #tpu.memory_space<vmem_shared>>
      tpu.wait_indirect_dma semaphore(%run_scoped3A_316 : memref<!tpu.dma_semaphore, #tpu.memory_space<semaphore_mem>>) src(%arg10 : memref<125x128xf32, #tpu.memory_space<vmem>>) dst(%dma_wait3A_328 : memref<10240x128xf32, #tpu.memory_space<vmem_shared>>)
      tpu.yield
    }) : () -> ()
    %barrier3A_315 = arith.constant 0 : index
    tpu.barrier barrier_id(%barrier3A_315)
    "tpu.region"() ({
      %run_scoped3A_316 = tpu.sem_alloc : memref<!tpu.dma_semaphore, #tpu.memory_space<semaphore_mem>>
      %dma_start3A_317 = arith.constant 2 : i32
      %dma_start3A_318 = arith.constant 0 : i32
      %dma_start3A_319 = arith.constant 0 : i32
      %dma_start3A_320 = tpu.memref_slice %arg6[%dma_start3A_317, %dma_start3A_318, %dma_start3A_319] : memref<4x10240x128xf32, #tpu.memory_space<hbm>> -> memref<2x10240x128xf32, #tpu.memory_space<hbm>>
      %dma_start3A_321 = arith.constant 0 : i32
      %dma_start3A_322 = tpu.memref_slice %dma_start3A_320[%arg0, %multiple_of3A_161, %dma_start3A_321] : memref<2x10240x128xf32, #tpu.memory_space<hbm>> -> memref<1x640x128xf32, #tpu.memory_space<hbm>>
      %dma_start3A_323 = tpu.memref_squeeze %dma_start3A_322 : memref<1x640x128xf32, #tpu.memory_space<hbm>> -> memref<640x128xf32, #tpu.memory_space<hbm>>
      %dma_start3A_324 = arith.constant 0 : i32
      %dma_start3A_325 = tpu.memref_slice %arg11[%multiple_of3A_161, %dma_start3A_324] : memref<10240x128xf32, #tpu.memory_space<vmem_shared>> -> memref<640x128xf32, #tpu.memory_space<vmem_shared>>
      tpu.enqueue_dma source(%dma_start3A_325 : memref<640x128xf32, #tpu.memory_space<vmem_shared>>) target(%dma_start3A_323 : memref<640x128xf32, #tpu.memory_space<hbm>>) target_semaphore(%run_scoped3A_316 : memref<!tpu.dma_semaphore, #tpu.memory_space<semaphore_mem>>)
      %dma_wait3A_326 = arith.constant 2 : i32
      %dma_wait3A_327 = arith.constant 0 : i32
      %dma_wait3A_328 = arith.constant 0 : i32
      %dma_wait3A_329 = tpu.memref_slice %arg6[%dma_wait3A_326, %dma_wait3A_327, %dma_wait3A_328] : memref<4x10240x128xf32, #tpu.memory_space<hbm>> -> memref<2x10240x128xf32, #tpu.memory_space<hbm>>
      %dma_wait3A_330 = arith.constant 0 : i32
      %dma_wait3A_331 = tpu.memref_slice %dma_wait3A_329[%arg0, %multiple_of3A_161, %dma_wait3A_330] : memref<2x10240x128xf32, #tpu.memory_space<hbm>> -> memref<1x640x128xf32, #tpu.memory_space<hbm>>
      %dma_wait3A_332 = tpu.memref_squeeze %dma_wait3A_331 : memref<1x640x128xf32, #tpu.memory_space<hbm>> -> memref<640x128xf32, #tpu.memory_space<hbm>>
      %dma_wait3A_333 = arith.constant 0 : i32
      %dma_wait3A_334 = tpu.memref_slice %arg11[%multiple_of3A_161, %dma_wait3A_333] : memref<10240x128xf32, #tpu.memory_space<vmem_shared>> -> memref<640x128xf32, #tpu.memory_space<vmem_shared>>
      tpu.wait_dma2 semaphore(%run_scoped3A_316 : memref<!tpu.dma_semaphore, #tpu.memory_space<semaphore_mem>>) src(%dma_wait3A_334 : memref<640x128xf32, #tpu.memory_space<vmem_shared>>) dst(%dma_wait3A_332 : memref<640x128xf32, #tpu.memory_space<hbm>>)
      tpu.yield
    }) : () -> ()
    return
  }
}

#map = affine_map<(d0, d1) -> (0, 0)>
#map1 = affine_map<(d0, d1) -> (0, 0, 0)>
module attributes {stable_mosaic.version = 14 : i64} {
  func.func @k(%arg0: i32, %arg1: i32, %arg2: memref<10000x128xf32, #tpu.memory_space<hbm>>, %arg3: memref<2560x125xi32, #tpu.memory_space<hbm>>, %arg4: memref<2560x125xi32, #tpu.memory_space<hbm>>, %arg5: memref<640x128xf32, #tpu.memory_space<hbm>>, %arg6: memref<2x10240x128xf32, #tpu.memory_space<hbm>>, %arg7: memref<40x125xi32, #tpu.memory_space<vmem>>, %arg8: memref<40x125xi32, #tpu.memory_space<vmem>>, %arg9: memref<125x128xf32, #tpu.memory_space<vmem>>, %arg10: memref<125x128xf32, #tpu.memory_space<vmem>>, %arg11: memref<10240x128xf32, #tpu.memory_space<vmem_shared>>, %arg12: memref<!tpu.dma_semaphore, #tpu.memory_space<semaphore_mem>>, %arg13: memref<!tpu.dma_semaphore, #tpu.memory_space<semaphore_mem>>) attributes {dimension_semantics = [#tpu.dimension_semantics<core_parallel>, #tpu.dimension_semantics<subcore_parallel>], iteration_bounds = array<i64: 2, 16>, scalar_prefetch = 0 : i64, scratch_operands = 7 : i64, tpu.core_type = #tpu.core_type<sc_vector_subcore>, window_params = [{transform_indices = #map}, {transform_indices = #map}, {transform_indices = #map}, {transform_indices = #map}, {transform_indices = #map1}]} {
    %mul3A = arith.constant 16 : i32
    %mul3A_0 = arith.muli %arg0, %mul3A : i32
    %add3A = arith.addi %mul3A_0, %arg1 : i32
    %mul3A_1 = arith.constant 80 : i32
    %mul3A_2 = arith.muli %add3A, %mul3A_1 : i32
    %multiple_of3A = tpu.assume_multiple %mul3A_2, 8 : i32
    %mul3A_3 = arith.constant 640 : i32
    %mul3A_4 = arith.muli %arg1, %mul3A_3 : i32
    %multiple_of3A_5 = tpu.assume_multiple %mul3A_4, 8 : i32
    "tpu.region"() ({
      %run_scoped3A_79 = tpu.sem_alloc : memref<!tpu.dma_semaphore, #tpu.memory_space<semaphore_mem>>
      %dma_start3A_80 = arith.constant 0 : i32
      %dma_start3A_81 = tpu.memref_slice %arg11[%multiple_of3A_5, %dma_start3A_80] : memref<10240x128xf32, #tpu.memory_space<vmem_shared>> -> memref<640x128xf32, #tpu.memory_space<vmem_shared>>
      tpu.enqueue_dma source(%arg5 : memref<640x128xf32, #tpu.memory_space<hbm>>) target(%dma_start3A_81 : memref<640x128xf32, #tpu.memory_space<vmem_shared>>) target_semaphore(%run_scoped3A_79 : memref<!tpu.dma_semaphore, #tpu.memory_space<semaphore_mem>>)
      %dma_wait3A_82 = arith.constant 0 : i32
      %dma_wait3A_83 = tpu.memref_slice %arg11[%multiple_of3A_5, %dma_wait3A_82] : memref<10240x128xf32, #tpu.memory_space<vmem_shared>> -> memref<640x128xf32, #tpu.memory_space<vmem_shared>>
      tpu.wait_dma2 semaphore(%run_scoped3A_79 : memref<!tpu.dma_semaphore, #tpu.memory_space<semaphore_mem>>) src(%arg5 : memref<640x128xf32, #tpu.memory_space<hbm>>) dst(%dma_wait3A_83 : memref<640x128xf32, #tpu.memory_space<vmem_shared>>)
      tpu.yield
    }) : () -> ()
    %barrier3A = arith.constant 0 : index
    tpu.barrier barrier_id(%barrier3A)
    %add3A_6 = arith.constant 0 : i32
    %add3A_7 = arith.addi %multiple_of3A, %add3A_6 : i32
    %multiple_of3A_8 = tpu.assume_multiple %add3A_7, 8 : i32
    "tpu.region"() ({
      %run_scoped3A_79 = tpu.sem_alloc : memref<!tpu.dma_semaphore, #tpu.memory_space<semaphore_mem>>
      %dma_start3A_80 = arith.constant 0 : i32
      %dma_start3A_81 = tpu.memref_slice %arg3[%multiple_of3A_8, %dma_start3A_80] : memref<2560x125xi32, #tpu.memory_space<hbm>> -> memref<40x125xi32, #tpu.memory_space<hbm>>
      %dma_start3A_82 = arith.constant 0 : i32
      %dma_start3A_83 = tpu.memref_slice %arg3[%multiple_of3A_8, %dma_start3A_82] : memref<2560x125xi32, #tpu.memory_space<hbm>> -> memref<40x125xi32, #tpu.memory_space<hbm>>
      tpu.enqueue_dma source(%dma_start3A_83 : memref<40x125xi32, #tpu.memory_space<hbm>>) target(%arg7 : memref<40x125xi32, #tpu.memory_space<vmem>>) target_semaphore(%run_scoped3A_79 : memref<!tpu.dma_semaphore, #tpu.memory_space<semaphore_mem>>)
      %dma_wait3A_84 = arith.constant 0 : i32
      %dma_wait3A_85 = tpu.memref_slice %arg3[%multiple_of3A_8, %dma_wait3A_84] : memref<2560x125xi32, #tpu.memory_space<hbm>> -> memref<40x125xi32, #tpu.memory_space<hbm>>
      %dma_wait3A_86 = arith.constant 0 : i32
      %dma_wait3A_87 = tpu.memref_slice %arg3[%multiple_of3A_8, %dma_wait3A_86] : memref<2560x125xi32, #tpu.memory_space<hbm>> -> memref<40x125xi32, #tpu.memory_space<hbm>>
      tpu.wait_dma2 semaphore(%run_scoped3A_79 : memref<!tpu.dma_semaphore, #tpu.memory_space<semaphore_mem>>) src(%dma_wait3A_87 : memref<40x125xi32, #tpu.memory_space<hbm>>) dst(%arg7 : memref<40x125xi32, #tpu.memory_space<vmem>>)
      tpu.yield
    }) : () -> ()
    "tpu.region"() ({
      %run_scoped3A_79 = tpu.sem_alloc : memref<!tpu.dma_semaphore, #tpu.memory_space<semaphore_mem>>
      %dma_start3A_80 = arith.constant 0 : i32
      %dma_start3A_81 = tpu.memref_slice %arg4[%multiple_of3A_8, %dma_start3A_80] : memref<2560x125xi32, #tpu.memory_space<hbm>> -> memref<40x125xi32, #tpu.memory_space<hbm>>
      %dma_start3A_82 = arith.constant 0 : i32
      %dma_start3A_83 = tpu.memref_slice %arg4[%multiple_of3A_8, %dma_start3A_82] : memref<2560x125xi32, #tpu.memory_space<hbm>> -> memref<40x125xi32, #tpu.memory_space<hbm>>
      tpu.enqueue_dma source(%dma_start3A_83 : memref<40x125xi32, #tpu.memory_space<hbm>>) target(%arg8 : memref<40x125xi32, #tpu.memory_space<vmem>>) target_semaphore(%run_scoped3A_79 : memref<!tpu.dma_semaphore, #tpu.memory_space<semaphore_mem>>)
      %dma_wait3A_84 = arith.constant 0 : i32
      %dma_wait3A_85 = tpu.memref_slice %arg4[%multiple_of3A_8, %dma_wait3A_84] : memref<2560x125xi32, #tpu.memory_space<hbm>> -> memref<40x125xi32, #tpu.memory_space<hbm>>
      %dma_wait3A_86 = arith.constant 0 : i32
      %dma_wait3A_87 = tpu.memref_slice %arg4[%multiple_of3A_8, %dma_wait3A_86] : memref<2560x125xi32, #tpu.memory_space<hbm>> -> memref<40x125xi32, #tpu.memory_space<hbm>>
      tpu.wait_dma2 semaphore(%run_scoped3A_79 : memref<!tpu.dma_semaphore, #tpu.memory_space<semaphore_mem>>) src(%dma_wait3A_87 : memref<40x125xi32, #tpu.memory_space<hbm>>) dst(%arg8 : memref<40x125xi32, #tpu.memory_space<vmem>>)
      tpu.yield
    }) : () -> ()
    %dma_start3A = arith.constant 0 : i32
    %dma_start3A_9 = arith.constant 0 : i32
    %dma_start3A_10 = tpu.memref_slice %arg7[%dma_start3A, %dma_start3A_9] : memref<40x125xi32, #tpu.memory_space<vmem>> -> memref<1x125xi32, #tpu.memory_space<vmem>>
    %dma_start3A_11 = tpu.memref_squeeze %dma_start3A_10 : memref<1x125xi32, #tpu.memory_space<vmem>> -> memref<125xi32, #tpu.memory_space<vmem>>
    %dma_start3A_12 = arith.constant 0 : i32
    %dma_start3A_13 = arith.constant 0 : i32
    %dma_start3A_14 = tpu.memref_slice %arg2[%dma_start3A_12, %dma_start3A_13] : memref<10000x128xf32, #tpu.memory_space<hbm>> -> memref<10000x128xf32, #tpu.memory_space<hbm>>
    tpu.enqueue_indirect_dma source(%dma_start3A_14 : memref<10000x128xf32, #tpu.memory_space<hbm>>) target(%arg9 : memref<125x128xf32, #tpu.memory_space<vmem>>) offsets(%dma_start3A_11 : memref<125xi32, #tpu.memory_space<vmem>>) semaphore(%arg12 : memref<!tpu.dma_semaphore, #tpu.memory_space<semaphore_mem>>)
    %dma_start3A_15 = arith.constant 1 : i32
    %dma_start3A_16 = arith.constant 0 : i32
    %dma_start3A_17 = tpu.memref_slice %arg7[%dma_start3A_15, %dma_start3A_16] : memref<40x125xi32, #tpu.memory_space<vmem>> -> memref<1x125xi32, #tpu.memory_space<vmem>>
    %dma_start3A_18 = tpu.memref_squeeze %dma_start3A_17 : memref<1x125xi32, #tpu.memory_space<vmem>> -> memref<125xi32, #tpu.memory_space<vmem>>
    %dma_start3A_19 = arith.constant 0 : i32
    %dma_start3A_20 = arith.constant 0 : i32
    %dma_start3A_21 = tpu.memref_slice %arg2[%dma_start3A_19, %dma_start3A_20] : memref<10000x128xf32, #tpu.memory_space<hbm>> -> memref<10000x128xf32, #tpu.memory_space<hbm>>
    tpu.enqueue_indirect_dma source(%dma_start3A_21 : memref<10000x128xf32, #tpu.memory_space<hbm>>) target(%arg10 : memref<125x128xf32, #tpu.memory_space<vmem>>) offsets(%dma_start3A_18 : memref<125xi32, #tpu.memory_space<vmem>>) semaphore(%arg13 : memref<!tpu.dma_semaphore, #tpu.memory_space<semaphore_mem>>)
    %scan3A = arith.constant 0 : i32
    %scan3A_22 = arith.constant 19 : i32
    %scan3A_23 = arith.addi %scan3A, %scan3A_22 : i32
    %scan3A_24 = arith.constant 1 : i32
    scf.for %scan3A_79 = %scan3A to %scan3A_23 step %scan3A_24  : i32 {
      %mul3A_80 = arith.constant 1 : i32
      %mul3A_81 = arith.muli %scan3A_79, %mul3A_80 : i32
      %add3A_82 = arith.constant 0 : i32
      %add3A_83 = arith.addi %add3A_82, %mul3A_81 : i32
      %mul3A_84 = arith.constant 2 : i32
      %mul3A_85 = arith.muli %add3A_83, %mul3A_84 : i32
      %dma_wait3A_86 = arith.constant 0 : i32
      %dma_wait3A_87 = tpu.memref_slice %arg7[%mul3A_85, %dma_wait3A_86] : memref<40x125xi32, #tpu.memory_space<vmem>> -> memref<1x125xi32, #tpu.memory_space<vmem>>
      %dma_wait3A_88 = tpu.memref_squeeze %dma_wait3A_87 : memref<1x125xi32, #tpu.memory_space<vmem>> -> memref<125xi32, #tpu.memory_space<vmem>>
      %dma_wait3A_89 = arith.constant 0 : i32
      %dma_wait3A_90 = arith.constant 0 : i32
      %dma_wait3A_91 = tpu.memref_slice %arg2[%dma_wait3A_89, %dma_wait3A_90] : memref<10000x128xf32, #tpu.memory_space<hbm>> -> memref<10000x128xf32, #tpu.memory_space<hbm>>
      tpu.wait_indirect_dma semaphore(%arg12 : memref<!tpu.dma_semaphore, #tpu.memory_space<semaphore_mem>>) src(%dma_wait3A_91 : memref<10000x128xf32, #tpu.memory_space<hbm>>) dst(%arg9 : memref<125x128xf32, #tpu.memory_space<vmem>>)
      "tpu.region"() ({
        %run_scoped3A_118 = tpu.sem_alloc : memref<!tpu.dma_semaphore, #tpu.memory_space<semaphore_mem>>
        %dma_start3A_119 = arith.constant 0 : i32
        %dma_start3A_120 = tpu.memref_slice %arg8[%mul3A_85, %dma_start3A_119] : memref<40x125xi32, #tpu.memory_space<vmem>> -> memref<1x125xi32, #tpu.memory_space<vmem>>
        %dma_start3A_121 = tpu.memref_squeeze %dma_start3A_120 : memref<1x125xi32, #tpu.memory_space<vmem>> -> memref<125xi32, #tpu.memory_space<vmem>>
        %dma_start3A_122 = arith.constant 0 : i32
        %dma_start3A_123 = arith.constant 0 : i32
        %dma_start3A_124 = tpu.memref_slice %arg11[%dma_start3A_122, %dma_start3A_123] : memref<10240x128xf32, #tpu.memory_space<vmem_shared>> -> memref<10240x128xf32, #tpu.memory_space<vmem_shared>>
        tpu.enqueue_indirect_dma source(%arg9 : memref<125x128xf32, #tpu.memory_space<vmem>>) target(%dma_start3A_124 : memref<10240x128xf32, #tpu.memory_space<vmem_shared>>) offsets(%dma_start3A_121 : memref<125xi32, #tpu.memory_space<vmem>>) semaphore(%run_scoped3A_118 : memref<!tpu.dma_semaphore, #tpu.memory_space<semaphore_mem>>) {add = true}
        %dma_wait3A_125 = arith.constant 0 : i32
        %dma_wait3A_126 = tpu.memref_slice %arg8[%mul3A_85, %dma_wait3A_125] : memref<40x125xi32, #tpu.memory_space<vmem>> -> memref<1x125xi32, #tpu.memory_space<vmem>>
        %dma_wait3A_127 = tpu.memref_squeeze %dma_wait3A_126 : memref<1x125xi32, #tpu.memory_space<vmem>> -> memref<125xi32, #tpu.memory_space<vmem>>
        %dma_wait3A_128 = arith.constant 0 : i32
        %dma_wait3A_129 = arith.constant 0 : i32
        %dma_wait3A_130 = tpu.memref_slice %arg11[%dma_wait3A_128, %dma_wait3A_129] : memref<10240x128xf32, #tpu.memory_space<vmem_shared>> -> memref<10240x128xf32, #tpu.memory_space<vmem_shared>>
        tpu.wait_indirect_dma semaphore(%run_scoped3A_118 : memref<!tpu.dma_semaphore, #tpu.memory_space<semaphore_mem>>) src(%arg9 : memref<125x128xf32, #tpu.memory_space<vmem>>) dst(%dma_wait3A_130 : memref<10240x128xf32, #tpu.memory_space<vmem_shared>>)
        tpu.yield
      }) : () -> ()
      %add3A_92 = arith.constant 2 : i32
      %add3A_93 = arith.addi %mul3A_85, %add3A_92 : i32
      %dma_start3A_94 = arith.constant 0 : i32
      %dma_start3A_95 = tpu.memref_slice %arg7[%add3A_93, %dma_start3A_94] : memref<40x125xi32, #tpu.memory_space<vmem>> -> memref<1x125xi32, #tpu.memory_space<vmem>>
      %dma_start3A_96 = tpu.memref_squeeze %dma_start3A_95 : memref<1x125xi32, #tpu.memory_space<vmem>> -> memref<125xi32, #tpu.memory_space<vmem>>
      %dma_start3A_97 = arith.constant 0 : i32
      %dma_start3A_98 = arith.constant 0 : i32
      %dma_start3A_99 = tpu.memref_slice %arg2[%dma_start3A_97, %dma_start3A_98] : memref<10000x128xf32, #tpu.memory_space<hbm>> -> memref<10000x128xf32, #tpu.memory_space<hbm>>
      tpu.enqueue_indirect_dma source(%dma_start3A_99 : memref<10000x128xf32, #tpu.memory_space<hbm>>) target(%arg9 : memref<125x128xf32, #tpu.memory_space<vmem>>) offsets(%dma_start3A_96 : memref<125xi32, #tpu.memory_space<vmem>>) semaphore(%arg12 : memref<!tpu.dma_semaphore, #tpu.memory_space<semaphore_mem>>)
      %add3A_100 = arith.constant 1 : i32
      %add3A_101 = arith.addi %mul3A_85, %add3A_100 : i32
      %dma_wait3A_102 = arith.constant 0 : i32
      %dma_wait3A_103 = tpu.memref_slice %arg7[%add3A_101, %dma_wait3A_102] : memref<40x125xi32, #tpu.memory_space<vmem>> -> memref<1x125xi32, #tpu.memory_space<vmem>>
      %dma_wait3A_104 = tpu.memref_squeeze %dma_wait3A_103 : memref<1x125xi32, #tpu.memory_space<vmem>> -> memref<125xi32, #tpu.memory_space<vmem>>
      %dma_wait3A_105 = arith.constant 0 : i32
      %dma_wait3A_106 = arith.constant 0 : i32
      %dma_wait3A_107 = tpu.memref_slice %arg2[%dma_wait3A_105, %dma_wait3A_106] : memref<10000x128xf32, #tpu.memory_space<hbm>> -> memref<10000x128xf32, #tpu.memory_space<hbm>>
      tpu.wait_indirect_dma semaphore(%arg13 : memref<!tpu.dma_semaphore, #tpu.memory_space<semaphore_mem>>) src(%dma_wait3A_107 : memref<10000x128xf32, #tpu.memory_space<hbm>>) dst(%arg10 : memref<125x128xf32, #tpu.memory_space<vmem>>)
      %add3A_108 = arith.constant 1 : i32
      %add3A_109 = arith.addi %mul3A_85, %add3A_108 : i32
      "tpu.region"() ({
        %run_scoped3A_118 = tpu.sem_alloc : memref<!tpu.dma_semaphore, #tpu.memory_space<semaphore_mem>>
        %dma_start3A_119 = arith.constant 0 : i32
        %dma_start3A_120 = tpu.memref_slice %arg8[%add3A_109, %dma_start3A_119] : memref<40x125xi32, #tpu.memory_space<vmem>> -> memref<1x125xi32, #tpu.memory_space<vmem>>
        %dma_start3A_121 = tpu.memref_squeeze %dma_start3A_120 : memref<1x125xi32, #tpu.memory_space<vmem>> -> memref<125xi32, #tpu.memory_space<vmem>>
        %dma_start3A_122 = arith.constant 0 : i32
        %dma_start3A_123 = arith.constant 0 : i32
        %dma_start3A_124 = tpu.memref_slice %arg11[%dma_start3A_122, %dma_start3A_123] : memref<10240x128xf32, #tpu.memory_space<vmem_shared>> -> memref<10240x128xf32, #tpu.memory_space<vmem_shared>>
        tpu.enqueue_indirect_dma source(%arg10 : memref<125x128xf32, #tpu.memory_space<vmem>>) target(%dma_start3A_124 : memref<10240x128xf32, #tpu.memory_space<vmem_shared>>) offsets(%dma_start3A_121 : memref<125xi32, #tpu.memory_space<vmem>>) semaphore(%run_scoped3A_118 : memref<!tpu.dma_semaphore, #tpu.memory_space<semaphore_mem>>) {add = true}
        %dma_wait3A_125 = arith.constant 0 : i32
        %dma_wait3A_126 = tpu.memref_slice %arg8[%add3A_109, %dma_wait3A_125] : memref<40x125xi32, #tpu.memory_space<vmem>> -> memref<1x125xi32, #tpu.memory_space<vmem>>
        %dma_wait3A_127 = tpu.memref_squeeze %dma_wait3A_126 : memref<1x125xi32, #tpu.memory_space<vmem>> -> memref<125xi32, #tpu.memory_space<vmem>>
        %dma_wait3A_128 = arith.constant 0 : i32
        %dma_wait3A_129 = arith.constant 0 : i32
        %dma_wait3A_130 = tpu.memref_slice %arg11[%dma_wait3A_128, %dma_wait3A_129] : memref<10240x128xf32, #tpu.memory_space<vmem_shared>> -> memref<10240x128xf32, #tpu.memory_space<vmem_shared>>
        tpu.wait_indirect_dma semaphore(%run_scoped3A_118 : memref<!tpu.dma_semaphore, #tpu.memory_space<semaphore_mem>>) src(%arg10 : memref<125x128xf32, #tpu.memory_space<vmem>>) dst(%dma_wait3A_130 : memref<10240x128xf32, #tpu.memory_space<vmem_shared>>)
        tpu.yield
      }) : () -> ()
      %add3A_110 = arith.constant 3 : i32
      %add3A_111 = arith.addi %mul3A_85, %add3A_110 : i32
      %dma_start3A_112 = arith.constant 0 : i32
      %dma_start3A_113 = tpu.memref_slice %arg7[%add3A_111, %dma_start3A_112] : memref<40x125xi32, #tpu.memory_space<vmem>> -> memref<1x125xi32, #tpu.memory_space<vmem>>
      %dma_start3A_114 = tpu.memref_squeeze %dma_start3A_113 : memref<1x125xi32, #tpu.memory_space<vmem>> -> memref<125xi32, #tpu.memory_space<vmem>>
      %dma_start3A_115 = arith.constant 0 : i32
      %dma_start3A_116 = arith.constant 0 : i32
      %dma_start3A_117 = tpu.memref_slice %arg2[%dma_start3A_115, %dma_start3A_116] : memref<10000x128xf32, #tpu.memory_space<hbm>> -> memref<10000x128xf32, #tpu.memory_space<hbm>>
      tpu.enqueue_indirect_dma source(%dma_start3A_117 : memref<10000x128xf32, #tpu.memory_space<hbm>>) target(%arg10 : memref<125x128xf32, #tpu.memory_space<vmem>>) offsets(%dma_start3A_114 : memref<125xi32, #tpu.memory_space<vmem>>) semaphore(%arg13 : memref<!tpu.dma_semaphore, #tpu.memory_space<semaphore_mem>>)
    }
    %scan3A_25 = arith.constant 19 : i32
    %dma_wait3A = arith.constant 38 : i32
    %dma_wait3A_26 = arith.constant 0 : i32
    %dma_wait3A_27 = tpu.memref_slice %arg7[%dma_wait3A, %dma_wait3A_26] : memref<40x125xi32, #tpu.memory_space<vmem>> -> memref<1x125xi32, #tpu.memory_space<vmem>>
    %dma_wait3A_28 = tpu.memref_squeeze %dma_wait3A_27 : memref<1x125xi32, #tpu.memory_space<vmem>> -> memref<125xi32, #tpu.memory_space<vmem>>
    %dma_wait3A_29 = arith.constant 0 : i32
    %dma_wait3A_30 = arith.constant 0 : i32
    %dma_wait3A_31 = tpu.memref_slice %arg2[%dma_wait3A_29, %dma_wait3A_30] : memref<10000x128xf32, #tpu.memory_space<hbm>> -> memref<10000x128xf32, #tpu.memory_space<hbm>>
    tpu.wait_indirect_dma semaphore(%arg12 : memref<!tpu.dma_semaphore, #tpu.memory_space<semaphore_mem>>) src(%dma_wait3A_31 : memref<10000x128xf32, #tpu.memory_space<hbm>>) dst(%arg9 : memref<125x128xf32, #tpu.memory_space<vmem>>)
    %run_scoped3A = arith.constant 38 : i32
    "tpu.region"() ({
      %run_scoped3A_79 = tpu.sem_alloc : memref<!tpu.dma_semaphore, #tpu.memory_space<semaphore_mem>>
      %dma_start3A_80 = arith.constant 0 : i32
      %dma_start3A_81 = tpu.memref_slice %arg8[%run_scoped3A, %dma_start3A_80] : memref<40x125xi32, #tpu.memory_space<vmem>> -> memref<1x125xi32, #tpu.memory_space<vmem>>
      %dma_start3A_82 = tpu.memref_squeeze %dma_start3A_81 : memref<1x125xi32, #tpu.memory_space<vmem>> -> memref<125xi32, #tpu.memory_space<vmem>>
      %dma_start3A_83 = arith.constant 0 : i32
      %dma_start3A_84 = arith.constant 0 : i32
      %dma_start3A_85 = tpu.memref_slice %arg11[%dma_start3A_83, %dma_start3A_84] : memref<10240x128xf32, #tpu.memory_space<vmem_shared>> -> memref<10240x128xf32, #tpu.memory_space<vmem_shared>>
      tpu.enqueue_indirect_dma source(%arg9 : memref<125x128xf32, #tpu.memory_space<vmem>>) target(%dma_start3A_85 : memref<10240x128xf32, #tpu.memory_space<vmem_shared>>) offsets(%dma_start3A_82 : memref<125xi32, #tpu.memory_space<vmem>>) semaphore(%run_scoped3A_79 : memref<!tpu.dma_semaphore, #tpu.memory_space<semaphore_mem>>) {add = true}
      %dma_wait3A_86 = arith.constant 0 : i32
      %dma_wait3A_87 = tpu.memref_slice %arg8[%run_scoped3A, %dma_wait3A_86] : memref<40x125xi32, #tpu.memory_space<vmem>> -> memref<1x125xi32, #tpu.memory_space<vmem>>
      %dma_wait3A_88 = tpu.memref_squeeze %dma_wait3A_87 : memref<1x125xi32, #tpu.memory_space<vmem>> -> memref<125xi32, #tpu.memory_space<vmem>>
      %dma_wait3A_89 = arith.constant 0 : i32
      %dma_wait3A_90 = arith.constant 0 : i32
      %dma_wait3A_91 = tpu.memref_slice %arg11[%dma_wait3A_89, %dma_wait3A_90] : memref<10240x128xf32, #tpu.memory_space<vmem_shared>> -> memref<10240x128xf32, #tpu.memory_space<vmem_shared>>
      tpu.wait_indirect_dma semaphore(%run_scoped3A_79 : memref<!tpu.dma_semaphore, #tpu.memory_space<semaphore_mem>>) src(%arg9 : memref<125x128xf32, #tpu.memory_space<vmem>>) dst(%dma_wait3A_91 : memref<10240x128xf32, #tpu.memory_space<vmem_shared>>)
      tpu.yield
    }) : () -> ()
    %dma_wait3A_32 = arith.constant 39 : i32
    %dma_wait3A_33 = arith.constant 0 : i32
    %dma_wait3A_34 = tpu.memref_slice %arg7[%dma_wait3A_32, %dma_wait3A_33] : memref<40x125xi32, #tpu.memory_space<vmem>> -> memref<1x125xi32, #tpu.memory_space<vmem>>
    %dma_wait3A_35 = tpu.memref_squeeze %dma_wait3A_34 : memref<1x125xi32, #tpu.memory_space<vmem>> -> memref<125xi32, #tpu.memory_space<vmem>>
    %dma_wait3A_36 = arith.constant 0 : i32
    %dma_wait3A_37 = arith.constant 0 : i32
    %dma_wait3A_38 = tpu.memref_slice %arg2[%dma_wait3A_36, %dma_wait3A_37] : memref<10000x128xf32, #tpu.memory_space<hbm>> -> memref<10000x128xf32, #tpu.memory_space<hbm>>
    tpu.wait_indirect_dma semaphore(%arg13 : memref<!tpu.dma_semaphore, #tpu.memory_space<semaphore_mem>>) src(%dma_wait3A_38 : memref<10000x128xf32, #tpu.memory_space<hbm>>) dst(%arg10 : memref<125x128xf32, #tpu.memory_space<vmem>>)
    %run_scoped3A_39 = arith.constant 39 : i32
    "tpu.region"() ({
      %run_scoped3A_79 = tpu.sem_alloc : memref<!tpu.dma_semaphore, #tpu.memory_space<semaphore_mem>>
      %dma_start3A_80 = arith.constant 0 : i32
      %dma_start3A_81 = tpu.memref_slice %arg8[%run_scoped3A_39, %dma_start3A_80] : memref<40x125xi32, #tpu.memory_space<vmem>> -> memref<1x125xi32, #tpu.memory_space<vmem>>
      %dma_start3A_82 = tpu.memref_squeeze %dma_start3A_81 : memref<1x125xi32, #tpu.memory_space<vmem>> -> memref<125xi32, #tpu.memory_space<vmem>>
      %dma_start3A_83 = arith.constant 0 : i32
      %dma_start3A_84 = arith.constant 0 : i32
      %dma_start3A_85 = tpu.memref_slice %arg11[%dma_start3A_83, %dma_start3A_84] : memref<10240x128xf32, #tpu.memory_space<vmem_shared>> -> memref<10240x128xf32, #tpu.memory_space<vmem_shared>>
      tpu.enqueue_indirect_dma source(%arg10 : memref<125x128xf32, #tpu.memory_space<vmem>>) target(%dma_start3A_85 : memref<10240x128xf32, #tpu.memory_space<vmem_shared>>) offsets(%dma_start3A_82 : memref<125xi32, #tpu.memory_space<vmem>>) semaphore(%run_scoped3A_79 : memref<!tpu.dma_semaphore, #tpu.memory_space<semaphore_mem>>) {add = true}
      %dma_wait3A_86 = arith.constant 0 : i32
      %dma_wait3A_87 = tpu.memref_slice %arg8[%run_scoped3A_39, %dma_wait3A_86] : memref<40x125xi32, #tpu.memory_space<vmem>> -> memref<1x125xi32, #tpu.memory_space<vmem>>
      %dma_wait3A_88 = tpu.memref_squeeze %dma_wait3A_87 : memref<1x125xi32, #tpu.memory_space<vmem>> -> memref<125xi32, #tpu.memory_space<vmem>>
      %dma_wait3A_89 = arith.constant 0 : i32
      %dma_wait3A_90 = arith.constant 0 : i32
      %dma_wait3A_91 = tpu.memref_slice %arg11[%dma_wait3A_89, %dma_wait3A_90] : memref<10240x128xf32, #tpu.memory_space<vmem_shared>> -> memref<10240x128xf32, #tpu.memory_space<vmem_shared>>
      tpu.wait_indirect_dma semaphore(%run_scoped3A_79 : memref<!tpu.dma_semaphore, #tpu.memory_space<semaphore_mem>>) src(%arg10 : memref<125x128xf32, #tpu.memory_space<vmem>>) dst(%dma_wait3A_91 : memref<10240x128xf32, #tpu.memory_space<vmem_shared>>)
      tpu.yield
    }) : () -> ()
    %add3A_40 = arith.constant 40 : i32
    %add3A_41 = arith.addi %multiple_of3A, %add3A_40 : i32
    %multiple_of3A_42 = tpu.assume_multiple %add3A_41, 8 : i32
    "tpu.region"() ({
      %run_scoped3A_79 = tpu.sem_alloc : memref<!tpu.dma_semaphore, #tpu.memory_space<semaphore_mem>>
      %dma_start3A_80 = arith.constant 0 : i32
      %dma_start3A_81 = tpu.memref_slice %arg3[%multiple_of3A_42, %dma_start3A_80] : memref<2560x125xi32, #tpu.memory_space<hbm>> -> memref<40x125xi32, #tpu.memory_space<hbm>>
      %dma_start3A_82 = arith.constant 0 : i32
      %dma_start3A_83 = tpu.memref_slice %arg3[%multiple_of3A_42, %dma_start3A_82] : memref<2560x125xi32, #tpu.memory_space<hbm>> -> memref<40x125xi32, #tpu.memory_space<hbm>>
      tpu.enqueue_dma source(%dma_start3A_83 : memref<40x125xi32, #tpu.memory_space<hbm>>) target(%arg7 : memref<40x125xi32, #tpu.memory_space<vmem>>) target_semaphore(%run_scoped3A_79 : memref<!tpu.dma_semaphore, #tpu.memory_space<semaphore_mem>>)
      %dma_wait3A_84 = arith.constant 0 : i32
      %dma_wait3A_85 = tpu.memref_slice %arg3[%multiple_of3A_42, %dma_wait3A_84] : memref<2560x125xi32, #tpu.memory_space<hbm>> -> memref<40x125xi32, #tpu.memory_space<hbm>>
      %dma_wait3A_86 = arith.constant 0 : i32
      %dma_wait3A_87 = tpu.memref_slice %arg3[%multiple_of3A_42, %dma_wait3A_86] : memref<2560x125xi32, #tpu.memory_space<hbm>> -> memref<40x125xi32, #tpu.memory_space<hbm>>
      tpu.wait_dma2 semaphore(%run_scoped3A_79 : memref<!tpu.dma_semaphore, #tpu.memory_space<semaphore_mem>>) src(%dma_wait3A_87 : memref<40x125xi32, #tpu.memory_space<hbm>>) dst(%arg7 : memref<40x125xi32, #tpu.memory_space<vmem>>)
      tpu.yield
    }) : () -> ()
    "tpu.region"() ({
      %run_scoped3A_79 = tpu.sem_alloc : memref<!tpu.dma_semaphore, #tpu.memory_space<semaphore_mem>>
      %dma_start3A_80 = arith.constant 0 : i32
      %dma_start3A_81 = tpu.memref_slice %arg4[%multiple_of3A_42, %dma_start3A_80] : memref<2560x125xi32, #tpu.memory_space<hbm>> -> memref<40x125xi32, #tpu.memory_space<hbm>>
      %dma_start3A_82 = arith.constant 0 : i32
      %dma_start3A_83 = tpu.memref_slice %arg4[%multiple_of3A_42, %dma_start3A_82] : memref<2560x125xi32, #tpu.memory_space<hbm>> -> memref<40x125xi32, #tpu.memory_space<hbm>>
      tpu.enqueue_dma source(%dma_start3A_83 : memref<40x125xi32, #tpu.memory_space<hbm>>) target(%arg8 : memref<40x125xi32, #tpu.memory_space<vmem>>) target_semaphore(%run_scoped3A_79 : memref<!tpu.dma_semaphore, #tpu.memory_space<semaphore_mem>>)
      %dma_wait3A_84 = arith.constant 0 : i32
      %dma_wait3A_85 = tpu.memref_slice %arg4[%multiple_of3A_42, %dma_wait3A_84] : memref<2560x125xi32, #tpu.memory_space<hbm>> -> memref<40x125xi32, #tpu.memory_space<hbm>>
      %dma_wait3A_86 = arith.constant 0 : i32
      %dma_wait3A_87 = tpu.memref_slice %arg4[%multiple_of3A_42, %dma_wait3A_86] : memref<2560x125xi32, #tpu.memory_space<hbm>> -> memref<40x125xi32, #tpu.memory_space<hbm>>
      tpu.wait_dma2 semaphore(%run_scoped3A_79 : memref<!tpu.dma_semaphore, #tpu.memory_space<semaphore_mem>>) src(%dma_wait3A_87 : memref<40x125xi32, #tpu.memory_space<hbm>>) dst(%arg8 : memref<40x125xi32, #tpu.memory_space<vmem>>)
      tpu.yield
    }) : () -> ()
    %dma_start3A_43 = arith.constant 0 : i32
    %dma_start3A_44 = arith.constant 0 : i32
    %dma_start3A_45 = tpu.memref_slice %arg7[%dma_start3A_43, %dma_start3A_44] : memref<40x125xi32, #tpu.memory_space<vmem>> -> memref<1x125xi32, #tpu.memory_space<vmem>>
    %dma_start3A_46 = tpu.memref_squeeze %dma_start3A_45 : memref<1x125xi32, #tpu.memory_space<vmem>> -> memref<125xi32, #tpu.memory_space<vmem>>
    %dma_start3A_47 = arith.constant 0 : i32
    %dma_start3A_48 = arith.constant 0 : i32
    %dma_start3A_49 = tpu.memref_slice %arg2[%dma_start3A_47, %dma_start3A_48] : memref<10000x128xf32, #tpu.memory_space<hbm>> -> memref<10000x128xf32, #tpu.memory_space<hbm>>
    tpu.enqueue_indirect_dma source(%dma_start3A_49 : memref<10000x128xf32, #tpu.memory_space<hbm>>) target(%arg9 : memref<125x128xf32, #tpu.memory_space<vmem>>) offsets(%dma_start3A_46 : memref<125xi32, #tpu.memory_space<vmem>>) semaphore(%arg12 : memref<!tpu.dma_semaphore, #tpu.memory_space<semaphore_mem>>)
    %dma_start3A_50 = arith.constant 1 : i32
    %dma_start3A_51 = arith.constant 0 : i32
    %dma_start3A_52 = tpu.memref_slice %arg7[%dma_start3A_50, %dma_start3A_51] : memref<40x125xi32, #tpu.memory_space<vmem>> -> memref<1x125xi32, #tpu.memory_space<vmem>>
    %dma_start3A_53 = tpu.memref_squeeze %dma_start3A_52 : memref<1x125xi32, #tpu.memory_space<vmem>> -> memref<125xi32, #tpu.memory_space<vmem>>
    %dma_start3A_54 = arith.constant 0 : i32
    %dma_start3A_55 = arith.constant 0 : i32
    %dma_start3A_56 = tpu.memref_slice %arg2[%dma_start3A_54, %dma_start3A_55] : memref<10000x128xf32, #tpu.memory_space<hbm>> -> memref<10000x128xf32, #tpu.memory_space<hbm>>
    tpu.enqueue_indirect_dma source(%dma_start3A_56 : memref<10000x128xf32, #tpu.memory_space<hbm>>) target(%arg10 : memref<125x128xf32, #tpu.memory_space<vmem>>) offsets(%dma_start3A_53 : memref<125xi32, #tpu.memory_space<vmem>>) semaphore(%arg13 : memref<!tpu.dma_semaphore, #tpu.memory_space<semaphore_mem>>)
    %scan3A_57 = arith.constant 0 : i32
    %scan3A_58 = arith.constant 19 : i32
    %scan3A_59 = arith.addi %scan3A_57, %scan3A_58 : i32
    %scan3A_60 = arith.constant 1 : i32
    scf.for %scan3A_79 = %scan3A_57 to %scan3A_59 step %scan3A_60  : i32 {
      %mul3A_80 = arith.constant 1 : i32
      %mul3A_81 = arith.muli %scan3A_79, %mul3A_80 : i32
      %add3A_82 = arith.constant 0 : i32
      %add3A_83 = arith.addi %add3A_82, %mul3A_81 : i32
      %mul3A_84 = arith.constant 2 : i32
      %mul3A_85 = arith.muli %add3A_83, %mul3A_84 : i32
      %dma_wait3A_86 = arith.constant 0 : i32
      %dma_wait3A_87 = tpu.memref_slice %arg7[%mul3A_85, %dma_wait3A_86] : memref<40x125xi32, #tpu.memory_space<vmem>> -> memref<1x125xi32, #tpu.memory_space<vmem>>
      %dma_wait3A_88 = tpu.memref_squeeze %dma_wait3A_87 : memref<1x125xi32, #tpu.memory_space<vmem>> -> memref<125xi32, #tpu.memory_space<vmem>>
      %dma_wait3A_89 = arith.constant 0 : i32
      %dma_wait3A_90 = arith.constant 0 : i32
      %dma_wait3A_91 = tpu.memref_slice %arg2[%dma_wait3A_89, %dma_wait3A_90] : memref<10000x128xf32, #tpu.memory_space<hbm>> -> memref<10000x128xf32, #tpu.memory_space<hbm>>
      tpu.wait_indirect_dma semaphore(%arg12 : memref<!tpu.dma_semaphore, #tpu.memory_space<semaphore_mem>>) src(%dma_wait3A_91 : memref<10000x128xf32, #tpu.memory_space<hbm>>) dst(%arg9 : memref<125x128xf32, #tpu.memory_space<vmem>>)
      "tpu.region"() ({
        %run_scoped3A_118 = tpu.sem_alloc : memref<!tpu.dma_semaphore, #tpu.memory_space<semaphore_mem>>
        %dma_start3A_119 = arith.constant 0 : i32
        %dma_start3A_120 = tpu.memref_slice %arg8[%mul3A_85, %dma_start3A_119] : memref<40x125xi32, #tpu.memory_space<vmem>> -> memref<1x125xi32, #tpu.memory_space<vmem>>
        %dma_start3A_121 = tpu.memref_squeeze %dma_start3A_120 : memref<1x125xi32, #tpu.memory_space<vmem>> -> memref<125xi32, #tpu.memory_space<vmem>>
        %dma_start3A_122 = arith.constant 0 : i32
        %dma_start3A_123 = arith.constant 0 : i32
        %dma_start3A_124 = tpu.memref_slice %arg11[%dma_start3A_122, %dma_start3A_123] : memref<10240x128xf32, #tpu.memory_space<vmem_shared>> -> memref<10240x128xf32, #tpu.memory_space<vmem_shared>>
        tpu.enqueue_indirect_dma source(%arg9 : memref<125x128xf32, #tpu.memory_space<vmem>>) target(%dma_start3A_124 : memref<10240x128xf32, #tpu.memory_space<vmem_shared>>) offsets(%dma_start3A_121 : memref<125xi32, #tpu.memory_space<vmem>>) semaphore(%run_scoped3A_118 : memref<!tpu.dma_semaphore, #tpu.memory_space<semaphore_mem>>) {add = true}
        %dma_wait3A_125 = arith.constant 0 : i32
        %dma_wait3A_126 = tpu.memref_slice %arg8[%mul3A_85, %dma_wait3A_125] : memref<40x125xi32, #tpu.memory_space<vmem>> -> memref<1x125xi32, #tpu.memory_space<vmem>>
        %dma_wait3A_127 = tpu.memref_squeeze %dma_wait3A_126 : memref<1x125xi32, #tpu.memory_space<vmem>> -> memref<125xi32, #tpu.memory_space<vmem>>
        %dma_wait3A_128 = arith.constant 0 : i32
        %dma_wait3A_129 = arith.constant 0 : i32
        %dma_wait3A_130 = tpu.memref_slice %arg11[%dma_wait3A_128, %dma_wait3A_129] : memref<10240x128xf32, #tpu.memory_space<vmem_shared>> -> memref<10240x128xf32, #tpu.memory_space<vmem_shared>>
        tpu.wait_indirect_dma semaphore(%run_scoped3A_118 : memref<!tpu.dma_semaphore, #tpu.memory_space<semaphore_mem>>) src(%arg9 : memref<125x128xf32, #tpu.memory_space<vmem>>) dst(%dma_wait3A_130 : memref<10240x128xf32, #tpu.memory_space<vmem_shared>>)
        tpu.yield
      }) : () -> ()
      %add3A_92 = arith.constant 2 : i32
      %add3A_93 = arith.addi %mul3A_85, %add3A_92 : i32
      %dma_start3A_94 = arith.constant 0 : i32
      %dma_start3A_95 = tpu.memref_slice %arg7[%add3A_93, %dma_start3A_94] : memref<40x125xi32, #tpu.memory_space<vmem>> -> memref<1x125xi32, #tpu.memory_space<vmem>>
      %dma_start3A_96 = tpu.memref_squeeze %dma_start3A_95 : memref<1x125xi32, #tpu.memory_space<vmem>> -> memref<125xi32, #tpu.memory_space<vmem>>
      %dma_start3A_97 = arith.constant 0 : i32
      %dma_start3A_98 = arith.constant 0 : i32
      %dma_start3A_99 = tpu.memref_slice %arg2[%dma_start3A_97, %dma_start3A_98] : memref<10000x128xf32, #tpu.memory_space<hbm>> -> memref<10000x128xf32, #tpu.memory_space<hbm>>
      tpu.enqueue_indirect_dma source(%dma_start3A_99 : memref<10000x128xf32, #tpu.memory_space<hbm>>) target(%arg9 : memref<125x128xf32, #tpu.memory_space<vmem>>) offsets(%dma_start3A_96 : memref<125xi32, #tpu.memory_space<vmem>>) semaphore(%arg12 : memref<!tpu.dma_semaphore, #tpu.memory_space<semaphore_mem>>)
      %add3A_100 = arith.constant 1 : i32
      %add3A_101 = arith.addi %mul3A_85, %add3A_100 : i32
      %dma_wait3A_102 = arith.constant 0 : i32
      %dma_wait3A_103 = tpu.memref_slice %arg7[%add3A_101, %dma_wait3A_102] : memref<40x125xi32, #tpu.memory_space<vmem>> -> memref<1x125xi32, #tpu.memory_space<vmem>>
      %dma_wait3A_104 = tpu.memref_squeeze %dma_wait3A_103 : memref<1x125xi32, #tpu.memory_space<vmem>> -> memref<125xi32, #tpu.memory_space<vmem>>
      %dma_wait3A_105 = arith.constant 0 : i32
      %dma_wait3A_106 = arith.constant 0 : i32
      %dma_wait3A_107 = tpu.memref_slice %arg2[%dma_wait3A_105, %dma_wait3A_106] : memref<10000x128xf32, #tpu.memory_space<hbm>> -> memref<10000x128xf32, #tpu.memory_space<hbm>>
      tpu.wait_indirect_dma semaphore(%arg13 : memref<!tpu.dma_semaphore, #tpu.memory_space<semaphore_mem>>) src(%dma_wait3A_107 : memref<10000x128xf32, #tpu.memory_space<hbm>>) dst(%arg10 : memref<125x128xf32, #tpu.memory_space<vmem>>)
      %add3A_108 = arith.constant 1 : i32
      %add3A_109 = arith.addi %mul3A_85, %add3A_108 : i32
      "tpu.region"() ({
        %run_scoped3A_118 = tpu.sem_alloc : memref<!tpu.dma_semaphore, #tpu.memory_space<semaphore_mem>>
        %dma_start3A_119 = arith.constant 0 : i32
        %dma_start3A_120 = tpu.memref_slice %arg8[%add3A_109, %dma_start3A_119] : memref<40x125xi32, #tpu.memory_space<vmem>> -> memref<1x125xi32, #tpu.memory_space<vmem>>
        %dma_start3A_121 = tpu.memref_squeeze %dma_start3A_120 : memref<1x125xi32, #tpu.memory_space<vmem>> -> memref<125xi32, #tpu.memory_space<vmem>>
        %dma_start3A_122 = arith.constant 0 : i32
        %dma_start3A_123 = arith.constant 0 : i32
        %dma_start3A_124 = tpu.memref_slice %arg11[%dma_start3A_122, %dma_start3A_123] : memref<10240x128xf32, #tpu.memory_space<vmem_shared>> -> memref<10240x128xf32, #tpu.memory_space<vmem_shared>>
        tpu.enqueue_indirect_dma source(%arg10 : memref<125x128xf32, #tpu.memory_space<vmem>>) target(%dma_start3A_124 : memref<10240x128xf32, #tpu.memory_space<vmem_shared>>) offsets(%dma_start3A_121 : memref<125xi32, #tpu.memory_space<vmem>>) semaphore(%run_scoped3A_118 : memref<!tpu.dma_semaphore, #tpu.memory_space<semaphore_mem>>) {add = true}
        %dma_wait3A_125 = arith.constant 0 : i32
        %dma_wait3A_126 = tpu.memref_slice %arg8[%add3A_109, %dma_wait3A_125] : memref<40x125xi32, #tpu.memory_space<vmem>> -> memref<1x125xi32, #tpu.memory_space<vmem>>
        %dma_wait3A_127 = tpu.memref_squeeze %dma_wait3A_126 : memref<1x125xi32, #tpu.memory_space<vmem>> -> memref<125xi32, #tpu.memory_space<vmem>>
        %dma_wait3A_128 = arith.constant 0 : i32
        %dma_wait3A_129 = arith.constant 0 : i32
        %dma_wait3A_130 = tpu.memref_slice %arg11[%dma_wait3A_128, %dma_wait3A_129] : memref<10240x128xf32, #tpu.memory_space<vmem_shared>> -> memref<10240x128xf32, #tpu.memory_space<vmem_shared>>
        tpu.wait_indirect_dma semaphore(%run_scoped3A_118 : memref<!tpu.dma_semaphore, #tpu.memory_space<semaphore_mem>>) src(%arg10 : memref<125x128xf32, #tpu.memory_space<vmem>>) dst(%dma_wait3A_130 : memref<10240x128xf32, #tpu.memory_space<vmem_shared>>)
        tpu.yield
      }) : () -> ()
      %add3A_110 = arith.constant 3 : i32
      %add3A_111 = arith.addi %mul3A_85, %add3A_110 : i32
      %dma_start3A_112 = arith.constant 0 : i32
      %dma_start3A_113 = tpu.memref_slice %arg7[%add3A_111, %dma_start3A_112] : memref<40x125xi32, #tpu.memory_space<vmem>> -> memref<1x125xi32, #tpu.memory_space<vmem>>
      %dma_start3A_114 = tpu.memref_squeeze %dma_start3A_113 : memref<1x125xi32, #tpu.memory_space<vmem>> -> memref<125xi32, #tpu.memory_space<vmem>>
      %dma_start3A_115 = arith.constant 0 : i32
      %dma_start3A_116 = arith.constant 0 : i32
      %dma_start3A_117 = tpu.memref_slice %arg2[%dma_start3A_115, %dma_start3A_116] : memref<10000x128xf32, #tpu.memory_space<hbm>> -> memref<10000x128xf32, #tpu.memory_space<hbm>>
      tpu.enqueue_indirect_dma source(%dma_start3A_117 : memref<10000x128xf32, #tpu.memory_space<hbm>>) target(%arg10 : memref<125x128xf32, #tpu.memory_space<vmem>>) offsets(%dma_start3A_114 : memref<125xi32, #tpu.memory_space<vmem>>) semaphore(%arg13 : memref<!tpu.dma_semaphore, #tpu.memory_space<semaphore_mem>>)
    }
    %scan3A_61 = arith.constant 19 : i32
    %dma_wait3A_62 = arith.constant 38 : i32
    %dma_wait3A_63 = arith.constant 0 : i32
    %dma_wait3A_64 = tpu.memref_slice %arg7[%dma_wait3A_62, %dma_wait3A_63] : memref<40x125xi32, #tpu.memory_space<vmem>> -> memref<1x125xi32, #tpu.memory_space<vmem>>
    %dma_wait3A_65 = tpu.memref_squeeze %dma_wait3A_64 : memref<1x125xi32, #tpu.memory_space<vmem>> -> memref<125xi32, #tpu.memory_space<vmem>>
    %dma_wait3A_66 = arith.constant 0 : i32
    %dma_wait3A_67 = arith.constant 0 : i32
    %dma_wait3A_68 = tpu.memref_slice %arg2[%dma_wait3A_66, %dma_wait3A_67] : memref<10000x128xf32, #tpu.memory_space<hbm>> -> memref<10000x128xf32, #tpu.memory_space<hbm>>
    tpu.wait_indirect_dma semaphore(%arg12 : memref<!tpu.dma_semaphore, #tpu.memory_space<semaphore_mem>>) src(%dma_wait3A_68 : memref<10000x128xf32, #tpu.memory_space<hbm>>) dst(%arg9 : memref<125x128xf32, #tpu.memory_space<vmem>>)
    %run_scoped3A_69 = arith.constant 38 : i32
    "tpu.region"() ({
      %run_scoped3A_79 = tpu.sem_alloc : memref<!tpu.dma_semaphore, #tpu.memory_space<semaphore_mem>>
      %dma_start3A_80 = arith.constant 0 : i32
      %dma_start3A_81 = tpu.memref_slice %arg8[%run_scoped3A_69, %dma_start3A_80] : memref<40x125xi32, #tpu.memory_space<vmem>> -> memref<1x125xi32, #tpu.memory_space<vmem>>
      %dma_start3A_82 = tpu.memref_squeeze %dma_start3A_81 : memref<1x125xi32, #tpu.memory_space<vmem>> -> memref<125xi32, #tpu.memory_space<vmem>>
      %dma_start3A_83 = arith.constant 0 : i32
      %dma_start3A_84 = arith.constant 0 : i32
      %dma_start3A_85 = tpu.memref_slice %arg11[%dma_start3A_83, %dma_start3A_84] : memref<10240x128xf32, #tpu.memory_space<vmem_shared>> -> memref<10240x128xf32, #tpu.memory_space<vmem_shared>>
      tpu.enqueue_indirect_dma source(%arg9 : memref<125x128xf32, #tpu.memory_space<vmem>>) target(%dma_start3A_85 : memref<10240x128xf32, #tpu.memory_space<vmem_shared>>) offsets(%dma_start3A_82 : memref<125xi32, #tpu.memory_space<vmem>>) semaphore(%run_scoped3A_79 : memref<!tpu.dma_semaphore, #tpu.memory_space<semaphore_mem>>) {add = true}
      %dma_wait3A_86 = arith.constant 0 : i32
      %dma_wait3A_87 = tpu.memref_slice %arg8[%run_scoped3A_69, %dma_wait3A_86] : memref<40x125xi32, #tpu.memory_space<vmem>> -> memref<1x125xi32, #tpu.memory_space<vmem>>
      %dma_wait3A_88 = tpu.memref_squeeze %dma_wait3A_87 : memref<1x125xi32, #tpu.memory_space<vmem>> -> memref<125xi32, #tpu.memory_space<vmem>>
      %dma_wait3A_89 = arith.constant 0 : i32
      %dma_wait3A_90 = arith.constant 0 : i32
      %dma_wait3A_91 = tpu.memref_slice %arg11[%dma_wait3A_89, %dma_wait3A_90] : memref<10240x128xf32, #tpu.memory_space<vmem_shared>> -> memref<10240x128xf32, #tpu.memory_space<vmem_shared>>
      tpu.wait_indirect_dma semaphore(%run_scoped3A_79 : memref<!tpu.dma_semaphore, #tpu.memory_space<semaphore_mem>>) src(%arg9 : memref<125x128xf32, #tpu.memory_space<vmem>>) dst(%dma_wait3A_91 : memref<10240x128xf32, #tpu.memory_space<vmem_shared>>)
      tpu.yield
    }) : () -> ()
    %dma_wait3A_70 = arith.constant 39 : i32
    %dma_wait3A_71 = arith.constant 0 : i32
    %dma_wait3A_72 = tpu.memref_slice %arg7[%dma_wait3A_70, %dma_wait3A_71] : memref<40x125xi32, #tpu.memory_space<vmem>> -> memref<1x125xi32, #tpu.memory_space<vmem>>
    %dma_wait3A_73 = tpu.memref_squeeze %dma_wait3A_72 : memref<1x125xi32, #tpu.memory_space<vmem>> -> memref<125xi32, #tpu.memory_space<vmem>>
    %dma_wait3A_74 = arith.constant 0 : i32
    %dma_wait3A_75 = arith.constant 0 : i32
    %dma_wait3A_76 = tpu.memref_slice %arg2[%dma_wait3A_74, %dma_wait3A_75] : memref<10000x128xf32, #tpu.memory_space<hbm>> -> memref<10000x128xf32, #tpu.memory_space<hbm>>
    tpu.wait_indirect_dma semaphore(%arg13 : memref<!tpu.dma_semaphore, #tpu.memory_space<semaphore_mem>>) src(%dma_wait3A_76 : memref<10000x128xf32, #tpu.memory_space<hbm>>) dst(%arg10 : memref<125x128xf32, #tpu.memory_space<vmem>>)
    %run_scoped3A_77 = arith.constant 39 : i32
    "tpu.region"() ({
      %run_scoped3A_79 = tpu.sem_alloc : memref<!tpu.dma_semaphore, #tpu.memory_space<semaphore_mem>>
      %dma_start3A_80 = arith.constant 0 : i32
      %dma_start3A_81 = tpu.memref_slice %arg8[%run_scoped3A_77, %dma_start3A_80] : memref<40x125xi32, #tpu.memory_space<vmem>> -> memref<1x125xi32, #tpu.memory_space<vmem>>
      %dma_start3A_82 = tpu.memref_squeeze %dma_start3A_81 : memref<1x125xi32, #tpu.memory_space<vmem>> -> memref<125xi32, #tpu.memory_space<vmem>>
      %dma_start3A_83 = arith.constant 0 : i32
      %dma_start3A_84 = arith.constant 0 : i32
      %dma_start3A_85 = tpu.memref_slice %arg11[%dma_start3A_83, %dma_start3A_84] : memref<10240x128xf32, #tpu.memory_space<vmem_shared>> -> memref<10240x128xf32, #tpu.memory_space<vmem_shared>>
      tpu.enqueue_indirect_dma source(%arg10 : memref<125x128xf32, #tpu.memory_space<vmem>>) target(%dma_start3A_85 : memref<10240x128xf32, #tpu.memory_space<vmem_shared>>) offsets(%dma_start3A_82 : memref<125xi32, #tpu.memory_space<vmem>>) semaphore(%run_scoped3A_79 : memref<!tpu.dma_semaphore, #tpu.memory_space<semaphore_mem>>) {add = true}
      %dma_wait3A_86 = arith.constant 0 : i32
      %dma_wait3A_87 = tpu.memref_slice %arg8[%run_scoped3A_77, %dma_wait3A_86] : memref<40x125xi32, #tpu.memory_space<vmem>> -> memref<1x125xi32, #tpu.memory_space<vmem>>
      %dma_wait3A_88 = tpu.memref_squeeze %dma_wait3A_87 : memref<1x125xi32, #tpu.memory_space<vmem>> -> memref<125xi32, #tpu.memory_space<vmem>>
      %dma_wait3A_89 = arith.constant 0 : i32
      %dma_wait3A_90 = arith.constant 0 : i32
      %dma_wait3A_91 = tpu.memref_slice %arg11[%dma_wait3A_89, %dma_wait3A_90] : memref<10240x128xf32, #tpu.memory_space<vmem_shared>> -> memref<10240x128xf32, #tpu.memory_space<vmem_shared>>
      tpu.wait_indirect_dma semaphore(%run_scoped3A_79 : memref<!tpu.dma_semaphore, #tpu.memory_space<semaphore_mem>>) src(%arg10 : memref<125x128xf32, #tpu.memory_space<vmem>>) dst(%dma_wait3A_91 : memref<10240x128xf32, #tpu.memory_space<vmem_shared>>)
      tpu.yield
    }) : () -> ()
    %barrier3A_78 = arith.constant 0 : index
    tpu.barrier barrier_id(%barrier3A_78)
    "tpu.region"() ({
      %run_scoped3A_79 = tpu.sem_alloc : memref<!tpu.dma_semaphore, #tpu.memory_space<semaphore_mem>>
      %dma_start3A_80 = arith.constant 0 : i32
      %dma_start3A_81 = tpu.memref_slice %arg6[%arg0, %multiple_of3A_5, %dma_start3A_80] : memref<2x10240x128xf32, #tpu.memory_space<hbm>> -> memref<1x640x128xf32, #tpu.memory_space<hbm>>
      %dma_start3A_82 = tpu.memref_squeeze %dma_start3A_81 : memref<1x640x128xf32, #tpu.memory_space<hbm>> -> memref<640x128xf32, #tpu.memory_space<hbm>>
      %dma_start3A_83 = arith.constant 0 : i32
      %dma_start3A_84 = tpu.memref_slice %arg11[%multiple_of3A_5, %dma_start3A_83] : memref<10240x128xf32, #tpu.memory_space<vmem_shared>> -> memref<640x128xf32, #tpu.memory_space<vmem_shared>>
      tpu.enqueue_dma source(%dma_start3A_84 : memref<640x128xf32, #tpu.memory_space<vmem_shared>>) target(%dma_start3A_82 : memref<640x128xf32, #tpu.memory_space<hbm>>) target_semaphore(%run_scoped3A_79 : memref<!tpu.dma_semaphore, #tpu.memory_space<semaphore_mem>>)
      %dma_wait3A_85 = arith.constant 0 : i32
      %dma_wait3A_86 = tpu.memref_slice %arg6[%arg0, %multiple_of3A_5, %dma_wait3A_85] : memref<2x10240x128xf32, #tpu.memory_space<hbm>> -> memref<1x640x128xf32, #tpu.memory_space<hbm>>
      %dma_wait3A_87 = tpu.memref_squeeze %dma_wait3A_86 : memref<1x640x128xf32, #tpu.memory_space<hbm>> -> memref<640x128xf32, #tpu.memory_space<hbm>>
      %dma_wait3A_88 = arith.constant 0 : i32
      %dma_wait3A_89 = tpu.memref_slice %arg11[%multiple_of3A_5, %dma_wait3A_88] : memref<10240x128xf32, #tpu.memory_space<vmem_shared>> -> memref<640x128xf32, #tpu.memory_space<vmem_shared>>
      tpu.wait_dma2 semaphore(%run_scoped3A_79 : memref<!tpu.dma_semaphore, #tpu.memory_space<semaphore_mem>>) src(%dma_wait3A_89 : memref<640x128xf32, #tpu.memory_space<vmem_shared>>) dst(%dma_wait3A_87 : memref<640x128xf32, #tpu.memory_space<hbm>>)
      tpu.yield
    }) : () -> ()
    return
  }
}

#map = affine_map<(d0, d1) -> (0, 0)>
#map1 = affine_map<(d0, d1) -> (0, 0, 0)>
module attributes {stable_mosaic.version = 14 : i64} {
  func.func @k(%arg0: i32, %arg1: i32, %arg2: memref<10000x128xf32, #tpu.memory_space<hbm>>, %arg3: memref<2560x125xi32, #tpu.memory_space<hbm>>, %arg4: memref<2560x125xi32, #tpu.memory_space<hbm>>, %arg5: memref<640x128xf32, #tpu.memory_space<hbm>>, %arg6: memref<2x10240x128xf32, #tpu.memory_space<hbm>>, %arg7: memref<40x125xi32, #tpu.memory_space<vmem>>, %arg8: memref<40x125xi32, #tpu.memory_space<vmem>>, %arg9: memref<125x128xf32, #tpu.memory_space<vmem>>, %arg10: memref<125x128xf32, #tpu.memory_space<vmem>>, %arg11: memref<10240x128xf32, #tpu.memory_space<vmem_shared>>, %arg12: memref<!tpu.dma_semaphore, #tpu.memory_space<semaphore_mem>>, %arg13: memref<!tpu.dma_semaphore, #tpu.memory_space<semaphore_mem>>) attributes {dimension_semantics = [#tpu.dimension_semantics<core_parallel>, #tpu.dimension_semantics<subcore_parallel>], iteration_bounds = array<i64: 2, 16>, scalar_prefetch = 0 : i64, scratch_operands = 7 : i64, tpu.core_type = #tpu.core_type<sc_vector_subcore>, window_params = [{transform_indices = #map}, {transform_indices = #map}, {transform_indices = #map}, {transform_indices = #map}, {transform_indices = #map1}]} {
    %mul3A = arith.constant 16 : i32
    %mul3A_0 = arith.muli %arg0, %mul3A : i32
    %add3A = arith.addi %mul3A_0, %arg1 : i32
    %mul3A_1 = arith.constant 80 : i32
    %mul3A_2 = arith.muli %add3A, %mul3A_1 : i32
    %multiple_of3A = tpu.assume_multiple %mul3A_2, 8 : i32
    %mul3A_3 = arith.constant 640 : i32
    %mul3A_4 = arith.muli %arg1, %mul3A_3 : i32
    %multiple_of3A_5 = tpu.assume_multiple %mul3A_4, 8 : i32
    "tpu.region"() ({
      %run_scoped3A_79 = tpu.sem_alloc : memref<!tpu.dma_semaphore, #tpu.memory_space<semaphore_mem>>
      %dma_start3A_80 = arith.constant 0 : i32
      %dma_start3A_81 = tpu.memref_slice %arg11[%multiple_of3A_5, %dma_start3A_80] : memref<10240x128xf32, #tpu.memory_space<vmem_shared>> -> memref<640x128xf32, #tpu.memory_space<vmem_shared>>
      tpu.enqueue_dma source(%arg5 : memref<640x128xf32, #tpu.memory_space<hbm>>) target(%dma_start3A_81 : memref<640x128xf32, #tpu.memory_space<vmem_shared>>) target_semaphore(%run_scoped3A_79 : memref<!tpu.dma_semaphore, #tpu.memory_space<semaphore_mem>>)
      %dma_wait3A_82 = arith.constant 0 : i32
      %dma_wait3A_83 = tpu.memref_slice %arg11[%multiple_of3A_5, %dma_wait3A_82] : memref<10240x128xf32, #tpu.memory_space<vmem_shared>> -> memref<640x128xf32, #tpu.memory_space<vmem_shared>>
      tpu.wait_dma2 semaphore(%run_scoped3A_79 : memref<!tpu.dma_semaphore, #tpu.memory_space<semaphore_mem>>) src(%arg5 : memref<640x128xf32, #tpu.memory_space<hbm>>) dst(%dma_wait3A_83 : memref<640x128xf32, #tpu.memory_space<vmem_shared>>)
      tpu.yield
    }) : () -> ()
    %barrier3A = arith.constant 0 : index
    tpu.barrier barrier_id(%barrier3A)
    %add3A_6 = arith.constant 0 : i32
    %add3A_7 = arith.addi %multiple_of3A, %add3A_6 : i32
    %multiple_of3A_8 = tpu.assume_multiple %add3A_7, 8 : i32
    "tpu.region"() ({
      %run_scoped3A_79 = tpu.sem_alloc : memref<!tpu.dma_semaphore, #tpu.memory_space<semaphore_mem>>
      %dma_start3A_80 = arith.constant 0 : i32
      %dma_start3A_81 = tpu.memref_slice %arg3[%multiple_of3A_8, %dma_start3A_80] : memref<2560x125xi32, #tpu.memory_space<hbm>> -> memref<40x125xi32, #tpu.memory_space<hbm>>
      %dma_start3A_82 = arith.constant 0 : i32
      %dma_start3A_83 = tpu.memref_slice %arg3[%multiple_of3A_8, %dma_start3A_82] : memref<2560x125xi32, #tpu.memory_space<hbm>> -> memref<40x125xi32, #tpu.memory_space<hbm>>
      tpu.enqueue_dma source(%dma_start3A_83 : memref<40x125xi32, #tpu.memory_space<hbm>>) target(%arg7 : memref<40x125xi32, #tpu.memory_space<vmem>>) target_semaphore(%run_scoped3A_79 : memref<!tpu.dma_semaphore, #tpu.memory_space<semaphore_mem>>)
      %dma_wait3A_84 = arith.constant 0 : i32
      %dma_wait3A_85 = tpu.memref_slice %arg3[%multiple_of3A_8, %dma_wait3A_84] : memref<2560x125xi32, #tpu.memory_space<hbm>> -> memref<40x125xi32, #tpu.memory_space<hbm>>
      %dma_wait3A_86 = arith.constant 0 : i32
      %dma_wait3A_87 = tpu.memref_slice %arg3[%multiple_of3A_8, %dma_wait3A_86] : memref<2560x125xi32, #tpu.memory_space<hbm>> -> memref<40x125xi32, #tpu.memory_space<hbm>>
      tpu.wait_dma2 semaphore(%run_scoped3A_79 : memref<!tpu.dma_semaphore, #tpu.memory_space<semaphore_mem>>) src(%dma_wait3A_87 : memref<40x125xi32, #tpu.memory_space<hbm>>) dst(%arg7 : memref<40x125xi32, #tpu.memory_space<vmem>>)
      tpu.yield
    }) : () -> ()
    "tpu.region"() ({
      %run_scoped3A_79 = tpu.sem_alloc : memref<!tpu.dma_semaphore, #tpu.memory_space<semaphore_mem>>
      %dma_start3A_80 = arith.constant 0 : i32
      %dma_start3A_81 = tpu.memref_slice %arg4[%multiple_of3A_8, %dma_start3A_80] : memref<2560x125xi32, #tpu.memory_space<hbm>> -> memref<40x125xi32, #tpu.memory_space<hbm>>
      %dma_start3A_82 = arith.constant 0 : i32
      %dma_start3A_83 = tpu.memref_slice %arg4[%multiple_of3A_8, %dma_start3A_82] : memref<2560x125xi32, #tpu.memory_space<hbm>> -> memref<40x125xi32, #tpu.memory_space<hbm>>
      tpu.enqueue_dma source(%dma_start3A_83 : memref<40x125xi32, #tpu.memory_space<hbm>>) target(%arg8 : memref<40x125xi32, #tpu.memory_space<vmem>>) target_semaphore(%run_scoped3A_79 : memref<!tpu.dma_semaphore, #tpu.memory_space<semaphore_mem>>)
      %dma_wait3A_84 = arith.constant 0 : i32
      %dma_wait3A_85 = tpu.memref_slice %arg4[%multiple_of3A_8, %dma_wait3A_84] : memref<2560x125xi32, #tpu.memory_space<hbm>> -> memref<40x125xi32, #tpu.memory_space<hbm>>
      %dma_wait3A_86 = arith.constant 0 : i32
      %dma_wait3A_87 = tpu.memref_slice %arg4[%multiple_of3A_8, %dma_wait3A_86] : memref<2560x125xi32, #tpu.memory_space<hbm>> -> memref<40x125xi32, #tpu.memory_space<hbm>>
      tpu.wait_dma2 semaphore(%run_scoped3A_79 : memref<!tpu.dma_semaphore, #tpu.memory_space<semaphore_mem>>) src(%dma_wait3A_87 : memref<40x125xi32, #tpu.memory_space<hbm>>) dst(%arg8 : memref<40x125xi32, #tpu.memory_space<vmem>>)
      tpu.yield
    }) : () -> ()
    %dma_start3A = arith.constant 0 : i32
    %dma_start3A_9 = arith.constant 0 : i32
    %dma_start3A_10 = tpu.memref_slice %arg7[%dma_start3A, %dma_start3A_9] : memref<40x125xi32, #tpu.memory_space<vmem>> -> memref<1x125xi32, #tpu.memory_space<vmem>>
    %dma_start3A_11 = tpu.memref_squeeze %dma_start3A_10 : memref<1x125xi32, #tpu.memory_space<vmem>> -> memref<125xi32, #tpu.memory_space<vmem>>
    %dma_start3A_12 = arith.constant 0 : i32
    %dma_start3A_13 = arith.constant 0 : i32
    %dma_start3A_14 = tpu.memref_slice %arg2[%dma_start3A_12, %dma_start3A_13] : memref<10000x128xf32, #tpu.memory_space<hbm>> -> memref<10000x128xf32, #tpu.memory_space<hbm>>
    tpu.enqueue_indirect_dma source(%dma_start3A_14 : memref<10000x128xf32, #tpu.memory_space<hbm>>) target(%arg9 : memref<125x128xf32, #tpu.memory_space<vmem>>) offsets(%dma_start3A_11 : memref<125xi32, #tpu.memory_space<vmem>>) semaphore(%arg12 : memref<!tpu.dma_semaphore, #tpu.memory_space<semaphore_mem>>)
    %dma_start3A_15 = arith.constant 1 : i32
    %dma_start3A_16 = arith.constant 0 : i32
    %dma_start3A_17 = tpu.memref_slice %arg7[%dma_start3A_15, %dma_start3A_16] : memref<40x125xi32, #tpu.memory_space<vmem>> -> memref<1x125xi32, #tpu.memory_space<vmem>>
    %dma_start3A_18 = tpu.memref_squeeze %dma_start3A_17 : memref<1x125xi32, #tpu.memory_space<vmem>> -> memref<125xi32, #tpu.memory_space<vmem>>
    %dma_start3A_19 = arith.constant 0 : i32
    %dma_start3A_20 = arith.constant 0 : i32
    %dma_start3A_21 = tpu.memref_slice %arg2[%dma_start3A_19, %dma_start3A_20] : memref<10000x128xf32, #tpu.memory_space<hbm>> -> memref<10000x128xf32, #tpu.memory_space<hbm>>
    tpu.enqueue_indirect_dma source(%dma_start3A_21 : memref<10000x128xf32, #tpu.memory_space<hbm>>) target(%arg10 : memref<125x128xf32, #tpu.memory_space<vmem>>) offsets(%dma_start3A_18 : memref<125xi32, #tpu.memory_space<vmem>>) semaphore(%arg13 : memref<!tpu.dma_semaphore, #tpu.memory_space<semaphore_mem>>)
    %scan3A = arith.constant 0 : i32
    %scan3A_22 = arith.constant 19 : i32
    %scan3A_23 = arith.addi %scan3A, %scan3A_22 : i32
    %scan3A_24 = arith.constant 1 : i32
    scf.for %scan3A_79 = %scan3A to %scan3A_23 step %scan3A_24  : i32 {
      %mul3A_80 = arith.constant 1 : i32
      %mul3A_81 = arith.muli %scan3A_79, %mul3A_80 : i32
      %add3A_82 = arith.constant 0 : i32
      %add3A_83 = arith.addi %add3A_82, %mul3A_81 : i32
      %mul3A_84 = arith.constant 2 : i32
      %mul3A_85 = arith.muli %add3A_83, %mul3A_84 : i32
      %dma_wait3A_86 = arith.constant 0 : i32
      %dma_wait3A_87 = tpu.memref_slice %arg7[%mul3A_85, %dma_wait3A_86] : memref<40x125xi32, #tpu.memory_space<vmem>> -> memref<1x125xi32, #tpu.memory_space<vmem>>
      %dma_wait3A_88 = tpu.memref_squeeze %dma_wait3A_87 : memref<1x125xi32, #tpu.memory_space<vmem>> -> memref<125xi32, #tpu.memory_space<vmem>>
      %dma_wait3A_89 = arith.constant 0 : i32
      %dma_wait3A_90 = arith.constant 0 : i32
      %dma_wait3A_91 = tpu.memref_slice %arg2[%dma_wait3A_89, %dma_wait3A_90] : memref<10000x128xf32, #tpu.memory_space<hbm>> -> memref<10000x128xf32, #tpu.memory_space<hbm>>
      tpu.wait_indirect_dma semaphore(%arg12 : memref<!tpu.dma_semaphore, #tpu.memory_space<semaphore_mem>>) src(%dma_wait3A_91 : memref<10000x128xf32, #tpu.memory_space<hbm>>) dst(%arg9 : memref<125x128xf32, #tpu.memory_space<vmem>>)
      "tpu.region"() ({
        %run_scoped3A_118 = tpu.sem_alloc : memref<!tpu.dma_semaphore, #tpu.memory_space<semaphore_mem>>
        %dma_start3A_119 = arith.constant 0 : i32
        %dma_start3A_120 = tpu.memref_slice %arg8[%mul3A_85, %dma_start3A_119] : memref<40x125xi32, #tpu.memory_space<vmem>> -> memref<1x125xi32, #tpu.memory_space<vmem>>
        %dma_start3A_121 = tpu.memref_squeeze %dma_start3A_120 : memref<1x125xi32, #tpu.memory_space<vmem>> -> memref<125xi32, #tpu.memory_space<vmem>>
        %dma_start3A_122 = arith.constant 0 : i32
        %dma_start3A_123 = arith.constant 0 : i32
        %dma_start3A_124 = tpu.memref_slice %arg11[%dma_start3A_122, %dma_start3A_123] : memref<10240x128xf32, #tpu.memory_space<vmem_shared>> -> memref<10240x128xf32, #tpu.memory_space<vmem_shared>>
        tpu.enqueue_indirect_dma source(%arg9 : memref<125x128xf32, #tpu.memory_space<vmem>>) target(%dma_start3A_124 : memref<10240x128xf32, #tpu.memory_space<vmem_shared>>) offsets(%dma_start3A_121 : memref<125xi32, #tpu.memory_space<vmem>>) semaphore(%run_scoped3A_118 : memref<!tpu.dma_semaphore, #tpu.memory_space<semaphore_mem>>) {add = true}
        %dma_wait3A_125 = arith.constant 0 : i32
        %dma_wait3A_126 = tpu.memref_slice %arg8[%mul3A_85, %dma_wait3A_125] : memref<40x125xi32, #tpu.memory_space<vmem>> -> memref<1x125xi32, #tpu.memory_space<vmem>>
        %dma_wait3A_127 = tpu.memref_squeeze %dma_wait3A_126 : memref<1x125xi32, #tpu.memory_space<vmem>> -> memref<125xi32, #tpu.memory_space<vmem>>
        %dma_wait3A_128 = arith.constant 0 : i32
        %dma_wait3A_129 = arith.constant 0 : i32
        %dma_wait3A_130 = tpu.memref_slice %arg11[%dma_wait3A_128, %dma_wait3A_129] : memref<10240x128xf32, #tpu.memory_space<vmem_shared>> -> memref<10240x128xf32, #tpu.memory_space<vmem_shared>>
        tpu.wait_indirect_dma semaphore(%run_scoped3A_118 : memref<!tpu.dma_semaphore, #tpu.memory_space<semaphore_mem>>) src(%arg9 : memref<125x128xf32, #tpu.memory_space<vmem>>) dst(%dma_wait3A_130 : memref<10240x128xf32, #tpu.memory_space<vmem_shared>>)
        tpu.yield
      }) : () -> ()
      %add3A_92 = arith.constant 2 : i32
      %add3A_93 = arith.addi %mul3A_85, %add3A_92 : i32
      %dma_start3A_94 = arith.constant 0 : i32
      %dma_start3A_95 = tpu.memref_slice %arg7[%add3A_93, %dma_start3A_94] : memref<40x125xi32, #tpu.memory_space<vmem>> -> memref<1x125xi32, #tpu.memory_space<vmem>>
      %dma_start3A_96 = tpu.memref_squeeze %dma_start3A_95 : memref<1x125xi32, #tpu.memory_space<vmem>> -> memref<125xi32, #tpu.memory_space<vmem>>
      %dma_start3A_97 = arith.constant 0 : i32
      %dma_start3A_98 = arith.constant 0 : i32
      %dma_start3A_99 = tpu.memref_slice %arg2[%dma_start3A_97, %dma_start3A_98] : memref<10000x128xf32, #tpu.memory_space<hbm>> -> memref<10000x128xf32, #tpu.memory_space<hbm>>
      tpu.enqueue_indirect_dma source(%dma_start3A_99 : memref<10000x128xf32, #tpu.memory_space<hbm>>) target(%arg9 : memref<125x128xf32, #tpu.memory_space<vmem>>) offsets(%dma_start3A_96 : memref<125xi32, #tpu.memory_space<vmem>>) semaphore(%arg12 : memref<!tpu.dma_semaphore, #tpu.memory_space<semaphore_mem>>)
      %add3A_100 = arith.constant 1 : i32
      %add3A_101 = arith.addi %mul3A_85, %add3A_100 : i32
      %dma_wait3A_102 = arith.constant 0 : i32
      %dma_wait3A_103 = tpu.memref_slice %arg7[%add3A_101, %dma_wait3A_102] : memref<40x125xi32, #tpu.memory_space<vmem>> -> memref<1x125xi32, #tpu.memory_space<vmem>>
      %dma_wait3A_104 = tpu.memref_squeeze %dma_wait3A_103 : memref<1x125xi32, #tpu.memory_space<vmem>> -> memref<125xi32, #tpu.memory_space<vmem>>
      %dma_wait3A_105 = arith.constant 0 : i32
      %dma_wait3A_106 = arith.constant 0 : i32
      %dma_wait3A_107 = tpu.memref_slice %arg2[%dma_wait3A_105, %dma_wait3A_106] : memref<10000x128xf32, #tpu.memory_space<hbm>> -> memref<10000x128xf32, #tpu.memory_space<hbm>>
      tpu.wait_indirect_dma semaphore(%arg13 : memref<!tpu.dma_semaphore, #tpu.memory_space<semaphore_mem>>) src(%dma_wait3A_107 : memref<10000x128xf32, #tpu.memory_space<hbm>>) dst(%arg10 : memref<125x128xf32, #tpu.memory_space<vmem>>)
      %add3A_108 = arith.constant 1 : i32
      %add3A_109 = arith.addi %mul3A_85, %add3A_108 : i32
      "tpu.region"() ({
        %run_scoped3A_118 = tpu.sem_alloc : memref<!tpu.dma_semaphore, #tpu.memory_space<semaphore_mem>>
        %dma_start3A_119 = arith.constant 0 : i32
        %dma_start3A_120 = tpu.memref_slice %arg8[%add3A_109, %dma_start3A_119] : memref<40x125xi32, #tpu.memory_space<vmem>> -> memref<1x125xi32, #tpu.memory_space<vmem>>
        %dma_start3A_121 = tpu.memref_squeeze %dma_start3A_120 : memref<1x125xi32, #tpu.memory_space<vmem>> -> memref<125xi32, #tpu.memory_space<vmem>>
        %dma_start3A_122 = arith.constant 0 : i32
        %dma_start3A_123 = arith.constant 0 : i32
        %dma_start3A_124 = tpu.memref_slice %arg11[%dma_start3A_122, %dma_start3A_123] : memref<10240x128xf32, #tpu.memory_space<vmem_shared>> -> memref<10240x128xf32, #tpu.memory_space<vmem_shared>>
        tpu.enqueue_indirect_dma source(%arg10 : memref<125x128xf32, #tpu.memory_space<vmem>>) target(%dma_start3A_124 : memref<10240x128xf32, #tpu.memory_space<vmem_shared>>) offsets(%dma_start3A_121 : memref<125xi32, #tpu.memory_space<vmem>>) semaphore(%run_scoped3A_118 : memref<!tpu.dma_semaphore, #tpu.memory_space<semaphore_mem>>) {add = true}
        %dma_wait3A_125 = arith.constant 0 : i32
        %dma_wait3A_126 = tpu.memref_slice %arg8[%add3A_109, %dma_wait3A_125] : memref<40x125xi32, #tpu.memory_space<vmem>> -> memref<1x125xi32, #tpu.memory_space<vmem>>
        %dma_wait3A_127 = tpu.memref_squeeze %dma_wait3A_126 : memref<1x125xi32, #tpu.memory_space<vmem>> -> memref<125xi32, #tpu.memory_space<vmem>>
        %dma_wait3A_128 = arith.constant 0 : i32
        %dma_wait3A_129 = arith.constant 0 : i32
        %dma_wait3A_130 = tpu.memref_slice %arg11[%dma_wait3A_128, %dma_wait3A_129] : memref<10240x128xf32, #tpu.memory_space<vmem_shared>> -> memref<10240x128xf32, #tpu.memory_space<vmem_shared>>
        tpu.wait_indirect_dma semaphore(%run_scoped3A_118 : memref<!tpu.dma_semaphore, #tpu.memory_space<semaphore_mem>>) src(%arg10 : memref<125x128xf32, #tpu.memory_space<vmem>>) dst(%dma_wait3A_130 : memref<10240x128xf32, #tpu.memory_space<vmem_shared>>)
        tpu.yield
      }) : () -> ()
      %add3A_110 = arith.constant 3 : i32
      %add3A_111 = arith.addi %mul3A_85, %add3A_110 : i32
      %dma_start3A_112 = arith.constant 0 : i32
      %dma_start3A_113 = tpu.memref_slice %arg7[%add3A_111, %dma_start3A_112] : memref<40x125xi32, #tpu.memory_space<vmem>> -> memref<1x125xi32, #tpu.memory_space<vmem>>
      %dma_start3A_114 = tpu.memref_squeeze %dma_start3A_113 : memref<1x125xi32, #tpu.memory_space<vmem>> -> memref<125xi32, #tpu.memory_space<vmem>>
      %dma_start3A_115 = arith.constant 0 : i32
      %dma_start3A_116 = arith.constant 0 : i32
      %dma_start3A_117 = tpu.memref_slice %arg2[%dma_start3A_115, %dma_start3A_116] : memref<10000x128xf32, #tpu.memory_space<hbm>> -> memref<10000x128xf32, #tpu.memory_space<hbm>>
      tpu.enqueue_indirect_dma source(%dma_start3A_117 : memref<10000x128xf32, #tpu.memory_space<hbm>>) target(%arg10 : memref<125x128xf32, #tpu.memory_space<vmem>>) offsets(%dma_start3A_114 : memref<125xi32, #tpu.memory_space<vmem>>) semaphore(%arg13 : memref<!tpu.dma_semaphore, #tpu.memory_space<semaphore_mem>>)
    }
    %scan3A_25 = arith.constant 19 : i32
    %dma_wait3A = arith.constant 38 : i32
    %dma_wait3A_26 = arith.constant 0 : i32
    %dma_wait3A_27 = tpu.memref_slice %arg7[%dma_wait3A, %dma_wait3A_26] : memref<40x125xi32, #tpu.memory_space<vmem>> -> memref<1x125xi32, #tpu.memory_space<vmem>>
    %dma_wait3A_28 = tpu.memref_squeeze %dma_wait3A_27 : memref<1x125xi32, #tpu.memory_space<vmem>> -> memref<125xi32, #tpu.memory_space<vmem>>
    %dma_wait3A_29 = arith.constant 0 : i32
    %dma_wait3A_30 = arith.constant 0 : i32
    %dma_wait3A_31 = tpu.memref_slice %arg2[%dma_wait3A_29, %dma_wait3A_30] : memref<10000x128xf32, #tpu.memory_space<hbm>> -> memref<10000x128xf32, #tpu.memory_space<hbm>>
    tpu.wait_indirect_dma semaphore(%arg12 : memref<!tpu.dma_semaphore, #tpu.memory_space<semaphore_mem>>) src(%dma_wait3A_31 : memref<10000x128xf32, #tpu.memory_space<hbm>>) dst(%arg9 : memref<125x128xf32, #tpu.memory_space<vmem>>)
    %run_scoped3A = arith.constant 38 : i32
    "tpu.region"() ({
      %run_scoped3A_79 = tpu.sem_alloc : memref<!tpu.dma_semaphore, #tpu.memory_space<semaphore_mem>>
      %dma_start3A_80 = arith.constant 0 : i32
      %dma_start3A_81 = tpu.memref_slice %arg8[%run_scoped3A, %dma_start3A_80] : memref<40x125xi32, #tpu.memory_space<vmem>> -> memref<1x125xi32, #tpu.memory_space<vmem>>
      %dma_start3A_82 = tpu.memref_squeeze %dma_start3A_81 : memref<1x125xi32, #tpu.memory_space<vmem>> -> memref<125xi32, #tpu.memory_space<vmem>>
      %dma_start3A_83 = arith.constant 0 : i32
      %dma_start3A_84 = arith.constant 0 : i32
      %dma_start3A_85 = tpu.memref_slice %arg11[%dma_start3A_83, %dma_start3A_84] : memref<10240x128xf32, #tpu.memory_space<vmem_shared>> -> memref<10240x128xf32, #tpu.memory_space<vmem_shared>>
      tpu.enqueue_indirect_dma source(%arg9 : memref<125x128xf32, #tpu.memory_space<vmem>>) target(%dma_start3A_85 : memref<10240x128xf32, #tpu.memory_space<vmem_shared>>) offsets(%dma_start3A_82 : memref<125xi32, #tpu.memory_space<vmem>>) semaphore(%run_scoped3A_79 : memref<!tpu.dma_semaphore, #tpu.memory_space<semaphore_mem>>) {add = true}
      %dma_wait3A_86 = arith.constant 0 : i32
      %dma_wait3A_87 = tpu.memref_slice %arg8[%run_scoped3A, %dma_wait3A_86] : memref<40x125xi32, #tpu.memory_space<vmem>> -> memref<1x125xi32, #tpu.memory_space<vmem>>
      %dma_wait3A_88 = tpu.memref_squeeze %dma_wait3A_87 : memref<1x125xi32, #tpu.memory_space<vmem>> -> memref<125xi32, #tpu.memory_space<vmem>>
      %dma_wait3A_89 = arith.constant 0 : i32
      %dma_wait3A_90 = arith.constant 0 : i32
      %dma_wait3A_91 = tpu.memref_slice %arg11[%dma_wait3A_89, %dma_wait3A_90] : memref<10240x128xf32, #tpu.memory_space<vmem_shared>> -> memref<10240x128xf32, #tpu.memory_space<vmem_shared>>
      tpu.wait_indirect_dma semaphore(%run_scoped3A_79 : memref<!tpu.dma_semaphore, #tpu.memory_space<semaphore_mem>>) src(%arg9 : memref<125x128xf32, #tpu.memory_space<vmem>>) dst(%dma_wait3A_91 : memref<10240x128xf32, #tpu.memory_space<vmem_shared>>)
      tpu.yield
    }) : () -> ()
    %dma_wait3A_32 = arith.constant 39 : i32
    %dma_wait3A_33 = arith.constant 0 : i32
    %dma_wait3A_34 = tpu.memref_slice %arg7[%dma_wait3A_32, %dma_wait3A_33] : memref<40x125xi32, #tpu.memory_space<vmem>> -> memref<1x125xi32, #tpu.memory_space<vmem>>
    %dma_wait3A_35 = tpu.memref_squeeze %dma_wait3A_34 : memref<1x125xi32, #tpu.memory_space<vmem>> -> memref<125xi32, #tpu.memory_space<vmem>>
    %dma_wait3A_36 = arith.constant 0 : i32
    %dma_wait3A_37 = arith.constant 0 : i32
    %dma_wait3A_38 = tpu.memref_slice %arg2[%dma_wait3A_36, %dma_wait3A_37] : memref<10000x128xf32, #tpu.memory_space<hbm>> -> memref<10000x128xf32, #tpu.memory_space<hbm>>
    tpu.wait_indirect_dma semaphore(%arg13 : memref<!tpu.dma_semaphore, #tpu.memory_space<semaphore_mem>>) src(%dma_wait3A_38 : memref<10000x128xf32, #tpu.memory_space<hbm>>) dst(%arg10 : memref<125x128xf32, #tpu.memory_space<vmem>>)
    %run_scoped3A_39 = arith.constant 39 : i32
    "tpu.region"() ({
      %run_scoped3A_79 = tpu.sem_alloc : memref<!tpu.dma_semaphore, #tpu.memory_space<semaphore_mem>>
      %dma_start3A_80 = arith.constant 0 : i32
      %dma_start3A_81 = tpu.memref_slice %arg8[%run_scoped3A_39, %dma_start3A_80] : memref<40x125xi32, #tpu.memory_space<vmem>> -> memref<1x125xi32, #tpu.memory_space<vmem>>
      %dma_start3A_82 = tpu.memref_squeeze %dma_start3A_81 : memref<1x125xi32, #tpu.memory_space<vmem>> -> memref<125xi32, #tpu.memory_space<vmem>>
      %dma_start3A_83 = arith.constant 0 : i32
      %dma_start3A_84 = arith.constant 0 : i32
      %dma_start3A_85 = tpu.memref_slice %arg11[%dma_start3A_83, %dma_start3A_84] : memref<10240x128xf32, #tpu.memory_space<vmem_shared>> -> memref<10240x128xf32, #tpu.memory_space<vmem_shared>>
      tpu.enqueue_indirect_dma source(%arg10 : memref<125x128xf32, #tpu.memory_space<vmem>>) target(%dma_start3A_85 : memref<10240x128xf32, #tpu.memory_space<vmem_shared>>) offsets(%dma_start3A_82 : memref<125xi32, #tpu.memory_space<vmem>>) semaphore(%run_scoped3A_79 : memref<!tpu.dma_semaphore, #tpu.memory_space<semaphore_mem>>) {add = true}
      %dma_wait3A_86 = arith.constant 0 : i32
      %dma_wait3A_87 = tpu.memref_slice %arg8[%run_scoped3A_39, %dma_wait3A_86] : memref<40x125xi32, #tpu.memory_space<vmem>> -> memref<1x125xi32, #tpu.memory_space<vmem>>
      %dma_wait3A_88 = tpu.memref_squeeze %dma_wait3A_87 : memref<1x125xi32, #tpu.memory_space<vmem>> -> memref<125xi32, #tpu.memory_space<vmem>>
      %dma_wait3A_89 = arith.constant 0 : i32
      %dma_wait3A_90 = arith.constant 0 : i32
      %dma_wait3A_91 = tpu.memref_slice %arg11[%dma_wait3A_89, %dma_wait3A_90] : memref<10240x128xf32, #tpu.memory_space<vmem_shared>> -> memref<10240x128xf32, #tpu.memory_space<vmem_shared>>
      tpu.wait_indirect_dma semaphore(%run_scoped3A_79 : memref<!tpu.dma_semaphore, #tpu.memory_space<semaphore_mem>>) src(%arg10 : memref<125x128xf32, #tpu.memory_space<vmem>>) dst(%dma_wait3A_91 : memref<10240x128xf32, #tpu.memory_space<vmem_shared>>)
      tpu.yield
    }) : () -> ()
    %add3A_40 = arith.constant 40 : i32
    %add3A_41 = arith.addi %multiple_of3A, %add3A_40 : i32
    %multiple_of3A_42 = tpu.assume_multiple %add3A_41, 8 : i32
    "tpu.region"() ({
      %run_scoped3A_79 = tpu.sem_alloc : memref<!tpu.dma_semaphore, #tpu.memory_space<semaphore_mem>>
      %dma_start3A_80 = arith.constant 0 : i32
      %dma_start3A_81 = tpu.memref_slice %arg3[%multiple_of3A_42, %dma_start3A_80] : memref<2560x125xi32, #tpu.memory_space<hbm>> -> memref<40x125xi32, #tpu.memory_space<hbm>>
      %dma_start3A_82 = arith.constant 0 : i32
      %dma_start3A_83 = tpu.memref_slice %arg3[%multiple_of3A_42, %dma_start3A_82] : memref<2560x125xi32, #tpu.memory_space<hbm>> -> memref<40x125xi32, #tpu.memory_space<hbm>>
      tpu.enqueue_dma source(%dma_start3A_83 : memref<40x125xi32, #tpu.memory_space<hbm>>) target(%arg7 : memref<40x125xi32, #tpu.memory_space<vmem>>) target_semaphore(%run_scoped3A_79 : memref<!tpu.dma_semaphore, #tpu.memory_space<semaphore_mem>>)
      %dma_wait3A_84 = arith.constant 0 : i32
      %dma_wait3A_85 = tpu.memref_slice %arg3[%multiple_of3A_42, %dma_wait3A_84] : memref<2560x125xi32, #tpu.memory_space<hbm>> -> memref<40x125xi32, #tpu.memory_space<hbm>>
      %dma_wait3A_86 = arith.constant 0 : i32
      %dma_wait3A_87 = tpu.memref_slice %arg3[%multiple_of3A_42, %dma_wait3A_86] : memref<2560x125xi32, #tpu.memory_space<hbm>> -> memref<40x125xi32, #tpu.memory_space<hbm>>
      tpu.wait_dma2 semaphore(%run_scoped3A_79 : memref<!tpu.dma_semaphore, #tpu.memory_space<semaphore_mem>>) src(%dma_wait3A_87 : memref<40x125xi32, #tpu.memory_space<hbm>>) dst(%arg7 : memref<40x125xi32, #tpu.memory_space<vmem>>)
      tpu.yield
    }) : () -> ()
    "tpu.region"() ({
      %run_scoped3A_79 = tpu.sem_alloc : memref<!tpu.dma_semaphore, #tpu.memory_space<semaphore_mem>>
      %dma_start3A_80 = arith.constant 0 : i32
      %dma_start3A_81 = tpu.memref_slice %arg4[%multiple_of3A_42, %dma_start3A_80] : memref<2560x125xi32, #tpu.memory_space<hbm>> -> memref<40x125xi32, #tpu.memory_space<hbm>>
      %dma_start3A_82 = arith.constant 0 : i32
      %dma_start3A_83 = tpu.memref_slice %arg4[%multiple_of3A_42, %dma_start3A_82] : memref<2560x125xi32, #tpu.memory_space<hbm>> -> memref<40x125xi32, #tpu.memory_space<hbm>>
      tpu.enqueue_dma source(%dma_start3A_83 : memref<40x125xi32, #tpu.memory_space<hbm>>) target(%arg8 : memref<40x125xi32, #tpu.memory_space<vmem>>) target_semaphore(%run_scoped3A_79 : memref<!tpu.dma_semaphore, #tpu.memory_space<semaphore_mem>>)
      %dma_wait3A_84 = arith.constant 0 : i32
      %dma_wait3A_85 = tpu.memref_slice %arg4[%multiple_of3A_42, %dma_wait3A_84] : memref<2560x125xi32, #tpu.memory_space<hbm>> -> memref<40x125xi32, #tpu.memory_space<hbm>>
      %dma_wait3A_86 = arith.constant 0 : i32
      %dma_wait3A_87 = tpu.memref_slice %arg4[%multiple_of3A_42, %dma_wait3A_86] : memref<2560x125xi32, #tpu.memory_space<hbm>> -> memref<40x125xi32, #tpu.memory_space<hbm>>
      tpu.wait_dma2 semaphore(%run_scoped3A_79 : memref<!tpu.dma_semaphore, #tpu.memory_space<semaphore_mem>>) src(%dma_wait3A_87 : memref<40x125xi32, #tpu.memory_space<hbm>>) dst(%arg8 : memref<40x125xi32, #tpu.memory_space<vmem>>)
      tpu.yield
    }) : () -> ()
    %dma_start3A_43 = arith.constant 0 : i32
    %dma_start3A_44 = arith.constant 0 : i32
    %dma_start3A_45 = tpu.memref_slice %arg7[%dma_start3A_43, %dma_start3A_44] : memref<40x125xi32, #tpu.memory_space<vmem>> -> memref<1x125xi32, #tpu.memory_space<vmem>>
    %dma_start3A_46 = tpu.memref_squeeze %dma_start3A_45 : memref<1x125xi32, #tpu.memory_space<vmem>> -> memref<125xi32, #tpu.memory_space<vmem>>
    %dma_start3A_47 = arith.constant 0 : i32
    %dma_start3A_48 = arith.constant 0 : i32
    %dma_start3A_49 = tpu.memref_slice %arg2[%dma_start3A_47, %dma_start3A_48] : memref<10000x128xf32, #tpu.memory_space<hbm>> -> memref<10000x128xf32, #tpu.memory_space<hbm>>
    tpu.enqueue_indirect_dma source(%dma_start3A_49 : memref<10000x128xf32, #tpu.memory_space<hbm>>) target(%arg9 : memref<125x128xf32, #tpu.memory_space<vmem>>) offsets(%dma_start3A_46 : memref<125xi32, #tpu.memory_space<vmem>>) semaphore(%arg12 : memref<!tpu.dma_semaphore, #tpu.memory_space<semaphore_mem>>)
    %dma_start3A_50 = arith.constant 1 : i32
    %dma_start3A_51 = arith.constant 0 : i32
    %dma_start3A_52 = tpu.memref_slice %arg7[%dma_start3A_50, %dma_start3A_51] : memref<40x125xi32, #tpu.memory_space<vmem>> -> memref<1x125xi32, #tpu.memory_space<vmem>>
    %dma_start3A_53 = tpu.memref_squeeze %dma_start3A_52 : memref<1x125xi32, #tpu.memory_space<vmem>> -> memref<125xi32, #tpu.memory_space<vmem>>
    %dma_start3A_54 = arith.constant 0 : i32
    %dma_start3A_55 = arith.constant 0 : i32
    %dma_start3A_56 = tpu.memref_slice %arg2[%dma_start3A_54, %dma_start3A_55] : memref<10000x128xf32, #tpu.memory_space<hbm>> -> memref<10000x128xf32, #tpu.memory_space<hbm>>
    tpu.enqueue_indirect_dma source(%dma_start3A_56 : memref<10000x128xf32, #tpu.memory_space<hbm>>) target(%arg10 : memref<125x128xf32, #tpu.memory_space<vmem>>) offsets(%dma_start3A_53 : memref<125xi32, #tpu.memory_space<vmem>>) semaphore(%arg13 : memref<!tpu.dma_semaphore, #tpu.memory_space<semaphore_mem>>)
    %scan3A_57 = arith.constant 0 : i32
    %scan3A_58 = arith.constant 19 : i32
    %scan3A_59 = arith.addi %scan3A_57, %scan3A_58 : i32
    %scan3A_60 = arith.constant 1 : i32
    scf.for %scan3A_79 = %scan3A_57 to %scan3A_59 step %scan3A_60  : i32 {
      %mul3A_80 = arith.constant 1 : i32
      %mul3A_81 = arith.muli %scan3A_79, %mul3A_80 : i32
      %add3A_82 = arith.constant 0 : i32
      %add3A_83 = arith.addi %add3A_82, %mul3A_81 : i32
      %mul3A_84 = arith.constant 2 : i32
      %mul3A_85 = arith.muli %add3A_83, %mul3A_84 : i32
      %dma_wait3A_86 = arith.constant 0 : i32
      %dma_wait3A_87 = tpu.memref_slice %arg7[%mul3A_85, %dma_wait3A_86] : memref<40x125xi32, #tpu.memory_space<vmem>> -> memref<1x125xi32, #tpu.memory_space<vmem>>
      %dma_wait3A_88 = tpu.memref_squeeze %dma_wait3A_87 : memref<1x125xi32, #tpu.memory_space<vmem>> -> memref<125xi32, #tpu.memory_space<vmem>>
      %dma_wait3A_89 = arith.constant 0 : i32
      %dma_wait3A_90 = arith.constant 0 : i32
      %dma_wait3A_91 = tpu.memref_slice %arg2[%dma_wait3A_89, %dma_wait3A_90] : memref<10000x128xf32, #tpu.memory_space<hbm>> -> memref<10000x128xf32, #tpu.memory_space<hbm>>
      tpu.wait_indirect_dma semaphore(%arg12 : memref<!tpu.dma_semaphore, #tpu.memory_space<semaphore_mem>>) src(%dma_wait3A_91 : memref<10000x128xf32, #tpu.memory_space<hbm>>) dst(%arg9 : memref<125x128xf32, #tpu.memory_space<vmem>>)
      "tpu.region"() ({
        %run_scoped3A_118 = tpu.sem_alloc : memref<!tpu.dma_semaphore, #tpu.memory_space<semaphore_mem>>
        %dma_start3A_119 = arith.constant 0 : i32
        %dma_start3A_120 = tpu.memref_slice %arg8[%mul3A_85, %dma_start3A_119] : memref<40x125xi32, #tpu.memory_space<vmem>> -> memref<1x125xi32, #tpu.memory_space<vmem>>
        %dma_start3A_121 = tpu.memref_squeeze %dma_start3A_120 : memref<1x125xi32, #tpu.memory_space<vmem>> -> memref<125xi32, #tpu.memory_space<vmem>>
        %dma_start3A_122 = arith.constant 0 : i32
        %dma_start3A_123 = arith.constant 0 : i32
        %dma_start3A_124 = tpu.memref_slice %arg11[%dma_start3A_122, %dma_start3A_123] : memref<10240x128xf32, #tpu.memory_space<vmem_shared>> -> memref<10240x128xf32, #tpu.memory_space<vmem_shared>>
        tpu.enqueue_indirect_dma source(%arg9 : memref<125x128xf32, #tpu.memory_space<vmem>>) target(%dma_start3A_124 : memref<10240x128xf32, #tpu.memory_space<vmem_shared>>) offsets(%dma_start3A_121 : memref<125xi32, #tpu.memory_space<vmem>>) semaphore(%run_scoped3A_118 : memref<!tpu.dma_semaphore, #tpu.memory_space<semaphore_mem>>) {add = true}
        %dma_wait3A_125 = arith.constant 0 : i32
        %dma_wait3A_126 = tpu.memref_slice %arg8[%mul3A_85, %dma_wait3A_125] : memref<40x125xi32, #tpu.memory_space<vmem>> -> memref<1x125xi32, #tpu.memory_space<vmem>>
        %dma_wait3A_127 = tpu.memref_squeeze %dma_wait3A_126 : memref<1x125xi32, #tpu.memory_space<vmem>> -> memref<125xi32, #tpu.memory_space<vmem>>
        %dma_wait3A_128 = arith.constant 0 : i32
        %dma_wait3A_129 = arith.constant 0 : i32
        %dma_wait3A_130 = tpu.memref_slice %arg11[%dma_wait3A_128, %dma_wait3A_129] : memref<10240x128xf32, #tpu.memory_space<vmem_shared>> -> memref<10240x128xf32, #tpu.memory_space<vmem_shared>>
        tpu.wait_indirect_dma semaphore(%run_scoped3A_118 : memref<!tpu.dma_semaphore, #tpu.memory_space<semaphore_mem>>) src(%arg9 : memref<125x128xf32, #tpu.memory_space<vmem>>) dst(%dma_wait3A_130 : memref<10240x128xf32, #tpu.memory_space<vmem_shared>>)
        tpu.yield
      }) : () -> ()
      %add3A_92 = arith.constant 2 : i32
      %add3A_93 = arith.addi %mul3A_85, %add3A_92 : i32
      %dma_start3A_94 = arith.constant 0 : i32
      %dma_start3A_95 = tpu.memref_slice %arg7[%add3A_93, %dma_start3A_94] : memref<40x125xi32, #tpu.memory_space<vmem>> -> memref<1x125xi32, #tpu.memory_space<vmem>>
      %dma_start3A_96 = tpu.memref_squeeze %dma_start3A_95 : memref<1x125xi32, #tpu.memory_space<vmem>> -> memref<125xi32, #tpu.memory_space<vmem>>
      %dma_start3A_97 = arith.constant 0 : i32
      %dma_start3A_98 = arith.constant 0 : i32
      %dma_start3A_99 = tpu.memref_slice %arg2[%dma_start3A_97, %dma_start3A_98] : memref<10000x128xf32, #tpu.memory_space<hbm>> -> memref<10000x128xf32, #tpu.memory_space<hbm>>
      tpu.enqueue_indirect_dma source(%dma_start3A_99 : memref<10000x128xf32, #tpu.memory_space<hbm>>) target(%arg9 : memref<125x128xf32, #tpu.memory_space<vmem>>) offsets(%dma_start3A_96 : memref<125xi32, #tpu.memory_space<vmem>>) semaphore(%arg12 : memref<!tpu.dma_semaphore, #tpu.memory_space<semaphore_mem>>)
      %add3A_100 = arith.constant 1 : i32
      %add3A_101 = arith.addi %mul3A_85, %add3A_100 : i32
      %dma_wait3A_102 = arith.constant 0 : i32
      %dma_wait3A_103 = tpu.memref_slice %arg7[%add3A_101, %dma_wait3A_102] : memref<40x125xi32, #tpu.memory_space<vmem>> -> memref<1x125xi32, #tpu.memory_space<vmem>>
      %dma_wait3A_104 = tpu.memref_squeeze %dma_wait3A_103 : memref<1x125xi32, #tpu.memory_space<vmem>> -> memref<125xi32, #tpu.memory_space<vmem>>
      %dma_wait3A_105 = arith.constant 0 : i32
      %dma_wait3A_106 = arith.constant 0 : i32
      %dma_wait3A_107 = tpu.memref_slice %arg2[%dma_wait3A_105, %dma_wait3A_106] : memref<10000x128xf32, #tpu.memory_space<hbm>> -> memref<10000x128xf32, #tpu.memory_space<hbm>>
      tpu.wait_indirect_dma semaphore(%arg13 : memref<!tpu.dma_semaphore, #tpu.memory_space<semaphore_mem>>) src(%dma_wait3A_107 : memref<10000x128xf32, #tpu.memory_space<hbm>>) dst(%arg10 : memref<125x128xf32, #tpu.memory_space<vmem>>)
      %add3A_108 = arith.constant 1 : i32
      %add3A_109 = arith.addi %mul3A_85, %add3A_108 : i32
      "tpu.region"() ({
        %run_scoped3A_118 = tpu.sem_alloc : memref<!tpu.dma_semaphore, #tpu.memory_space<semaphore_mem>>
        %dma_start3A_119 = arith.constant 0 : i32
        %dma_start3A_120 = tpu.memref_slice %arg8[%add3A_109, %dma_start3A_119] : memref<40x125xi32, #tpu.memory_space<vmem>> -> memref<1x125xi32, #tpu.memory_space<vmem>>
        %dma_start3A_121 = tpu.memref_squeeze %dma_start3A_120 : memref<1x125xi32, #tpu.memory_space<vmem>> -> memref<125xi32, #tpu.memory_space<vmem>>
        %dma_start3A_122 = arith.constant 0 : i32
        %dma_start3A_123 = arith.constant 0 : i32
        %dma_start3A_124 = tpu.memref_slice %arg11[%dma_start3A_122, %dma_start3A_123] : memref<10240x128xf32, #tpu.memory_space<vmem_shared>> -> memref<10240x128xf32, #tpu.memory_space<vmem_shared>>
        tpu.enqueue_indirect_dma source(%arg10 : memref<125x128xf32, #tpu.memory_space<vmem>>) target(%dma_start3A_124 : memref<10240x128xf32, #tpu.memory_space<vmem_shared>>) offsets(%dma_start3A_121 : memref<125xi32, #tpu.memory_space<vmem>>) semaphore(%run_scoped3A_118 : memref<!tpu.dma_semaphore, #tpu.memory_space<semaphore_mem>>) {add = true}
        %dma_wait3A_125 = arith.constant 0 : i32
        %dma_wait3A_126 = tpu.memref_slice %arg8[%add3A_109, %dma_wait3A_125] : memref<40x125xi32, #tpu.memory_space<vmem>> -> memref<1x125xi32, #tpu.memory_space<vmem>>
        %dma_wait3A_127 = tpu.memref_squeeze %dma_wait3A_126 : memref<1x125xi32, #tpu.memory_space<vmem>> -> memref<125xi32, #tpu.memory_space<vmem>>
        %dma_wait3A_128 = arith.constant 0 : i32
        %dma_wait3A_129 = arith.constant 0 : i32
        %dma_wait3A_130 = tpu.memref_slice %arg11[%dma_wait3A_128, %dma_wait3A_129] : memref<10240x128xf32, #tpu.memory_space<vmem_shared>> -> memref<10240x128xf32, #tpu.memory_space<vmem_shared>>
        tpu.wait_indirect_dma semaphore(%run_scoped3A_118 : memref<!tpu.dma_semaphore, #tpu.memory_space<semaphore_mem>>) src(%arg10 : memref<125x128xf32, #tpu.memory_space<vmem>>) dst(%dma_wait3A_130 : memref<10240x128xf32, #tpu.memory_space<vmem_shared>>)
        tpu.yield
      }) : () -> ()
      %add3A_110 = arith.constant 3 : i32
      %add3A_111 = arith.addi %mul3A_85, %add3A_110 : i32
      %dma_start3A_112 = arith.constant 0 : i32
      %dma_start3A_113 = tpu.memref_slice %arg7[%add3A_111, %dma_start3A_112] : memref<40x125xi32, #tpu.memory_space<vmem>> -> memref<1x125xi32, #tpu.memory_space<vmem>>
      %dma_start3A_114 = tpu.memref_squeeze %dma_start3A_113 : memref<1x125xi32, #tpu.memory_space<vmem>> -> memref<125xi32, #tpu.memory_space<vmem>>
      %dma_start3A_115 = arith.constant 0 : i32
      %dma_start3A_116 = arith.constant 0 : i32
      %dma_start3A_117 = tpu.memref_slice %arg2[%dma_start3A_115, %dma_start3A_116] : memref<10000x128xf32, #tpu.memory_space<hbm>> -> memref<10000x128xf32, #tpu.memory_space<hbm>>
      tpu.enqueue_indirect_dma source(%dma_start3A_117 : memref<10000x128xf32, #tpu.memory_space<hbm>>) target(%arg10 : memref<125x128xf32, #tpu.memory_space<vmem>>) offsets(%dma_start3A_114 : memref<125xi32, #tpu.memory_space<vmem>>) semaphore(%arg13 : memref<!tpu.dma_semaphore, #tpu.memory_space<semaphore_mem>>)
    }
    %scan3A_61 = arith.constant 19 : i32
    %dma_wait3A_62 = arith.constant 38 : i32
    %dma_wait3A_63 = arith.constant 0 : i32
    %dma_wait3A_64 = tpu.memref_slice %arg7[%dma_wait3A_62, %dma_wait3A_63] : memref<40x125xi32, #tpu.memory_space<vmem>> -> memref<1x125xi32, #tpu.memory_space<vmem>>
    %dma_wait3A_65 = tpu.memref_squeeze %dma_wait3A_64 : memref<1x125xi32, #tpu.memory_space<vmem>> -> memref<125xi32, #tpu.memory_space<vmem>>
    %dma_wait3A_66 = arith.constant 0 : i32
    %dma_wait3A_67 = arith.constant 0 : i32
    %dma_wait3A_68 = tpu.memref_slice %arg2[%dma_wait3A_66, %dma_wait3A_67] : memref<10000x128xf32, #tpu.memory_space<hbm>> -> memref<10000x128xf32, #tpu.memory_space<hbm>>
    tpu.wait_indirect_dma semaphore(%arg12 : memref<!tpu.dma_semaphore, #tpu.memory_space<semaphore_mem>>) src(%dma_wait3A_68 : memref<10000x128xf32, #tpu.memory_space<hbm>>) dst(%arg9 : memref<125x128xf32, #tpu.memory_space<vmem>>)
    %run_scoped3A_69 = arith.constant 38 : i32
    "tpu.region"() ({
      %run_scoped3A_79 = tpu.sem_alloc : memref<!tpu.dma_semaphore, #tpu.memory_space<semaphore_mem>>
      %dma_start3A_80 = arith.constant 0 : i32
      %dma_start3A_81 = tpu.memref_slice %arg8[%run_scoped3A_69, %dma_start3A_80] : memref<40x125xi32, #tpu.memory_space<vmem>> -> memref<1x125xi32, #tpu.memory_space<vmem>>
      %dma_start3A_82 = tpu.memref_squeeze %dma_start3A_81 : memref<1x125xi32, #tpu.memory_space<vmem>> -> memref<125xi32, #tpu.memory_space<vmem>>
      %dma_start3A_83 = arith.constant 0 : i32
      %dma_start3A_84 = arith.constant 0 : i32
      %dma_start3A_85 = tpu.memref_slice %arg11[%dma_start3A_83, %dma_start3A_84] : memref<10240x128xf32, #tpu.memory_space<vmem_shared>> -> memref<10240x128xf32, #tpu.memory_space<vmem_shared>>
      tpu.enqueue_indirect_dma source(%arg9 : memref<125x128xf32, #tpu.memory_space<vmem>>) target(%dma_start3A_85 : memref<10240x128xf32, #tpu.memory_space<vmem_shared>>) offsets(%dma_start3A_82 : memref<125xi32, #tpu.memory_space<vmem>>) semaphore(%run_scoped3A_79 : memref<!tpu.dma_semaphore, #tpu.memory_space<semaphore_mem>>) {add = true}
      %dma_wait3A_86 = arith.constant 0 : i32
      %dma_wait3A_87 = tpu.memref_slice %arg8[%run_scoped3A_69, %dma_wait3A_86] : memref<40x125xi32, #tpu.memory_space<vmem>> -> memref<1x125xi32, #tpu.memory_space<vmem>>
      %dma_wait3A_88 = tpu.memref_squeeze %dma_wait3A_87 : memref<1x125xi32, #tpu.memory_space<vmem>> -> memref<125xi32, #tpu.memory_space<vmem>>
      %dma_wait3A_89 = arith.constant 0 : i32
      %dma_wait3A_90 = arith.constant 0 : i32
      %dma_wait3A_91 = tpu.memref_slice %arg11[%dma_wait3A_89, %dma_wait3A_90] : memref<10240x128xf32, #tpu.memory_space<vmem_shared>> -> memref<10240x128xf32, #tpu.memory_space<vmem_shared>>
      tpu.wait_indirect_dma semaphore(%run_scoped3A_79 : memref<!tpu.dma_semaphore, #tpu.memory_space<semaphore_mem>>) src(%arg9 : memref<125x128xf32, #tpu.memory_space<vmem>>) dst(%dma_wait3A_91 : memref<10240x128xf32, #tpu.memory_space<vmem_shared>>)
      tpu.yield
    }) : () -> ()
    %dma_wait3A_70 = arith.constant 39 : i32
    %dma_wait3A_71 = arith.constant 0 : i32
    %dma_wait3A_72 = tpu.memref_slice %arg7[%dma_wait3A_70, %dma_wait3A_71] : memref<40x125xi32, #tpu.memory_space<vmem>> -> memref<1x125xi32, #tpu.memory_space<vmem>>
    %dma_wait3A_73 = tpu.memref_squeeze %dma_wait3A_72 : memref<1x125xi32, #tpu.memory_space<vmem>> -> memref<125xi32, #tpu.memory_space<vmem>>
    %dma_wait3A_74 = arith.constant 0 : i32
    %dma_wait3A_75 = arith.constant 0 : i32
    %dma_wait3A_76 = tpu.memref_slice %arg2[%dma_wait3A_74, %dma_wait3A_75] : memref<10000x128xf32, #tpu.memory_space<hbm>> -> memref<10000x128xf32, #tpu.memory_space<hbm>>
    tpu.wait_indirect_dma semaphore(%arg13 : memref<!tpu.dma_semaphore, #tpu.memory_space<semaphore_mem>>) src(%dma_wait3A_76 : memref<10000x128xf32, #tpu.memory_space<hbm>>) dst(%arg10 : memref<125x128xf32, #tpu.memory_space<vmem>>)
    %run_scoped3A_77 = arith.constant 39 : i32
    "tpu.region"() ({
      %run_scoped3A_79 = tpu.sem_alloc : memref<!tpu.dma_semaphore, #tpu.memory_space<semaphore_mem>>
      %dma_start3A_80 = arith.constant 0 : i32
      %dma_start3A_81 = tpu.memref_slice %arg8[%run_scoped3A_77, %dma_start3A_80] : memref<40x125xi32, #tpu.memory_space<vmem>> -> memref<1x125xi32, #tpu.memory_space<vmem>>
      %dma_start3A_82 = tpu.memref_squeeze %dma_start3A_81 : memref<1x125xi32, #tpu.memory_space<vmem>> -> memref<125xi32, #tpu.memory_space<vmem>>
      %dma_start3A_83 = arith.constant 0 : i32
      %dma_start3A_84 = arith.constant 0 : i32
      %dma_start3A_85 = tpu.memref_slice %arg11[%dma_start3A_83, %dma_start3A_84] : memref<10240x128xf32, #tpu.memory_space<vmem_shared>> -> memref<10240x128xf32, #tpu.memory_space<vmem_shared>>
      tpu.enqueue_indirect_dma source(%arg10 : memref<125x128xf32, #tpu.memory_space<vmem>>) target(%dma_start3A_85 : memref<10240x128xf32, #tpu.memory_space<vmem_shared>>) offsets(%dma_start3A_82 : memref<125xi32, #tpu.memory_space<vmem>>) semaphore(%run_scoped3A_79 : memref<!tpu.dma_semaphore, #tpu.memory_space<semaphore_mem>>) {add = true}
      %dma_wait3A_86 = arith.constant 0 : i32
      %dma_wait3A_87 = tpu.memref_slice %arg8[%run_scoped3A_77, %dma_wait3A_86] : memref<40x125xi32, #tpu.memory_space<vmem>> -> memref<1x125xi32, #tpu.memory_space<vmem>>
      %dma_wait3A_88 = tpu.memref_squeeze %dma_wait3A_87 : memref<1x125xi32, #tpu.memory_space<vmem>> -> memref<125xi32, #tpu.memory_space<vmem>>
      %dma_wait3A_89 = arith.constant 0 : i32
      %dma_wait3A_90 = arith.constant 0 : i32
      %dma_wait3A_91 = tpu.memref_slice %arg11[%dma_wait3A_89, %dma_wait3A_90] : memref<10240x128xf32, #tpu.memory_space<vmem_shared>> -> memref<10240x128xf32, #tpu.memory_space<vmem_shared>>
      tpu.wait_indirect_dma semaphore(%run_scoped3A_79 : memref<!tpu.dma_semaphore, #tpu.memory_space<semaphore_mem>>) src(%arg10 : memref<125x128xf32, #tpu.memory_space<vmem>>) dst(%dma_wait3A_91 : memref<10240x128xf32, #tpu.memory_space<vmem_shared>>)
      tpu.yield
    }) : () -> ()
    %barrier3A_78 = arith.constant 0 : index
    tpu.barrier barrier_id(%barrier3A_78)
    "tpu.region"() ({
      %run_scoped3A_79 = tpu.sem_alloc : memref<!tpu.dma_semaphore, #tpu.memory_space<semaphore_mem>>
      %dma_start3A_80 = arith.constant 0 : i32
      %dma_start3A_81 = tpu.memref_slice %arg6[%arg0, %multiple_of3A_5, %dma_start3A_80] : memref<2x10240x128xf32, #tpu.memory_space<hbm>> -> memref<1x640x128xf32, #tpu.memory_space<hbm>>
      %dma_start3A_82 = tpu.memref_squeeze %dma_start3A_81 : memref<1x640x128xf32, #tpu.memory_space<hbm>> -> memref<640x128xf32, #tpu.memory_space<hbm>>
      %dma_start3A_83 = arith.constant 0 : i32
      %dma_start3A_84 = tpu.memref_slice %arg11[%multiple_of3A_5, %dma_start3A_83] : memref<10240x128xf32, #tpu.memory_space<vmem_shared>> -> memref<640x128xf32, #tpu.memory_space<vmem_shared>>
      tpu.enqueue_dma source(%dma_start3A_84 : memref<640x128xf32, #tpu.memory_space<vmem_shared>>) target(%dma_start3A_82 : memref<640x128xf32, #tpu.memory_space<hbm>>) target_semaphore(%run_scoped3A_79 : memref<!tpu.dma_semaphore, #tpu.memory_space<semaphore_mem>>)
      %dma_wait3A_85 = arith.constant 0 : i32
      %dma_wait3A_86 = tpu.memref_slice %arg6[%arg0, %multiple_of3A_5, %dma_wait3A_85] : memref<2x10240x128xf32, #tpu.memory_space<hbm>> -> memref<1x640x128xf32, #tpu.memory_space<hbm>>
      %dma_wait3A_87 = tpu.memref_squeeze %dma_wait3A_86 : memref<1x640x128xf32, #tpu.memory_space<hbm>> -> memref<640x128xf32, #tpu.memory_space<hbm>>
      %dma_wait3A_88 = arith.constant 0 : i32
      %dma_wait3A_89 = tpu.memref_slice %arg11[%multiple_of3A_5, %dma_wait3A_88] : memref<10240x128xf32, #tpu.memory_space<vmem_shared>> -> memref<640x128xf32, #tpu.memory_space<vmem_shared>>
      tpu.wait_dma2 semaphore(%run_scoped3A_79 : memref<!tpu.dma_semaphore, #tpu.memory_space<semaphore_mem>>) src(%dma_wait3A_89 : memref<640x128xf32, #tpu.memory_space<vmem_shared>>) dst(%dma_wait3A_87 : memref<640x128xf32, #tpu.memory_space<hbm>>)
      tpu.yield
    }) : () -> ()
    return
  }
}

module attributes {stable_mosaic.version = 14 : i64} {
  func.func @_tc_stage1(%arg0: i32, %arg1: memref<2000x128xf32, #tpu.memory_space<vmem>>, %arg2: memref<128x64xf32, #tpu.memory_space<vmem>>, %arg3: memref<1x64xf32, #tpu.memory_space<vmem>>, %arg4: memref<1x1xf32, #tpu.memory_space<vmem>>, %arg5: memref<2000x128xf32, #tpu.memory_space<vmem>>) attributes {dimension_semantics = [#tpu.dimension_semantics<arbitrary>], iteration_bounds = array<i64: 5>, scalar_prefetch = 0 : i64, scratch_operands = 0 : i64, tpu.core_type = #tpu.core_type<tc>, window_params = [{transform_indices = @transform_0, window_bounds = array<i64: 2000, 128>}, {pipeline_mode = #tpu.pipeline_mode<synchronous>, transform_indices = @transform_1, window_bounds = array<i64: 128, 64>}, {pipeline_mode = #tpu.pipeline_mode<synchronous>, transform_indices = @transform_2, window_bounds = array<i64: 1, 64>}, {pipeline_mode = #tpu.pipeline_mode<synchronous>, transform_indices = @transform_3, window_bounds = array<i64: 1, 1>}, {transform_indices = @transform_4, window_bounds = array<i64: 2000, 128>}]} {
    %get3A = arith.constant 0 : index
    %get3A_0 = arith.constant 0 : index
    %get3A_1 = vector.load %arg4[%get3A, %get3A_0] : memref<1x1xf32, #tpu.memory_space<vmem>>, vector<1x1xf32>
    %get3A_2 = vector.extract %get3A_1[0, 0] : f32 from vector<1x1xf32>
    %abs3A = math.absf %get3A_2 : f32
    %add3A = arith.constant 9.99999997E-7 : f32
    %add3A_3 = arith.addf %abs3A, %add3A : f32
    %get3A_4 = arith.constant 0 : index
    %get3A_5 = arith.constant 0 : index
    %get3A_6 = vector.load %arg1[%get3A_4, %get3A_5] : memref<2000x128xf32, #tpu.memory_space<vmem>>, vector<2000x128xf32>
    %sqrt3A = math.sqrt %add3A_3 : f32
    %mul3A = arith.mulf %get3A_6, %get3A_6 : vector<2000x128xf32>
    %reduce_sum3A = arith.constant dense<0.000000e+00> : vector<2000xf32>
    %reduce_sum3A_7 = vector.multi_reduction <add>, %mul3A, %reduce_sum3A [1] : vector<2000x128xf32> to vector<2000xf32>
    %broadcast_in_dim3A = vector.shape_cast %reduce_sum3A_7 : vector<2000xf32> to vector<2000x1xf32>
    %sqrt3A_8 = math.sqrt %broadcast_in_dim3A : vector<2000x1xf32>
    %jit3A = arith.constant 1.000000e-15 : f32
    %max3A = vector.broadcast %jit3A : f32 to vector<2000x1xf32>
    %max3A_9 = arith.maximumf %max3A, %sqrt3A_8 : vector<2000x1xf32>
    %mul3A_10 = vector.broadcast %sqrt3A : f32 to vector<2000x1xf32>
    %mul3A_11 = arith.mulf %mul3A_10, %max3A_9 : vector<2000x1xf32>
    %tanh3A = math.tanh %mul3A_11 : vector<2000x1xf32>
    %mul3A_12 = vector.broadcast %tanh3A : vector<2000x1xf32> to vector<2000x128xf32>
    %mul3A_13 = arith.mulf %mul3A_12, %get3A_6 : vector<2000x128xf32>
    %mul3A_14 = vector.broadcast %sqrt3A : f32 to vector<2000x1xf32>
    %mul3A_15 = arith.mulf %mul3A_14, %max3A_9 : vector<2000x1xf32>
    %div3A = vector.broadcast %mul3A_15 : vector<2000x1xf32> to vector<2000x128xf32>
    %div3A_16 = arith.divf %mul3A_13, %div3A : vector<2000x128xf32>
    %mul3A_17 = arith.mulf %div3A_16, %div3A_16 : vector<2000x128xf32>
    %reduce_sum3A_18 = arith.constant dense<0.000000e+00> : vector<2000xf32>
    %reduce_sum3A_19 = vector.multi_reduction <add>, %mul3A_17, %reduce_sum3A_18 [1] : vector<2000x128xf32> to vector<2000xf32>
    %broadcast_in_dim3A_20 = vector.shape_cast %reduce_sum3A_19 : vector<2000xf32> to vector<2000x1xf32>
    %sqrt3A_21 = math.sqrt %broadcast_in_dim3A_20 : vector<2000x1xf32>
    %jit3A_22 = arith.constant 1.000000e-15 : f32
    %max3A_23 = vector.broadcast %jit3A_22 : f32 to vector<2000x1xf32>
    %max3A_24 = arith.maximumf %max3A_23, %sqrt3A_21 : vector<2000x1xf32>
    %sqrt3A_25 = math.sqrt %add3A_3 : f32
    %div3A_26 = arith.constant 0.999989986 : f32
    %div3A_27 = arith.divf %div3A_26, %sqrt3A_25 : f32
    %gt3A = vector.broadcast %div3A_27 : f32 to vector<2000x1xf32>
    %gt3A_28 = arith.cmpf ogt, %max3A_24, %gt3A : vector<2000x1xf32>
    %div3A_29 = vector.broadcast %max3A_24 : vector<2000x1xf32> to vector<2000x128xf32>
    %div3A_30 = arith.divf %div3A_16, %div3A_29 : vector<2000x128xf32>
    %mul3A_31 = vector.broadcast %div3A_27 : f32 to vector<2000x128xf32>
    %mul3A_32 = arith.mulf %div3A_30, %mul3A_31 : vector<2000x128xf32>
    %broadcast_in_dim3A_33 = vector.shape_cast %gt3A_28 : vector<2000x1xi1> to vector<2000x1xi1>
    %broadcast_in_dim3A_34 = vector.broadcast %broadcast_in_dim3A_33 : vector<2000x1xi1> to vector<2000x128xi1>
    %select_n3A = arith.select %broadcast_in_dim3A_34, %mul3A_32, %div3A_16 : vector<2000x128xi1>, vector<2000x128xf32>
    %get3A_35 = arith.constant 0 : index
    %get3A_36 = arith.constant 0 : index
    %get3A_37 = vector.load %arg2[%get3A_35, %get3A_36] : memref<128x64xf32, #tpu.memory_space<vmem>>, vector<128x64xf32>
    %get3A_38 = arith.constant 0 : index
    %get3A_39 = arith.constant 0 : index
    %get3A_40 = vector.load %arg3[%get3A_38, %get3A_39] : memref<1x64xf32, #tpu.memory_space<vmem>>, vector<1x64xf32>
    %sqrt3A_41 = math.sqrt %add3A_3 : f32
    %mul3A_42 = arith.mulf %select_n3A, %select_n3A : vector<2000x128xf32>
    %reduce_sum3A_43 = arith.constant dense<0.000000e+00> : vector<2000xf32>
    %reduce_sum3A_44 = vector.multi_reduction <add>, %mul3A_42, %reduce_sum3A_43 [1] : vector<2000x128xf32> to vector<2000xf32>
    %broadcast_in_dim3A_45 = vector.shape_cast %reduce_sum3A_44 : vector<2000xf32> to vector<2000x1xf32>
    %sqrt3A_46 = math.sqrt %broadcast_in_dim3A_45 : vector<2000x1xf32>
    %jit3A_47 = arith.constant 1.000000e-15 : f32
    %max3A_48 = vector.broadcast %jit3A_47 : f32 to vector<2000x1xf32>
    %max3A_49 = arith.maximumf %max3A_48, %sqrt3A_46 : vector<2000x1xf32>
    %dot_general3A = arith.constant dense<0.000000e+00> : vector<2000x64xf32>
    %dot_general3A_50 = tpu.matmul %select_n3A, %get3A_37, %dot_general3A {dimension_numbers = #tpu.dot_dimension_numbers<[1], [0], [0], [1], [0, 0, 1, 1], [], []>, transpose_lhs_hint = false} : vector<2000x128xf32>, vector<128x64xf32>, vector<2000x64xf32> -> vector<2000x64xf32>
    %mul3A_51 = arith.mulf %dot_general3A_50, %dot_general3A_50 : vector<2000x64xf32>
    %reduce_sum3A_52 = arith.constant dense<0.000000e+00> : vector<2000xf32>
    %reduce_sum3A_53 = vector.multi_reduction <add>, %mul3A_51, %reduce_sum3A_52 [1] : vector<2000x64xf32> to vector<2000xf32>
    %broadcast_in_dim3A_54 = vector.shape_cast %reduce_sum3A_53 : vector<2000xf32> to vector<2000x1xf32>
    %sqrt3A_55 = math.sqrt %broadcast_in_dim3A_54 : vector<2000x1xf32>
    %jit3A_56 = arith.constant 1.000000e-15 : f32
    %max3A_57 = vector.broadcast %jit3A_56 : f32 to vector<2000x1xf32>
    %max3A_58 = arith.maximumf %max3A_57, %sqrt3A_55 : vector<2000x1xf32>
    %div3A_59 = arith.divf %max3A_58, %max3A_49 : vector<2000x1xf32>
    %mul3A_60 = vector.broadcast %sqrt3A_41 : f32 to vector<2000x1xf32>
    %mul3A_61 = arith.mulf %mul3A_60, %max3A_49 : vector<2000x1xf32>
    %jit3A_62 = arith.constant -0.99999988 : f32
    %jit3A_63 = arith.constant 0.99999988 : f32
    %max3A_64 = vector.broadcast %jit3A_62 : f32 to vector<2000x1xf32>
    %max3A_65 = arith.maximumf %max3A_64, %mul3A_61 : vector<2000x1xf32>
    %min3A = vector.broadcast %jit3A_63 : f32 to vector<2000x1xf32>
    %min3A_66 = arith.minimumf %min3A, %max3A_65 : vector<2000x1xf32>
    %add3A_67 = arith.constant 1.000000e+00 : f32
    %add3A_68 = vector.broadcast %add3A_67 : f32 to vector<2000x1xf32>
    %add3A_69 = arith.addf %add3A_68, %min3A_66 : vector<2000x1xf32>
    %sub3A = arith.constant 1.000000e+00 : f32
    %sub3A_70 = vector.broadcast %sub3A : f32 to vector<2000x1xf32>
    %sub3A_71 = arith.subf %sub3A_70, %min3A_66 : vector<2000x1xf32>
    %div3A_72 = arith.divf %add3A_69, %sub3A_71 : vector<2000x1xf32>
    %log3A = math.log %div3A_72 : vector<2000x1xf32>
    %mul3A_73 = arith.constant 5.000000e-01 : f32
    %mul3A_74 = vector.broadcast %mul3A_73 : f32 to vector<2000x1xf32>
    %mul3A_75 = arith.mulf %mul3A_74, %log3A : vector<2000x1xf32>
    %mul3A_76 = arith.mulf %div3A_59, %mul3A_75 : vector<2000x1xf32>
    %tanh3A_77 = math.tanh %mul3A_76 : vector<2000x1xf32>
    %mul3A_78 = vector.broadcast %tanh3A_77 : vector<2000x1xf32> to vector<2000x64xf32>
    %mul3A_79 = arith.mulf %mul3A_78, %dot_general3A_50 : vector<2000x64xf32>
    %mul3A_80 = vector.broadcast %sqrt3A_41 : f32 to vector<2000x1xf32>
    %mul3A_81 = arith.mulf %max3A_58, %mul3A_80 : vector<2000x1xf32>
    %div3A_82 = vector.broadcast %mul3A_81 : vector<2000x1xf32> to vector<2000x64xf32>
    %div3A_83 = arith.divf %mul3A_79, %div3A_82 : vector<2000x64xf32>
    %mul3A_84 = arith.mulf %div3A_83, %div3A_83 : vector<2000x64xf32>
    %reduce_sum3A_85 = arith.constant dense<0.000000e+00> : vector<2000xf32>
    %reduce_sum3A_86 = vector.multi_reduction <add>, %mul3A_84, %reduce_sum3A_85 [1] : vector<2000x64xf32> to vector<2000xf32>
    %broadcast_in_dim3A_87 = vector.shape_cast %reduce_sum3A_86 : vector<2000xf32> to vector<2000x1xf32>
    %sqrt3A_88 = math.sqrt %broadcast_in_dim3A_87 : vector<2000x1xf32>
    %jit3A_89 = arith.constant 1.000000e-15 : f32
    %max3A_90 = vector.broadcast %jit3A_89 : f32 to vector<2000x1xf32>
    %max3A_91 = arith.maximumf %max3A_90, %sqrt3A_88 : vector<2000x1xf32>
    %sqrt3A_92 = math.sqrt %add3A_3 : f32
    %div3A_93 = arith.constant 0.999989986 : f32
    %div3A_94 = arith.divf %div3A_93, %sqrt3A_92 : f32
    %gt3A_95 = vector.broadcast %div3A_94 : f32 to vector<2000x1xf32>
    %gt3A_96 = arith.cmpf ogt, %max3A_91, %gt3A_95 : vector<2000x1xf32>
    %div3A_97 = vector.broadcast %max3A_91 : vector<2000x1xf32> to vector<2000x64xf32>
    %div3A_98 = arith.divf %div3A_83, %div3A_97 : vector<2000x64xf32>
    %mul3A_99 = vector.broadcast %div3A_94 : f32 to vector<2000x64xf32>
    %mul3A_100 = arith.mulf %div3A_98, %mul3A_99 : vector<2000x64xf32>
    %broadcast_in_dim3A_101 = vector.shape_cast %gt3A_96 : vector<2000x1xi1> to vector<2000x1xi1>
    %broadcast_in_dim3A_102 = vector.broadcast %broadcast_in_dim3A_101 : vector<2000x1xi1> to vector<2000x64xi1>
    %select_n3A_103 = arith.select %broadcast_in_dim3A_102, %mul3A_100, %div3A_83 : vector<2000x64xi1>, vector<2000x64xf32>
    %sqrt3A_104 = math.sqrt %add3A_3 : f32
    %mul3A_105 = arith.mulf %get3A_40, %get3A_40 : vector<1x64xf32>
    %reduce_sum3A_106 = arith.constant dense<0.000000e+00> : vector<1xf32>
    %reduce_sum3A_107 = vector.multi_reduction <add>, %mul3A_105, %reduce_sum3A_106 [1] : vector<1x64xf32> to vector<1xf32>
    %broadcast_in_dim3A_108 = vector.shape_cast %reduce_sum3A_107 : vector<1xf32> to vector<1x1xf32>
    %sqrt3A_109 = math.sqrt %broadcast_in_dim3A_108 : vector<1x1xf32>
    %jit3A_110 = arith.constant 1.000000e-15 : f32
    %max3A_111 = vector.broadcast %jit3A_110 : f32 to vector<1x1xf32>
    %max3A_112 = arith.maximumf %max3A_111, %sqrt3A_109 : vector<1x1xf32>
    %mul3A_113 = vector.broadcast %sqrt3A_104 : f32 to vector<1x1xf32>
    %mul3A_114 = arith.mulf %mul3A_113, %max3A_112 : vector<1x1xf32>
    %tanh3A_115 = math.tanh %mul3A_114 : vector<1x1xf32>
    %mul3A_116 = vector.broadcast %tanh3A_115 : vector<1x1xf32> to vector<1x64xf32>
    %mul3A_117 = arith.mulf %mul3A_116, %get3A_40 : vector<1x64xf32>
    %mul3A_118 = vector.broadcast %sqrt3A_104 : f32 to vector<1x1xf32>
    %mul3A_119 = arith.mulf %mul3A_118, %max3A_112 : vector<1x1xf32>
    %div3A_120 = vector.broadcast %mul3A_119 : vector<1x1xf32> to vector<1x64xf32>
    %div3A_121 = arith.divf %mul3A_117, %div3A_120 : vector<1x64xf32>
    %mul3A_122 = arith.mulf %div3A_121, %div3A_121 : vector<1x64xf32>
    %reduce_sum3A_123 = arith.constant dense<0.000000e+00> : vector<1xf32>
    %reduce_sum3A_124 = vector.multi_reduction <add>, %mul3A_122, %reduce_sum3A_123 [1] : vector<1x64xf32> to vector<1xf32>
    %broadcast_in_dim3A_125 = vector.shape_cast %reduce_sum3A_124 : vector<1xf32> to vector<1x1xf32>
    %sqrt3A_126 = math.sqrt %broadcast_in_dim3A_125 : vector<1x1xf32>
    %jit3A_127 = arith.constant 1.000000e-15 : f32
    %max3A_128 = vector.broadcast %jit3A_127 : f32 to vector<1x1xf32>
    %max3A_129 = arith.maximumf %max3A_128, %sqrt3A_126 : vector<1x1xf32>
    %sqrt3A_130 = math.sqrt %add3A_3 : f32
    %div3A_131 = arith.constant 0.999989986 : f32
    %div3A_132 = arith.divf %div3A_131, %sqrt3A_130 : f32
    %gt3A_133 = vector.broadcast %div3A_132 : f32 to vector<1x1xf32>
    %gt3A_134 = arith.cmpf ogt, %max3A_129, %gt3A_133 : vector<1x1xf32>
    %div3A_135 = vector.broadcast %max3A_129 : vector<1x1xf32> to vector<1x64xf32>
    %div3A_136 = arith.divf %div3A_121, %div3A_135 : vector<1x64xf32>
    %mul3A_137 = vector.broadcast %div3A_132 : f32 to vector<1x64xf32>
    %mul3A_138 = arith.mulf %div3A_136, %mul3A_137 : vector<1x64xf32>
    %broadcast_in_dim3A_139 = vector.shape_cast %gt3A_134 : vector<1x1xi1> to vector<1x1xi1>
    %broadcast_in_dim3A_140 = vector.broadcast %broadcast_in_dim3A_139 : vector<1x1xi1> to vector<1x64xi1>
    %select_n3A_141 = arith.select %broadcast_in_dim3A_140, %mul3A_138, %div3A_121 : vector<1x64xi1>, vector<1x64xf32>
    %mul3A_142 = arith.mulf %select_n3A_103, %select_n3A_103 : vector<2000x64xf32>
    %reduce_sum3A_143 = arith.constant dense<0.000000e+00> : vector<2000xf32>
    %reduce_sum3A_144 = vector.multi_reduction <add>, %mul3A_142, %reduce_sum3A_143 [1] : vector<2000x64xf32> to vector<2000xf32>
    %broadcast_in_dim3A_145 = vector.shape_cast %reduce_sum3A_144 : vector<2000xf32> to vector<2000x1xf32>
    %mul3A_146 = arith.mulf %select_n3A_141, %select_n3A_141 : vector<1x64xf32>
    %reduce_sum3A_147 = arith.constant dense<0.000000e+00> : vector<1xf32>
    %reduce_sum3A_148 = vector.multi_reduction <add>, %mul3A_146, %reduce_sum3A_147 [1] : vector<1x64xf32> to vector<1xf32>
    %broadcast_in_dim3A_149 = vector.shape_cast %reduce_sum3A_148 : vector<1xf32> to vector<1x1xf32>
    %mul3A_150 = vector.broadcast %select_n3A_141 : vector<1x64xf32> to vector<2000x64xf32>
    %mul3A_151 = arith.mulf %select_n3A_103, %mul3A_150 : vector<2000x64xf32>
    %reduce_sum3A_152 = arith.constant dense<0.000000e+00> : vector<2000xf32>
    %reduce_sum3A_153 = vector.multi_reduction <add>, %mul3A_151, %reduce_sum3A_152 [1] : vector<2000x64xf32> to vector<2000xf32>
    %broadcast_in_dim3A_154 = vector.shape_cast %reduce_sum3A_153 : vector<2000xf32> to vector<2000x1xf32>
    %mul3A_155 = arith.constant 2.000000e+00 : f32
    %mul3A_156 = arith.mulf %mul3A_155, %add3A_3 : f32
    %mul3A_157 = vector.broadcast %mul3A_156 : f32 to vector<2000x1xf32>
    %mul3A_158 = arith.mulf %mul3A_157, %broadcast_in_dim3A_154 : vector<2000x1xf32>
    %add3A_159 = arith.constant 1.000000e+00 : f32
    %add3A_160 = vector.broadcast %add3A_159 : f32 to vector<2000x1xf32>
    %add3A_161 = arith.addf %add3A_160, %mul3A_158 : vector<2000x1xf32>
    %mul3A_162 = vector.broadcast %add3A_3 : f32 to vector<1x1xf32>
    %mul3A_163 = arith.mulf %mul3A_162, %broadcast_in_dim3A_149 : vector<1x1xf32>
    %add3A_164 = vector.broadcast %mul3A_163 : vector<1x1xf32> to vector<2000x1xf32>
    %add3A_165 = arith.addf %add3A_161, %add3A_164 : vector<2000x1xf32>
    %mul3A_166 = vector.broadcast %add3A_165 : vector<2000x1xf32> to vector<2000x64xf32>
    %mul3A_167 = arith.mulf %mul3A_166, %select_n3A_103 : vector<2000x64xf32>
    %mul3A_168 = vector.broadcast %add3A_3 : f32 to vector<2000x1xf32>
    %mul3A_169 = arith.mulf %mul3A_168, %broadcast_in_dim3A_145 : vector<2000x1xf32>
    %sub3A_170 = arith.constant 1.000000e+00 : f32
    %sub3A_171 = vector.broadcast %sub3A_170 : f32 to vector<2000x1xf32>
    %sub3A_172 = arith.subf %sub3A_171, %mul3A_169 : vector<2000x1xf32>
    %mul3A_173 = vector.broadcast %sub3A_172 : vector<2000x1xf32> to vector<2000x64xf32>
    %mul3A_174 = vector.broadcast %select_n3A_141 : vector<1x64xf32> to vector<2000x64xf32>
    %mul3A_175 = arith.mulf %mul3A_173, %mul3A_174 : vector<2000x64xf32>
    %add3A_176 = arith.addf %mul3A_167, %mul3A_175 : vector<2000x64xf32>
    %mul3A_177 = arith.constant 2.000000e+00 : f32
    %mul3A_178 = arith.mulf %mul3A_177, %add3A_3 : f32
    %mul3A_179 = vector.broadcast %mul3A_178 : f32 to vector<2000x1xf32>
    %mul3A_180 = arith.mulf %mul3A_179, %broadcast_in_dim3A_154 : vector<2000x1xf32>
    %add3A_181 = arith.constant 1.000000e+00 : f32
    %add3A_182 = vector.broadcast %add3A_181 : f32 to vector<2000x1xf32>
    %add3A_183 = arith.addf %add3A_182, %mul3A_180 : vector<2000x1xf32>
    %mul3A_184 = arith.mulf %add3A_3, %add3A_3 : f32
    %mul3A_185 = vector.broadcast %mul3A_184 : f32 to vector<2000x1xf32>
    %mul3A_186 = arith.mulf %mul3A_185, %broadcast_in_dim3A_145 : vector<2000x1xf32>
    %mul3A_187 = vector.broadcast %broadcast_in_dim3A_149 : vector<1x1xf32> to vector<2000x1xf32>
    %mul3A_188 = arith.mulf %mul3A_186, %mul3A_187 : vector<2000x1xf32>
    %add3A_189 = arith.addf %add3A_183, %mul3A_188 : vector<2000x1xf32>
    %jit3A_190 = arith.constant 1.000000e-15 : f32
    %max3A_191 = vector.broadcast %jit3A_190 : f32 to vector<2000x1xf32>
    %max3A_192 = arith.maximumf %max3A_191, %add3A_189 : vector<2000x1xf32>
    %div3A_193 = vector.broadcast %max3A_192 : vector<2000x1xf32> to vector<2000x64xf32>
    %div3A_194 = arith.divf %add3A_176, %div3A_193 : vector<2000x64xf32>
    %mul3A_195 = arith.mulf %div3A_194, %div3A_194 : vector<2000x64xf32>
    %reduce_sum3A_196 = arith.constant dense<0.000000e+00> : vector<2000xf32>
    %reduce_sum3A_197 = vector.multi_reduction <add>, %mul3A_195, %reduce_sum3A_196 [1] : vector<2000x64xf32> to vector<2000xf32>
    %broadcast_in_dim3A_198 = vector.shape_cast %reduce_sum3A_197 : vector<2000xf32> to vector<2000x1xf32>
    %sqrt3A_199 = math.sqrt %broadcast_in_dim3A_198 : vector<2000x1xf32>
    %jit3A_200 = arith.constant 1.000000e-15 : f32
    %max3A_201 = vector.broadcast %jit3A_200 : f32 to vector<2000x1xf32>
    %max3A_202 = arith.maximumf %max3A_201, %sqrt3A_199 : vector<2000x1xf32>
    %sqrt3A_203 = math.sqrt %add3A_3 : f32
    %div3A_204 = arith.constant 0.999989986 : f32
    %div3A_205 = arith.divf %div3A_204, %sqrt3A_203 : f32
    %gt3A_206 = vector.broadcast %div3A_205 : f32 to vector<2000x1xf32>
    %gt3A_207 = arith.cmpf ogt, %max3A_202, %gt3A_206 : vector<2000x1xf32>
    %div3A_208 = vector.broadcast %max3A_202 : vector<2000x1xf32> to vector<2000x64xf32>
    %div3A_209 = arith.divf %div3A_194, %div3A_208 : vector<2000x64xf32>
    %mul3A_210 = vector.broadcast %div3A_205 : f32 to vector<2000x64xf32>
    %mul3A_211 = arith.mulf %div3A_209, %mul3A_210 : vector<2000x64xf32>
    %broadcast_in_dim3A_212 = vector.shape_cast %gt3A_207 : vector<2000x1xi1> to vector<2000x1xi1>
    %broadcast_in_dim3A_213 = vector.broadcast %broadcast_in_dim3A_212 : vector<2000x1xi1> to vector<2000x64xi1>
    %select_n3A_214 = arith.select %broadcast_in_dim3A_213, %mul3A_211, %div3A_194 : vector<2000x64xi1>, vector<2000x64xf32>
    %sqrt3A_215 = math.sqrt %add3A_3 : f32
    %mul3A_216 = arith.mulf %select_n3A_214, %select_n3A_214 : vector<2000x64xf32>
    %reduce_sum3A_217 = arith.constant dense<0.000000e+00> : vector<2000xf32>
    %reduce_sum3A_218 = vector.multi_reduction <add>, %mul3A_216, %reduce_sum3A_217 [1] : vector<2000x64xf32> to vector<2000xf32>
    %broadcast_in_dim3A_219 = vector.shape_cast %reduce_sum3A_218 : vector<2000xf32> to vector<2000x1xf32>
    %sqrt3A_220 = math.sqrt %broadcast_in_dim3A_219 : vector<2000x1xf32>
    %jit3A_221 = arith.constant 1.000000e-15 : f32
    %max3A_222 = vector.broadcast %jit3A_221 : f32 to vector<2000x1xf32>
    %max3A_223 = arith.maximumf %max3A_222, %sqrt3A_220 : vector<2000x1xf32>
    %mul3A_224 = vector.broadcast %sqrt3A_215 : f32 to vector<2000x1xf32>
    %mul3A_225 = arith.mulf %mul3A_224, %max3A_223 : vector<2000x1xf32>
    %jit3A_226 = arith.constant -0.99999988 : f32
    %jit3A_227 = arith.constant 0.99999988 : f32
    %max3A_228 = vector.broadcast %jit3A_226 : f32 to vector<2000x1xf32>
    %max3A_229 = arith.maximumf %max3A_228, %mul3A_225 : vector<2000x1xf32>
    %min3A_230 = vector.broadcast %jit3A_227 : f32 to vector<2000x1xf32>
    %min3A_231 = arith.minimumf %min3A_230, %max3A_229 : vector<2000x1xf32>
    %add3A_232 = arith.constant 1.000000e+00 : f32
    %add3A_233 = vector.broadcast %add3A_232 : f32 to vector<2000x1xf32>
    %add3A_234 = arith.addf %add3A_233, %min3A_231 : vector<2000x1xf32>
    %sub3A_235 = arith.constant 1.000000e+00 : f32
    %sub3A_236 = vector.broadcast %sub3A_235 : f32 to vector<2000x1xf32>
    %sub3A_237 = arith.subf %sub3A_236, %min3A_231 : vector<2000x1xf32>
    %div3A_238 = arith.divf %add3A_234, %sub3A_237 : vector<2000x1xf32>
    %log3A_239 = math.log %div3A_238 : vector<2000x1xf32>
    %mul3A_240 = arith.constant 5.000000e-01 : f32
    %mul3A_241 = vector.broadcast %mul3A_240 : f32 to vector<2000x1xf32>
    %mul3A_242 = arith.mulf %mul3A_241, %log3A_239 : vector<2000x1xf32>
    %mul3A_243 = vector.broadcast %mul3A_242 : vector<2000x1xf32> to vector<2000x64xf32>
    %mul3A_244 = arith.mulf %mul3A_243, %select_n3A_214 : vector<2000x64xf32>
    %mul3A_245 = vector.broadcast %sqrt3A_215 : f32 to vector<2000x1xf32>
    %mul3A_246 = arith.mulf %mul3A_245, %max3A_223 : vector<2000x1xf32>
    %div3A_247 = vector.broadcast %mul3A_246 : vector<2000x1xf32> to vector<2000x64xf32>
    %div3A_248 = arith.divf %mul3A_244, %div3A_247 : vector<2000x64xf32>
    %broadcast_in_dim3A_249 = arith.constant 1.000000e+00 : f32
    %broadcast_in_dim3A_250 = vector.broadcast %broadcast_in_dim3A_249 : f32 to vector<2000x8xf32>
    %broadcast_in_dim3A_251 = arith.constant 0.000000e+00 : f32
    %broadcast_in_dim3A_252 = vector.broadcast %broadcast_in_dim3A_251 : f32 to vector<2000x56xf32>
    %concatenate3A = tpu.concatenate %div3A_248, %broadcast_in_dim3A_250, %broadcast_in_dim3A_252 in 1 : vector<2000x64xf32>, vector<2000x8xf32>, vector<2000x56xf32> -> vector<2000x128xf32>
    %swap3A = arith.constant 0 : index
    %swap3A_253 = arith.constant 0 : index
    %swap3A_254 = vector.load %arg5[%swap3A, %swap3A_253] : memref<2000x128xf32, #tpu.memory_space<vmem>>, vector<2000x128xf32>
    tpu.vector_store %arg5[%swap3A, %swap3A_253], %concatenate3A {strides = array<i32>} : memref<2000x128xf32, #tpu.memory_space<vmem>>, vector<2000x128xf32>,
    return
  }
  func.func @transform_0(%arg0: i32) -> (i32, i32) {
    %c0_i32 = arith.constant 0 : i32
    %c0_i32_0 = arith.constant 0 : i32
    return %arg0, %c0_i32 : i32, i32
  }
  func.func @transform_1(%arg0: i32) -> (i32, i32) {
    %c0_i32 = arith.constant 0 : i32
    %c0_i32_0 = arith.constant 0 : i32
    %c0_i32_1 = arith.constant 0 : i32
    return %c0_i32, %c0_i32_0 : i32, i32
  }
  func.func @transform_2(%arg0: i32) -> (i32, i32) {
    %c0_i32 = arith.constant 0 : i32
    %c0_i32_0 = arith.constant 0 : i32
    %c0_i32_1 = arith.constant 0 : i32
    return %c0_i32, %c0_i32_0 : i32, i32
  }
  func.func @transform_3(%arg0: i32) -> (i32, i32) {
    %c0_i32 = arith.constant 0 : i32
    %c0_i32_0 = arith.constant 0 : i32
    %c0_i32_1 = arith.constant 0 : i32
    return %c0_i32, %c0_i32_0 : i32, i32
  }
  func.func @transform_4(%arg0: i32) -> (i32, i32) {
    %c0_i32 = arith.constant 0 : i32
    %c0_i32_0 = arith.constant 0 : i32
    return %arg0, %c0_i32 : i32, i32
  }
}

module attributes {stable_mosaic.version = 14 : i64} {
  func.func @_tc_stage2(%arg0: i32, %arg1: memref<2x2000x128xf32, #tpu.memory_space<vmem>>, %arg2: memref<64x32xf32, #tpu.memory_space<vmem>>, %arg3: memref<1x32xf32, #tpu.memory_space<vmem>>, %arg4: memref<1x1xf32, #tpu.memory_space<vmem>>, %arg5: memref<2000x128xf32, #tpu.memory_space<vmem>>, %arg6: memref<2000x8xf32, #tpu.memory_space<vmem>>) attributes {dimension_semantics = [#tpu.dimension_semantics<arbitrary>], iteration_bounds = array<i64: 5>, scalar_prefetch = 0 : i64, scratch_operands = 0 : i64, tpu.core_type = #tpu.core_type<tc>, window_params = [{transform_indices = @transform_0, window_bounds = array<i64: 2, 2000, 128>}, {pipeline_mode = #tpu.pipeline_mode<synchronous>, transform_indices = @transform_1, window_bounds = array<i64: 64, 32>}, {pipeline_mode = #tpu.pipeline_mode<synchronous>, transform_indices = @transform_2, window_bounds = array<i64: 1, 32>}, {pipeline_mode = #tpu.pipeline_mode<synchronous>, transform_indices = @transform_3, window_bounds = array<i64: 1, 1>}, {transform_indices = @transform_4, window_bounds = array<i64: 2000, 128>}, {transform_indices = @transform_5, window_bounds = array<i64: 2000, 8>}]} {
    %get3A = arith.constant 0 : index
    %get3A_0 = arith.constant 0 : index
    %get3A_1 = vector.load %arg4[%get3A, %get3A_0] : memref<1x1xf32, #tpu.memory_space<vmem>>, vector<1x1xf32>
    %get3A_2 = vector.extract %get3A_1[0, 0] : f32 from vector<1x1xf32>
    %abs3A = math.absf %get3A_2 : f32
    %add3A = arith.constant 9.99999997E-7 : f32
    %add3A_3 = arith.addf %abs3A, %add3A : f32
    %get3A_4 = arith.constant 0 : index
    %get3A_5 = arith.constant 0 : index
    %get3A_6 = arith.constant 0 : index
    %get3A_7 = vector.load %arg1[%get3A_4, %get3A_5, %get3A_6] : memref<2x2000x128xf32, #tpu.memory_space<vmem>>, vector<1x2000x64xf32>
    %get3A_8 = vector.shape_cast %get3A_7 : vector<1x2000x64xf32> to vector<2000x64xf32>
    %get3A_9 = arith.constant 1 : index
    %get3A_10 = arith.constant 0 : index
    %get3A_11 = arith.constant 0 : index
    %get3A_12 = vector.load %arg1[%get3A_9, %get3A_10, %get3A_11] : memref<2x2000x128xf32, #tpu.memory_space<vmem>>, vector<1x2000x64xf32>
    %get3A_13 = vector.shape_cast %get3A_12 : vector<1x2000x64xf32> to vector<2000x64xf32>
    %add3A_14 = arith.addf %get3A_8, %get3A_13 : vector<2000x64xf32>
    %get3A_15 = arith.constant 0 : index
    %get3A_16 = arith.constant 0 : index
    %get3A_17 = arith.constant 64 : index
    %get3A_18 = vector.load %arg1[%get3A_15, %get3A_16, %get3A_17] : memref<2x2000x128xf32, #tpu.memory_space<vmem>>, vector<1x2000x1xf32>
    %get3A_19 = vector.shape_cast %get3A_18 : vector<1x2000x1xf32> to vector<2000x1xf32>
    %get3A_20 = arith.constant 1 : index
    %get3A_21 = arith.constant 0 : index
    %get3A_22 = arith.constant 64 : index
    %get3A_23 = vector.load %arg1[%get3A_20, %get3A_21, %get3A_22] : memref<2x2000x128xf32, #tpu.memory_space<vmem>>, vector<1x2000x1xf32>
    %get3A_24 = vector.shape_cast %get3A_23 : vector<1x2000x1xf32> to vector<2000x1xf32>
    %add3A_25 = arith.addf %get3A_19, %get3A_24 : vector<2000x1xf32>
    %jit3A = arith.constant 1.000000e+00 : f32
    %max3A = vector.broadcast %jit3A : f32 to vector<2000x1xf32>
    %max3A_26 = arith.maximumf %max3A, %add3A_25 : vector<2000x1xf32>
    %div3A = vector.broadcast %max3A_26 : vector<2000x1xf32> to vector<2000x64xf32>
    %div3A_27 = arith.divf %add3A_14, %div3A : vector<2000x64xf32>
    %max3A_28 = arith.constant 0.000000e+00 : f32
    %max3A_29 = vector.broadcast %max3A_28 : f32 to vector<2000x64xf32>
    %max3A_30 = arith.maximumf %div3A_27, %max3A_29 : vector<2000x64xf32>
    %sqrt3A = math.sqrt %add3A_3 : f32
    %mul3A = arith.mulf %max3A_30, %max3A_30 : vector<2000x64xf32>
    %reduce_sum3A = arith.constant dense<0.000000e+00> : vector<2000xf32>
    %reduce_sum3A_31 = vector.multi_reduction <add>, %mul3A, %reduce_sum3A [1] : vector<2000x64xf32> to vector<2000xf32>
    %broadcast_in_dim3A = vector.shape_cast %reduce_sum3A_31 : vector<2000xf32> to vector<2000x1xf32>
    %sqrt3A_32 = math.sqrt %broadcast_in_dim3A : vector<2000x1xf32>
    %jit3A_33 = arith.constant 1.000000e-15 : f32
    %max3A_34 = vector.broadcast %jit3A_33 : f32 to vector<2000x1xf32>
    %max3A_35 = arith.maximumf %max3A_34, %sqrt3A_32 : vector<2000x1xf32>
    %mul3A_36 = vector.broadcast %sqrt3A : f32 to vector<2000x1xf32>
    %mul3A_37 = arith.mulf %mul3A_36, %max3A_35 : vector<2000x1xf32>
    %tanh3A = math.tanh %mul3A_37 : vector<2000x1xf32>
    %mul3A_38 = vector.broadcast %tanh3A : vector<2000x1xf32> to vector<2000x64xf32>
    %mul3A_39 = arith.mulf %mul3A_38, %max3A_30 : vector<2000x64xf32>
    %mul3A_40 = vector.broadcast %sqrt3A : f32 to vector<2000x1xf32>
    %mul3A_41 = arith.mulf %mul3A_40, %max3A_35 : vector<2000x1xf32>
    %div3A_42 = vector.broadcast %mul3A_41 : vector<2000x1xf32> to vector<2000x64xf32>
    %div3A_43 = arith.divf %mul3A_39, %div3A_42 : vector<2000x64xf32>
    %mul3A_44 = arith.mulf %div3A_43, %div3A_43 : vector<2000x64xf32>
    %reduce_sum3A_45 = arith.constant dense<0.000000e+00> : vector<2000xf32>
    %reduce_sum3A_46 = vector.multi_reduction <add>, %mul3A_44, %reduce_sum3A_45 [1] : vector<2000x64xf32> to vector<2000xf32>
    %broadcast_in_dim3A_47 = vector.shape_cast %reduce_sum3A_46 : vector<2000xf32> to vector<2000x1xf32>
    %sqrt3A_48 = math.sqrt %broadcast_in_dim3A_47 : vector<2000x1xf32>
    %jit3A_49 = arith.constant 1.000000e-15 : f32
    %max3A_50 = vector.broadcast %jit3A_49 : f32 to vector<2000x1xf32>
    %max3A_51 = arith.maximumf %max3A_50, %sqrt3A_48 : vector<2000x1xf32>
    %sqrt3A_52 = math.sqrt %add3A_3 : f32
    %div3A_53 = arith.constant 0.999989986 : f32
    %div3A_54 = arith.divf %div3A_53, %sqrt3A_52 : f32
    %gt3A = vector.broadcast %div3A_54 : f32 to vector<2000x1xf32>
    %gt3A_55 = arith.cmpf ogt, %max3A_51, %gt3A : vector<2000x1xf32>
    %div3A_56 = vector.broadcast %max3A_51 : vector<2000x1xf32> to vector<2000x64xf32>
    %div3A_57 = arith.divf %div3A_43, %div3A_56 : vector<2000x64xf32>
    %mul3A_58 = vector.broadcast %div3A_54 : f32 to vector<2000x64xf32>
    %mul3A_59 = arith.mulf %div3A_57, %mul3A_58 : vector<2000x64xf32>
    %broadcast_in_dim3A_60 = vector.shape_cast %gt3A_55 : vector<2000x1xi1> to vector<2000x1xi1>
    %broadcast_in_dim3A_61 = vector.broadcast %broadcast_in_dim3A_60 : vector<2000x1xi1> to vector<2000x64xi1>
    %select_n3A = arith.select %broadcast_in_dim3A_61, %mul3A_59, %div3A_43 : vector<2000x64xi1>, vector<2000x64xf32>
    %get3A_62 = arith.constant 0 : index
    %get3A_63 = arith.constant 0 : index
    %get3A_64 = vector.load %arg2[%get3A_62, %get3A_63] : memref<64x32xf32, #tpu.memory_space<vmem>>, vector<64x32xf32>
    %get3A_65 = arith.constant 0 : index
    %get3A_66 = arith.constant 0 : index
    %get3A_67 = vector.load %arg3[%get3A_65, %get3A_66] : memref<1x32xf32, #tpu.memory_space<vmem>>, vector<1x32xf32>
    %sqrt3A_68 = math.sqrt %add3A_3 : f32
    %mul3A_69 = arith.mulf %select_n3A, %select_n3A : vector<2000x64xf32>
    %reduce_sum3A_70 = arith.constant dense<0.000000e+00> : vector<2000xf32>
    %reduce_sum3A_71 = vector.multi_reduction <add>, %mul3A_69, %reduce_sum3A_70 [1] : vector<2000x64xf32> to vector<2000xf32>
    %broadcast_in_dim3A_72 = vector.shape_cast %reduce_sum3A_71 : vector<2000xf32> to vector<2000x1xf32>
    %sqrt3A_73 = math.sqrt %broadcast_in_dim3A_72 : vector<2000x1xf32>
    %jit3A_74 = arith.constant 1.000000e-15 : f32
    %max3A_75 = vector.broadcast %jit3A_74 : f32 to vector<2000x1xf32>
    %max3A_76 = arith.maximumf %max3A_75, %sqrt3A_73 : vector<2000x1xf32>
    %dot_general3A = arith.constant dense<0.000000e+00> : vector<2000x32xf32>
    %dot_general3A_77 = tpu.matmul %select_n3A, %get3A_64, %dot_general3A {dimension_numbers = #tpu.dot_dimension_numbers<[1], [0], [0], [1], [0, 0, 1, 1], [], []>, transpose_lhs_hint = false} : vector<2000x64xf32>, vector<64x32xf32>, vector<2000x32xf32> -> vector<2000x32xf32>
    %mul3A_78 = arith.mulf %dot_general3A_77, %dot_general3A_77 : vector<2000x32xf32>
    %reduce_sum3A_79 = arith.constant dense<0.000000e+00> : vector<2000xf32>
    %reduce_sum3A_80 = vector.multi_reduction <add>, %mul3A_78, %reduce_sum3A_79 [1] : vector<2000x32xf32> to vector<2000xf32>
    %broadcast_in_dim3A_81 = vector.shape_cast %reduce_sum3A_80 : vector<2000xf32> to vector<2000x1xf32>
    %sqrt3A_82 = math.sqrt %broadcast_in_dim3A_81 : vector<2000x1xf32>
    %jit3A_83 = arith.constant 1.000000e-15 : f32
    %max3A_84 = vector.broadcast %jit3A_83 : f32 to vector<2000x1xf32>
    %max3A_85 = arith.maximumf %max3A_84, %sqrt3A_82 : vector<2000x1xf32>
    %div3A_86 = arith.divf %max3A_85, %max3A_76 : vector<2000x1xf32>
    %mul3A_87 = vector.broadcast %sqrt3A_68 : f32 to vector<2000x1xf32>
    %mul3A_88 = arith.mulf %mul3A_87, %max3A_76 : vector<2000x1xf32>
    %jit3A_89 = arith.constant -0.99999988 : f32
    %jit3A_90 = arith.constant 0.99999988 : f32
    %max3A_91 = vector.broadcast %jit3A_89 : f32 to vector<2000x1xf32>
    %max3A_92 = arith.maximumf %max3A_91, %mul3A_88 : vector<2000x1xf32>
    %min3A = vector.broadcast %jit3A_90 : f32 to vector<2000x1xf32>
    %min3A_93 = arith.minimumf %min3A, %max3A_92 : vector<2000x1xf32>
    %add3A_94 = arith.constant 1.000000e+00 : f32
    %add3A_95 = vector.broadcast %add3A_94 : f32 to vector<2000x1xf32>
    %add3A_96 = arith.addf %add3A_95, %min3A_93 : vector<2000x1xf32>
    %sub3A = arith.constant 1.000000e+00 : f32
    %sub3A_97 = vector.broadcast %sub3A : f32 to vector<2000x1xf32>
    %sub3A_98 = arith.subf %sub3A_97, %min3A_93 : vector<2000x1xf32>
    %div3A_99 = arith.divf %add3A_96, %sub3A_98 : vector<2000x1xf32>
    %log3A = math.log %div3A_99 : vector<2000x1xf32>
    %mul3A_100 = arith.constant 5.000000e-01 : f32
    %mul3A_101 = vector.broadcast %mul3A_100 : f32 to vector<2000x1xf32>
    %mul3A_102 = arith.mulf %mul3A_101, %log3A : vector<2000x1xf32>
    %mul3A_103 = arith.mulf %div3A_86, %mul3A_102 : vector<2000x1xf32>
    %tanh3A_104 = math.tanh %mul3A_103 : vector<2000x1xf32>
    %mul3A_105 = vector.broadcast %tanh3A_104 : vector<2000x1xf32> to vector<2000x32xf32>
    %mul3A_106 = arith.mulf %mul3A_105, %dot_general3A_77 : vector<2000x32xf32>
    %mul3A_107 = vector.broadcast %sqrt3A_68 : f32 to vector<2000x1xf32>
    %mul3A_108 = arith.mulf %max3A_85, %mul3A_107 : vector<2000x1xf32>
    %div3A_109 = vector.broadcast %mul3A_108 : vector<2000x1xf32> to vector<2000x32xf32>
    %div3A_110 = arith.divf %mul3A_106, %div3A_109 : vector<2000x32xf32>
    %mul3A_111 = arith.mulf %div3A_110, %div3A_110 : vector<2000x32xf32>
    %reduce_sum3A_112 = arith.constant dense<0.000000e+00> : vector<2000xf32>
    %reduce_sum3A_113 = vector.multi_reduction <add>, %mul3A_111, %reduce_sum3A_112 [1] : vector<2000x32xf32> to vector<2000xf32>
    %broadcast_in_dim3A_114 = vector.shape_cast %reduce_sum3A_113 : vector<2000xf32> to vector<2000x1xf32>
    %sqrt3A_115 = math.sqrt %broadcast_in_dim3A_114 : vector<2000x1xf32>
    %jit3A_116 = arith.constant 1.000000e-15 : f32
    %max3A_117 = vector.broadcast %jit3A_116 : f32 to vector<2000x1xf32>
    %max3A_118 = arith.maximumf %max3A_117, %sqrt3A_115 : vector<2000x1xf32>
    %sqrt3A_119 = math.sqrt %add3A_3 : f32
    %div3A_120 = arith.constant 0.999989986 : f32
    %div3A_121 = arith.divf %div3A_120, %sqrt3A_119 : f32
    %gt3A_122 = vector.broadcast %div3A_121 : f32 to vector<2000x1xf32>
    %gt3A_123 = arith.cmpf ogt, %max3A_118, %gt3A_122 : vector<2000x1xf32>
    %div3A_124 = vector.broadcast %max3A_118 : vector<2000x1xf32> to vector<2000x32xf32>
    %div3A_125 = arith.divf %div3A_110, %div3A_124 : vector<2000x32xf32>
    %mul3A_126 = vector.broadcast %div3A_121 : f32 to vector<2000x32xf32>
    %mul3A_127 = arith.mulf %div3A_125, %mul3A_126 : vector<2000x32xf32>
    %broadcast_in_dim3A_128 = vector.shape_cast %gt3A_123 : vector<2000x1xi1> to vector<2000x1xi1>
    %broadcast_in_dim3A_129 = vector.broadcast %broadcast_in_dim3A_128 : vector<2000x1xi1> to vector<2000x32xi1>
    %select_n3A_130 = arith.select %broadcast_in_dim3A_129, %mul3A_127, %div3A_110 : vector<2000x32xi1>, vector<2000x32xf32>
    %sqrt3A_131 = math.sqrt %add3A_3 : f32
    %mul3A_132 = arith.mulf %get3A_67, %get3A_67 : vector<1x32xf32>
    %reduce_sum3A_133 = arith.constant dense<0.000000e+00> : vector<1xf32>
    %reduce_sum3A_134 = vector.multi_reduction <add>, %mul3A_132, %reduce_sum3A_133 [1] : vector<1x32xf32> to vector<1xf32>
    %broadcast_in_dim3A_135 = vector.shape_cast %reduce_sum3A_134 : vector<1xf32> to vector<1x1xf32>
    %sqrt3A_136 = math.sqrt %broadcast_in_dim3A_135 : vector<1x1xf32>
    %jit3A_137 = arith.constant 1.000000e-15 : f32
    %max3A_138 = vector.broadcast %jit3A_137 : f32 to vector<1x1xf32>
    %max3A_139 = arith.maximumf %max3A_138, %sqrt3A_136 : vector<1x1xf32>
    %mul3A_140 = vector.broadcast %sqrt3A_131 : f32 to vector<1x1xf32>
    %mul3A_141 = arith.mulf %mul3A_140, %max3A_139 : vector<1x1xf32>
    %tanh3A_142 = math.tanh %mul3A_141 : vector<1x1xf32>
    %mul3A_143 = vector.broadcast %tanh3A_142 : vector<1x1xf32> to vector<1x32xf32>
    %mul3A_144 = arith.mulf %mul3A_143, %get3A_67 : vector<1x32xf32>
    %mul3A_145 = vector.broadcast %sqrt3A_131 : f32 to vector<1x1xf32>
    %mul3A_146 = arith.mulf %mul3A_145, %max3A_139 : vector<1x1xf32>
    %div3A_147 = vector.broadcast %mul3A_146 : vector<1x1xf32> to vector<1x32xf32>
    %div3A_148 = arith.divf %mul3A_144, %div3A_147 : vector<1x32xf32>
    %mul3A_149 = arith.mulf %div3A_148, %div3A_148 : vector<1x32xf32>
    %reduce_sum3A_150 = arith.constant dense<0.000000e+00> : vector<1xf32>
    %reduce_sum3A_151 = vector.multi_reduction <add>, %mul3A_149, %reduce_sum3A_150 [1] : vector<1x32xf32> to vector<1xf32>
    %broadcast_in_dim3A_152 = vector.shape_cast %reduce_sum3A_151 : vector<1xf32> to vector<1x1xf32>
    %sqrt3A_153 = math.sqrt %broadcast_in_dim3A_152 : vector<1x1xf32>
    %jit3A_154 = arith.constant 1.000000e-15 : f32
    %max3A_155 = vector.broadcast %jit3A_154 : f32 to vector<1x1xf32>
    %max3A_156 = arith.maximumf %max3A_155, %sqrt3A_153 : vector<1x1xf32>
    %sqrt3A_157 = math.sqrt %add3A_3 : f32
    %div3A_158 = arith.constant 0.999989986 : f32
    %div3A_159 = arith.divf %div3A_158, %sqrt3A_157 : f32
    %gt3A_160 = vector.broadcast %div3A_159 : f32 to vector<1x1xf32>
    %gt3A_161 = arith.cmpf ogt, %max3A_156, %gt3A_160 : vector<1x1xf32>
    %div3A_162 = vector.broadcast %max3A_156 : vector<1x1xf32> to vector<1x32xf32>
    %div3A_163 = arith.divf %div3A_148, %div3A_162 : vector<1x32xf32>
    %mul3A_164 = vector.broadcast %div3A_159 : f32 to vector<1x32xf32>
    %mul3A_165 = arith.mulf %div3A_163, %mul3A_164 : vector<1x32xf32>
    %broadcast_in_dim3A_166 = vector.shape_cast %gt3A_161 : vector<1x1xi1> to vector<1x1xi1>
    %broadcast_in_dim3A_167 = vector.broadcast %broadcast_in_dim3A_166 : vector<1x1xi1> to vector<1x32xi1>
    %select_n3A_168 = arith.select %broadcast_in_dim3A_167, %mul3A_165, %div3A_148 : vector<1x32xi1>, vector<1x32xf32>
    %mul3A_169 = arith.mulf %select_n3A_130, %select_n3A_130 : vector<2000x32xf32>
    %reduce_sum3A_170 = arith.constant dense<0.000000e+00> : vector<2000xf32>
    %reduce_sum3A_171 = vector.multi_reduction <add>, %mul3A_169, %reduce_sum3A_170 [1] : vector<2000x32xf32> to vector<2000xf32>
    %broadcast_in_dim3A_172 = vector.shape_cast %reduce_sum3A_171 : vector<2000xf32> to vector<2000x1xf32>
    %mul3A_173 = arith.mulf %select_n3A_168, %select_n3A_168 : vector<1x32xf32>
    %reduce_sum3A_174 = arith.constant dense<0.000000e+00> : vector<1xf32>
    %reduce_sum3A_175 = vector.multi_reduction <add>, %mul3A_173, %reduce_sum3A_174 [1] : vector<1x32xf32> to vector<1xf32>
    %broadcast_in_dim3A_176 = vector.shape_cast %reduce_sum3A_175 : vector<1xf32> to vector<1x1xf32>
    %mul3A_177 = vector.broadcast %select_n3A_168 : vector<1x32xf32> to vector<2000x32xf32>
    %mul3A_178 = arith.mulf %select_n3A_130, %mul3A_177 : vector<2000x32xf32>
    %reduce_sum3A_179 = arith.constant dense<0.000000e+00> : vector<2000xf32>
    %reduce_sum3A_180 = vector.multi_reduction <add>, %mul3A_178, %reduce_sum3A_179 [1] : vector<2000x32xf32> to vector<2000xf32>
    %broadcast_in_dim3A_181 = vector.shape_cast %reduce_sum3A_180 : vector<2000xf32> to vector<2000x1xf32>
    %mul3A_182 = arith.constant 2.000000e+00 : f32
    %mul3A_183 = arith.mulf %mul3A_182, %add3A_3 : f32
    %mul3A_184 = vector.broadcast %mul3A_183 : f32 to vector<2000x1xf32>
    %mul3A_185 = arith.mulf %mul3A_184, %broadcast_in_dim3A_181 : vector<2000x1xf32>
    %add3A_186 = arith.constant 1.000000e+00 : f32
    %add3A_187 = vector.broadcast %add3A_186 : f32 to vector<2000x1xf32>
    %add3A_188 = arith.addf %add3A_187, %mul3A_185 : vector<2000x1xf32>
    %mul3A_189 = vector.broadcast %add3A_3 : f32 to vector<1x1xf32>
    %mul3A_190 = arith.mulf %mul3A_189, %broadcast_in_dim3A_176 : vector<1x1xf32>
    %add3A_191 = vector.broadcast %mul3A_190 : vector<1x1xf32> to vector<2000x1xf32>
    %add3A_192 = arith.addf %add3A_188, %add3A_191 : vector<2000x1xf32>
    %mul3A_193 = vector.broadcast %add3A_192 : vector<2000x1xf32> to vector<2000x32xf32>
    %mul3A_194 = arith.mulf %mul3A_193, %select_n3A_130 : vector<2000x32xf32>
    %mul3A_195 = vector.broadcast %add3A_3 : f32 to vector<2000x1xf32>
    %mul3A_196 = arith.mulf %mul3A_195, %broadcast_in_dim3A_172 : vector<2000x1xf32>
    %sub3A_197 = arith.constant 1.000000e+00 : f32
    %sub3A_198 = vector.broadcast %sub3A_197 : f32 to vector<2000x1xf32>
    %sub3A_199 = arith.subf %sub3A_198, %mul3A_196 : vector<2000x1xf32>
    %mul3A_200 = vector.broadcast %sub3A_199 : vector<2000x1xf32> to vector<2000x32xf32>
    %mul3A_201 = vector.broadcast %select_n3A_168 : vector<1x32xf32> to vector<2000x32xf32>
    %mul3A_202 = arith.mulf %mul3A_200, %mul3A_201 : vector<2000x32xf32>
    %add3A_203 = arith.addf %mul3A_194, %mul3A_202 : vector<2000x32xf32>
    %mul3A_204 = arith.constant 2.000000e+00 : f32
    %mul3A_205 = arith.mulf %mul3A_204, %add3A_3 : f32
    %mul3A_206 = vector.broadcast %mul3A_205 : f32 to vector<2000x1xf32>
    %mul3A_207 = arith.mulf %mul3A_206, %broadcast_in_dim3A_181 : vector<2000x1xf32>
    %add3A_208 = arith.constant 1.000000e+00 : f32
    %add3A_209 = vector.broadcast %add3A_208 : f32 to vector<2000x1xf32>
    %add3A_210 = arith.addf %add3A_209, %mul3A_207 : vector<2000x1xf32>
    %mul3A_211 = arith.mulf %add3A_3, %add3A_3 : f32
    %mul3A_212 = vector.broadcast %mul3A_211 : f32 to vector<2000x1xf32>
    %mul3A_213 = arith.mulf %mul3A_212, %broadcast_in_dim3A_172 : vector<2000x1xf32>
    %mul3A_214 = vector.broadcast %broadcast_in_dim3A_176 : vector<1x1xf32> to vector<2000x1xf32>
    %mul3A_215 = arith.mulf %mul3A_213, %mul3A_214 : vector<2000x1xf32>
    %add3A_216 = arith.addf %add3A_210, %mul3A_215 : vector<2000x1xf32>
    %jit3A_217 = arith.constant 1.000000e-15 : f32
    %max3A_218 = vector.broadcast %jit3A_217 : f32 to vector<2000x1xf32>
    %max3A_219 = arith.maximumf %max3A_218, %add3A_216 : vector<2000x1xf32>
    %div3A_220 = vector.broadcast %max3A_219 : vector<2000x1xf32> to vector<2000x32xf32>
    %div3A_221 = arith.divf %add3A_203, %div3A_220 : vector<2000x32xf32>
    %mul3A_222 = arith.mulf %div3A_221, %div3A_221 : vector<2000x32xf32>
    %reduce_sum3A_223 = arith.constant dense<0.000000e+00> : vector<2000xf32>
    %reduce_sum3A_224 = vector.multi_reduction <add>, %mul3A_222, %reduce_sum3A_223 [1] : vector<2000x32xf32> to vector<2000xf32>
    %broadcast_in_dim3A_225 = vector.shape_cast %reduce_sum3A_224 : vector<2000xf32> to vector<2000x1xf32>
    %sqrt3A_226 = math.sqrt %broadcast_in_dim3A_225 : vector<2000x1xf32>
    %jit3A_227 = arith.constant 1.000000e-15 : f32
    %max3A_228 = vector.broadcast %jit3A_227 : f32 to vector<2000x1xf32>
    %max3A_229 = arith.maximumf %max3A_228, %sqrt3A_226 : vector<2000x1xf32>
    %sqrt3A_230 = math.sqrt %add3A_3 : f32
    %div3A_231 = arith.constant 0.999989986 : f32
    %div3A_232 = arith.divf %div3A_231, %sqrt3A_230 : f32
    %gt3A_233 = vector.broadcast %div3A_232 : f32 to vector<2000x1xf32>
    %gt3A_234 = arith.cmpf ogt, %max3A_229, %gt3A_233 : vector<2000x1xf32>
    %div3A_235 = vector.broadcast %max3A_229 : vector<2000x1xf32> to vector<2000x32xf32>
    %div3A_236 = arith.divf %div3A_221, %div3A_235 : vector<2000x32xf32>
    %mul3A_237 = vector.broadcast %div3A_232 : f32 to vector<2000x32xf32>
    %mul3A_238 = arith.mulf %div3A_236, %mul3A_237 : vector<2000x32xf32>
    %broadcast_in_dim3A_239 = vector.shape_cast %gt3A_234 : vector<2000x1xi1> to vector<2000x1xi1>
    %broadcast_in_dim3A_240 = vector.broadcast %broadcast_in_dim3A_239 : vector<2000x1xi1> to vector<2000x32xi1>
    %select_n3A_241 = arith.select %broadcast_in_dim3A_240, %mul3A_238, %div3A_221 : vector<2000x32xi1>, vector<2000x32xf32>
    %sqrt3A_242 = math.sqrt %add3A_3 : f32
    %mul3A_243 = arith.mulf %select_n3A_241, %select_n3A_241 : vector<2000x32xf32>
    %reduce_sum3A_244 = arith.constant dense<0.000000e+00> : vector<2000xf32>
    %reduce_sum3A_245 = vector.multi_reduction <add>, %mul3A_243, %reduce_sum3A_244 [1] : vector<2000x32xf32> to vector<2000xf32>
    %broadcast_in_dim3A_246 = vector.shape_cast %reduce_sum3A_245 : vector<2000xf32> to vector<2000x1xf32>
    %sqrt3A_247 = math.sqrt %broadcast_in_dim3A_246 : vector<2000x1xf32>
    %jit3A_248 = arith.constant 1.000000e-15 : f32
    %max3A_249 = vector.broadcast %jit3A_248 : f32 to vector<2000x1xf32>
    %max3A_250 = arith.maximumf %max3A_249, %sqrt3A_247 : vector<2000x1xf32>
    %mul3A_251 = vector.broadcast %sqrt3A_242 : f32 to vector<2000x1xf32>
    %mul3A_252 = arith.mulf %mul3A_251, %max3A_250 : vector<2000x1xf32>
    %jit3A_253 = arith.constant -0.99999988 : f32
    %jit3A_254 = arith.constant 0.99999988 : f32
    %max3A_255 = vector.broadcast %jit3A_253 : f32 to vector<2000x1xf32>
    %max3A_256 = arith.maximumf %max3A_255, %mul3A_252 : vector<2000x1xf32>
    %min3A_257 = vector.broadcast %jit3A_254 : f32 to vector<2000x1xf32>
    %min3A_258 = arith.minimumf %min3A_257, %max3A_256 : vector<2000x1xf32>
    %add3A_259 = arith.constant 1.000000e+00 : f32
    %add3A_260 = vector.broadcast %add3A_259 : f32 to vector<2000x1xf32>
    %add3A_261 = arith.addf %add3A_260, %min3A_258 : vector<2000x1xf32>
    %sub3A_262 = arith.constant 1.000000e+00 : f32
    %sub3A_263 = vector.broadcast %sub3A_262 : f32 to vector<2000x1xf32>
    %sub3A_264 = arith.subf %sub3A_263, %min3A_258 : vector<2000x1xf32>
    %div3A_265 = arith.divf %add3A_261, %sub3A_264 : vector<2000x1xf32>
    %log3A_266 = math.log %div3A_265 : vector<2000x1xf32>
    %mul3A_267 = arith.constant 5.000000e-01 : f32
    %mul3A_268 = vector.broadcast %mul3A_267 : f32 to vector<2000x1xf32>
    %mul3A_269 = arith.mulf %mul3A_268, %log3A_266 : vector<2000x1xf32>
    %mul3A_270 = vector.broadcast %mul3A_269 : vector<2000x1xf32> to vector<2000x32xf32>
    %mul3A_271 = arith.mulf %mul3A_270, %select_n3A_241 : vector<2000x32xf32>
    %mul3A_272 = vector.broadcast %sqrt3A_242 : f32 to vector<2000x1xf32>
    %mul3A_273 = arith.mulf %mul3A_272, %max3A_250 : vector<2000x1xf32>
    %div3A_274 = vector.broadcast %mul3A_273 : vector<2000x1xf32> to vector<2000x32xf32>
    %div3A_275 = arith.divf %mul3A_271, %div3A_274 : vector<2000x32xf32>
    %broadcast_in_dim3A_276 = arith.constant 0.000000e+00 : f32
    %broadcast_in_dim3A_277 = vector.broadcast %broadcast_in_dim3A_276 : f32 to vector<2000x96xf32>
    %concatenate3A = tpu.concatenate %div3A_275, %broadcast_in_dim3A_277 in 1 : vector<2000x32xf32>, vector<2000x96xf32> -> vector<2000x128xf32>
    %swap3A = arith.constant 0 : index
    %swap3A_278 = arith.constant 0 : index
    %swap3A_279 = vector.load %arg5[%swap3A, %swap3A_278] : memref<2000x128xf32, #tpu.memory_space<vmem>>, vector<2000x128xf32>
    tpu.vector_store %arg5[%swap3A, %swap3A_278], %concatenate3A {strides = array<i32>} : memref<2000x128xf32, #tpu.memory_space<vmem>>, vector<2000x128xf32>,
    %broadcast_in_dim3A_280 = vector.shape_cast %max3A_26 : vector<2000x1xf32> to vector<2000x1xf32>
    %broadcast_in_dim3A_281 = vector.broadcast %broadcast_in_dim3A_280 : vector<2000x1xf32> to vector<2000x8xf32>
    %swap3A_282 = arith.constant 0 : index
    %swap3A_283 = arith.constant 0 : index
    %swap3A_284 = vector.load %arg6[%swap3A_282, %swap3A_283] : memref<2000x8xf32, #tpu.memory_space<vmem>>, vector<2000x8xf32>
    tpu.vector_store %arg6[%swap3A_282, %swap3A_283], %broadcast_in_dim3A_281 {strides = array<i32>} : memref<2000x8xf32, #tpu.memory_space<vmem>>, vector<2000x8xf32>,
    return
  }
  func.func @transform_0(%arg0: i32) -> (i32, i32, i32) {
    %c0_i32 = arith.constant 0 : i32
    %c0_i32_0 = arith.constant 0 : i32
    %c0_i32_1 = arith.constant 0 : i32
    return %c0_i32, %arg0, %c0_i32_0 : i32, i32, i32
  }
  func.func @transform_1(%arg0: i32) -> (i32, i32) {
    %c0_i32 = arith.constant 0 : i32
    %c0_i32_0 = arith.constant 0 : i32
    %c0_i32_1 = arith.constant 0 : i32
    return %c0_i32, %c0_i32_0 : i32, i32
  }
  func.func @transform_2(%arg0: i32) -> (i32, i32) {
    %c0_i32 = arith.constant 0 : i32
    %c0_i32_0 = arith.constant 0 : i32
    %c0_i32_1 = arith.constant 0 : i32
    return %c0_i32, %c0_i32_0 : i32, i32
  }
  func.func @transform_3(%arg0: i32) -> (i32, i32) {
    %c0_i32 = arith.constant 0 : i32
    %c0_i32_0 = arith.constant 0 : i32
    %c0_i32_1 = arith.constant 0 : i32
    return %c0_i32, %c0_i32_0 : i32, i32
  }
  func.func @transform_4(%arg0: i32) -> (i32, i32) {
    %c0_i32 = arith.constant 0 : i32
    %c0_i32_0 = arith.constant 0 : i32
    return %arg0, %c0_i32 : i32, i32
  }
  func.func @transform_5(%arg0: i32) -> (i32, i32) {
    %c0_i32 = arith.constant 0 : i32
    %c0_i32_0 = arith.constant 0 : i32
    return %arg0, %c0_i32 : i32, i32
  }
}

module attributes {stable_mosaic.version = 14 : i64} {
  func.func @_tc_stage3(%arg0: i32, %arg1: memref<2x2000x128xf32, #tpu.memory_space<vmem>>, %arg2: memref<2000x8xf32, #tpu.memory_space<vmem>>, %arg3: memref<1x1xf32, #tpu.memory_space<vmem>>, %arg4: memref<2000x128xf32, #tpu.memory_space<vmem>>) attributes {dimension_semantics = [#tpu.dimension_semantics<arbitrary>], iteration_bounds = array<i64: 5>, scalar_prefetch = 0 : i64, scratch_operands = 0 : i64, tpu.core_type = #tpu.core_type<tc>, window_params = [{transform_indices = @transform_0, window_bounds = array<i64: 2, 2000, 128>}, {transform_indices = @transform_1, window_bounds = array<i64: 2000, 8>}, {pipeline_mode = #tpu.pipeline_mode<synchronous>, transform_indices = @transform_2, window_bounds = array<i64: 1, 1>}, {transform_indices = @transform_3, window_bounds = array<i64: 2000, 128>}]} {
    %get3A = arith.constant 0 : index
    %get3A_0 = arith.constant 0 : index
    %get3A_1 = vector.load %arg3[%get3A, %get3A_0] : memref<1x1xf32, #tpu.memory_space<vmem>>, vector<1x1xf32>
    %get3A_2 = vector.extract %get3A_1[0, 0] : f32 from vector<1x1xf32>
    %abs3A = math.absf %get3A_2 : f32
    %add3A = arith.constant 9.99999997E-7 : f32
    %add3A_3 = arith.addf %abs3A, %add3A : f32
    %get3A_4 = arith.constant 0 : index
    %get3A_5 = arith.constant 0 : index
    %get3A_6 = arith.constant 0 : index
    %get3A_7 = vector.load %arg1[%get3A_4, %get3A_5, %get3A_6] : memref<2x2000x128xf32, #tpu.memory_space<vmem>>, vector<1x2000x32xf32>
    %get3A_8 = vector.shape_cast %get3A_7 : vector<1x2000x32xf32> to vector<2000x32xf32>
    %get3A_9 = arith.constant 1 : index
    %get3A_10 = arith.constant 0 : index
    %get3A_11 = arith.constant 0 : index
    %get3A_12 = vector.load %arg1[%get3A_9, %get3A_10, %get3A_11] : memref<2x2000x128xf32, #tpu.memory_space<vmem>>, vector<1x2000x32xf32>
    %get3A_13 = vector.shape_cast %get3A_12 : vector<1x2000x32xf32> to vector<2000x32xf32>
    %add3A_14 = arith.addf %get3A_8, %get3A_13 : vector<2000x32xf32>
    %get3A_15 = arith.constant 0 : index
    %get3A_16 = arith.constant 0 : index
    %get3A_17 = vector.load %arg2[%get3A_15, %get3A_16] : memref<2000x8xf32, #tpu.memory_space<vmem>>, vector<2000x1xf32>
    %div3A = vector.broadcast %get3A_17 : vector<2000x1xf32> to vector<2000x32xf32>
    %div3A_18 = arith.divf %add3A_14, %div3A : vector<2000x32xf32>
    %sqrt3A = math.sqrt %add3A_3 : f32
    %mul3A = arith.mulf %div3A_18, %div3A_18 : vector<2000x32xf32>
    %reduce_sum3A = arith.constant dense<0.000000e+00> : vector<2000xf32>
    %reduce_sum3A_19 = vector.multi_reduction <add>, %mul3A, %reduce_sum3A [1] : vector<2000x32xf32> to vector<2000xf32>
    %broadcast_in_dim3A = vector.shape_cast %reduce_sum3A_19 : vector<2000xf32> to vector<2000x1xf32>
    %sqrt3A_20 = math.sqrt %broadcast_in_dim3A : vector<2000x1xf32>
    %jit3A = arith.constant 1.000000e-15 : f32
    %max3A = vector.broadcast %jit3A : f32 to vector<2000x1xf32>
    %max3A_21 = arith.maximumf %max3A, %sqrt3A_20 : vector<2000x1xf32>
    %mul3A_22 = vector.broadcast %sqrt3A : f32 to vector<2000x1xf32>
    %mul3A_23 = arith.mulf %mul3A_22, %max3A_21 : vector<2000x1xf32>
    %tanh3A = math.tanh %mul3A_23 : vector<2000x1xf32>
    %mul3A_24 = vector.broadcast %tanh3A : vector<2000x1xf32> to vector<2000x32xf32>
    %mul3A_25 = arith.mulf %mul3A_24, %div3A_18 : vector<2000x32xf32>
    %mul3A_26 = vector.broadcast %sqrt3A : f32 to vector<2000x1xf32>
    %mul3A_27 = arith.mulf %mul3A_26, %max3A_21 : vector<2000x1xf32>
    %div3A_28 = vector.broadcast %mul3A_27 : vector<2000x1xf32> to vector<2000x32xf32>
    %div3A_29 = arith.divf %mul3A_25, %div3A_28 : vector<2000x32xf32>
    %mul3A_30 = arith.mulf %div3A_29, %div3A_29 : vector<2000x32xf32>
    %reduce_sum3A_31 = arith.constant dense<0.000000e+00> : vector<2000xf32>
    %reduce_sum3A_32 = vector.multi_reduction <add>, %mul3A_30, %reduce_sum3A_31 [1] : vector<2000x32xf32> to vector<2000xf32>
    %broadcast_in_dim3A_33 = vector.shape_cast %reduce_sum3A_32 : vector<2000xf32> to vector<2000x1xf32>
    %sqrt3A_34 = math.sqrt %broadcast_in_dim3A_33 : vector<2000x1xf32>
    %jit3A_35 = arith.constant 1.000000e-15 : f32
    %max3A_36 = vector.broadcast %jit3A_35 : f32 to vector<2000x1xf32>
    %max3A_37 = arith.maximumf %max3A_36, %sqrt3A_34 : vector<2000x1xf32>
    %sqrt3A_38 = math.sqrt %add3A_3 : f32
    %div3A_39 = arith.constant 0.999989986 : f32
    %div3A_40 = arith.divf %div3A_39, %sqrt3A_38 : f32
    %gt3A = vector.broadcast %div3A_40 : f32 to vector<2000x1xf32>
    %gt3A_41 = arith.cmpf ogt, %max3A_37, %gt3A : vector<2000x1xf32>
    %div3A_42 = vector.broadcast %max3A_37 : vector<2000x1xf32> to vector<2000x32xf32>
    %div3A_43 = arith.divf %div3A_29, %div3A_42 : vector<2000x32xf32>
    %mul3A_44 = vector.broadcast %div3A_40 : f32 to vector<2000x32xf32>
    %mul3A_45 = arith.mulf %div3A_43, %mul3A_44 : vector<2000x32xf32>
    %broadcast_in_dim3A_46 = vector.shape_cast %gt3A_41 : vector<2000x1xi1> to vector<2000x1xi1>
    %broadcast_in_dim3A_47 = vector.broadcast %broadcast_in_dim3A_46 : vector<2000x1xi1> to vector<2000x32xi1>
    %select_n3A = arith.select %broadcast_in_dim3A_47, %mul3A_45, %div3A_29 : vector<2000x32xi1>, vector<2000x32xf32>
    %sqrt3A_48 = math.sqrt %add3A_3 : f32
    %mul3A_49 = arith.mulf %select_n3A, %select_n3A : vector<2000x32xf32>
    %reduce_sum3A_50 = arith.constant dense<0.000000e+00> : vector<2000xf32>
    %reduce_sum3A_51 = vector.multi_reduction <add>, %mul3A_49, %reduce_sum3A_50 [1] : vector<2000x32xf32> to vector<2000xf32>
    %broadcast_in_dim3A_52 = vector.shape_cast %reduce_sum3A_51 : vector<2000xf32> to vector<2000x1xf32>
    %sqrt3A_53 = math.sqrt %broadcast_in_dim3A_52 : vector<2000x1xf32>
    %jit3A_54 = arith.constant 1.000000e-15 : f32
    %max3A_55 = vector.broadcast %jit3A_54 : f32 to vector<2000x1xf32>
    %max3A_56 = arith.maximumf %max3A_55, %sqrt3A_53 : vector<2000x1xf32>
    %mul3A_57 = vector.broadcast %sqrt3A_48 : f32 to vector<2000x1xf32>
    %mul3A_58 = arith.mulf %mul3A_57, %max3A_56 : vector<2000x1xf32>
    %jit3A_59 = arith.constant -0.99999988 : f32
    %jit3A_60 = arith.constant 0.99999988 : f32
    %max3A_61 = vector.broadcast %jit3A_59 : f32 to vector<2000x1xf32>
    %max3A_62 = arith.maximumf %max3A_61, %mul3A_58 : vector<2000x1xf32>
    %min3A = vector.broadcast %jit3A_60 : f32 to vector<2000x1xf32>
    %min3A_63 = arith.minimumf %min3A, %max3A_62 : vector<2000x1xf32>
    %add3A_64 = arith.constant 1.000000e+00 : f32
    %add3A_65 = vector.broadcast %add3A_64 : f32 to vector<2000x1xf32>
    %add3A_66 = arith.addf %add3A_65, %min3A_63 : vector<2000x1xf32>
    %sub3A = arith.constant 1.000000e+00 : f32
    %sub3A_67 = vector.broadcast %sub3A : f32 to vector<2000x1xf32>
    %sub3A_68 = arith.subf %sub3A_67, %min3A_63 : vector<2000x1xf32>
    %div3A_69 = arith.divf %add3A_66, %sub3A_68 : vector<2000x1xf32>
    %log3A = math.log %div3A_69 : vector<2000x1xf32>
    %mul3A_70 = arith.constant 5.000000e-01 : f32
    %mul3A_71 = vector.broadcast %mul3A_70 : f32 to vector<2000x1xf32>
    %mul3A_72 = arith.mulf %mul3A_71, %log3A : vector<2000x1xf32>
    %mul3A_73 = vector.broadcast %mul3A_72 : vector<2000x1xf32> to vector<2000x32xf32>
    %mul3A_74 = arith.mulf %mul3A_73, %select_n3A : vector<2000x32xf32>
    %mul3A_75 = vector.broadcast %sqrt3A_48 : f32 to vector<2000x1xf32>
    %mul3A_76 = arith.mulf %mul3A_75, %max3A_56 : vector<2000x1xf32>
    %div3A_77 = vector.broadcast %mul3A_76 : vector<2000x1xf32> to vector<2000x32xf32>
    %div3A_78 = arith.divf %mul3A_74, %div3A_77 : vector<2000x32xf32>
    %broadcast_in_dim3A_79 = arith.constant 1.000000e+00 : f32
    %broadcast_in_dim3A_80 = vector.broadcast %broadcast_in_dim3A_79 : f32 to vector<2000x8xf32>
    %broadcast_in_dim3A_81 = arith.constant 0.000000e+00 : f32
    %broadcast_in_dim3A_82 = vector.broadcast %broadcast_in_dim3A_81 : f32 to vector<2000x88xf32>
    %concatenate3A = tpu.concatenate %div3A_78, %broadcast_in_dim3A_80, %broadcast_in_dim3A_82 in 1 : vector<2000x32xf32>, vector<2000x8xf32>, vector<2000x88xf32> -> vector<2000x128xf32>
    %swap3A = arith.constant 0 : index
    %swap3A_83 = arith.constant 0 : index
    %swap3A_84 = vector.load %arg4[%swap3A, %swap3A_83] : memref<2000x128xf32, #tpu.memory_space<vmem>>, vector<2000x128xf32>
    tpu.vector_store %arg4[%swap3A, %swap3A_83], %concatenate3A {strides = array<i32>} : memref<2000x128xf32, #tpu.memory_space<vmem>>, vector<2000x128xf32>,
    return
  }
  func.func @transform_0(%arg0: i32) -> (i32, i32, i32) {
    %c0_i32 = arith.constant 0 : i32
    %c0_i32_0 = arith.constant 0 : i32
    %c0_i32_1 = arith.constant 0 : i32
    return %c0_i32, %arg0, %c0_i32_0 : i32, i32, i32
  }
  func.func @transform_1(%arg0: i32) -> (i32, i32) {
    %c0_i32 = arith.constant 0 : i32
    %c0_i32_0 = arith.constant 0 : i32
    return %arg0, %c0_i32 : i32, i32
  }
  func.func @transform_2(%arg0: i32) -> (i32, i32) {
    %c0_i32 = arith.constant 0 : i32
    %c0_i32_0 = arith.constant 0 : i32
    %c0_i32_1 = arith.constant 0 : i32
    return %c0_i32, %c0_i32_0 : i32, i32
  }
  func.func @transform_3(%arg0: i32) -> (i32, i32) {
    %c0_i32 = arith.constant 0 : i32
    %c0_i32_0 = arith.constant 0 : i32
    return %arg0, %c0_i32 : i32, i32
  }
}

module attributes {stable_mosaic.version = 14 : i64} {
  func.func @_tc_stage4(%arg0: i32, %arg1: memref<2000x128xf32, #tpu.memory_space<vmem>>, %arg2: memref<4x2000x128xf32, #tpu.memory_space<vmem>>, %arg3: memref<1x32xf32, #tpu.memory_space<vmem>>, %arg4: memref<1x1xf32, #tpu.memory_space<vmem>>, %arg5: memref<2000x32xf32, #tpu.memory_space<vmem>>) attributes {dimension_semantics = [#tpu.dimension_semantics<arbitrary>], iteration_bounds = array<i64: 5>, scalar_prefetch = 0 : i64, scratch_operands = 0 : i64, tpu.core_type = #tpu.core_type<tc>, window_params = [{transform_indices = @transform_0, window_bounds = array<i64: 2000, 128>}, {transform_indices = @transform_1, window_bounds = array<i64: 4, 2000, 128>}, {pipeline_mode = #tpu.pipeline_mode<synchronous>, transform_indices = @transform_2, window_bounds = array<i64: 1, 32>}, {pipeline_mode = #tpu.pipeline_mode<synchronous>, transform_indices = @transform_3, window_bounds = array<i64: 1, 1>}, {transform_indices = @transform_4, window_bounds = array<i64: 2000, 32>}]} {
    %get3A = arith.constant 0 : index
    %get3A_0 = arith.constant 0 : index
    %get3A_1 = vector.load %arg4[%get3A, %get3A_0] : memref<1x1xf32, #tpu.memory_space<vmem>>, vector<1x1xf32>
    %get3A_2 = vector.extract %get3A_1[0, 0] : f32 from vector<1x1xf32>
    %abs3A = math.absf %get3A_2 : f32
    %add3A = arith.constant 9.99999997E-7 : f32
    %add3A_3 = arith.addf %abs3A, %add3A : f32
    %get3A_4 = arith.constant 0 : index
    %get3A_5 = arith.constant 0 : index
    %get3A_6 = vector.load %arg1[%get3A_4, %get3A_5] : memref<2000x128xf32, #tpu.memory_space<vmem>>, vector<2000x32xf32>
    %get3A_7 = arith.constant 0 : index
    %get3A_8 = arith.constant 0 : index
    %get3A_9 = arith.constant 0 : index
    %get3A_10 = vector.load %arg2[%get3A_7, %get3A_8, %get3A_9] : memref<4x2000x128xf32, #tpu.memory_space<vmem>>, vector<1x2000x32xf32>
    %get3A_11 = vector.shape_cast %get3A_10 : vector<1x2000x32xf32> to vector<2000x32xf32>
    %get3A_12 = arith.constant 0 : index
    %get3A_13 = arith.constant 0 : index
    %get3A_14 = arith.constant 32 : index
    %get3A_15 = vector.load %arg2[%get3A_12, %get3A_13, %get3A_14] : memref<4x2000x128xf32, #tpu.memory_space<vmem>>, vector<1x2000x1xf32>
    %get3A_16 = vector.shape_cast %get3A_15 : vector<1x2000x1xf32> to vector<2000x1xf32>
    %jit3A = arith.constant 1.000000e+00 : f32
    %max3A = vector.broadcast %jit3A : f32 to vector<2000x1xf32>
    %max3A_17 = arith.maximumf %max3A, %get3A_16 : vector<2000x1xf32>
    %div3A = vector.broadcast %max3A_17 : vector<2000x1xf32> to vector<2000x32xf32>
    %div3A_18 = arith.divf %get3A_11, %div3A : vector<2000x32xf32>
    %get3A_19 = arith.constant 1 : index
    %get3A_20 = arith.constant 0 : index
    %get3A_21 = arith.constant 0 : index
    %get3A_22 = vector.load %arg2[%get3A_19, %get3A_20, %get3A_21] : memref<4x2000x128xf32, #tpu.memory_space<vmem>>, vector<1x2000x32xf32>
    %get3A_23 = vector.shape_cast %get3A_22 : vector<1x2000x32xf32> to vector<2000x32xf32>
    %get3A_24 = arith.constant 1 : index
    %get3A_25 = arith.constant 0 : index
    %get3A_26 = arith.constant 32 : index
    %get3A_27 = vector.load %arg2[%get3A_24, %get3A_25, %get3A_26] : memref<4x2000x128xf32, #tpu.memory_space<vmem>>, vector<1x2000x1xf32>
    %get3A_28 = vector.shape_cast %get3A_27 : vector<1x2000x1xf32> to vector<2000x1xf32>
    %jit3A_29 = arith.constant 1.000000e+00 : f32
    %max3A_30 = vector.broadcast %jit3A_29 : f32 to vector<2000x1xf32>
    %max3A_31 = arith.maximumf %max3A_30, %get3A_28 : vector<2000x1xf32>
    %div3A_32 = vector.broadcast %max3A_31 : vector<2000x1xf32> to vector<2000x32xf32>
    %div3A_33 = arith.divf %get3A_23, %div3A_32 : vector<2000x32xf32>
    %get3A_34 = arith.constant 2 : index
    %get3A_35 = arith.constant 0 : index
    %get3A_36 = arith.constant 0 : index
    %get3A_37 = vector.load %arg2[%get3A_34, %get3A_35, %get3A_36] : memref<4x2000x128xf32, #tpu.memory_space<vmem>>, vector<1x2000x32xf32>
    %get3A_38 = vector.shape_cast %get3A_37 : vector<1x2000x32xf32> to vector<2000x32xf32>
    %get3A_39 = arith.constant 2 : index
    %get3A_40 = arith.constant 0 : index
    %get3A_41 = arith.constant 32 : index
    %get3A_42 = vector.load %arg2[%get3A_39, %get3A_40, %get3A_41] : memref<4x2000x128xf32, #tpu.memory_space<vmem>>, vector<1x2000x1xf32>
    %get3A_43 = vector.shape_cast %get3A_42 : vector<1x2000x1xf32> to vector<2000x1xf32>
    %jit3A_44 = arith.constant 1.000000e+00 : f32
    %max3A_45 = vector.broadcast %jit3A_44 : f32 to vector<2000x1xf32>
    %max3A_46 = arith.maximumf %max3A_45, %get3A_43 : vector<2000x1xf32>
    %div3A_47 = vector.broadcast %max3A_46 : vector<2000x1xf32> to vector<2000x32xf32>
    %div3A_48 = arith.divf %get3A_38, %div3A_47 : vector<2000x32xf32>
    %get3A_49 = arith.constant 3 : index
    %get3A_50 = arith.constant 0 : index
    %get3A_51 = arith.constant 0 : index
    %get3A_52 = vector.load %arg2[%get3A_49, %get3A_50, %get3A_51] : memref<4x2000x128xf32, #tpu.memory_space<vmem>>, vector<1x2000x32xf32>
    %get3A_53 = vector.shape_cast %get3A_52 : vector<1x2000x32xf32> to vector<2000x32xf32>
    %get3A_54 = arith.constant 3 : index
    %get3A_55 = arith.constant 0 : index
    %get3A_56 = arith.constant 32 : index
    %get3A_57 = vector.load %arg2[%get3A_54, %get3A_55, %get3A_56] : memref<4x2000x128xf32, #tpu.memory_space<vmem>>, vector<1x2000x1xf32>
    %get3A_58 = vector.shape_cast %get3A_57 : vector<1x2000x1xf32> to vector<2000x1xf32>
    %jit3A_59 = arith.constant 1.000000e+00 : f32
    %max3A_60 = vector.broadcast %jit3A_59 : f32 to vector<2000x1xf32>
    %max3A_61 = arith.maximumf %max3A_60, %get3A_58 : vector<2000x1xf32>
    %div3A_62 = vector.broadcast %max3A_61 : vector<2000x1xf32> to vector<2000x32xf32>
    %div3A_63 = arith.divf %get3A_53, %div3A_62 : vector<2000x32xf32>
    %get3A_64 = arith.constant 0 : index
    %get3A_65 = arith.constant 0 : index
    %get3A_66 = vector.load %arg3[%get3A_64, %get3A_65] : memref<1x32xf32, #tpu.memory_space<vmem>>, vector<1x32xf32>
    %tanh3A = math.tanh %get3A_6 : vector<2000x32xf32>
    %mul3A = vector.broadcast %get3A_66 : vector<1x32xf32> to vector<2000x32xf32>
    %mul3A_67 = arith.mulf %tanh3A, %mul3A : vector<2000x32xf32>
    %reduce_sum3A = arith.constant dense<0.000000e+00> : vector<2000xf32>
    %reduce_sum3A_68 = vector.multi_reduction <add>, %mul3A_67, %reduce_sum3A [1] : vector<2000x32xf32> to vector<2000xf32>
    %broadcast_in_dim3A = vector.shape_cast %reduce_sum3A_68 : vector<2000xf32> to vector<2000x1xf32>
    %tanh3A_69 = math.tanh %div3A_18 : vector<2000x32xf32>
    %mul3A_70 = vector.broadcast %get3A_66 : vector<1x32xf32> to vector<2000x32xf32>
    %mul3A_71 = arith.mulf %tanh3A_69, %mul3A_70 : vector<2000x32xf32>
    %reduce_sum3A_72 = arith.constant dense<0.000000e+00> : vector<2000xf32>
    %reduce_sum3A_73 = vector.multi_reduction <add>, %mul3A_71, %reduce_sum3A_72 [1] : vector<2000x32xf32> to vector<2000xf32>
    %broadcast_in_dim3A_74 = vector.shape_cast %reduce_sum3A_73 : vector<2000xf32> to vector<2000x1xf32>
    %tanh3A_75 = math.tanh %div3A_33 : vector<2000x32xf32>
    %mul3A_76 = vector.broadcast %get3A_66 : vector<1x32xf32> to vector<2000x32xf32>
    %mul3A_77 = arith.mulf %tanh3A_75, %mul3A_76 : vector<2000x32xf32>
    %reduce_sum3A_78 = arith.constant dense<0.000000e+00> : vector<2000xf32>
    %reduce_sum3A_79 = vector.multi_reduction <add>, %mul3A_77, %reduce_sum3A_78 [1] : vector<2000x32xf32> to vector<2000xf32>
    %broadcast_in_dim3A_80 = vector.shape_cast %reduce_sum3A_79 : vector<2000xf32> to vector<2000x1xf32>
    %tanh3A_81 = math.tanh %div3A_48 : vector<2000x32xf32>
    %mul3A_82 = vector.broadcast %get3A_66 : vector<1x32xf32> to vector<2000x32xf32>
    %mul3A_83 = arith.mulf %tanh3A_81, %mul3A_82 : vector<2000x32xf32>
    %reduce_sum3A_84 = arith.constant dense<0.000000e+00> : vector<2000xf32>
    %reduce_sum3A_85 = vector.multi_reduction <add>, %mul3A_83, %reduce_sum3A_84 [1] : vector<2000x32xf32> to vector<2000xf32>
    %broadcast_in_dim3A_86 = vector.shape_cast %reduce_sum3A_85 : vector<2000xf32> to vector<2000x1xf32>
    %tanh3A_87 = math.tanh %div3A_63 : vector<2000x32xf32>
    %mul3A_88 = vector.broadcast %get3A_66 : vector<1x32xf32> to vector<2000x32xf32>
    %mul3A_89 = arith.mulf %tanh3A_87, %mul3A_88 : vector<2000x32xf32>
    %reduce_sum3A_90 = arith.constant dense<0.000000e+00> : vector<2000xf32>
    %reduce_sum3A_91 = vector.multi_reduction <add>, %mul3A_89, %reduce_sum3A_90 [1] : vector<2000x32xf32> to vector<2000xf32>
    %broadcast_in_dim3A_92 = vector.shape_cast %reduce_sum3A_91 : vector<2000xf32> to vector<2000x1xf32>
    %max3A_93 = arith.maximumf %broadcast_in_dim3A, %broadcast_in_dim3A_74 : vector<2000x1xf32>
    %max3A_94 = arith.maximumf %max3A_93, %broadcast_in_dim3A_80 : vector<2000x1xf32>
    %max3A_95 = arith.maximumf %max3A_94, %broadcast_in_dim3A_86 : vector<2000x1xf32>
    %max3A_96 = arith.maximumf %max3A_95, %broadcast_in_dim3A_92 : vector<2000x1xf32>
    %sub3A = arith.subf %broadcast_in_dim3A, %max3A_96 : vector<2000x1xf32>
    %exp3A = math.exp %sub3A : vector<2000x1xf32>
    %sub3A_97 = arith.subf %broadcast_in_dim3A_74, %max3A_96 : vector<2000x1xf32>
    %exp3A_98 = math.exp %sub3A_97 : vector<2000x1xf32>
    %sub3A_99 = arith.subf %broadcast_in_dim3A_80, %max3A_96 : vector<2000x1xf32>
    %exp3A_100 = math.exp %sub3A_99 : vector<2000x1xf32>
    %sub3A_101 = arith.subf %broadcast_in_dim3A_86, %max3A_96 : vector<2000x1xf32>
    %exp3A_102 = math.exp %sub3A_101 : vector<2000x1xf32>
    %sub3A_103 = arith.subf %broadcast_in_dim3A_92, %max3A_96 : vector<2000x1xf32>
    %exp3A_104 = math.exp %sub3A_103 : vector<2000x1xf32>
    %add3A_105 = arith.addf %exp3A, %exp3A_98 : vector<2000x1xf32>
    %add3A_106 = arith.addf %add3A_105, %exp3A_100 : vector<2000x1xf32>
    %add3A_107 = arith.addf %add3A_106, %exp3A_102 : vector<2000x1xf32>
    %add3A_108 = arith.addf %add3A_107, %exp3A_104 : vector<2000x1xf32>
    %div3A_109 = arith.divf %exp3A, %add3A_108 : vector<2000x1xf32>
    %mul3A_110 = vector.broadcast %div3A_109 : vector<2000x1xf32> to vector<2000x32xf32>
    %mul3A_111 = arith.mulf %mul3A_110, %get3A_6 : vector<2000x32xf32>
    %div3A_112 = arith.divf %exp3A_98, %add3A_108 : vector<2000x1xf32>
    %mul3A_113 = vector.broadcast %div3A_112 : vector<2000x1xf32> to vector<2000x32xf32>
    %mul3A_114 = arith.mulf %mul3A_113, %div3A_18 : vector<2000x32xf32>
    %add3A_115 = arith.addf %mul3A_111, %mul3A_114 : vector<2000x32xf32>
    %div3A_116 = arith.divf %exp3A_100, %add3A_108 : vector<2000x1xf32>
    %mul3A_117 = vector.broadcast %div3A_116 : vector<2000x1xf32> to vector<2000x32xf32>
    %mul3A_118 = arith.mulf %mul3A_117, %div3A_33 : vector<2000x32xf32>
    %add3A_119 = arith.addf %add3A_115, %mul3A_118 : vector<2000x32xf32>
    %div3A_120 = arith.divf %exp3A_102, %add3A_108 : vector<2000x1xf32>
    %mul3A_121 = vector.broadcast %div3A_120 : vector<2000x1xf32> to vector<2000x32xf32>
    %mul3A_122 = arith.mulf %mul3A_121, %div3A_48 : vector<2000x32xf32>
    %add3A_123 = arith.addf %add3A_119, %mul3A_122 : vector<2000x32xf32>
    %div3A_124 = arith.divf %exp3A_104, %add3A_108 : vector<2000x1xf32>
    %mul3A_125 = vector.broadcast %div3A_124 : vector<2000x1xf32> to vector<2000x32xf32>
    %mul3A_126 = arith.mulf %mul3A_125, %div3A_63 : vector<2000x32xf32>
    %add3A_127 = arith.addf %add3A_123, %mul3A_126 : vector<2000x32xf32>
    %sqrt3A = math.sqrt %add3A_3 : f32
    %mul3A_128 = arith.mulf %add3A_127, %add3A_127 : vector<2000x32xf32>
    %reduce_sum3A_129 = arith.constant dense<0.000000e+00> : vector<2000xf32>
    %reduce_sum3A_130 = vector.multi_reduction <add>, %mul3A_128, %reduce_sum3A_129 [1] : vector<2000x32xf32> to vector<2000xf32>
    %broadcast_in_dim3A_131 = vector.shape_cast %reduce_sum3A_130 : vector<2000xf32> to vector<2000x1xf32>
    %sqrt3A_132 = math.sqrt %broadcast_in_dim3A_131 : vector<2000x1xf32>
    %jit3A_133 = arith.constant 1.000000e-15 : f32
    %max3A_134 = vector.broadcast %jit3A_133 : f32 to vector<2000x1xf32>
    %max3A_135 = arith.maximumf %max3A_134, %sqrt3A_132 : vector<2000x1xf32>
    %mul3A_136 = vector.broadcast %sqrt3A : f32 to vector<2000x1xf32>
    %mul3A_137 = arith.mulf %mul3A_136, %max3A_135 : vector<2000x1xf32>
    %tanh3A_138 = math.tanh %mul3A_137 : vector<2000x1xf32>
    %mul3A_139 = vector.broadcast %tanh3A_138 : vector<2000x1xf32> to vector<2000x32xf32>
    %mul3A_140 = arith.mulf %mul3A_139, %add3A_127 : vector<2000x32xf32>
    %mul3A_141 = vector.broadcast %sqrt3A : f32 to vector<2000x1xf32>
    %mul3A_142 = arith.mulf %mul3A_141, %max3A_135 : vector<2000x1xf32>
    %div3A_143 = vector.broadcast %mul3A_142 : vector<2000x1xf32> to vector<2000x32xf32>
    %div3A_144 = arith.divf %mul3A_140, %div3A_143 : vector<2000x32xf32>
    %mul3A_145 = arith.mulf %div3A_144, %div3A_144 : vector<2000x32xf32>
    %reduce_sum3A_146 = arith.constant dense<0.000000e+00> : vector<2000xf32>
    %reduce_sum3A_147 = vector.multi_reduction <add>, %mul3A_145, %reduce_sum3A_146 [1] : vector<2000x32xf32> to vector<2000xf32>
    %broadcast_in_dim3A_148 = vector.shape_cast %reduce_sum3A_147 : vector<2000xf32> to vector<2000x1xf32>
    %sqrt3A_149 = math.sqrt %broadcast_in_dim3A_148 : vector<2000x1xf32>
    %jit3A_150 = arith.constant 1.000000e-15 : f32
    %max3A_151 = vector.broadcast %jit3A_150 : f32 to vector<2000x1xf32>
    %max3A_152 = arith.maximumf %max3A_151, %sqrt3A_149 : vector<2000x1xf32>
    %sqrt3A_153 = math.sqrt %add3A_3 : f32
    %div3A_154 = arith.constant 0.999989986 : f32
    %div3A_155 = arith.divf %div3A_154, %sqrt3A_153 : f32
    %gt3A = vector.broadcast %div3A_155 : f32 to vector<2000x1xf32>
    %gt3A_156 = arith.cmpf ogt, %max3A_152, %gt3A : vector<2000x1xf32>
    %div3A_157 = vector.broadcast %max3A_152 : vector<2000x1xf32> to vector<2000x32xf32>
    %div3A_158 = arith.divf %div3A_144, %div3A_157 : vector<2000x32xf32>
    %mul3A_159 = vector.broadcast %div3A_155 : f32 to vector<2000x32xf32>
    %mul3A_160 = arith.mulf %div3A_158, %mul3A_159 : vector<2000x32xf32>
    %broadcast_in_dim3A_161 = vector.shape_cast %gt3A_156 : vector<2000x1xi1> to vector<2000x1xi1>
    %broadcast_in_dim3A_162 = vector.broadcast %broadcast_in_dim3A_161 : vector<2000x1xi1> to vector<2000x32xi1>
    %select_n3A = arith.select %broadcast_in_dim3A_162, %mul3A_160, %div3A_144 : vector<2000x32xi1>, vector<2000x32xf32>
    %swap3A = arith.constant 0 : index
    %swap3A_163 = arith.constant 0 : index
    %swap3A_164 = vector.load %arg5[%swap3A, %swap3A_163] : memref<2000x32xf32, #tpu.memory_space<vmem>>, vector<2000x32xf32>
    tpu.vector_store %arg5[%swap3A, %swap3A_163], %select_n3A {strides = array<i32>} : memref<2000x32xf32, #tpu.memory_space<vmem>>, vector<2000x32xf32>,
    return
  }
  func.func @transform_0(%arg0: i32) -> (i32, i32) {
    %c0_i32 = arith.constant 0 : i32
    %c0_i32_0 = arith.constant 0 : i32
    return %arg0, %c0_i32 : i32, i32
  }
  func.func @transform_1(%arg0: i32) -> (i32, i32, i32) {
    %c0_i32 = arith.constant 0 : i32
    %c0_i32_0 = arith.constant 0 : i32
    %c0_i32_1 = arith.constant 0 : i32
    return %c0_i32, %arg0, %c0_i32_0 : i32, i32, i32
  }
  func.func @transform_2(%arg0: i32) -> (i32, i32) {
    %c0_i32 = arith.constant 0 : i32
    %c0_i32_0 = arith.constant 0 : i32
    %c0_i32_1 = arith.constant 0 : i32
    return %c0_i32, %c0_i32_0 : i32, i32
  }
  func.func @transform_3(%arg0: i32) -> (i32, i32) {
    %c0_i32 = arith.constant 0 : i32
    %c0_i32_0 = arith.constant 0 : i32
    %c0_i32_1 = arith.constant 0 : i32
    return %c0_i32, %c0_i32_0 : i32, i32
  }
  func.func @transform_4(%arg0: i32) -> (i32, i32) {
    %c0_i32 = arith.constant 0 : i32
    %c0_i32_0 = arith.constant 0 : i32
    return %arg0, %c0_i32 : i32, i32
  }
}

</mosaic_0001>

<sc_bundles>
// kernel: kernel.12.cloned.1.call-start
scs
__scs_entry_jumppad:
0x0: {  	(pc) =	sbr.rel $0x88, $3  }
0x1: {  	(tag) =	ssettag $0x0;
	lr =	simm.s32 $0x1  }
0x2: {  	[smem:$0x3F95] =	sst lr;
	_ =	strace $0xD0000000  }
0x3: {  	_ = 	snop  }
0x4: {  	_ = 	snop  }
0x5: {  	_ = 	snop  }
0x6: {  	_ = 	snop  }
0x7: {  	_ = 	snop  }
__scs_overlays_trampoline_lowered:
0x8: {  	[smem:$0x3FA4] =	sst s0  }
0x9: {  	[smem:$0x3FA5] =	sst s1  }
0xa: {  	[smem:$0x3FA6] =	sst s2  }
0xb: {  	[smem:$0x3FA7] =	sst s3  }
0xc: {  	[smem:$0x3FA8] =	sst s4  }
0xd: {  	[smem:$0x3FA9] =	sst s5  }
0xe: {  	[smem:$0x3FAA] =	sst s6  }
0xf: {  	[smem:$0x3FAB] =	sst s7  }
0x10: {  	[smem:$0x3FAC] =	sst s8  }
0x11: {  	[smem:$0x3FAD] =	sst s9;
	s0 =	simm.s32 @!p0 $0x0  }
0x12: {  	s1 =	sld [smem:$0x3F93];
	s0 =	simm.s32 @p0 $0x1  }
0x13: {  	[smem:$0x3FAE] =	sst s0;
	s0 =	simm.s32 @!p1 $0x0  }
0x14: {  	s2 =	sld [smem:$0x3F92];
	s0 =	simm.s32 @p1 $0x1  }
0x15: {  	[smem:$0x3FAF] =	sst s0;
	s0 =	simm.s32 @!p2 $0x0  }
0x16: {  	s3 =	sld [smem:$0x3FDB];
	s0 =	simm.s32 @p2 $0x1  }
0x17: {  	s4 =	simm.s32 $0x1BF5;
	[smem:$0x3FB1] =	sst s0  }
0x18: {  	s0 =	sld [smem:$0x3F94];
	_ =	swait.ge [sflag:s4], $0x0  }
0x19: {  	s7 =	sld [smem:$0x3F95]  }
0x1a: {  	s8 =	sadd.s32 $0xFFFFE003, lr  }
0x1b: {  	s9 =	sadd.s32 $0xFFFFFEF7, lr;
	s5 =	simm.s32 $0xFFFFFFFF;
	p2 =	slt.u32 s8, $0xFFFFF086  }
0x1c: {  	p1 =	slt.u32 s9, $0xF7A;
	s5 =	simm.s32 @!p2 $0x0  }
0x1d: {  	s5 =	simm.s32 @p1 $0x1;
	p0 =	seq.s32 s7, s2  }
0x1e: {  	s7 =	smul.u32 @!p0 $0xF7A, s2;
	p2 =	seq.s32 @!p0 s5, $0x0  }
0x1f: {  	s9 =	smul.u32 $0xF7A, s1;
	s8 =	simm.s32 @!p0 $0x1BF5;
	p2 =	por !p2, p0  }
0x20: {  	[sflag:s8] =	ssyncset.s32 @!p0 $0xFFFFF086;
	s6 =	sadd.s32 @!p0 s3, s7;
	s7 =	simm.s32 @!p0 $0x108  }
0x21: {  	s3 =	sadd.s32 s3, s9;
	s6 =	sadd.s32 @!p0 $0x88, s6;
	s7 =	simm.s32 @p2 $0x1082  }
0x22: {  	[simem:s7], [sflag:s8] =	dma.local @!p0 [hbm:s6], $0xF7A  }
0x23: {  	s9 =	sor.u32 $0xD0000000, s2;
	s6 =	simm.s32 $0x108;
	_ =	swait.ge @!p0 [sflag:s8], $0x0  }
0x24: {  	s3 =	sadd.s32 $0x88, s3;
	s6 =	simm.s32 @!p1 $0x1082;
	[sflag:s4] =	ssyncset.s32 $0xFFFFF086  }
0x25: {  	[simem:s6], [sflag:s4] =	dma.local [hbm:s3], $0xF7A  }
0x26: {  	[smem:$0x3F95] =	sst s1;
	(tag) =	ssettag s2;
	_ =	strace s9  }
0x27: {  	s1 =	sld [smem:$0x3FA5]  }
0x28: {  	s2 =	sld [smem:$0x3FA6]  }
0x29: {  	s4 =	sld [smem:$0x3FA8]  }
0x2a: {  	p0 =	seq.s32 s5, $0x0;
	s5 =	sld [smem:$0x3FA9]  }
0x2b: {  	s6 =	sld [smem:$0x3FAA]  }
0x2c: {  	s7 =	sld [smem:$0x3FAB]  }
0x2d: {  	s3 =	simm.s32 $0x108;
	s8 =	sld [smem:$0x3FAC]  }
0x2e: {  	s3 =	simm.s32 @!p0 $0x1082;
	s9 =	sld [smem:$0x3FAD]  }
0x2f: {  	lr =	sadd.s32 s0, s3;
	s0 =	sld [smem:$0x3FA4]  }
0x30: {  	s3 =	sld [smem:$0x3FA7]  }
0x31: {  	[smem:$0x3FB0] =	sst s10  }
0x32: {  	s10 =	sld [smem:$0x3FAE];
	_ =	sdelay $0x3  }
0x33: {  	p0 =	seq.s32 s10, $0x1;
	s10 =	sld [smem:$0x3FB0];
	_ =	sdelay $0x3  }
0x34: {  	[smem:$0x3FB0] =	sst s10  }
0x35: {  	s10 =	sld [smem:$0x3FAF];
	_ =	sdelay $0x3  }
0x36: {  	p1 =	seq.s32 s10, $0x1;
	s10 =	sld [smem:$0x3FB0];
	_ =	sdelay $0x3  }
0x37: {  	[smem:$0x3FB0] =	sst s10  }
0x38: {  	s10 =	sld [smem:$0x3FB1]  }
0x39: {  	_ = 	snop;
	(pc) =	sbr.ind lr, $3  }
0x3a: {  	_ = 	snop  }
0x3b: {  	_ = 	snop  }
0x3c: {  	p2 =	seq.s32 s10, $0x1;
	s10 =	sld [smem:$0x3FB0]  }
0x3d: {  	_ =	shalt  }
0x3e: {  	_ =	shalt  }
0x3f: {  	_ =	shalt  }
0x40: {  	_ =	shalt  }
0x41: {  	_ =	shalt  }
0x42: {  	_ =	shalt  }
0x43: {  	_ =	shalt  }
0x44: {  	_ =	shalt  }
0x45: {  	_ =	shalt  }
0x46: {  	_ =	shalt  }
0x47: {  	_ =	shalt  }
0x48: {  	_ =	shalt  }
0x49: {  	_ =	shalt  }
0x4a: {  	_ =	shalt  }
0x4b: {  	_ =	shalt  }
0x4c: {  	_ =	shalt  }
0x4d: {  	_ =	shalt  }
0x4e: {  	_ =	shalt  }
0x4f: {  	_ =	shalt  }
0x50: {  	_ =	shalt  }
0x51: {  	_ =	shalt  }
0x52: {  	_ =	shalt  }
0x53: {  	_ =	shalt  }
0x54: {  	_ =	shalt  }
0x55: {  	_ =	shalt  }
0x56: {  	_ =	shalt  }
0x57: {  	_ =	shalt  }
0x58: {  	_ =	shalt  }
0x59: {  	_ =	shalt  }
0x5a: {  	_ =	shalt  }
0x5b: {  	_ =	shalt  }
0x5c: {  	_ =	shalt  }
0x5d: {  	_ =	shalt  }
0x5e: {  	_ =	shalt  }
0x5f: {  	_ =	shalt  }
0x60: {  	_ =	shalt  }
0x61: {  	_ =	shalt  }
0x62: {  	_ =	shalt  }
0x63: {  	_ =	shalt  }
0x64: {  	_ =	shalt  }
0x65: {  	_ =	shalt  }
0x66: {  	_ =	shalt  }
0x67: {  	_ =	shalt  }
0x68: {  	_ =	shalt  }
0x69: {  	_ =	shalt  }
0x6a: {  	_ =	shalt  }
0x6b: {  	_ =	shalt  }
0x6c: {  	_ =	shalt  }
0x6d: {  	_ =	shalt  }
0x6e: {  	_ =	shalt  }
0x6f: {  	_ =	shalt  }
0x70: {  	_ =	shalt  }
0x71: {  	_ =	shalt  }
0x72: {  	_ =	shalt  }
0x73: {  	_ =	shalt  }
0x74: {  	_ =	shalt  }
0x75: {  	_ =	shalt  }
0x76: {  	_ =	shalt  }
0x77: {  	_ =	shalt  }
0x78: {  	_ =	shalt  }
0x79: {  	_ =	shalt  }
0x7a: {  	_ =	shalt  }
0x7b: {  	_ =	shalt  }
0x7c: {  	_ =	shalt  }
0x7d: {  	_ =	shalt  }
0x7e: {  	_ =	shalt  }
0x7f: {  	_ =	shalt  }
0x80: {  	_ =	shalt  }
0x81: {  	_ =	shalt  }
0x82: {  	_ =	shalt  }
0x83: {  	_ =	shalt  }
0x84: {  	_ =	shalt  }
0x85: {  	_ =	shalt  }
0x86: {  	_ =	shalt  }
0x87: {  	_ =	shalt  }
.Lfunc_end0:
.L_simem_size_0:
called_computation.1_lowered:
.L_overlay_start_0:
0x88: {  	s2 =	sld [smem:$0x3FD9]  }
0x89: {  	s3 =	sld [smem:$0x3FFE];
	_ =	sdelay $0x1  }
0x8a: {  	s1 =	srdreg.scid  }
0x8b: {  	s0 =	sand.u32 $0x1, s1  }
0x8c: {  	s17 =	sshll.u32 s0, $0xA;
	s2 =	sadd.s32 s3, s2  }
0x8d: {  	s2 =	sadd.s32 s2, s17  }
0x8e: {  	[smem:$0x3FBC] =	sst s2  }
0x8f: {  	_ = 	snop  }
0x90: {  	s2 =	sld [smem:$0x3FD0];
	(tm) =	ssettm $0x1  }
0x91: {  	s18 =	sld [smem:$0x3FFB];
	_ =	sdelay $0x3  }
0x92: {  	_ =	strace s18  }
0x93: {  	s3 =	sld [smem:$0x3FFC];
	_ =	sdelay $0x3  }
0x94: {  	_ =	strace s3  }
0x95: {  	s3 =	sld [smem:$0x3FFD];
	_ =	sdelay $0x3  }
0x96: {  	_ =	strace s3  }
0x97: {  	_ =	strace $0x8FFFFFFF  }
0x98: {  	s19 =	sld [smem:$0x3FDB];
	_ =	sdelay $0x1  }
0x99: {  	s4 =	simm.s32 $_scs_section_size  }
0x9a: {  	s5 =	simm.s32 $_size__tile_overlayer_lowered;
	s6 =	simm.s32 $_tile_overlayer_lowered  }
0x9b: {  	s22 =	simm.s32 $0x1BFF;
	s21 =	sshll.u32 s6, $0x1;
	s3 =	sadd.s32 s4, s19  }
0x9c: {  	s7 =	simm.s32 $0x0;
	s20 =	sshll.u32 s5, $0x1;
	s5 =	sadd.s32 s21, s3  }
0x9d: {  	[timem:s7], [sflag:s22] =	dma.local [hbm:s5], s20  }
0x9e: {  	_ =	swait.ge [sflag:s22], s20  }
0x9f: {  	s4 =	ssub.s32 $0x0, s20;
	[sflag:s22] =	ssyncset.done $0x0  }
0xa0: {  	[sflag:s22] =	ssyncadd.s32 s4;
	_ =	sdelay $0x1  }
0xa1: {  	s23 =	simm.s32 $0x1B8B  }
0xa2: {  	_ =	swait.ge [sflag:s23], $0x1  }
0xa3: {  	[sflag:s23] =	ssyncset.done $0x0  }
0xa4: {  	s25 =	simm.s32 $0x1B8E;
	s24 =	sld [smem:$0x3FFE];
	[sflag:s23] =	ssyncadd.s32 $0xFFFFFFFF  }
0xa5: {  	s26 =	simm.s32 $execute0_lowered;
	[smem:$0x3FD2] =	sst s25  }
0xa6: {  	s5 =	sshll.u32 s26, $0x1;
	_ =	strace $0x80000049;
	[dreg:$0x1] =	wrdreg $0xFFFFFFFF  }
0xa7: {  	s28 =	simm.s32 $_size_execute0_lowered;
	s3 =	sadd.s32 s3, s5;
	[dreg:$0x0] =	wrdreg $0x0  }
0xa8: {  	s5 =	sshll.u32 s28, $0x1;
	[dreg:$0x2] =	wrdreg s3  }
0xa9: {  	[dreg:$0x3] =	wrdreg s5  }
0xaa: {  	[dreg:$0x4] =	wrdreg $0xC0  }
0xab: {  	_ =	task [dreg:s7], $0x5FFFF  }
0xac: {  	[dreg:$0x1] =	wrdreg $0xFFFFFFFF  }
0xad: {  	[dreg:$0x0] =	wrdreg $0x60  }
0xae: {  	[dreg:$0x2] =	wrdreg s24  }
0xaf: {  	[dreg:$0x3] =	wrdreg s2  }
0xb0: {  	[dreg:$0x4] =	wrdreg $0xA8000  }
0xb1: {  	[dreg:$0x5] =	wrdreg $0x9  }
0xb2: {  	_ =	task.clear_ibuf [dreg:s7], $0x6FFFF;
	_ =	strace $0x90000049  }
0xb3: {  	s29 =	simm.s32 $0x9;
	_ =	strace $0x8000004B  }
0xb4: {  	_ =	swait.ge [sflag:s29], $0x1  }
0xb5: {  	[sflag:s29] =	ssyncadd.s32 $0xFFFFFFFF  }
0xb6: {  	_ =	strace $0x9000004B  }
0xb7: {  	_ =	sfence  }
0xb8: {  	s30 =	sld [smem:$0x0];
	_ =	sdelay $0x2  }
0xb9: {  	s31 =	sshll.u32 s1, $0xD;
	s1 =	sshrl.u32 s1, $0x2  }
0xba: {  	s3 =	sand.u32 $0x4000, s31;
	s1 =	sadd.s32 s1, s30  }
0xbb: {  	s0 =	sor.u32 s3, s0;
	s1 =	sshll.u32 s1, $0x11  }
0xbc: {  	s0 =	sor.u32 s1, s0  }
0xbd: {  	s0 =	sadd.s32 $0x8F2B, s0  }
0xbe: {  	[sflag:s0] =	ssyncadd.remote.s32 $0x1  }
0xbf: {  	_ =	sfence.sel $0xFFFF  }
0xc0: {  	[dreg:$0x0] =	wrdreg $0xFFFFFFFF;
	(pc) =	sbr.abs _section_cstart, $3  }
0xc1: {  	[dreg:$0x1] =	wrdreg $0xFFFFFFFF  }
0xc2: {  	_ =	task.clear_ibuf [dreg:s7], $0x2FFFF;
	_ =	strace $0x9FFFFFFF  }
0xc3: {  	(tm) =	ssettm $0x7FFFFFFF  }
tec
execute0_lowered:
.L_overlay_start_1:
0x0: {  	(tag) =	ssettag $0x1  }
0x1: {  	s6 =	rddreg [dreg:$0x0]  }
0x2: {  	s1 =	rddreg [dreg:$0x1]  }
0x3: {  	s2 =	rddreg [dreg:$0x2]  }
0x4: {  	s3 =	srdreg.scid;
	s0 =	rddreg [dreg:$0x3]  }
0x5: {  	s4 =	simm.s32 $0x0;
	s16 =	simm.s32 $0x7D;
	s17 =	simm.s32 $0x2800  }
0x6: {  	s18 =	simm.s32 $0x80;
	s19 =	simm.s32 $0x6800;
	s20 =	simm.s32 $0x1  }
0x7: {  	s21 =	simm.s32 $0x2;
	s22 =	simm.s32 $0x2700;
	s23 =	simm.s32 $0x2780  }
0x8: {  	s7 =	sand.u32 $0x1, s3;
	s3 =	stileid.u32;
	[smem:$0x7FF] =	sst s4  }
0x9: {  	s5 =	sadd.s32 $0x14C00, s6;
	s10 =	sadd.s32 $0xAC00, s6;
	s8 =	smul.u32 $0x140000, s7  }
0xa: {  	s11 =	sadd.s32 $0xC00, s6;
	s9 =	smul.u32 $0x14000, s3;
	_ =	strace $0x8000004A  }
0xb: {  	s24 =	sshll.u32 s7, $0x4;
	s7 =	ssub.s32 $0x2, s7;
	s12 =	smul.u32 $0x50000, s3  }
0xc: {  	s26 =	sshll.u32 s3, $0x6;
	s13 =	sshrl.u32 s7, $0x1;
	s8 =	sadd.s32 s9, s8  }
0xd: {  	s9 =	sor.u32 s3, s24;
	s13 =	ssub.s32 s7, s13;
	s25 =	sshrl.u32 s12, $0x2  }
0xe: {  	s24 =	simm.s32 $0x0;
	s8 =	sshrl.u32 s8, $0x3;
	s14 =	smul.u32 $0x2800, s9  }
0xf: {  	s28 =	smul.u32 $0x500, s9;
	s30 =	sadd.s32 s25, s2;
	s12 =	smax.u32 s13, $0x1  }
0x10: {  	s15 =	sadd.s32 s8, s6;
	s6 =	sor.u32 $0x1C03, s26;
	s29 =	sshrl.u32 s14, $0x3  }
0x11: {  	s13 =	sshrl.u32 s30, $0x3;
	s7 =	sadd.s32 s10, s28;
	s31 =	sadd.s32 $0x280, s29  }
0x12: {  	s8 =	sadd.s32 s11, s28;
	s14 =	simm.s32 $0x3;
	s9 =	sadd.s32 s10, s31  }
0x13: {  	s10 =	sadd.s32 s11, s31;
	s11 =	sadd.s32 $0x3BE00, s15;
	s15 =	simm.s32 $0x1400  }
.LBB2_1:
0x14: {  	[spmem:s13], [sflag:s6] =	dma.local [hbm:s1], $0x2800  }
0x15: {  	_ =	swait.ge [sflag:s14], $0x2800  }
0x16: {  	[sflag:s14] =	ssyncset.done $0x0  }
0x17: {  	[sflag:s14] =	ssyncadd.s32 $0xFFFFD800  }
0x18: {  	[bflag:$0x0] =	sbarrier.arrive $0xFFFF  }
0x19: {  	[tilespmem:s4], [sflag:$0x3] =	stream.linear.gather [hbm4b:s7+s4], $0x1400, $0x38;
	[tilespmem:$0x1E800] =	vst v63  }
0x1a: {  	_ =	swait.ge [sflag:s14], $0x1400  }
0x1b: {  	[sflag:s14] =	ssyncset.done $0x0  }
0x1c: {  	[sflag:s14] =	ssyncadd.s32 $0xFFFFEC00  }
0x1d: {  	[tilespmem:s15], [sflag:$0x3] =	stream.linear.gather [hbm4b:s8+s4], $0x1400, $0x38;
	[tilespmem:$0x1E800] =	vst v63  }
0x1e: {  	_ =	swait.ge [sflag:s14], $0x1400  }
0x1f: {  	[sflag:s14] =	ssyncset.done $0x0  }
0x20: {  	[sflag:s14] =	ssyncadd.s32 $0xFFFFEC00  }
0x21: {  	[tilespmem:s17], [sflag:$0x1] =	stream.indirect.gather [hbm4b:s5+s16], $0x80, s4, s16, $0xb8;
	[tilespmem:$0x1E800] =	vst v63  }
0x22: {  	_ = 	snop  }
0x23: {  	[tilespmem:s19], [sflag:$0x2] =	stream.indirect.gather [hbm4b:s5+s16], $0x80, s18, s16, $0xb8;
	[tilespmem:$0x1E800] =	vst v63  }
0x24: {  	_ =	swait.ge [sflag:s20], $0x3E80  }
0x25: {  	[sflag:s20] =	ssyncset.done $0x0  }
0x26: {  	s25 =	simm.s32 $0x1400;
	[sflag:s20] =	ssyncadd.s32 $0xFFFFC180  }
0x27: {  	[spmem:s2] =	stream.indirect.scatter.add.f32 [tilespmem:s17], [sflag:$0x3], $0x80, s25, s16, $0xb8;
	[tilespmem:$0x1E800] =	vst v63  }
0x28: {  	_ =	swait.ge [sflag:s14], $0x3E80  }
0x29: {  	[sflag:s14] =	ssyncset.done $0x0  }
0x2a: {  	s30 =	simm.s32 $0x100;
	[sflag:s14] =	ssyncadd.s32 $0xFFFFC180  }
0x2b: {  	[tilespmem:s17], [sflag:$0x1] =	stream.indirect.gather [hbm4b:s5+s16], $0x80, s30, s16, $0xb8;
	[tilespmem:$0x1E800] =	vst v63  }
0x2c: {  	_ =	swait.ge [sflag:s21], $0x3E80  }
0x2d: {  	[sflag:s21] =	ssyncset.done $0x0  }
0x2e: {  	s31 =	simm.s32 $0x1480;
	[sflag:s21] =	ssyncadd.s32 $0xFFFFC180  }
0x2f: {  	[spmem:s2] =	stream.indirect.scatter.add.f32 [tilespmem:s19], [sflag:$0x3], $0x80, s31, s16, $0xb8;
	[tilespmem:$0x1E800] =	vst v63  }
0x30: {  	_ =	swait.ge [sflag:s14], $0x3E80  }
0x31: {  	[sflag:s14] =	ssyncset.done $0x0  }
0x32: {  	s26 =	simm.s32 $0x180;
	s25 =	simm.s32 $0x400;
	[sflag:s14] =	ssyncadd.s32 $0xFFFFC180  }
.LBB2_2:
0x33: {  	[tilespmem:s19], [sflag:$0x2] =	stream.indirect.gather [hbm4b:s5+s16], $0x80, s26, s16, $0xb8;
	[tilespmem:$0x1E800] =	vst v63  }
0x34: {  	s26 =	smov.u32 s25  }
0x35: {  	p0 =	sne.s32 s25, $0x4800;
	s25 =	sadd.s32 $0x400, s25;
	_ =	swait.ge [sflag:s20], $0x3E80  }
0x36: {  	s26 =	sshra.s32 s26, $0x2;
	[sflag:s20] =	ssyncset.done $0x0  }
0x37: {  	s28 =	sadd.s32 $0x1400, s26;
	[sflag:s20] =	ssyncadd.s32 $0xFFFFC180  }
0x38: {  	[spmem:s2] =	stream.indirect.scatter.add.f32 [tilespmem:s17], [sflag:$0x3], $0x80, s28, s16, $0xb8;
	[tilespmem:$0x1E800] =	vst v63  }
0x39: {  	_ =	swait.ge [sflag:s14], $0x3E80  }
0x3a: {  	[sflag:s14] =	ssyncset.done $0x0  }
0x3b: {  	s28 =	sadd.s32 $0x100, s26;
	[sflag:s14] =	ssyncadd.s32 $0xFFFFC180  }
0x3c: {  	[tilespmem:s17], [sflag:$0x1] =	stream.indirect.gather [hbm4b:s5+s16], $0x80, s28, s16, $0xb8;
	[tilespmem:$0x1E800] =	vst v63  }
0x3d: {  	_ =	swait.ge [sflag:s21], $0x3E80  }
0x3e: {  	[sflag:s21] =	ssyncset.done $0x0  }
.Ltmp0:
0x3f: {  	s28 =	sadd.s32 $0x1480, s26;
	[sflag:s21] =	ssyncadd.s32 $0xFFFFC180;
	(pc) =	sbr.rel @p0 .LBB2_2-.Ltmp0, $4  }
0x40: {  	[spmem:s2] =	stream.indirect.scatter.add.f32 [tilespmem:s19], [sflag:$0x3], $0x80, s28, s16, $0xb8;
	[tilespmem:$0x1E800] =	vst v63  }
0x41: {  	_ =	swait.ge [sflag:s14], $0x3E80  }
0x42: {  	[sflag:s14] =	ssyncset.done $0x0  }
0x43: {  	s26 =	sadd.s32 $0x180, s26;
	[sflag:s14] =	ssyncadd.s32 $0xFFFFC180  }
0x44: {  	[tilespmem:s19], [sflag:$0x2] =	stream.indirect.gather [hbm4b:s5+s16], $0x80, s26, s16, $0xb8;
	[tilespmem:$0x1E800] =	vst v63  }
0x45: {  	_ =	swait.ge [sflag:s20], $0x3E80  }
0x46: {  	[sflag:s20] =	ssyncset.done $0x0  }
0x47: {  	[sflag:s20] =	ssyncadd.s32 $0xFFFFC180  }
0x48: {  	[spmem:s2] =	stream.indirect.scatter.add.f32 [tilespmem:s17], [sflag:$0x3], $0x80, s22, s16, $0xb8;
	[tilespmem:$0x1E800] =	vst v63  }
0x49: {  	_ =	swait.ge [sflag:s14], $0x3E80  }
0x4a: {  	[sflag:s14] =	ssyncset.done $0x0  }
0x4b: {  	[sflag:s14] =	ssyncadd.s32 $0xFFFFC180  }
0x4c: {  	_ =	swait.ge [sflag:s21], $0x3E80  }
0x4d: {  	[sflag:s21] =	ssyncset.done $0x0  }
0x4e: {  	[sflag:s21] =	ssyncadd.s32 $0xFFFFC180  }
0x4f: {  	[spmem:s2] =	stream.indirect.scatter.add.f32 [tilespmem:s19], [sflag:$0x3], $0x80, s23, s16, $0xb8;
	[tilespmem:$0x1E800] =	vst v63  }
0x50: {  	_ =	swait.ge [sflag:s14], $0x3E80  }
0x51: {  	[sflag:s14] =	ssyncset.done $0x0  }
0x52: {  	s25 =	simm.s32 $0x0;
	[sflag:s14] =	ssyncadd.s32 $0xFFFFC180  }
0x53: {  	[tilespmem:s25], [sflag:$0x3] =	stream.linear.gather [hbm4b:s9+s25], $0x1400, $0x38;
	[tilespmem:$0x1E800] =	vst v63  }
0x54: {  	_ =	swait.ge [sflag:s14], $0x1400  }
0x55: {  	[sflag:s14] =	ssyncset.done $0x0  }
0x56: {  	[sflag:s14] =	ssyncadd.s32 $0xFFFFEC00  }
0x57: {  	[tilespmem:s15], [sflag:$0x3] =	stream.linear.gather [hbm4b:s10+s25], $0x1400, $0x38;
	[tilespmem:$0x1E800] =	vst v63  }
0x58: {  	_ =	swait.ge [sflag:s14], $0x1400  }
0x59: {  	[sflag:s14] =	ssyncset.done $0x0  }
0x5a: {  	[sflag:s14] =	ssyncadd.s32 $0xFFFFEC00  }
0x5b: {  	[tilespmem:s17], [sflag:$0x1] =	stream.indirect.gather [hbm4b:s5+s16], $0x80, s25, s16, $0xb8;
	[tilespmem:$0x1E800] =	vst v63  }
0x5c: {  	_ = 	snop  }
0x5d: {  	[tilespmem:s19], [sflag:$0x2] =	stream.indirect.gather [hbm4b:s5+s16], $0x80, s18, s16, $0xb8;
	[tilespmem:$0x1E800] =	vst v63  }
0x5e: {  	_ =	swait.ge [sflag:s20], $0x3E80  }
0x5f: {  	[sflag:s20] =	ssyncset.done $0x0  }
0x60: {  	s29 =	simm.s32 $0x1400;
	[sflag:s20] =	ssyncadd.s32 $0xFFFFC180  }
0x61: {  	[spmem:s2] =	stream.indirect.scatter.add.f32 [tilespmem:s17], [sflag:$0x3], $0x80, s29, s16, $0xb8;
	[tilespmem:$0x1E800] =	vst v63  }
0x62: {  	_ =	swait.ge [sflag:s14], $0x3E80  }
0x63: {  	[sflag:s14] =	ssyncset.done $0x0  }
0x64: {  	s30 =	simm.s32 $0x100;
	[sflag:s14] =	ssyncadd.s32 $0xFFFFC180  }
0x65: {  	[tilespmem:s17], [sflag:$0x1] =	stream.indirect.gather [hbm4b:s5+s16], $0x80, s30, s16, $0xb8;
	[tilespmem:$0x1E800] =	vst v63  }
0x66: {  	_ =	swait.ge [sflag:s21], $0x3E80  }
0x67: {  	[sflag:s21] =	ssyncset.done $0x0  }
0x68: {  	s31 =	simm.s32 $0x1480;
	[sflag:s21] =	ssyncadd.s32 $0xFFFFC180  }
0x69: {  	[spmem:s2] =	stream.indirect.scatter.add.f32 [tilespmem:s19], [sflag:$0x3], $0x80, s31, s16, $0xb8;
	[tilespmem:$0x1E800] =	vst v63  }
0x6a: {  	_ =	swait.ge [sflag:s14], $0x3E80  }
0x6b: {  	[sflag:s14] =	ssyncset.done $0x0  }
0x6c: {  	s26 =	simm.s32 $0x180;
	s25 =	simm.s32 $0x400;
	[sflag:s14] =	ssyncadd.s32 $0xFFFFC180  }
.LBB2_4:
0x6d: {  	[tilespmem:s19], [sflag:$0x2] =	stream.indirect.gather [hbm4b:s5+s16], $0x80, s26, s16, $0xb8;
	[tilespmem:$0x1E800] =	vst v63  }
0x6e: {  	s26 =	smov.u32 s25  }
0x6f: {  	p0 =	sne.s32 s25, $0x4800;
	s25 =	sadd.s32 $0x400, s25;
	_ =	swait.ge [sflag:s20], $0x3E80  }
0x70: {  	s26 =	sshra.s32 s26, $0x2;
	[sflag:s20] =	ssyncset.done $0x0  }
0x71: {  	s28 =	sadd.s32 $0x1400, s26;
	[sflag:s20] =	ssyncadd.s32 $0xFFFFC180  }
0x72: {  	[spmem:s2] =	stream.indirect.scatter.add.f32 [tilespmem:s17], [sflag:$0x3], $0x80, s28, s16, $0xb8;
	[tilespmem:$0x1E800] =	vst v63  }
0x73: {  	_ =	swait.ge [sflag:s14], $0x3E80  }
0x74: {  	[sflag:s14] =	ssyncset.done $0x0  }
0x75: {  	s28 =	sadd.s32 $0x100, s26;
	[sflag:s14] =	ssyncadd.s32 $0xFFFFC180  }
0x76: {  	[tilespmem:s17], [sflag:$0x1] =	stream.indirect.gather [hbm4b:s5+s16], $0x80, s28, s16, $0xb8;
	[tilespmem:$0x1E800] =	vst v63  }
0x77: {  	_ =	swait.ge [sflag:s21], $0x3E80  }
0x78: {  	[sflag:s21] =	ssyncset.done $0x0  }
.Ltmp1:
0x79: {  	s28 =	sadd.s32 $0x1480, s26;
	[sflag:s21] =	ssyncadd.s32 $0xFFFFC180;
	(pc) =	sbr.rel @p0 .LBB2_4-.Ltmp1, $4  }
0x7a: {  	[spmem:s2] =	stream.indirect.scatter.add.f32 [tilespmem:s19], [sflag:$0x3], $0x80, s28, s16, $0xb8;
	[tilespmem:$0x1E800] =	vst v63  }
0x7b: {  	_ =	swait.ge [sflag:s14], $0x3E80  }
0x7c: {  	[sflag:s14] =	ssyncset.done $0x0  }
0x7d: {  	s26 =	sadd.s32 $0x180, s26;
	[sflag:s14] =	ssyncadd.s32 $0xFFFFC180  }
0x7e: {  	[tilespmem:s19], [sflag:$0x2] =	stream.indirect.gather [hbm4b:s5+s16], $0x80, s26, s16, $0xb8;
	[tilespmem:$0x1E800] =	vst v63  }
0x7f: {  	_ =	swait.ge [sflag:s20], $0x3E80  }
0x80: {  	[sflag:s20] =	ssyncset.done $0x0  }
0x81: {  	[sflag:s20] =	ssyncadd.s32 $0xFFFFC180  }
0x82: {  	[spmem:s2] =	stream.indirect.scatter.add.f32 [tilespmem:s17], [sflag:$0x3], $0x80, s22, s16, $0xb8;
	[tilespmem:$0x1E800] =	vst v63  }
0x83: {  	_ =	swait.ge [sflag:s14], $0x3E80  }
0x84: {  	[sflag:s14] =	ssyncset.done $0x0  }
0x85: {  	[sflag:s14] =	ssyncadd.s32 $0xFFFFC180  }
0x86: {  	_ =	swait.ge [sflag:s21], $0x3E80  }
0x87: {  	[sflag:s21] =	ssyncset.done $0x0  }
0x88: {  	[sflag:s21] =	ssyncadd.s32 $0xFFFFC180  }
0x89: {  	[spmem:s2] =	stream.indirect.scatter.add.f32 [tilespmem:s19], [sflag:$0x3], $0x80, s23, s16, $0xb8;
	[tilespmem:$0x1E800] =	vst v63  }
0x8a: {  	_ =	swait.ge [sflag:s14], $0x3E80  }
0x8b: {  	s24 =	sadd.s32 $0x1, s24;
	[sflag:s14] =	ssyncset.done $0x0  }
0x8c: {  	p0 =	sne.s32 s24, s12;
	[sflag:s14] =	ssyncadd.s32 $0xFFFFC180  }
.Ltmp2:
0x8d: {  	[bflag:$0x0] =	sbarrier.arrive $0xFFFF;
	(pc) =	sbr.rel @p0 .LBB2_1-.Ltmp2, $4  }
0x8e: {  	[hbm:s11], [sflag:s6] =	dma.local [spmem:s13], $0x2800  }
0x8f: {  	_ =	swait.ge [sflag:s14], $0x2800  }
0x90: {  	[sflag:s14] =	ssyncset.done $0x0  }
0x91: {  	[sflag:s14] =	ssyncadd.s32 $0xFFFFD800  }
0x92: {  	_ =	sfence.sel $0x180000  }
0x93: {  	[bflag:$0x0] =	sbarrier.arrive $0xFFFF  }
0x94: {  	p0 =	sne.s32 s3, $0x0;
	_ =	strace $0x9000004A  }
0x95: {  	s0 =	sadd.s32 @!p0 $0x100000, s0;
	[bflag:$0x2] =	sbarrier.arrive $0xFFFF  }
0x96: {  	[sflag:s0] =	ssyncadd.tile.s32 @!p0 $0x1;
	_ =	shalt  }
.Lfunc_end2:
_tile_overlayer_lowered:
.L_overlay_start_2:
0x97: {  	(tag) =	ssettag $0x2  }
0x98: {  	s0 =	rddreg [dreg:$0x0];
	s2 =	stileid.u32  }
0x99: {  	s1 =	rddreg [dreg:$0x1];
	p0 =	sne.s32 s2, $0x0  }
0x9a: {  	s3 =	rddreg [dreg:$0x2];
	[bflag:$0x3] =	sbarrier.arrive $0xFFFF;
	s2 =	simm.s32 @!p0 $0x1C03  }
0x9b: {  	[timem:s3], [sflag:s2] =	dma.local @!p0 [hbm:s0], s1  }
0x9c: {  	s0 =	simm.s32 @!p0 $0x3  }
0x9d: {  	_ =	swait.ge @!p0 [sflag:s0], s1  }
0x9e: {  	s1 =	ssub.s32 @!p0 $0x0, s1;
	[sflag:s0] =	ssyncset.done @!p0 $0x0  }
0x9f: {  	[sflag:s0] =	ssyncadd.s32 @!p0 s1  }
0xa0: {  	[bflag:$0x3] =	sbarrier.arrive $0xFFFF  }
0xa1: {  	_ =	shalt  }

// kernel: kernel.15.cloned.1.call-start
scs
__scs_entry_jumppad:
0x0: {  	(pc) =	sbr.rel $0x88, $3  }
0x1: {  	(tag) =	ssettag $0x0;
	lr =	simm.s32 $0x1  }
0x2: {  	[smem:$0x3F95] =	sst lr;
	_ =	strace $0xD0000000  }
0x3: {  	_ = 	snop  }
0x4: {  	_ = 	snop  }
0x5: {  	_ = 	snop  }
0x6: {  	_ = 	snop  }
0x7: {  	_ = 	snop  }
__scs_overlays_trampoline_lowered:
0x8: {  	[smem:$0x3FA4] =	sst s0  }
0x9: {  	[smem:$0x3FA5] =	sst s1  }
0xa: {  	[smem:$0x3FA6] =	sst s2  }
0xb: {  	[smem:$0x3FA7] =	sst s3  }
0xc: {  	[smem:$0x3FA8] =	sst s4  }
0xd: {  	[smem:$0x3FA9] =	sst s5  }
0xe: {  	[smem:$0x3FAA] =	sst s6  }
0xf: {  	[smem:$0x3FAB] =	sst s7  }
0x10: {  	[smem:$0x3FAC] =	sst s8  }
0x11: {  	[smem:$0x3FAD] =	sst s9;
	s0 =	simm.s32 @!p0 $0x0  }
0x12: {  	s1 =	sld [smem:$0x3F93];
	s0 =	simm.s32 @p0 $0x1  }
0x13: {  	[smem:$0x3FAE] =	sst s0;
	s0 =	simm.s32 @!p1 $0x0  }
0x14: {  	s2 =	sld [smem:$0x3F92];
	s0 =	simm.s32 @p1 $0x1  }
0x15: {  	[smem:$0x3FAF] =	sst s0;
	s0 =	simm.s32 @!p2 $0x0  }
0x16: {  	s3 =	sld [smem:$0x3FDB];
	s0 =	simm.s32 @p2 $0x1  }
0x17: {  	s4 =	simm.s32 $0x1BF5;
	[smem:$0x3FB1] =	sst s0  }
0x18: {  	s0 =	sld [smem:$0x3F94];
	_ =	swait.ge [sflag:s4], $0x0  }
0x19: {  	s7 =	sld [smem:$0x3F95]  }
0x1a: {  	s8 =	sadd.s32 $0xFFFFE003, lr  }
0x1b: {  	s9 =	sadd.s32 $0xFFFFFEF7, lr;
	s5 =	simm.s32 $0xFFFFFFFF;
	p2 =	slt.u32 s8, $0xFFFFF086  }
0x1c: {  	p1 =	slt.u32 s9, $0xF7A;
	s5 =	simm.s32 @!p2 $0x0  }
0x1d: {  	s5 =	simm.s32 @p1 $0x1;
	p0 =	seq.s32 s7, s2  }
0x1e: {  	s7 =	smul.u32 @!p0 $0xF7A, s2;
	p2 =	seq.s32 @!p0 s5, $0x0  }
0x1f: {  	s9 =	smul.u32 $0xF7A, s1;
	s8 =	simm.s32 @!p0 $0x1BF5;
	p2 =	por !p2, p0  }
0x20: {  	[sflag:s8] =	ssyncset.s32 @!p0 $0xFFFFF086;
	s6 =	sadd.s32 @!p0 s3, s7;
	s7 =	simm.s32 @!p0 $0x108  }
0x21: {  	s3 =	sadd.s32 s3, s9;
	s6 =	sadd.s32 @!p0 $0x88, s6;
	s7 =	simm.s32 @p2 $0x1082  }
0x22: {  	[simem:s7], [sflag:s8] =	dma.local @!p0 [hbm:s6], $0xF7A  }
0x23: {  	s9 =	sor.u32 $0xD0000000, s2;
	s6 =	simm.s32 $0x108;
	_ =	swait.ge @!p0 [sflag:s8], $0x0  }
0x24: {  	s3 =	sadd.s32 $0x88, s3;
	s6 =	simm.s32 @!p1 $0x1082;
	[sflag:s4] =	ssyncset.s32 $0xFFFFF086  }
0x25: {  	[simem:s6], [sflag:s4] =	dma.local [hbm:s3], $0xF7A  }
0x26: {  	[smem:$0x3F95] =	sst s1;
	(tag) =	ssettag s2;
	_ =	strace s9  }
0x27: {  	s1 =	sld [smem:$0x3FA5]  }
0x28: {  	s2 =	sld [smem:$0x3FA6]  }
0x29: {  	s4 =	sld [smem:$0x3FA8]  }
0x2a: {  	p0 =	seq.s32 s5, $0x0;
	s5 =	sld [smem:$0x3FA9]  }
0x2b: {  	s6 =	sld [smem:$0x3FAA]  }
0x2c: {  	s7 =	sld [smem:$0x3FAB]  }
0x2d: {  	s3 =	simm.s32 $0x108;
	s8 =	sld [smem:$0x3FAC]  }
0x2e: {  	s3 =	simm.s32 @!p0 $0x1082;
	s9 =	sld [smem:$0x3FAD]  }
0x2f: {  	lr =	sadd.s32 s0, s3;
	s0 =	sld [smem:$0x3FA4]  }
0x30: {  	s3 =	sld [smem:$0x3FA7]  }
0x31: {  	[smem:$0x3FB0] =	sst s10  }
0x32: {  	s10 =	sld [smem:$0x3FAE];
	_ =	sdelay $0x3  }
0x33: {  	p0 =	seq.s32 s10, $0x1;
	s10 =	sld [smem:$0x3FB0];
	_ =	sdelay $0x3  }
0x34: {  	[smem:$0x3FB0] =	sst s10  }
0x35: {  	s10 =	sld [smem:$0x3FAF];
	_ =	sdelay $0x3  }
0x36: {  	p1 =	seq.s32 s10, $0x1;
	s10 =	sld [smem:$0x3FB0];
	_ =	sdelay $0x3  }
0x37: {  	[smem:$0x3FB0] =	sst s10  }
0x38: {  	s10 =	sld [smem:$0x3FB1]  }
0x39: {  	_ = 	snop;
	(pc) =	sbr.ind lr, $3  }
0x3a: {  	_ = 	snop  }
0x3b: {  	_ = 	snop  }
0x3c: {  	p2 =	seq.s32 s10, $0x1;
	s10 =	sld [smem:$0x3FB0]  }
0x3d: {  	_ =	shalt  }
0x3e: {  	_ =	shalt  }
0x3f: {  	_ =	shalt  }
0x40: {  	_ =	shalt  }
0x41: {  	_ =	shalt  }
0x42: {  	_ =	shalt  }
0x43: {  	_ =	shalt  }
0x44: {  	_ =	shalt  }
0x45: {  	_ =	shalt  }
0x46: {  	_ =	shalt  }
0x47: {  	_ =	shalt  }
0x48: {  	_ =	shalt  }
0x49: {  	_ =	shalt  }
0x4a: {  	_ =	shalt  }
0x4b: {  	_ =	shalt  }
0x4c: {  	_ =	shalt  }
0x4d: {  	_ =	shalt  }
0x4e: {  	_ =	shalt  }
0x4f: {  	_ =	shalt  }
0x50: {  	_ =	shalt  }
0x51: {  	_ =	shalt  }
0x52: {  	_ =	shalt  }
0x53: {  	_ =	shalt  }
0x54: {  	_ =	shalt  }
0x55: {  	_ =	shalt  }
0x56: {  	_ =	shalt  }
0x57: {  	_ =	shalt  }
0x58: {  	_ =	shalt  }
0x59: {  	_ =	shalt  }
0x5a: {  	_ =	shalt  }
0x5b: {  	_ =	shalt  }
0x5c: {  	_ =	shalt  }
0x5d: {  	_ =	shalt  }
0x5e: {  	_ =	shalt  }
0x5f: {  	_ =	shalt  }
0x60: {  	_ =	shalt  }
0x61: {  	_ =	shalt  }
0x62: {  	_ =	shalt  }
0x63: {  	_ =	shalt  }
0x64: {  	_ =	shalt  }
0x65: {  	_ =	shalt  }
0x66: {  	_ =	shalt  }
0x67: {  	_ =	shalt  }
0x68: {  	_ =	shalt  }
0x69: {  	_ =	shalt  }
0x6a: {  	_ =	shalt  }
0x6b: {  	_ =	shalt  }
0x6c: {  	_ =	shalt  }
0x6d: {  	_ =	shalt  }
0x6e: {  	_ =	shalt  }
0x6f: {  	_ =	shalt  }
0x70: {  	_ =	shalt  }
0x71: {  	_ =	shalt  }
0x72: {  	_ =	shalt  }
0x73: {  	_ =	shalt  }
0x74: {  	_ =	shalt  }
0x75: {  	_ =	shalt  }
0x76: {  	_ =	shalt  }
0x77: {  	_ =	shalt  }
0x78: {  	_ =	shalt  }
0x79: {  	_ =	shalt  }
0x7a: {  	_ =	shalt  }
0x7b: {  	_ =	shalt  }
0x7c: {  	_ =	shalt  }
0x7d: {  	_ =	shalt  }
0x7e: {  	_ =	shalt  }
0x7f: {  	_ =	shalt  }
0x80: {  	_ =	shalt  }
0x81: {  	_ =	shalt  }
0x82: {  	_ =	shalt  }
0x83: {  	_ =	shalt  }
0x84: {  	_ =	shalt  }
0x85: {  	_ =	shalt  }
0x86: {  	_ =	shalt  }
0x87: {  	_ =	shalt  }
.Lfunc_end0:
.L_simem_size_0:
called_computation.2_lowered:
.L_overlay_start_0:
0x88: {  	s2 =	sld [smem:$0x3FD9]  }
0x89: {  	s3 =	sld [smem:$0x3FFE];
	_ =	sdelay $0x1  }
0x8a: {  	s1 =	srdreg.scid  }
0x8b: {  	s0 =	sand.u32 $0x1, s1  }
0x8c: {  	s17 =	sshll.u32 s0, $0xA;
	s2 =	sadd.s32 s3, s2  }
0x8d: {  	s2 =	sadd.s32 s2, s17  }
0x8e: {  	[smem:$0x3FBC] =	sst s2  }
0x8f: {  	_ = 	snop  }
0x90: {  	s2 =	sld [smem:$0x3FD0];
	(tm) =	ssettm $0x1  }
0x91: {  	s18 =	sld [smem:$0x3FFB];
	_ =	sdelay $0x3  }
0x92: {  	_ =	strace s18  }
0x93: {  	s3 =	sld [smem:$0x3FFC];
	_ =	sdelay $0x3  }
0x94: {  	_ =	strace s3  }
0x95: {  	s3 =	sld [smem:$0x3FFD];
	_ =	sdelay $0x3  }
0x96: {  	_ =	strace s3  }
0x97: {  	_ =	strace $0x8FFFFFFF  }
0x98: {  	s19 =	sld [smem:$0x3FDB];
	_ =	sdelay $0x1  }
0x99: {  	s4 =	simm.s32 $_scs_section_size  }
0x9a: {  	s5 =	simm.s32 $_size__tile_overlayer_lowered;
	s6 =	simm.s32 $_tile_overlayer_lowered  }
0x9b: {  	s22 =	simm.s32 $0x1BFF;
	s21 =	sshll.u32 s6, $0x1;
	s3 =	sadd.s32 s4, s19  }
0x9c: {  	s7 =	simm.s32 $0x0;
	s20 =	sshll.u32 s5, $0x1;
	s5 =	sadd.s32 s21, s3  }
0x9d: {  	[timem:s7], [sflag:s22] =	dma.local [hbm:s5], s20  }
0x9e: {  	_ =	swait.ge [sflag:s22], s20  }
0x9f: {  	s4 =	ssub.s32 $0x0, s20;
	[sflag:s22] =	ssyncset.done $0x0  }
0xa0: {  	[sflag:s22] =	ssyncadd.s32 s4;
	_ =	sdelay $0x1  }
0xa1: {  	s23 =	simm.s32 $0x1B8B  }
0xa2: {  	_ =	swait.ge [sflag:s23], $0x1  }
0xa3: {  	[sflag:s23] =	ssyncset.done $0x0  }
0xa4: {  	s25 =	simm.s32 $0x1B8E;
	s24 =	sld [smem:$0x3FFE];
	[sflag:s23] =	ssyncadd.s32 $0xFFFFFFFF  }
0xa5: {  	s26 =	simm.s32 $execute0_lowered;
	[smem:$0x3FD2] =	sst s25  }
0xa6: {  	s5 =	sshll.u32 s26, $0x1;
	_ =	strace $0x8000004C;
	[dreg:$0x1] =	wrdreg $0xFFFFFFFF  }
0xa7: {  	s28 =	simm.s32 $_size_execute0_lowered;
	s3 =	sadd.s32 s3, s5;
	[dreg:$0x0] =	wrdreg $0x0  }
0xa8: {  	s5 =	sshll.u32 s28, $0x1;
	[dreg:$0x2] =	wrdreg s3  }
0xa9: {  	[dreg:$0x3] =	wrdreg s5  }
0xaa: {  	[dreg:$0x4] =	wrdreg $0xC0  }
0xab: {  	_ =	task [dreg:s7], $0x5FFFF  }
0xac: {  	[dreg:$0x1] =	wrdreg $0xFFFFFFFF  }
0xad: {  	[dreg:$0x0] =	wrdreg $0x60  }
0xae: {  	[dreg:$0x2] =	wrdreg s24  }
0xaf: {  	[dreg:$0x3] =	wrdreg s2  }
0xb0: {  	[dreg:$0x4] =	wrdreg $0xA8000  }
0xb1: {  	[dreg:$0x5] =	wrdreg $0x9  }
0xb2: {  	_ =	task.clear_ibuf [dreg:s7], $0x6FFFF;
	_ =	strace $0x9000004C  }
0xb3: {  	s29 =	simm.s32 $0x9;
	_ =	strace $0x8000004E  }
0xb4: {  	_ =	swait.ge [sflag:s29], $0x1  }
0xb5: {  	[sflag:s29] =	ssyncadd.s32 $0xFFFFFFFF  }
0xb6: {  	_ =	strace $0x9000004E  }
0xb7: {  	_ =	sfence  }
0xb8: {  	s30 =	sld [smem:$0x0];
	_ =	sdelay $0x2  }
0xb9: {  	s31 =	sshll.u32 s1, $0xD;
	s1 =	sshrl.u32 s1, $0x2  }
0xba: {  	s3 =	sand.u32 $0x4000, s31;
	s1 =	sadd.s32 s1, s30  }
0xbb: {  	s0 =	sor.u32 s3, s0;
	s1 =	sshll.u32 s1, $0x11  }
0xbc: {  	s0 =	sor.u32 s1, s0  }
0xbd: {  	s0 =	sadd.s32 $0x8F2B, s0  }
0xbe: {  	[sflag:s0] =	ssyncadd.remote.s32 $0x1  }
0xbf: {  	_ =	sfence.sel $0xFFFF  }
0xc0: {  	[dreg:$0x0] =	wrdreg $0xFFFFFFFF;
	(pc) =	sbr.abs _section_cstart, $3  }
0xc1: {  	[dreg:$0x1] =	wrdreg $0xFFFFFFFF  }
0xc2: {  	_ =	task.clear_ibuf [dreg:s7], $0x2FFFF;
	_ =	strace $0x9FFFFFFF  }
0xc3: {  	(tm) =	ssettm $0x7FFFFFFF  }
tec
execute0_lowered:
.L_overlay_start_1:
0x0: {  	(tag) =	ssettag $0x1  }
0x1: {  	s0 =	rddreg [dreg:$0x0];
	s1 =	srdreg.scid  }
0x2: {  	s3 =	rddreg [dreg:$0x2];
	s23 =	stileid.u32  }
0x3: {  	s4 =	simm.s32 $0x0;
	s28 =	simm.s32 $0x3;
	s5 =	smul.u32 $0x14000, s23  }
0x4: {  	s29 =	simm.s32 $0x1400;
	s30 =	simm.s32 $0x7D;
	s26 =	smul.u32 $0x5000, s23  }
0x5: {  	s31 =	simm.s32 $0x2800;
	s1 =	sand.u32 $0x1, s1;
	s11 =	smul.u32 $0x50000, s23  }
0x6: {  	[smem:$0x7FF] =	sst s4;
	s6 =	sadd.s32 $0x8BE00, s0;
	s2 =	smul.u32 $0x140000, s1  }
0x7: {  	s8 =	sadd.s32 $0xB3E00, s0;
	s7 =	smul.u32 $0x50000, s1;
	s1 =	ssub.s32 $0x2, s1  }
0x8: {  	s24 =	sadd.s32 $0x12BE00, s0;
	s9 =	sshrl.u32 s1, $0x1;
	s10 =	sadd.s32 $0x1400, s26  }
0x9: {  	s16 =	sadd.s32 $0x2800, s26;
	s17 =	sadd.s32 $0x3C00, s26;
	s25 =	sshrl.u32 s11, $0x2  }
0xa: {  	s2 =	sadd.s32 s5, s2;
	s1 =	ssub.s32 s1, s9;
	s12 =	sadd.s32 s26, s7  }
0xb: {  	s14 =	sadd.s32 s7, s16;
	s18 =	sadd.s32 s7, s17;
	s2 =	sshrl.u32 s2, $0x3  }
0xc: {  	s9 =	sshrl.u32 s12, $0x3;
	s12 =	sadd.s32 s7, s10;
	s7 =	sadd.s32 $0xA0000, s7  }
0xd: {  	s19 =	sshrl.u32 s18, $0x3;
	s13 =	sadd.s32 s6, s9;
	s12 =	sshrl.u32 s12, $0x3  }
0xe: {  	s9 =	sadd.s32 s8, s9;
	s5 =	sadd.s32 s26, s7;
	s10 =	sadd.s32 s10, s7  }
0xf: {  	s21 =	sadd.s32 s16, s7;
	s7 =	sadd.s32 s17, s7;
	[dreg:$0x4] =	wrdreg s13  }
0x10: {  	s26 =	sshll.u32 s23, $0x6;
	s23 =	sadd.s32 s25, s3;
	[dreg:$0x5] =	wrdreg s9  }
0x11: {  	s13 =	sadd.s32 s6, s12;
	s12 =	sadd.s32 s8, s12;
	s9 =	sshrl.u32 s14, $0x3  }
0x12: {  	s5 =	sshrl.u32 s5, $0x3;
	s20 =	sshrl.u32 s10, $0x3;
	[dreg:$0x6] =	wrdreg s13  }
0x13: {  	s22 =	sshrl.u32 s7, $0x3;
	s7 =	simm.s32 $0x2780;
	[dreg:$0x7] =	wrdreg s12  }
0x14: {  	s15 =	sadd.s32 s6, s9;
	s9 =	sadd.s32 s8, s9;
	s12 =	sadd.s32 s6, s19  }
0x15: {  	s13 =	sadd.s32 s6, s5;
	s14 =	sadd.s32 s8, s5;
	s16 =	sadd.s32 s8, s20  }
0x16: {  	s5 =	sshrl.u32 s21, $0x3;
	s21 =	sadd.s32 s2, s24;
	[dreg:$0x8] =	wrdreg s15  }
0x17: {  	s2 =	sadd.s32 s2, s0;
	s24 =	sor.u32 $0x1C03, s26;
	[dreg:$0x9] =	wrdreg s9  }
0x18: {  	s26 =	smax.u32 s1, $0x1;
	s1 =	simm.s32 $0x6800;
	[dreg:$0xa] =	wrdreg s12  }
0x19: {  	s9 =	sadd.s32 s8, s19;
	s15 =	sadd.s32 s6, s20;
	s17 =	sadd.s32 s6, s5  }
0x1a: {  	s18 =	sadd.s32 s8, s5;
	s19 =	sadd.s32 s6, s22;
	s20 =	sadd.s32 s8, s22  }
0x1b: {  	s22 =	sadd.s32 $0xC00, s0;
	s25 =	sadd.s32 $0xDBE00, s2;
	s0 =	simm.s32 $0x80  }
0x1c: {  	s2 =	simm.s32 $0x1;
	s5 =	simm.s32 $0x2;
	[dreg:$0xb] =	wrdreg s9  }
0x1d: {  	s6 =	simm.s32 $0x2700;
	s8 =	simm.s32 $0x0;
	_ =	strace $0x8000004D  }
.LBB2_1:
0x1e: {  	s9 =	sshrl.u32 s23, $0x3;
	s10 =	rddreg [dreg:$0x1]  }
0x1f: {  	[spmem:s9], [sflag:s24] =	dma.local [hbm:s10], $0x2800  }
0x20: {  	_ =	swait.ge [sflag:s28], $0x2800  }
0x21: {  	[sflag:s28] =	ssyncset.done $0x0  }
0x22: {  	[sflag:s28] =	ssyncadd.s32 $0xFFFFD800  }
0x23: {  	[bflag:$0x0] =	sbarrier.arrive $0xFFFF  }
0x24: {  	s12 =	rddreg [dreg:$0x4]  }
0x25: {  	[tilespmem:s4], [sflag:$0x3] =	stream.linear.gather [hbm4b:s12+s4], $0x1400, $0x38;
	[tilespmem:$0x1E800] =	vst v63  }
0x26: {  	_ =	swait.ge [sflag:s28], $0x1400  }
0x27: {  	[sflag:s28] =	ssyncset.done $0x0  }
0x28: {  	s11 =	rddreg [dreg:$0x5];
	[sflag:s28] =	ssyncadd.s32 $0xFFFFEC00  }
0x29: {  	[tilespmem:s29], [sflag:$0x3] =	stream.linear.gather [hbm4b:s11+s4], $0x1400, $0x38;
	[tilespmem:$0x1E800] =	vst v63  }
0x2a: {  	_ =	swait.ge [sflag:s28], $0x1400  }
0x2b: {  	[sflag:s28] =	ssyncset.done $0x0  }
0x2c: {  	[sflag:s28] =	ssyncadd.s32 $0xFFFFEC00  }
0x2d: {  	[tilespmem:s31], [sflag:$0x1] =	stream.indirect.gather [hbm4b:s22+s30], $0x80, s4, s30, $0xb8;
	[tilespmem:$0x1E800] =	vst v63  }
0x2e: {  	_ = 	snop  }
0x2f: {  	[tilespmem:s1], [sflag:$0x2] =	stream.indirect.gather [hbm4b:s22+s30], $0x80, s0, s30, $0xb8;
	[tilespmem:$0x1E800] =	vst v63  }
0x30: {  	_ =	swait.ge [sflag:s2], $0x3E80  }
0x31: {  	[sflag:s2] =	ssyncset.done $0x0  }
0x32: {  	s12 =	simm.s32 $0x1400;
	[sflag:s2] =	ssyncadd.s32 $0xFFFFC180  }
0x33: {  	[spmem:s3] =	stream.indirect.scatter.add.f32 [tilespmem:s31], [sflag:$0x3], $0x80, s12, s30, $0xb8;
	[tilespmem:$0x1E800] =	vst v63  }
0x34: {  	_ =	swait.ge [sflag:s28], $0x3E80  }
0x35: {  	[sflag:s28] =	ssyncset.done $0x0  }
0x36: {  	s11 =	simm.s32 $0x100;
	[sflag:s28] =	ssyncadd.s32 $0xFFFFC180  }
0x37: {  	[tilespmem:s31], [sflag:$0x1] =	stream.indirect.gather [hbm4b:s22+s30], $0x80, s11, s30, $0xb8;
	[tilespmem:$0x1E800] =	vst v63  }
0x38: {  	_ =	swait.ge [sflag:s5], $0x3E80  }
0x39: {  	[sflag:s5] =	ssyncset.done $0x0  }
0x3a: {  	s12 =	simm.s32 $0x1480;
	[sflag:s5] =	ssyncadd.s32 $0xFFFFC180  }
0x3b: {  	[spmem:s3] =	stream.indirect.scatter.add.f32 [tilespmem:s1], [sflag:$0x3], $0x80, s12, s30, $0xb8;
	[tilespmem:$0x1E800] =	vst v63  }
0x3c: {  	_ =	swait.ge [sflag:s28], $0x3E80  }
0x3d: {  	[sflag:s28] =	ssyncset.done $0x0  }
0x3e: {  	s10 =	simm.s32 $0x400;
	s11 =	simm.s32 $0x180;
	[sflag:s28] =	ssyncadd.s32 $0xFFFFC180  }
.LBB2_2:
0x3f: {  	[tilespmem:s1], [sflag:$0x2] =	stream.indirect.gather [hbm4b:s22+s30], $0x80, s11, s30, $0xb8;
	[tilespmem:$0x1E800] =	vst v63  }
0x40: {  	s11 =	smov.u32 s10  }
0x41: {  	p0 =	sne.s32 s10, $0x4800;
	s10 =	sadd.s32 $0x400, s10;
	_ =	swait.ge [sflag:s2], $0x3E80  }
0x42: {  	s11 =	sshra.s32 s11, $0x2;
	[sflag:s2] =	ssyncset.done $0x0  }
0x43: {  	s12 =	sadd.s32 $0x1400, s11;
	[sflag:s2] =	ssyncadd.s32 $0xFFFFC180  }
0x44: {  	[spmem:s3] =	stream.indirect.scatter.add.f32 [tilespmem:s31], [sflag:$0x3], $0x80, s12, s30, $0xb8;
	[tilespmem:$0x1E800] =	vst v63  }
0x45: {  	_ =	swait.ge [sflag:s28], $0x3E80  }
0x46: {  	[sflag:s28] =	ssyncset.done $0x0  }
0x47: {  	s12 =	sadd.s32 $0x100, s11;
	[sflag:s28] =	ssyncadd.s32 $0xFFFFC180  }
0x48: {  	[tilespmem:s31], [sflag:$0x1] =	stream.indirect.gather [hbm4b:s22+s30], $0x80, s12, s30, $0xb8;
	[tilespmem:$0x1E800] =	vst v63  }
0x49: {  	_ =	swait.ge [sflag:s5], $0x3E80  }
0x4a: {  	[sflag:s5] =	ssyncset.done $0x0  }
.Ltmp0:
0x4b: {  	s12 =	sadd.s32 $0x1480, s11;
	[sflag:s5] =	ssyncadd.s32 $0xFFFFC180;
	(pc) =	sbr.rel @p0 .LBB2_2-.Ltmp0, $4  }
0x4c: {  	[spmem:s3] =	stream.indirect.scatter.add.f32 [tilespmem:s1], [sflag:$0x3], $0x80, s12, s30, $0xb8;
	[tilespmem:$0x1E800] =	vst v63  }
0x4d: {  	_ =	swait.ge [sflag:s28], $0x3E80  }
0x4e: {  	[sflag:s28] =	ssyncset.done $0x0  }
0x4f: {  	s11 =	sadd.s32 $0x180, s11;
	[sflag:s28] =	ssyncadd.s32 $0xFFFFC180  }
0x50: {  	[tilespmem:s1], [sflag:$0x2] =	stream.indirect.gather [hbm4b:s22+s30], $0x80, s11, s30, $0xb8;
	[tilespmem:$0x1E800] =	vst v63  }
0x51: {  	_ =	swait.ge [sflag:s2], $0x3E80  }
0x52: {  	[sflag:s2] =	ssyncset.done $0x0  }
0x53: {  	[sflag:s2] =	ssyncadd.s32 $0xFFFFC180  }
0x54: {  	[spmem:s3] =	stream.indirect.scatter.add.f32 [tilespmem:s31], [sflag:$0x3], $0x80, s6, s30, $0xb8;
	[tilespmem:$0x1E800] =	vst v63  }
0x55: {  	_ =	swait.ge [sflag:s28], $0x3E80  }
0x56: {  	[sflag:s28] =	ssyncset.done $0x0  }
0x57: {  	[sflag:s28] =	ssyncadd.s32 $0xFFFFC180  }
0x58: {  	_ =	swait.ge [sflag:s5], $0x3E80  }
0x59: {  	[sflag:s5] =	ssyncset.done $0x0  }
0x5a: {  	[sflag:s5] =	ssyncadd.s32 $0xFFFFC180  }
0x5b: {  	[spmem:s3] =	stream.indirect.scatter.add.f32 [tilespmem:s1], [sflag:$0x3], $0x80, s7, s30, $0xb8;
	[tilespmem:$0x1E800] =	vst v63  }
0x5c: {  	_ =	swait.ge [sflag:s28], $0x3E80  }
0x5d: {  	[sflag:s28] =	ssyncset.done $0x0  }
0x5e: {  	s10 =	simm.s32 $0x0;
	s12 =	rddreg [dreg:$0x6];
	[sflag:s28] =	ssyncadd.s32 $0xFFFFC180  }
0x5f: {  	[tilespmem:s10], [sflag:$0x3] =	stream.linear.gather [hbm4b:s12+s10], $0x1400, $0x38;
	[tilespmem:$0x1E800] =	vst v63  }
0x60: {  	_ =	swait.ge [sflag:s28], $0x1400  }
0x61: {  	[sflag:s28] =	ssyncset.done $0x0  }
0x62: {  	s12 =	rddreg [dreg:$0x7];
	[sflag:s28] =	ssyncadd.s32 $0xFFFFEC00  }
0x63: {  	[tilespmem:s29], [sflag:$0x3] =	stream.linear.gather [hbm4b:s12+s10], $0x1400, $0x38;
	[tilespmem:$0x1E800] =	vst v63  }
0x64: {  	_ =	swait.ge [sflag:s28], $0x1400  }
0x65: {  	[sflag:s28] =	ssyncset.done $0x0  }
0x66: {  	[sflag:s28] =	ssyncadd.s32 $0xFFFFEC00  }
0x67: {  	[tilespmem:s31], [sflag:$0x1] =	stream.indirect.gather [hbm4b:s22+s30], $0x80, s10, s30, $0xb8;
	[tilespmem:$0x1E800] =	vst v63  }
0x68: {  	_ = 	snop  }
0x69: {  	[tilespmem:s1], [sflag:$0x2] =	stream.indirect.gather [hbm4b:s22+s30], $0x80, s0, s30, $0xb8;
	[tilespmem:$0x1E800] =	vst v63  }
0x6a: {  	_ =	swait.ge [sflag:s2], $0x3E80  }
0x6b: {  	[sflag:s2] =	ssyncset.done $0x0  }
0x6c: {  	s12 =	simm.s32 $0x1400;
	[sflag:s2] =	ssyncadd.s32 $0xFFFFC180  }
0x6d: {  	[spmem:s3] =	stream.indirect.scatter.add.f32 [tilespmem:s31], [sflag:$0x3], $0x80, s12, s30, $0xb8;
	[tilespmem:$0x1E800] =	vst v63  }
0x6e: {  	_ =	swait.ge [sflag:s28], $0x3E80  }
0x6f: {  	[sflag:s28] =	ssyncset.done $0x0  }
0x70: {  	s11 =	simm.s32 $0x100;
	[sflag:s28] =	ssyncadd.s32 $0xFFFFC180  }
0x71: {  	[tilespmem:s31], [sflag:$0x1] =	stream.indirect.gather [hbm4b:s22+s30], $0x80, s11, s30, $0xb8;
	[tilespmem:$0x1E800] =	vst v63  }
0x72: {  	_ =	swait.ge [sflag:s5], $0x3E80  }
0x73: {  	[sflag:s5] =	ssyncset.done $0x0  }
0x74: {  	s12 =	simm.s32 $0x1480;
	[sflag:s5] =	ssyncadd.s32 $0xFFFFC180  }
0x75: {  	[spmem:s3] =	stream.indirect.scatter.add.f32 [tilespmem:s1], [sflag:$0x3], $0x80, s12, s30, $0xb8;
	[tilespmem:$0x1E800] =	vst v63  }
0x76: {  	_ =	swait.ge [sflag:s28], $0x3E80  }
0x77: {  	[sflag:s28] =	ssyncset.done $0x0  }
0x78: {  	s10 =	simm.s32 $0x400;
	s11 =	simm.s32 $0x180;
	[sflag:s28] =	ssyncadd.s32 $0xFFFFC180  }
.LBB2_4:
0x79: {  	[tilespmem:s1], [sflag:$0x2] =	stream.indirect.gather [hbm4b:s22+s30], $0x80, s11, s30, $0xb8;
	[tilespmem:$0x1E800] =	vst v63  }
0x7a: {  	s11 =	smov.u32 s10  }
0x7b: {  	p0 =	sne.s32 s10, $0x4800;
	s10 =	sadd.s32 $0x400, s10;
	_ =	swait.ge [sflag:s2], $0x3E80  }
0x7c: {  	s11 =	sshra.s32 s11, $0x2;
	[sflag:s2] =	ssyncset.done $0x0  }
0x7d: {  	s12 =	sadd.s32 $0x1400, s11;
	[sflag:s2] =	ssyncadd.s32 $0xFFFFC180  }
0x7e: {  	[spmem:s3] =	stream.indirect.scatter.add.f32 [tilespmem:s31], [sflag:$0x3], $0x80, s12, s30, $0xb8;
	[tilespmem:$0x1E800] =	vst v63  }
0x7f: {  	_ =	swait.ge [sflag:s28], $0x3E80  }
0x80: {  	[sflag:s28] =	ssyncset.done $0x0  }
0x81: {  	s12 =	sadd.s32 $0x100, s11;
	[sflag:s28] =	ssyncadd.s32 $0xFFFFC180  }
0x82: {  	[tilespmem:s31], [sflag:$0x1] =	stream.indirect.gather [hbm4b:s22+s30], $0x80, s12, s30, $0xb8;
	[tilespmem:$0x1E800] =	vst v63  }
0x83: {  	_ =	swait.ge [sflag:s5], $0x3E80  }
0x84: {  	[sflag:s5] =	ssyncset.done $0x0  }
.Ltmp1:
0x85: {  	s12 =	sadd.s32 $0x1480, s11;
	[sflag:s5] =	ssyncadd.s32 $0xFFFFC180;
	(pc) =	sbr.rel @p0 .LBB2_4-.Ltmp1, $4  }
0x86: {  	[spmem:s3] =	stream.indirect.scatter.add.f32 [tilespmem:s1], [sflag:$0x3], $0x80, s12, s30, $0xb8;
	[tilespmem:$0x1E800] =	vst v63  }
0x87: {  	_ =	swait.ge [sflag:s28], $0x3E80  }
0x88: {  	[sflag:s28] =	ssyncset.done $0x0  }
0x89: {  	s11 =	sadd.s32 $0x180, s11;
	[sflag:s28] =	ssyncadd.s32 $0xFFFFC180  }
0x8a: {  	[tilespmem:s1], [sflag:$0x2] =	stream.indirect.gather [hbm4b:s22+s30], $0x80, s11, s30, $0xb8;
	[tilespmem:$0x1E800] =	vst v63  }
0x8b: {  	_ =	swait.ge [sflag:s2], $0x3E80  }
0x8c: {  	[sflag:s2] =	ssyncset.done $0x0  }
0x8d: {  	[sflag:s2] =	ssyncadd.s32 $0xFFFFC180  }
0x8e: {  	[spmem:s3] =	stream.indirect.scatter.add.f32 [tilespmem:s31], [sflag:$0x3], $0x80, s6, s30, $0xb8;
	[tilespmem:$0x1E800] =	vst v63  }
0x8f: {  	_ =	swait.ge [sflag:s28], $0x3E80  }
0x90: {  	[sflag:s28] =	ssyncset.done $0x0  }
0x91: {  	[sflag:s28] =	ssyncadd.s32 $0xFFFFC180  }
0x92: {  	_ =	swait.ge [sflag:s5], $0x3E80  }
0x93: {  	[sflag:s5] =	ssyncset.done $0x0  }
0x94: {  	[sflag:s5] =	ssyncadd.s32 $0xFFFFC180  }
0x95: {  	[spmem:s3] =	stream.indirect.scatter.add.f32 [tilespmem:s1], [sflag:$0x3], $0x80, s7, s30, $0xb8;
	[tilespmem:$0x1E800] =	vst v63  }
0x96: {  	_ =	swait.ge [sflag:s28], $0x3E80  }
0x97: {  	[sflag:s28] =	ssyncset.done $0x0  }
0x98: {  	s10 =	simm.s32 $0x0;
	s12 =	rddreg [dreg:$0x8];
	[sflag:s28] =	ssyncadd.s32 $0xFFFFC180  }
0x99: {  	[tilespmem:s10], [sflag:$0x3] =	stream.linear.gather [hbm4b:s12+s10], $0x1400, $0x38;
	[tilespmem:$0x1E800] =	vst v63  }
0x9a: {  	_ =	swait.ge [sflag:s28], $0x1400  }
0x9b: {  	[sflag:s28] =	ssyncset.done $0x0  }
0x9c: {  	s12 =	rddreg [dreg:$0x9];
	[sflag:s28] =	ssyncadd.s32 $0xFFFFEC00  }
0x9d: {  	[tilespmem:s29], [sflag:$0x3] =	stream.linear.gather [hbm4b:s12+s10], $0x1400, $0x38;
	[tilespmem:$0x1E800] =	vst v63  }
0x9e: {  	_ =	swait.ge [sflag:s28], $0x1400  }
0x9f: {  	[sflag:s28] =	ssyncset.done $0x0  }
0xa0: {  	[sflag:s28] =	ssyncadd.s32 $0xFFFFEC00  }
0xa1: {  	[tilespmem:s31], [sflag:$0x1] =	stream.indirect.gather [hbm4b:s22+s30], $0x80, s10, s30, $0xb8;
	[tilespmem:$0x1E800] =	vst v63  }
0xa2: {  	_ = 	snop  }
0xa3: {  	[tilespmem:s1], [sflag:$0x2] =	stream.indirect.gather [hbm4b:s22+s30], $0x80, s0, s30, $0xb8;
	[tilespmem:$0x1E800] =	vst v63  }
0xa4: {  	_ =	swait.ge [sflag:s2], $0x3E80  }
0xa5: {  	[sflag:s2] =	ssyncset.done $0x0  }
0xa6: {  	s12 =	simm.s32 $0x1400;
	[sflag:s2] =	ssyncadd.s32 $0xFFFFC180  }
0xa7: {  	[spmem:s3] =	stream.indirect.scatter.add.f32 [tilespmem:s31], [sflag:$0x3], $0x80, s12, s30, $0xb8;
	[tilespmem:$0x1E800] =	vst v63  }
0xa8: {  	_ =	swait.ge [sflag:s28], $0x3E80  }
0xa9: {  	[sflag:s28] =	ssyncset.done $0x0  }
0xaa: {  	s11 =	simm.s32 $0x100;
	[sflag:s28] =	ssyncadd.s32 $0xFFFFC180  }
0xab: {  	[tilespmem:s31], [sflag:$0x1] =	stream.indirect.gather [hbm4b:s22+s30], $0x80, s11, s30, $0xb8;
	[tilespmem:$0x1E800] =	vst v63  }
0xac: {  	_ =	swait.ge [sflag:s5], $0x3E80  }
0xad: {  	[sflag:s5] =	ssyncset.done $0x0  }
0xae: {  	s12 =	simm.s32 $0x1480;
	[sflag:s5] =	ssyncadd.s32 $0xFFFFC180  }
0xaf: {  	[spmem:s3] =	stream.indirect.scatter.add.f32 [tilespmem:s1], [sflag:$0x3], $0x80, s12, s30, $0xb8;
	[tilespmem:$0x1E800] =	vst v63  }
0xb0: {  	_ =	swait.ge [sflag:s28], $0x3E80  }
0xb1: {  	[sflag:s28] =	ssyncset.done $0x0  }
0xb2: {  	s10 =	simm.s32 $0x400;
	s11 =	simm.s32 $0x180;
	[sflag:s28] =	ssyncadd.s32 $0xFFFFC180  }
.LBB2_6:
0xb3: {  	[tilespmem:s1], [sflag:$0x2] =	stream.indirect.gather [hbm4b:s22+s30], $0x80, s11, s30, $0xb8;
	[tilespmem:$0x1E800] =	vst v63  }
0xb4: {  	s11 =	smov.u32 s10  }
0xb5: {  	p0 =	sne.s32 s10, $0x4800;
	s10 =	sadd.s32 $0x400, s10;
	_ =	swait.ge [sflag:s2], $0x3E80  }
0xb6: {  	s11 =	sshra.s32 s11, $0x2;
	[sflag:s2] =	ssyncset.done $0x0  }
0xb7: {  	s12 =	sadd.s32 $0x1400, s11;
	[sflag:s2] =	ssyncadd.s32 $0xFFFFC180  }
0xb8: {  	[spmem:s3] =	stream.indirect.scatter.add.f32 [tilespmem:s31], [sflag:$0x3], $0x80, s12, s30, $0xb8;
	[tilespmem:$0x1E800] =	vst v63  }
0xb9: {  	_ =	swait.ge [sflag:s28], $0x3E80  }
0xba: {  	[sflag:s28] =	ssyncset.done $0x0  }
0xbb: {  	s12 =	sadd.s32 $0x100, s11;
	[sflag:s28] =	ssyncadd.s32 $0xFFFFC180  }
0xbc: {  	[tilespmem:s31], [sflag:$0x1] =	stream.indirect.gather [hbm4b:s22+s30], $0x80, s12, s30, $0xb8;
	[tilespmem:$0x1E800] =	vst v63  }
0xbd: {  	_ =	swait.ge [sflag:s5], $0x3E80  }
0xbe: {  	[sflag:s5] =	ssyncset.done $0x0  }
.Ltmp2:
0xbf: {  	s12 =	sadd.s32 $0x1480, s11;
	[sflag:s5] =	ssyncadd.s32 $0xFFFFC180;
	(pc) =	sbr.rel @p0 .LBB2_6-.Ltmp2, $4  }
0xc0: {  	[spmem:s3] =	stream.indirect.scatter.add.f32 [tilespmem:s1], [sflag:$0x3], $0x80, s12, s30, $0xb8;
	[tilespmem:$0x1E800] =	vst v63  }
0xc1: {  	_ =	swait.ge [sflag:s28], $0x3E80  }
0xc2: {  	[sflag:s28] =	ssyncset.done $0x0  }
0xc3: {  	s11 =	sadd.s32 $0x180, s11;
	[sflag:s28] =	ssyncadd.s32 $0xFFFFC180  }
0xc4: {  	[tilespmem:s1], [sflag:$0x2] =	stream.indirect.gather [hbm4b:s22+s30], $0x80, s11, s30, $0xb8;
	[tilespmem:$0x1E800] =	vst v63  }
0xc5: {  	_ =	swait.ge [sflag:s2], $0x3E80  }
0xc6: {  	[sflag:s2] =	ssyncset.done $0x0  }
0xc7: {  	[sflag:s2] =	ssyncadd.s32 $0xFFFFC180  }
0xc8: {  	[spmem:s3] =	stream.indirect.scatter.add.f32 [tilespmem:s31], [sflag:$0x3], $0x80, s6, s30, $0xb8;
	[tilespmem:$0x1E800] =	vst v63  }
0xc9: {  	_ =	swait.ge [sflag:s28], $0x3E80  }
0xca: {  	[sflag:s28] =	ssyncset.done $0x0  }
0xcb: {  	[sflag:s28] =	ssyncadd.s32 $0xFFFFC180  }
0xcc: {  	_ =	swait.ge [sflag:s5], $0x3E80  }
0xcd: {  	[sflag:s5] =	ssyncset.done $0x0  }
0xce: {  	[sflag:s5] =	ssyncadd.s32 $0xFFFFC180  }
0xcf: {  	[spmem:s3] =	stream.indirect.scatter.add.f32 [tilespmem:s1], [sflag:$0x3], $0x80, s7, s30, $0xb8;
	[tilespmem:$0x1E800] =	vst v63  }
0xd0: {  	_ =	swait.ge [sflag:s28], $0x3E80  }
0xd1: {  	[sflag:s28] =	ssyncset.done $0x0  }
0xd2: {  	s10 =	simm.s32 $0x0;
	s12 =	rddreg [dreg:$0xa];
	[sflag:s28] =	ssyncadd.s32 $0xFFFFC180  }
0xd3: {  	[tilespmem:s10], [sflag:$0x3] =	stream.linear.gather [hbm4b:s12+s10], $0x1400, $0x38;
	[tilespmem:$0x1E800] =	vst v63  }
0xd4: {  	_ =	swait.ge [sflag:s28], $0x1400  }
0xd5: {  	[sflag:s28] =	ssyncset.done $0x0  }
0xd6: {  	s12 =	rddreg [dreg:$0xb];
	[sflag:s28] =	ssyncadd.s32 $0xFFFFEC00  }
0xd7: {  	[tilespmem:s29], [sflag:$0x3] =	stream.linear.gather [hbm4b:s12+s10], $0x1400, $0x38;
	[tilespmem:$0x1E800] =	vst v63  }
0xd8: {  	_ =	swait.ge [sflag:s28], $0x1400  }
0xd9: {  	[sflag:s28] =	ssyncset.done $0x0  }
0xda: {  	[sflag:s28] =	ssyncadd.s32 $0xFFFFEC00  }
0xdb: {  	[tilespmem:s31], [sflag:$0x1] =	stream.indirect.gather [hbm4b:s22+s30], $0x80, s10, s30, $0xb8;
	[tilespmem:$0x1E800] =	vst v63  }
0xdc: {  	_ = 	snop  }
0xdd: {  	[tilespmem:s1], [sflag:$0x2] =	stream.indirect.gather [hbm4b:s22+s30], $0x80, s0, s30, $0xb8;
	[tilespmem:$0x1E800] =	vst v63  }
0xde: {  	_ =	swait.ge [sflag:s2], $0x3E80  }
0xdf: {  	[sflag:s2] =	ssyncset.done $0x0  }
0xe0: {  	s12 =	simm.s32 $0x1400;
	[sflag:s2] =	ssyncadd.s32 $0xFFFFC180  }
0xe1: {  	[spmem:s3] =	stream.indirect.scatter.add.f32 [tilespmem:s31], [sflag:$0x3], $0x80, s12, s30, $0xb8;
	[tilespmem:$0x1E800] =	vst v63  }
0xe2: {  	_ =	swait.ge [sflag:s28], $0x3E80  }
0xe3: {  	[sflag:s28] =	ssyncset.done $0x0  }
0xe4: {  	s11 =	simm.s32 $0x100;
	[sflag:s28] =	ssyncadd.s32 $0xFFFFC180  }
0xe5: {  	[tilespmem:s31], [sflag:$0x1] =	stream.indirect.gather [hbm4b:s22+s30], $0x80, s11, s30, $0xb8;
	[tilespmem:$0x1E800] =	vst v63  }
0xe6: {  	_ =	swait.ge [sflag:s5], $0x3E80  }
0xe7: {  	[sflag:s5] =	ssyncset.done $0x0  }
0xe8: {  	s12 =	simm.s32 $0x1480;
	[sflag:s5] =	ssyncadd.s32 $0xFFFFC180  }
0xe9: {  	[spmem:s3] =	stream.indirect.scatter.add.f32 [tilespmem:s1], [sflag:$0x3], $0x80, s12, s30, $0xb8;
	[tilespmem:$0x1E800] =	vst v63  }
0xea: {  	_ =	swait.ge [sflag:s28], $0x3E80  }
0xeb: {  	[sflag:s28] =	ssyncset.done $0x0  }
0xec: {  	s10 =	simm.s32 $0x400;
	s11 =	simm.s32 $0x180;
	[sflag:s28] =	ssyncadd.s32 $0xFFFFC180  }
.LBB2_8:
0xed: {  	[tilespmem:s1], [sflag:$0x2] =	stream.indirect.gather [hbm4b:s22+s30], $0x80, s11, s30, $0xb8;
	[tilespmem:$0x1E800] =	vst v63  }
0xee: {  	s11 =	smov.u32 s10  }
0xef: {  	p0 =	sne.s32 s10, $0x4800;
	s10 =	sadd.s32 $0x400, s10;
	_ =	swait.ge [sflag:s2], $0x3E80  }
0xf0: {  	s11 =	sshra.s32 s11, $0x2;
	[sflag:s2] =	ssyncset.done $0x0  }
0xf1: {  	s12 =	sadd.s32 $0x1400, s11;
	[sflag:s2] =	ssyncadd.s32 $0xFFFFC180  }
0xf2: {  	[spmem:s3] =	stream.indirect.scatter.add.f32 [tilespmem:s31], [sflag:$0x3], $0x80, s12, s30, $0xb8;
	[tilespmem:$0x1E800] =	vst v63  }
0xf3: {  	_ =	swait.ge [sflag:s28], $0x3E80  }
0xf4: {  	[sflag:s28] =	ssyncset.done $0x0  }
0xf5: {  	s12 =	sadd.s32 $0x100, s11;
	[sflag:s28] =	ssyncadd.s32 $0xFFFFC180  }
0xf6: {  	[tilespmem:s31], [sflag:$0x1] =	stream.indirect.gather [hbm4b:s22+s30], $0x80, s12, s30, $0xb8;
	[tilespmem:$0x1E800] =	vst v63  }
0xf7: {  	_ =	swait.ge [sflag:s5], $0x3E80  }
0xf8: {  	[sflag:s5] =	ssyncset.done $0x0  }
.Ltmp3:
0xf9: {  	s12 =	sadd.s32 $0x1480, s11;
	[sflag:s5] =	ssyncadd.s32 $0xFFFFC180;
	(pc) =	sbr.rel @p0 .LBB2_8-.Ltmp3, $4  }
0xfa: {  	[spmem:s3] =	stream.indirect.scatter.add.f32 [tilespmem:s1], [sflag:$0x3], $0x80, s12, s30, $0xb8;
	[tilespmem:$0x1E800] =	vst v63  }
0xfb: {  	_ =	swait.ge [sflag:s28], $0x3E80  }
0xfc: {  	[sflag:s28] =	ssyncset.done $0x0  }
0xfd: {  	s11 =	sadd.s32 $0x180, s11;
	[sflag:s28] =	ssyncadd.s32 $0xFFFFC180  }
0xfe: {  	[tilespmem:s1], [sflag:$0x2] =	stream.indirect.gather [hbm4b:s22+s30], $0x80, s11, s30, $0xb8;
	[tilespmem:$0x1E800] =	vst v63  }
0xff: {  	_ =	swait.ge [sflag:s2], $0x3E80  }
0x100: {  	[sflag:s2] =	ssyncset.done $0x0  }
0x101: {  	[sflag:s2] =	ssyncadd.s32 $0xFFFFC180  }
0x102: {  	[spmem:s3] =	stream.indirect.scatter.add.f32 [tilespmem:s31], [sflag:$0x3], $0x80, s6, s30, $0xb8;
	[tilespmem:$0x1E800] =	vst v63  }
0x103: {  	_ =	swait.ge [sflag:s28], $0x3E80  }
0x104: {  	[sflag:s28] =	ssyncset.done $0x0  }
0x105: {  	[sflag:s28] =	ssyncadd.s32 $0xFFFFC180  }
0x106: {  	_ =	swait.ge [sflag:s5], $0x3E80  }
0x107: {  	[sflag:s5] =	ssyncset.done $0x0  }
0x108: {  	[sflag:s5] =	ssyncadd.s32 $0xFFFFC180  }
0x109: {  	[spmem:s3] =	stream.indirect.scatter.add.f32 [tilespmem:s1], [sflag:$0x3], $0x80, s7, s30, $0xb8;
	[tilespmem:$0x1E800] =	vst v63  }
0x10a: {  	_ =	swait.ge [sflag:s28], $0x3E80  }
0x10b: {  	[sflag:s28] =	ssyncset.done $0x0  }
0x10c: {  	[sflag:s28] =	ssyncadd.s32 $0xFFFFC180  }
0x10d: {  	[bflag:$0x0] =	sbarrier.arrive $0xFFFF  }
0x10e: {  	[hbm:s25], [sflag:s24] =	dma.local [spmem:s9], $0x2800  }
0x10f: {  	_ =	swait.ge [sflag:s28], $0x2800  }
0x110: {  	[sflag:s28] =	ssyncset.done $0x0  }
0x111: {  	[sflag:s28] =	ssyncadd.s32 $0xFFFFD800  }
0x112: {  	s10 =	rddreg [dreg:$0x1]  }
0x113: {  	[spmem:s9], [sflag:s24] =	dma.local [hbm:s10], $0x2800  }
0x114: {  	_ =	swait.ge [sflag:s28], $0x2800  }
0x115: {  	[sflag:s28] =	ssyncset.done $0x0  }
0x116: {  	[sflag:s28] =	ssyncadd.s32 $0xFFFFD800  }
0x117: {  	s11 =	simm.s32 $0x0;
	[bflag:$0x0] =	sbarrier.arrive $0xFFFF  }
0x118: {  	[tilespmem:s11], [sflag:$0x3] =	stream.linear.gather [hbm4b:s13+s11], $0x1400, $0x38;
	[tilespmem:$0x1E800] =	vst v63  }
0x119: {  	_ =	swait.ge [sflag:s28], $0x1400  }
0x11a: {  	[sflag:s28] =	ssyncset.done $0x0  }
0x11b: {  	[sflag:s28] =	ssyncadd.s32 $0xFFFFEC00  }
0x11c: {  	[tilespmem:s29], [sflag:$0x3] =	stream.linear.gather [hbm4b:s14+s11], $0x1400, $0x38;
	[tilespmem:$0x1E800] =	vst v63  }
0x11d: {  	_ =	swait.ge [sflag:s28], $0x1400  }
0x11e: {  	[sflag:s28] =	ssyncset.done $0x0  }
0x11f: {  	[sflag:s28] =	ssyncadd.s32 $0xFFFFEC00  }
0x120: {  	[tilespmem:s31], [sflag:$0x1] =	stream.indirect.gather [hbm4b:s22+s30], $0x80, s11, s30, $0xb8;
	[tilespmem:$0x1E800] =	vst v63  }
0x121: {  	_ = 	snop  }
0x122: {  	[tilespmem:s1], [sflag:$0x2] =	stream.indirect.gather [hbm4b:s22+s30], $0x80, s0, s30, $0xb8;
	[tilespmem:$0x1E800] =	vst v63  }
0x123: {  	_ =	swait.ge [sflag:s2], $0x3E80  }
0x124: {  	[sflag:s2] =	ssyncset.done $0x0  }
0x125: {  	s12 =	simm.s32 $0x1400;
	[sflag:s2] =	ssyncadd.s32 $0xFFFFC180  }
0x126: {  	[spmem:s3] =	stream.indirect.scatter.add.f32 [tilespmem:s31], [sflag:$0x3], $0x80, s12, s30, $0xb8;
	[tilespmem:$0x1E800] =	vst v63  }
0x127: {  	_ =	swait.ge [sflag:s28], $0x3E80  }
0x128: {  	[sflag:s28] =	ssyncset.done $0x0  }
0x129: {  	s11 =	simm.s32 $0x100;
	[sflag:s28] =	ssyncadd.s32 $0xFFFFC180  }
0x12a: {  	[tilespmem:s31], [sflag:$0x1] =	stream.indirect.gather [hbm4b:s22+s30], $0x80, s11, s30, $0xb8;
	[tilespmem:$0x1E800] =	vst v63  }
0x12b: {  	_ =	swait.ge [sflag:s5], $0x3E80  }
0x12c: {  	[sflag:s5] =	ssyncset.done $0x0  }
0x12d: {  	s12 =	simm.s32 $0x1480;
	[sflag:s5] =	ssyncadd.s32 $0xFFFFC180  }
0x12e: {  	[spmem:s3] =	stream.indirect.scatter.add.f32 [tilespmem:s1], [sflag:$0x3], $0x80, s12, s30, $0xb8;
	[tilespmem:$0x1E800] =	vst v63  }
0x12f: {  	_ =	swait.ge [sflag:s28], $0x3E80  }
0x130: {  	[sflag:s28] =	ssyncset.done $0x0  }
0x131: {  	s10 =	simm.s32 $0x400;
	s11 =	simm.s32 $0x180;
	[sflag:s28] =	ssyncadd.s32 $0xFFFFC180  }
.LBB2_10:
0x132: {  	[tilespmem:s1], [sflag:$0x2] =	stream.indirect.gather [hbm4b:s22+s30], $0x80, s11, s30, $0xb8;
	[tilespmem:$0x1E800] =	vst v63  }
0x133: {  	s11 =	smov.u32 s10  }
0x134: {  	p0 =	sne.s32 s10, $0x4800;
	s10 =	sadd.s32 $0x400, s10;
	_ =	swait.ge [sflag:s2], $0x3E80  }
0x135: {  	s11 =	sshra.s32 s11, $0x2;
	[sflag:s2] =	ssyncset.done $0x0  }
0x136: {  	s12 =	sadd.s32 $0x1400, s11;
	[sflag:s2] =	ssyncadd.s32 $0xFFFFC180  }
0x137: {  	[spmem:s3] =	stream.indirect.scatter.add.f32 [tilespmem:s31], [sflag:$0x3], $0x80, s12, s30, $0xb8;
	[tilespmem:$0x1E800] =	vst v63  }
0x138: {  	_ =	swait.ge [sflag:s28], $0x3E80  }
0x139: {  	[sflag:s28] =	ssyncset.done $0x0  }
0x13a: {  	s12 =	sadd.s32 $0x100, s11;
	[sflag:s28] =	ssyncadd.s32 $0xFFFFC180  }
0x13b: {  	[tilespmem:s31], [sflag:$0x1] =	stream.indirect.gather [hbm4b:s22+s30], $0x80, s12, s30, $0xb8;
	[tilespmem:$0x1E800] =	vst v63  }
0x13c: {  	_ =	swait.ge [sflag:s5], $0x3E80  }
0x13d: {  	[sflag:s5] =	ssyncset.done $0x0  }
.Ltmp4:
0x13e: {  	s12 =	sadd.s32 $0x1480, s11;
	[sflag:s5] =	ssyncadd.s32 $0xFFFFC180;
	(pc) =	sbr.rel @p0 .LBB2_10-.Ltmp4, $4  }
0x13f: {  	[spmem:s3] =	stream.indirect.scatter.add.f32 [tilespmem:s1], [sflag:$0x3], $0x80, s12, s30, $0xb8;
	[tilespmem:$0x1E800] =	vst v63  }
0x140: {  	_ =	swait.ge [sflag:s28], $0x3E80  }
0x141: {  	[sflag:s28] =	ssyncset.done $0x0  }
0x142: {  	s11 =	sadd.s32 $0x180, s11;
	[sflag:s28] =	ssyncadd.s32 $0xFFFFC180  }
0x143: {  	[tilespmem:s1], [sflag:$0x2] =	stream.indirect.gather [hbm4b:s22+s30], $0x80, s11, s30, $0xb8;
	[tilespmem:$0x1E800] =	vst v63  }
0x144: {  	_ =	swait.ge [sflag:s2], $0x3E80  }
0x145: {  	[sflag:s2] =	ssyncset.done $0x0  }
0x146: {  	[sflag:s2] =	ssyncadd.s32 $0xFFFFC180  }
0x147: {  	[spmem:s3] =	stream.indirect.scatter.add.f32 [tilespmem:s31], [sflag:$0x3], $0x80, s6, s30, $0xb8;
	[tilespmem:$0x1E800] =	vst v63  }
0x148: {  	_ =	swait.ge [sflag:s28], $0x3E80  }
0x149: {  	[sflag:s28] =	ssyncset.done $0x0  }
0x14a: {  	[sflag:s28] =	ssyncadd.s32 $0xFFFFC180  }
0x14b: {  	_ =	swait.ge [sflag:s5], $0x3E80  }
0x14c: {  	[sflag:s5] =	ssyncset.done $0x0  }
0x14d: {  	[sflag:s5] =	ssyncadd.s32 $0xFFFFC180  }
0x14e: {  	[spmem:s3] =	stream.indirect.scatter.add.f32 [tilespmem:s1], [sflag:$0x3], $0x80, s7, s30, $0xb8;
	[tilespmem:$0x1E800] =	vst v63  }
0x14f: {  	_ =	swait.ge [sflag:s28], $0x3E80  }
0x150: {  	[sflag:s28] =	ssyncset.done $0x0  }
0x151: {  	s10 =	simm.s32 $0x0;
	[sflag:s28] =	ssyncadd.s32 $0xFFFFC180  }
0x152: {  	[tilespmem:s10], [sflag:$0x3] =	stream.linear.gather [hbm4b:s15+s10], $0x1400, $0x38;
	[tilespmem:$0x1E800] =	vst v63  }
0x153: {  	_ =	swait.ge [sflag:s28], $0x1400  }
0x154: {  	[sflag:s28] =	ssyncset.done $0x0  }
0x155: {  	[sflag:s28] =	ssyncadd.s32 $0xFFFFEC00  }
0x156: {  	[tilespmem:s29], [sflag:$0x3] =	stream.linear.gather [hbm4b:s16+s10], $0x1400, $0x38;
	[tilespmem:$0x1E800] =	vst v63  }
0x157: {  	_ =	swait.ge [sflag:s28], $0x1400  }
0x158: {  	[sflag:s28] =	ssyncset.done $0x0  }
0x159: {  	[sflag:s28] =	ssyncadd.s32 $0xFFFFEC00  }
0x15a: {  	[tilespmem:s31], [sflag:$0x1] =	stream.indirect.gather [hbm4b:s22+s30], $0x80, s10, s30, $0xb8;
	[tilespmem:$0x1E800] =	vst v63  }
0x15b: {  	_ = 	snop  }
0x15c: {  	[tilespmem:s1], [sflag:$0x2] =	stream.indirect.gather [hbm4b:s22+s30], $0x80, s0, s30, $0xb8;
	[tilespmem:$0x1E800] =	vst v63  }
0x15d: {  	_ =	swait.ge [sflag:s2], $0x3E80  }
0x15e: {  	[sflag:s2] =	ssyncset.done $0x0  }
0x15f: {  	s12 =	simm.s32 $0x1400;
	[sflag:s2] =	ssyncadd.s32 $0xFFFFC180  }
0x160: {  	[spmem:s3] =	stream.indirect.scatter.add.f32 [tilespmem:s31], [sflag:$0x3], $0x80, s12, s30, $0xb8;
	[tilespmem:$0x1E800] =	vst v63  }
0x161: {  	_ =	swait.ge [sflag:s28], $0x3E80  }
0x162: {  	[sflag:s28] =	ssyncset.done $0x0  }
0x163: {  	s11 =	simm.s32 $0x100;
	[sflag:s28] =	ssyncadd.s32 $0xFFFFC180  }
0x164: {  	[tilespmem:s31], [sflag:$0x1] =	stream.indirect.gather [hbm4b:s22+s30], $0x80, s11, s30, $0xb8;
	[tilespmem:$0x1E800] =	vst v63  }
0x165: {  	_ =	swait.ge [sflag:s5], $0x3E80  }
0x166: {  	[sflag:s5] =	ssyncset.done $0x0  }
0x167: {  	s12 =	simm.s32 $0x1480;
	[sflag:s5] =	ssyncadd.s32 $0xFFFFC180  }
0x168: {  	[spmem:s3] =	stream.indirect.scatter.add.f32 [tilespmem:s1], [sflag:$0x3], $0x80, s12, s30, $0xb8;
	[tilespmem:$0x1E800] =	vst v63  }
0x169: {  	_ =	swait.ge [sflag:s28], $0x3E80  }
0x16a: {  	[sflag:s28] =	ssyncset.done $0x0  }
0x16b: {  	s10 =	simm.s32 $0x400;
	s11 =	simm.s32 $0x180;
	[sflag:s28] =	ssyncadd.s32 $0xFFFFC180  }
.LBB2_12:
0x16c: {  	[tilespmem:s1], [sflag:$0x2] =	stream.indirect.gather [hbm4b:s22+s30], $0x80, s11, s30, $0xb8;
	[tilespmem:$0x1E800] =	vst v63  }
0x16d: {  	s11 =	smov.u32 s10  }
0x16e: {  	p0 =	sne.s32 s10, $0x4800;
	s10 =	sadd.s32 $0x400, s10;
	_ =	swait.ge [sflag:s2], $0x3E80  }
0x16f: {  	s11 =	sshra.s32 s11, $0x2;
	[sflag:s2] =	ssyncset.done $0x0  }
0x170: {  	s12 =	sadd.s32 $0x1400, s11;
	[sflag:s2] =	ssyncadd.s32 $0xFFFFC180  }
0x171: {  	[spmem:s3] =	stream.indirect.scatter.add.f32 [tilespmem:s31], [sflag:$0x3], $0x80, s12, s30, $0xb8;
	[tilespmem:$0x1E800] =	vst v63  }
0x172: {  	_ =	swait.ge [sflag:s28], $0x3E80  }
0x173: {  	[sflag:s28] =	ssyncset.done $0x0  }
0x174: {  	s12 =	sadd.s32 $0x100, s11;
	[sflag:s28] =	ssyncadd.s32 $0xFFFFC180  }
0x175: {  	[tilespmem:s31], [sflag:$0x1] =	stream.indirect.gather [hbm4b:s22+s30], $0x80, s12, s30, $0xb8;
	[tilespmem:$0x1E800] =	vst v63  }
0x176: {  	_ =	swait.ge [sflag:s5], $0x3E80  }
0x177: {  	[sflag:s5] =	ssyncset.done $0x0  }
.Ltmp5:
0x178: {  	s12 =	sadd.s32 $0x1480, s11;
	[sflag:s5] =	ssyncadd.s32 $0xFFFFC180;
	(pc) =	sbr.rel @p0 .LBB2_12-.Ltmp5, $4  }
0x179: {  	[spmem:s3] =	stream.indirect.scatter.add.f32 [tilespmem:s1], [sflag:$0x3], $0x80, s12, s30, $0xb8;
	[tilespmem:$0x1E800] =	vst v63  }
0x17a: {  	_ =	swait.ge [sflag:s28], $0x3E80  }
0x17b: {  	[sflag:s28] =	ssyncset.done $0x0  }
0x17c: {  	s11 =	sadd.s32 $0x180, s11;
	[sflag:s28] =	ssyncadd.s32 $0xFFFFC180  }
0x17d: {  	[tilespmem:s1], [sflag:$0x2] =	stream.indirect.gather [hbm4b:s22+s30], $0x80, s11, s30, $0xb8;
	[tilespmem:$0x1E800] =	vst v63  }
0x17e: {  	_ =	swait.ge [sflag:s2], $0x3E80  }
0x17f: {  	[sflag:s2] =	ssyncset.done $0x0  }
0x180: {  	[sflag:s2] =	ssyncadd.s32 $0xFFFFC180  }
0x181: {  	[spmem:s3] =	stream.indirect.scatter.add.f32 [tilespmem:s31], [sflag:$0x3], $0x80, s6, s30, $0xb8;
	[tilespmem:$0x1E800] =	vst v63  }
0x182: {  	_ =	swait.ge [sflag:s28], $0x3E80  }
0x183: {  	[sflag:s28] =	ssyncset.done $0x0  }
0x184: {  	[sflag:s28] =	ssyncadd.s32 $0xFFFFC180  }
0x185: {  	_ =	swait.ge [sflag:s5], $0x3E80  }
0x186: {  	[sflag:s5] =	ssyncset.done $0x0  }
0x187: {  	[sflag:s5] =	ssyncadd.s32 $0xFFFFC180  }
0x188: {  	[spmem:s3] =	stream.indirect.scatter.add.f32 [tilespmem:s1], [sflag:$0x3], $0x80, s7, s30, $0xb8;
	[tilespmem:$0x1E800] =	vst v63  }
0x189: {  	_ =	swait.ge [sflag:s28], $0x3E80  }
0x18a: {  	[sflag:s28] =	ssyncset.done $0x0  }
0x18b: {  	s10 =	simm.s32 $0x0;
	[sflag:s28] =	ssyncadd.s32 $0xFFFFC180  }
0x18c: {  	[tilespmem:s10], [sflag:$0x3] =	stream.linear.gather [hbm4b:s17+s10], $0x1400, $0x38;
	[tilespmem:$0x1E800] =	vst v63  }
0x18d: {  	_ =	swait.ge [sflag:s28], $0x1400  }
0x18e: {  	[sflag:s28] =	ssyncset.done $0x0  }
0x18f: {  	[sflag:s28] =	ssyncadd.s32 $0xFFFFEC00  }
0x190: {  	[tilespmem:s29], [sflag:$0x3] =	stream.linear.gather [hbm4b:s18+s10], $0x1400, $0x38;
	[tilespmem:$0x1E800] =	vst v63  }
0x191: {  	_ =	swait.ge [sflag:s28], $0x1400  }
0x192: {  	[sflag:s28] =	ssyncset.done $0x0  }
0x193: {  	[sflag:s28] =	ssyncadd.s32 $0xFFFFEC00  }
0x194: {  	[tilespmem:s31], [sflag:$0x1] =	stream.indirect.gather [hbm4b:s22+s30], $0x80, s10, s30, $0xb8;
	[tilespmem:$0x1E800] =	vst v63  }
0x195: {  	_ = 	snop  }
0x196: {  	[tilespmem:s1], [sflag:$0x2] =	stream.indirect.gather [hbm4b:s22+s30], $0x80, s0, s30, $0xb8;
	[tilespmem:$0x1E800] =	vst v63  }
0x197: {  	_ =	swait.ge [sflag:s2], $0x3E80  }
0x198: {  	[sflag:s2] =	ssyncset.done $0x0  }
0x199: {  	s12 =	simm.s32 $0x1400;
	[sflag:s2] =	ssyncadd.s32 $0xFFFFC180  }
0x19a: {  	[spmem:s3] =	stream.indirect.scatter.add.f32 [tilespmem:s31], [sflag:$0x3], $0x80, s12, s30, $0xb8;
	[tilespmem:$0x1E800] =	vst v63  }
0x19b: {  	_ =	swait.ge [sflag:s28], $0x3E80  }
0x19c: {  	[sflag:s28] =	ssyncset.done $0x0  }
0x19d: {  	s11 =	simm.s32 $0x100;
	[sflag:s28] =	ssyncadd.s32 $0xFFFFC180  }
0x19e: {  	[tilespmem:s31], [sflag:$0x1] =	stream.indirect.gather [hbm4b:s22+s30], $0x80, s11, s30, $0xb8;
	[tilespmem:$0x1E800] =	vst v63  }
0x19f: {  	_ =	swait.ge [sflag:s5], $0x3E80  }
0x1a0: {  	[sflag:s5] =	ssyncset.done $0x0  }
0x1a1: {  	s12 =	simm.s32 $0x1480;
	[sflag:s5] =	ssyncadd.s32 $0xFFFFC180  }
0x1a2: {  	[spmem:s3] =	stream.indirect.scatter.add.f32 [tilespmem:s1], [sflag:$0x3], $0x80, s12, s30, $0xb8;
	[tilespmem:$0x1E800] =	vst v63  }
0x1a3: {  	_ =	swait.ge [sflag:s28], $0x3E80  }
0x1a4: {  	[sflag:s28] =	ssyncset.done $0x0  }
0x1a5: {  	s10 =	simm.s32 $0x400;
	s11 =	simm.s32 $0x180;
	[sflag:s28] =	ssyncadd.s32 $0xFFFFC180  }
.LBB2_14:
0x1a6: {  	[tilespmem:s1], [sflag:$0x2] =	stream.indirect.gather [hbm4b:s22+s30], $0x80, s11, s30, $0xb8;
	[tilespmem:$0x1E800] =	vst v63  }
0x1a7: {  	s11 =	smov.u32 s10  }
0x1a8: {  	p0 =	sne.s32 s10, $0x4800;
	s10 =	sadd.s32 $0x400, s10;
	_ =	swait.ge [sflag:s2], $0x3E80  }
0x1a9: {  	s11 =	sshra.s32 s11, $0x2;
	[sflag:s2] =	ssyncset.done $0x0  }
0x1aa: {  	s12 =	sadd.s32 $0x1400, s11;
	[sflag:s2] =	ssyncadd.s32 $0xFFFFC180  }
0x1ab: {  	[spmem:s3] =	stream.indirect.scatter.add.f32 [tilespmem:s31], [sflag:$0x3], $0x80, s12, s30, $0xb8;
	[tilespmem:$0x1E800] =	vst v63  }
0x1ac: {  	_ =	swait.ge [sflag:s28], $0x3E80  }
0x1ad: {  	[sflag:s28] =	ssyncset.done $0x0  }
0x1ae: {  	s12 =	sadd.s32 $0x100, s11;
	[sflag:s28] =	ssyncadd.s32 $0xFFFFC180  }
0x1af: {  	[tilespmem:s31], [sflag:$0x1] =	stream.indirect.gather [hbm4b:s22+s30], $0x80, s12, s30, $0xb8;
	[tilespmem:$0x1E800] =	vst v63  }
0x1b0: {  	_ =	swait.ge [sflag:s5], $0x3E80  }
0x1b1: {  	[sflag:s5] =	ssyncset.done $0x0  }
.Ltmp6:
0x1b2: {  	s12 =	sadd.s32 $0x1480, s11;
	[sflag:s5] =	ssyncadd.s32 $0xFFFFC180;
	(pc) =	sbr.rel @p0 .LBB2_14-.Ltmp6, $4  }
0x1b3: {  	[spmem:s3] =	stream.indirect.scatter.add.f32 [tilespmem:s1], [sflag:$0x3], $0x80, s12, s30, $0xb8;
	[tilespmem:$0x1E800] =	vst v63  }
0x1b4: {  	_ =	swait.ge [sflag:s28], $0x3E80  }
0x1b5: {  	[sflag:s28] =	ssyncset.done $0x0  }
0x1b6: {  	s11 =	sadd.s32 $0x180, s11;
	[sflag:s28] =	ssyncadd.s32 $0xFFFFC180  }
0x1b7: {  	[tilespmem:s1], [sflag:$0x2] =	stream.indirect.gather [hbm4b:s22+s30], $0x80, s11, s30, $0xb8;
	[tilespmem:$0x1E800] =	vst v63  }
0x1b8: {  	_ =	swait.ge [sflag:s2], $0x3E80  }
0x1b9: {  	[sflag:s2] =	ssyncset.done $0x0  }
0x1ba: {  	[sflag:s2] =	ssyncadd.s32 $0xFFFFC180  }
0x1bb: {  	[spmem:s3] =	stream.indirect.scatter.add.f32 [tilespmem:s31], [sflag:$0x3], $0x80, s6, s30, $0xb8;
	[tilespmem:$0x1E800] =	vst v63  }
0x1bc: {  	_ =	swait.ge [sflag:s28], $0x3E80  }
0x1bd: {  	[sflag:s28] =	ssyncset.done $0x0  }
0x1be: {  	[sflag:s28] =	ssyncadd.s32 $0xFFFFC180  }
0x1bf: {  	_ =	swait.ge [sflag:s5], $0x3E80  }
0x1c0: {  	[sflag:s5] =	ssyncset.done $0x0  }
0x1c1: {  	[sflag:s5] =	ssyncadd.s32 $0xFFFFC180  }
0x1c2: {  	[spmem:s3] =	stream.indirect.scatter.add.f32 [tilespmem:s1], [sflag:$0x3], $0x80, s7, s30, $0xb8;
	[tilespmem:$0x1E800] =	vst v63  }
0x1c3: {  	_ =	swait.ge [sflag:s28], $0x3E80  }
0x1c4: {  	[sflag:s28] =	ssyncset.done $0x0  }
0x1c5: {  	s10 =	simm.s32 $0x0;
	[sflag:s28] =	ssyncadd.s32 $0xFFFFC180  }
0x1c6: {  	[tilespmem:s10], [sflag:$0x3] =	stream.linear.gather [hbm4b:s19+s10], $0x1400, $0x38;
	[tilespmem:$0x1E800] =	vst v63  }
0x1c7: {  	_ =	swait.ge [sflag:s28], $0x1400  }
0x1c8: {  	[sflag:s28] =	ssyncset.done $0x0  }
0x1c9: {  	[sflag:s28] =	ssyncadd.s32 $0xFFFFEC00  }
0x1ca: {  	[tilespmem:s29], [sflag:$0x3] =	stream.linear.gather [hbm4b:s20+s10], $0x1400, $0x38;
	[tilespmem:$0x1E800] =	vst v63  }
0x1cb: {  	_ =	swait.ge [sflag:s28], $0x1400  }
0x1cc: {  	[sflag:s28] =	ssyncset.done $0x0  }
0x1cd: {  	[sflag:s28] =	ssyncadd.s32 $0xFFFFEC00  }
0x1ce: {  	[tilespmem:s31], [sflag:$0x1] =	stream.indirect.gather [hbm4b:s22+s30], $0x80, s10, s30, $0xb8;
	[tilespmem:$0x1E800] =	vst v63  }
0x1cf: {  	_ = 	snop  }
0x1d0: {  	[tilespmem:s1], [sflag:$0x2] =	stream.indirect.gather [hbm4b:s22+s30], $0x80, s0, s30, $0xb8;
	[tilespmem:$0x1E800] =	vst v63  }
0x1d1: {  	_ =	swait.ge [sflag:s2], $0x3E80  }
0x1d2: {  	[sflag:s2] =	ssyncset.done $0x0  }
0x1d3: {  	s12 =	simm.s32 $0x1400;
	[sflag:s2] =	ssyncadd.s32 $0xFFFFC180  }
0x1d4: {  	[spmem:s3] =	stream.indirect.scatter.add.f32 [tilespmem:s31], [sflag:$0x3], $0x80, s12, s30, $0xb8;
	[tilespmem:$0x1E800] =	vst v63  }
0x1d5: {  	_ =	swait.ge [sflag:s28], $0x3E80  }
0x1d6: {  	[sflag:s28] =	ssyncset.done $0x0  }
0x1d7: {  	s11 =	simm.s32 $0x100;
	[sflag:s28] =	ssyncadd.s32 $0xFFFFC180  }
0x1d8: {  	[tilespmem:s31], [sflag:$0x1] =	stream.indirect.gather [hbm4b:s22+s30], $0x80, s11, s30, $0xb8;
	[tilespmem:$0x1E800] =	vst v63  }
0x1d9: {  	_ =	swait.ge [sflag:s5], $0x3E80  }
0x1da: {  	[sflag:s5] =	ssyncset.done $0x0  }
0x1db: {  	s12 =	simm.s32 $0x1480;
	[sflag:s5] =	ssyncadd.s32 $0xFFFFC180  }
0x1dc: {  	[spmem:s3] =	stream.indirect.scatter.add.f32 [tilespmem:s1], [sflag:$0x3], $0x80, s12, s30, $0xb8;
	[tilespmem:$0x1E800] =	vst v63  }
0x1dd: {  	_ =	swait.ge [sflag:s28], $0x3E80  }
0x1de: {  	[sflag:s28] =	ssyncset.done $0x0  }
0x1df: {  	s10 =	simm.s32 $0x400;
	s11 =	simm.s32 $0x180;
	[sflag:s28] =	ssyncadd.s32 $0xFFFFC180  }
.LBB2_16:
0x1e0: {  	[tilespmem:s1], [sflag:$0x2] =	stream.indirect.gather [hbm4b:s22+s30], $0x80, s11, s30, $0xb8;
	[tilespmem:$0x1E800] =	vst v63  }
0x1e1: {  	s11 =	smov.u32 s10  }
0x1e2: {  	p0 =	sne.s32 s10, $0x4800;
	s10 =	sadd.s32 $0x400, s10;
	_ =	swait.ge [sflag:s2], $0x3E80  }
0x1e3: {  	s11 =	sshra.s32 s11, $0x2;
	[sflag:s2] =	ssyncset.done $0x0  }
0x1e4: {  	s12 =	sadd.s32 $0x1400, s11;
	[sflag:s2] =	ssyncadd.s32 $0xFFFFC180  }
0x1e5: {  	[spmem:s3] =	stream.indirect.scatter.add.f32 [tilespmem:s31], [sflag:$0x3], $0x80, s12, s30, $0xb8;
	[tilespmem:$0x1E800] =	vst v63  }
0x1e6: {  	_ =	swait.ge [sflag:s28], $0x3E80  }
0x1e7: {  	[sflag:s28] =	ssyncset.done $0x0  }
0x1e8: {  	s12 =	sadd.s32 $0x100, s11;
	[sflag:s28] =	ssyncadd.s32 $0xFFFFC180  }
0x1e9: {  	[tilespmem:s31], [sflag:$0x1] =	stream.indirect.gather [hbm4b:s22+s30], $0x80, s12, s30, $0xb8;
	[tilespmem:$0x1E800] =	vst v63  }
0x1ea: {  	_ =	swait.ge [sflag:s5], $0x3E80  }
0x1eb: {  	[sflag:s5] =	ssyncset.done $0x0  }
.Ltmp7:
0x1ec: {  	s12 =	sadd.s32 $0x1480, s11;
	[sflag:s5] =	ssyncadd.s32 $0xFFFFC180;
	(pc) =	sbr.rel @p0 .LBB2_16-.Ltmp7, $4  }
0x1ed: {  	[spmem:s3] =	stream.indirect.scatter.add.f32 [tilespmem:s1], [sflag:$0x3], $0x80, s12, s30, $0xb8;
	[tilespmem:$0x1E800] =	vst v63  }
0x1ee: {  	_ =	swait.ge [sflag:s28], $0x3E80  }
0x1ef: {  	[sflag:s28] =	ssyncset.done $0x0  }
0x1f0: {  	s11 =	sadd.s32 $0x180, s11;
	[sflag:s28] =	ssyncadd.s32 $0xFFFFC180  }
0x1f1: {  	[tilespmem:s1], [sflag:$0x2] =	stream.indirect.gather [hbm4b:s22+s30], $0x80, s11, s30, $0xb8;
	[tilespmem:$0x1E800] =	vst v63  }
0x1f2: {  	_ =	swait.ge [sflag:s2], $0x3E80  }
0x1f3: {  	[sflag:s2] =	ssyncset.done $0x0  }
0x1f4: {  	[sflag:s2] =	ssyncadd.s32 $0xFFFFC180  }
0x1f5: {  	[spmem:s3] =	stream.indirect.scatter.add.f32 [tilespmem:s31], [sflag:$0x3], $0x80, s6, s30, $0xb8;
	[tilespmem:$0x1E800] =	vst v63  }
0x1f6: {  	_ =	swait.ge [sflag:s28], $0x3E80  }
0x1f7: {  	[sflag:s28] =	ssyncset.done $0x0  }
0x1f8: {  	[sflag:s28] =	ssyncadd.s32 $0xFFFFC180  }
0x1f9: {  	_ =	swait.ge [sflag:s5], $0x3E80  }
0x1fa: {  	[sflag:s5] =	ssyncset.done $0x0  }
0x1fb: {  	[sflag:s5] =	ssyncadd.s32 $0xFFFFC180  }
0x1fc: {  	[spmem:s3] =	stream.indirect.scatter.add.f32 [tilespmem:s1], [sflag:$0x3], $0x80, s7, s30, $0xb8;
	[tilespmem:$0x1E800] =	vst v63  }
0x1fd: {  	_ =	swait.ge [sflag:s28], $0x3E80  }
0x1fe: {  	s8 =	sadd.s32 $0x1, s8;
	[sflag:s28] =	ssyncset.done $0x0  }
0x1ff: {  	p0 =	sne.s32 s8, s26;
	[sflag:s28] =	ssyncadd.s32 $0xFFFFC180  }
.Ltmp8:
0x200: {  	[bflag:$0x0] =	sbarrier.arrive $0xFFFF;
	(pc) =	sbr.rel @p0 .LBB2_1-.Ltmp8, $4  }
0x201: {  	[hbm:s21], [sflag:s24] =	dma.local [spmem:s9], $0x2800  }
0x202: {  	_ =	swait.ge [sflag:s28], $0x2800  }
0x203: {  	[sflag:s28] =	ssyncset.done $0x0  }
0x204: {  	[sflag:s28] =	ssyncadd.s32 $0xFFFFD800  }
0x205: {  	_ =	sfence.sel $0x180000  }
0x206: {  	[bflag:$0x0] =	sbarrier.arrive $0xFFFF  }
0x207: {  	_ =	strace $0x9000004D  }
0x208: {  	s0 =	stileid.u32;
	[bflag:$0x2] =	sbarrier.arrive $0xFFFF  }
0x209: {  	p0 =	sne.s32 s0, $0x0;
	s0 =	rddreg [dreg:$0x3]  }
0x20a: {  	s0 =	sadd.s32 @!p0 $0x100000, s0  }
0x20b: {  	[sflag:s0] =	ssyncadd.tile.s32 @!p0 $0x1;
	_ =	shalt  }
.Lfunc_end2:
_tile_overlayer_lowered:
.L_overlay_start_2:
0x20c: {  	(tag) =	ssettag $0x2  }
0x20d: {  	s0 =	rddreg [dreg:$0x0];
	s2 =	stileid.u32  }
0x20e: {  	s1 =	rddreg [dreg:$0x1];
	p0 =	sne.s32 s2, $0x0  }
0x20f: {  	s3 =	rddreg [dreg:$0x2];
	[bflag:$0x3] =	sbarrier.arrive $0xFFFF;
	s2 =	simm.s32 @!p0 $0x1C03  }
0x210: {  	[timem:s3], [sflag:s2] =	dma.local @!p0 [hbm:s0], s1  }
0x211: {  	s0 =	simm.s32 @!p0 $0x3  }
0x212: {  	_ =	swait.ge @!p0 [sflag:s0], s1  }
0x213: {  	s1 =	ssub.s32 @!p0 $0x0, s1;
	[sflag:s0] =	ssyncset.done @!p0 $0x0  }
0x214: {  	[sflag:s0] =	ssyncadd.s32 @!p0 s1  }
0x215: {  	[bflag:$0x3] =	sbarrier.arrive $0xFFFF  }
0x216: {  	_ =	shalt  }

// kernel: kernel.9.cloned.1.call-start
scs
__scs_entry_jumppad:
0x0: {  	(pc) =	sbr.rel $0x88, $3  }
0x1: {  	(tag) =	ssettag $0x0;
	lr =	simm.s32 $0x1  }
0x2: {  	[smem:$0x3F95] =	sst lr;
	_ =	strace $0xD0000000  }
0x3: {  	_ = 	snop  }
0x4: {  	_ = 	snop  }
0x5: {  	_ = 	snop  }
0x6: {  	_ = 	snop  }
0x7: {  	_ = 	snop  }
__scs_overlays_trampoline_lowered:
0x8: {  	[smem:$0x3FA4] =	sst s0  }
0x9: {  	[smem:$0x3FA5] =	sst s1  }
0xa: {  	[smem:$0x3FA6] =	sst s2  }
0xb: {  	[smem:$0x3FA7] =	sst s3  }
0xc: {  	[smem:$0x3FA8] =	sst s4  }
0xd: {  	[smem:$0x3FA9] =	sst s5  }
0xe: {  	[smem:$0x3FAA] =	sst s6  }
0xf: {  	[smem:$0x3FAB] =	sst s7  }
0x10: {  	[smem:$0x3FAC] =	sst s8  }
0x11: {  	[smem:$0x3FAD] =	sst s9;
	s0 =	simm.s32 @!p0 $0x0  }
0x12: {  	s1 =	sld [smem:$0x3F93];
	s0 =	simm.s32 @p0 $0x1  }
0x13: {  	[smem:$0x3FAE] =	sst s0;
	s0 =	simm.s32 @!p1 $0x0  }
0x14: {  	s2 =	sld [smem:$0x3F92];
	s0 =	simm.s32 @p1 $0x1  }
0x15: {  	[smem:$0x3FAF] =	sst s0;
	s0 =	simm.s32 @!p2 $0x0  }
0x16: {  	s3 =	sld [smem:$0x3FDB];
	s0 =	simm.s32 @p2 $0x1  }
0x17: {  	s4 =	simm.s32 $0x1BF5;
	[smem:$0x3FB1] =	sst s0  }
0x18: {  	s0 =	sld [smem:$0x3F94];
	_ =	swait.ge [sflag:s4], $0x0  }
0x19: {  	s7 =	sld [smem:$0x3F95]  }
0x1a: {  	s8 =	sadd.s32 $0xFFFFE003, lr  }
0x1b: {  	s9 =	sadd.s32 $0xFFFFFEF7, lr;
	s5 =	simm.s32 $0xFFFFFFFF;
	p2 =	slt.u32 s8, $0xFFFFF086  }
0x1c: {  	p1 =	slt.u32 s9, $0xF7A;
	s5 =	simm.s32 @!p2 $0x0  }
0x1d: {  	s5 =	simm.s32 @p1 $0x1;
	p0 =	seq.s32 s7, s2  }
0x1e: {  	s7 =	smul.u32 @!p0 $0xF7A, s2;
	p2 =	seq.s32 @!p0 s5, $0x0  }
0x1f: {  	s9 =	smul.u32 $0xF7A, s1;
	s8 =	simm.s32 @!p0 $0x1BF5;
	p2 =	por !p2, p0  }
0x20: {  	[sflag:s8] =	ssyncset.s32 @!p0 $0xFFFFF086;
	s6 =	sadd.s32 @!p0 s3, s7;
	s7 =	simm.s32 @!p0 $0x108  }
0x21: {  	s3 =	sadd.s32 s3, s9;
	s6 =	sadd.s32 @!p0 $0x88, s6;
	s7 =	simm.s32 @p2 $0x1082  }
0x22: {  	[simem:s7], [sflag:s8] =	dma.local @!p0 [hbm:s6], $0xF7A  }
0x23: {  	s9 =	sor.u32 $0xD0000000, s2;
	s6 =	simm.s32 $0x108;
	_ =	swait.ge @!p0 [sflag:s8], $0x0  }
0x24: {  	s3 =	sadd.s32 $0x88, s3;
	s6 =	simm.s32 @!p1 $0x1082;
	[sflag:s4] =	ssyncset.s32 $0xFFFFF086  }
0x25: {  	[simem:s6], [sflag:s4] =	dma.local [hbm:s3], $0xF7A  }
0x26: {  	[smem:$0x3F95] =	sst s1;
	(tag) =	ssettag s2;
	_ =	strace s9  }
0x27: {  	s1 =	sld [smem:$0x3FA5]  }
0x28: {  	s2 =	sld [smem:$0x3FA6]  }
0x29: {  	s4 =	sld [smem:$0x3FA8]  }
0x2a: {  	p0 =	seq.s32 s5, $0x0;
	s5 =	sld [smem:$0x3FA9]  }
0x2b: {  	s6 =	sld [smem:$0x3FAA]  }
0x2c: {  	s7 =	sld [smem:$0x3FAB]  }
0x2d: {  	s3 =	simm.s32 $0x108;
	s8 =	sld [smem:$0x3FAC]  }
0x2e: {  	s3 =	simm.s32 @!p0 $0x1082;
	s9 =	sld [smem:$0x3FAD]  }
0x2f: {  	lr =	sadd.s32 s0, s3;
	s0 =	sld [smem:$0x3FA4]  }
0x30: {  	s3 =	sld [smem:$0x3FA7]  }
0x31: {  	[smem:$0x3FB0] =	sst s10  }
0x32: {  	s10 =	sld [smem:$0x3FAE];
	_ =	sdelay $0x3  }
0x33: {  	p0 =	seq.s32 s10, $0x1;
	s10 =	sld [smem:$0x3FB0];
	_ =	sdelay $0x3  }
0x34: {  	[smem:$0x3FB0] =	sst s10  }
0x35: {  	s10 =	sld [smem:$0x3FAF];
	_ =	sdelay $0x3  }
0x36: {  	p1 =	seq.s32 s10, $0x1;
	s10 =	sld [smem:$0x3FB0];
	_ =	sdelay $0x3  }
0x37: {  	[smem:$0x3FB0] =	sst s10  }
0x38: {  	s10 =	sld [smem:$0x3FB1]  }
0x39: {  	_ = 	snop;
	(pc) =	sbr.ind lr, $3  }
0x3a: {  	_ = 	snop  }
0x3b: {  	_ = 	snop  }
0x3c: {  	p2 =	seq.s32 s10, $0x1;
	s10 =	sld [smem:$0x3FB0]  }
0x3d: {  	_ =	shalt  }
0x3e: {  	_ =	shalt  }
0x3f: {  	_ =	shalt  }
0x40: {  	_ =	shalt  }
0x41: {  	_ =	shalt  }
0x42: {  	_ =	shalt  }
0x43: {  	_ =	shalt  }
0x44: {  	_ =	shalt  }
0x45: {  	_ =	shalt  }
0x46: {  	_ =	shalt  }
0x47: {  	_ =	shalt  }
0x48: {  	_ =	shalt  }
0x49: {  	_ =	shalt  }
0x4a: {  	_ =	shalt  }
0x4b: {  	_ =	shalt  }
0x4c: {  	_ =	shalt  }
0x4d: {  	_ =	shalt  }
0x4e: {  	_ =	shalt  }
0x4f: {  	_ =	shalt  }
0x50: {  	_ =	shalt  }
0x51: {  	_ =	shalt  }
0x52: {  	_ =	shalt  }
0x53: {  	_ =	shalt  }
0x54: {  	_ =	shalt  }
0x55: {  	_ =	shalt  }
0x56: {  	_ =	shalt  }
0x57: {  	_ =	shalt  }
0x58: {  	_ =	shalt  }
0x59: {  	_ =	shalt  }
0x5a: {  	_ =	shalt  }
0x5b: {  	_ =	shalt  }
0x5c: {  	_ =	shalt  }
0x5d: {  	_ =	shalt  }
0x5e: {  	_ =	shalt  }
0x5f: {  	_ =	shalt  }
0x60: {  	_ =	shalt  }
0x61: {  	_ =	shalt  }
0x62: {  	_ =	shalt  }
0x63: {  	_ =	shalt  }
0x64: {  	_ =	shalt  }
0x65: {  	_ =	shalt  }
0x66: {  	_ =	shalt  }
0x67: {  	_ =	shalt  }
0x68: {  	_ =	shalt  }
0x69: {  	_ =	shalt  }
0x6a: {  	_ =	shalt  }
0x6b: {  	_ =	shalt  }
0x6c: {  	_ =	shalt  }
0x6d: {  	_ =	shalt  }
0x6e: {  	_ =	shalt  }
0x6f: {  	_ =	shalt  }
0x70: {  	_ =	shalt  }
0x71: {  	_ =	shalt  }
0x72: {  	_ =	shalt  }
0x73: {  	_ =	shalt  }
0x74: {  	_ =	shalt  }
0x75: {  	_ =	shalt  }
0x76: {  	_ =	shalt  }
0x77: {  	_ =	shalt  }
0x78: {  	_ =	shalt  }
0x79: {  	_ =	shalt  }
0x7a: {  	_ =	shalt  }
0x7b: {  	_ =	shalt  }
0x7c: {  	_ =	shalt  }
0x7d: {  	_ =	shalt  }
0x7e: {  	_ =	shalt  }
0x7f: {  	_ =	shalt  }
0x80: {  	_ =	shalt  }
0x81: {  	_ =	shalt  }
0x82: {  	_ =	shalt  }
0x83: {  	_ =	shalt  }
0x84: {  	_ =	shalt  }
0x85: {  	_ =	shalt  }
0x86: {  	_ =	shalt  }
0x87: {  	_ =	shalt  }
.Lfunc_end0:
.L_simem_size_0:
called_computation_lowered:
.L_overlay_start_0:
0x88: {  	s2 =	sld [smem:$0x3FD9]  }
0x89: {  	s3 =	sld [smem:$0x3FFE];
	_ =	sdelay $0x1  }
0x8a: {  	s1 =	srdreg.scid  }
0x8b: {  	s0 =	sand.u32 $0x1, s1  }
0x8c: {  	s17 =	sshll.u32 s0, $0xA;
	s2 =	sadd.s32 s3, s2  }
0x8d: {  	s2 =	sadd.s32 s2, s17  }
0x8e: {  	[smem:$0x3FBC] =	sst s2  }
0x8f: {  	_ = 	snop  }
0x90: {  	s2 =	sld [smem:$0x3FD0];
	(tm) =	ssettm $0x1  }
0x91: {  	s18 =	sld [smem:$0x3FFB];
	_ =	sdelay $0x3  }
0x92: {  	_ =	strace s18  }
0x93: {  	s3 =	sld [smem:$0x3FFC];
	_ =	sdelay $0x3  }
0x94: {  	_ =	strace s3  }
0x95: {  	s3 =	sld [smem:$0x3FFD];
	_ =	sdelay $0x3  }
0x96: {  	_ =	strace s3  }
0x97: {  	_ =	strace $0x8FFFFFFF  }
0x98: {  	s19 =	sld [smem:$0x3FDB];
	_ =	sdelay $0x1  }
0x99: {  	s4 =	simm.s32 $_scs_section_size  }
0x9a: {  	s5 =	simm.s32 $_size__tile_overlayer_lowered;
	s6 =	simm.s32 $_tile_overlayer_lowered  }
0x9b: {  	s22 =	simm.s32 $0x1BFF;
	s21 =	sshll.u32 s6, $0x1;
	s3 =	sadd.s32 s4, s19  }
0x9c: {  	s7 =	simm.s32 $0x0;
	s20 =	sshll.u32 s5, $0x1;
	s5 =	sadd.s32 s21, s3  }
0x9d: {  	[timem:s7], [sflag:s22] =	dma.local [hbm:s5], s20  }
0x9e: {  	_ =	swait.ge [sflag:s22], s20  }
0x9f: {  	s4 =	ssub.s32 $0x0, s20;
	[sflag:s22] =	ssyncset.done $0x0  }
0xa0: {  	[sflag:s22] =	ssyncadd.s32 s4;
	_ =	sdelay $0x1  }
0xa1: {  	s23 =	simm.s32 $0x1B8B  }
0xa2: {  	_ =	swait.ge [sflag:s23], $0x1  }
0xa3: {  	[sflag:s23] =	ssyncset.done $0x0  }
0xa4: {  	s25 =	simm.s32 $0x1B8E;
	s24 =	sld [smem:$0x3FFE];
	[sflag:s23] =	ssyncadd.s32 $0xFFFFFFFF  }
0xa5: {  	s26 =	simm.s32 $execute0_lowered;
	[smem:$0x3FD2] =	sst s25  }
0xa6: {  	s5 =	sshll.u32 s26, $0x1;
	_ =	strace $0x80000046;
	[dreg:$0x1] =	wrdreg $0xFFFFFFFF  }
0xa7: {  	s28 =	simm.s32 $_size_execute0_lowered;
	s3 =	sadd.s32 s3, s5;
	[dreg:$0x0] =	wrdreg $0x0  }
0xa8: {  	s5 =	sshll.u32 s28, $0x1;
	[dreg:$0x2] =	wrdreg s3  }
0xa9: {  	[dreg:$0x3] =	wrdreg s5  }
0xaa: {  	[dreg:$0x4] =	wrdreg $0xC0  }
0xab: {  	_ =	task [dreg:s7], $0x5FFFF  }
0xac: {  	[dreg:$0x1] =	wrdreg $0xFFFFFFFF  }
0xad: {  	[dreg:$0x0] =	wrdreg $0x60  }
0xae: {  	[dreg:$0x2] =	wrdreg s24  }
0xaf: {  	[dreg:$0x3] =	wrdreg s2  }
0xb0: {  	[dreg:$0x4] =	wrdreg $0xA8000  }
0xb1: {  	[dreg:$0x5] =	wrdreg $0x9  }
0xb2: {  	_ =	task.clear_ibuf [dreg:s7], $0x6FFFF;
	_ =	strace $0x90000046  }
0xb3: {  	s29 =	simm.s32 $0x9;
	_ =	strace $0x80000048  }
0xb4: {  	_ =	swait.ge [sflag:s29], $0x1  }
0xb5: {  	[sflag:s29] =	ssyncadd.s32 $0xFFFFFFFF  }
0xb6: {  	_ =	strace $0x90000048  }
0xb7: {  	_ =	sfence  }
0xb8: {  	s30 =	sld [smem:$0x0];
	_ =	sdelay $0x2  }
0xb9: {  	s31 =	sshll.u32 s1, $0xD;
	s1 =	sshrl.u32 s1, $0x2  }
0xba: {  	s3 =	sand.u32 $0x4000, s31;
	s1 =	sadd.s32 s1, s30  }
0xbb: {  	s0 =	sor.u32 s3, s0;
	s1 =	sshll.u32 s1, $0x11  }
0xbc: {  	s0 =	sor.u32 s1, s0  }
0xbd: {  	s0 =	sadd.s32 $0x8F2B, s0  }
0xbe: {  	[sflag:s0] =	ssyncadd.remote.s32 $0x1  }
0xbf: {  	_ =	sfence.sel $0xFFFF  }
0xc0: {  	[dreg:$0x0] =	wrdreg $0xFFFFFFFF;
	(pc) =	sbr.abs _section_cstart, $3  }
0xc1: {  	[dreg:$0x1] =	wrdreg $0xFFFFFFFF  }
0xc2: {  	_ =	task.clear_ibuf [dreg:s7], $0x2FFFF;
	_ =	strace $0x9FFFFFFF  }
0xc3: {  	(tm) =	ssettm $0x7FFFFFFF  }
tec
execute0_lowered:
.L_overlay_start_1:
0x0: {  	(tag) =	ssettag $0x1  }
0x1: {  	s6 =	rddreg [dreg:$0x0]  }
0x2: {  	s1 =	rddreg [dreg:$0x1]  }
0x3: {  	s2 =	rddreg [dreg:$0x2]  }
0x4: {  	s3 =	srdreg.scid;
	s0 =	rddreg [dreg:$0x3]  }
0x5: {  	s4 =	simm.s32 $0x0;
	s16 =	simm.s32 $0x7D;
	s17 =	simm.s32 $0x2800  }
0x6: {  	s18 =	simm.s32 $0x80;
	s19 =	simm.s32 $0x6800;
	s20 =	simm.s32 $0x1  }
0x7: {  	s21 =	simm.s32 $0x2;
	s22 =	simm.s32 $0x2700;
	s23 =	simm.s32 $0x2780  }
0x8: {  	s7 =	sand.u32 $0x1, s3;
	s3 =	stileid.u32;
	[smem:$0x7FF] =	sst s4  }
0x9: {  	s5 =	sadd.s32 $0x14C00, s6;
	s10 =	sadd.s32 $0xAC00, s6;
	s8 =	smul.u32 $0x140000, s7  }
0xa: {  	s11 =	sadd.s32 $0xC00, s6;
	s9 =	smul.u32 $0x14000, s3;
	_ =	strace $0x80000047  }
0xb: {  	s24 =	sshll.u32 s7, $0x4;
	s7 =	ssub.s32 $0x2, s7;
	s12 =	smul.u32 $0x50000, s3  }
0xc: {  	s26 =	sshll.u32 s3, $0x6;
	s13 =	sshrl.u32 s7, $0x1;
	s8 =	sadd.s32 s9, s8  }
0xd: {  	s9 =	sor.u32 s3, s24;
	s13 =	ssub.s32 s7, s13;
	s25 =	sshrl.u32 s12, $0x2  }
0xe: {  	s24 =	simm.s32 $0x0;
	s8 =	sshrl.u32 s8, $0x3;
	s14 =	smul.u32 $0x2800, s9  }
0xf: {  	s28 =	smul.u32 $0x500, s9;
	s30 =	sadd.s32 s25, s2;
	s12 =	smax.u32 s13, $0x1  }
0x10: {  	s15 =	sadd.s32 s8, s6;
	s6 =	sor.u32 $0x1C03, s26;
	s29 =	sshrl.u32 s14, $0x3  }
0x11: {  	s13 =	sshrl.u32 s30, $0x3;
	s7 =	sadd.s32 s10, s28;
	s31 =	sadd.s32 $0x280, s29  }
0x12: {  	s8 =	sadd.s32 s11, s28;
	s14 =	simm.s32 $0x3;
	s9 =	sadd.s32 s10, s31  }
0x13: {  	s10 =	sadd.s32 s11, s31;
	s11 =	sadd.s32 $0x3BE00, s15;
	s15 =	simm.s32 $0x1400  }
.LBB2_1:
0x14: {  	[spmem:s13], [sflag:s6] =	dma.local [hbm:s1], $0x2800  }
0x15: {  	_ =	swait.ge [sflag:s14], $0x2800  }
0x16: {  	[sflag:s14] =	ssyncset.done $0x0  }
0x17: {  	[sflag:s14] =	ssyncadd.s32 $0xFFFFD800  }
0x18: {  	[bflag:$0x0] =	sbarrier.arrive $0xFFFF  }
0x19: {  	[tilespmem:s4], [sflag:$0x3] =	stream.linear.gather [hbm4b:s7+s4], $0x1400, $0x38;
	[tilespmem:$0x1E800] =	vst v63  }
0x1a: {  	_ =	swait.ge [sflag:s14], $0x1400  }
0x1b: {  	[sflag:s14] =	ssyncset.done $0x0  }
0x1c: {  	[sflag:s14] =	ssyncadd.s32 $0xFFFFEC00  }
0x1d: {  	[tilespmem:s15], [sflag:$0x3] =	stream.linear.gather [hbm4b:s8+s4], $0x1400, $0x38;
	[tilespmem:$0x1E800] =	vst v63  }
0x1e: {  	_ =	swait.ge [sflag:s14], $0x1400  }
0x1f: {  	[sflag:s14] =	ssyncset.done $0x0  }
0x20: {  	[sflag:s14] =	ssyncadd.s32 $0xFFFFEC00  }
0x21: {  	[tilespmem:s17], [sflag:$0x1] =	stream.indirect.gather [hbm4b:s5+s16], $0x80, s4, s16, $0xb8;
	[tilespmem:$0x1E800] =	vst v63  }
0x22: {  	_ = 	snop  }
0x23: {  	[tilespmem:s19], [sflag:$0x2] =	stream.indirect.gather [hbm4b:s5+s16], $0x80, s18, s16, $0xb8;
	[tilespmem:$0x1E800] =	vst v63  }
0x24: {  	_ =	swait.ge [sflag:s20], $0x3E80  }
0x25: {  	[sflag:s20] =	ssyncset.done $0x0  }
0x26: {  	s25 =	simm.s32 $0x1400;
	[sflag:s20] =	ssyncadd.s32 $0xFFFFC180  }
0x27: {  	[spmem:s2] =	stream.indirect.scatter.add.f32 [tilespmem:s17], [sflag:$0x3], $0x80, s25, s16, $0xb8;
	[tilespmem:$0x1E800] =	vst v63  }
0x28: {  	_ =	swait.ge [sflag:s14], $0x3E80  }
0x29: {  	[sflag:s14] =	ssyncset.done $0x0  }
0x2a: {  	s30 =	simm.s32 $0x100;
	[sflag:s14] =	ssyncadd.s32 $0xFFFFC180  }
0x2b: {  	[tilespmem:s17], [sflag:$0x1] =	stream.indirect.gather [hbm4b:s5+s16], $0x80, s30, s16, $0xb8;
	[tilespmem:$0x1E800] =	vst v63  }
0x2c: {  	_ =	swait.ge [sflag:s21], $0x3E80  }
0x2d: {  	[sflag:s21] =	ssyncset.done $0x0  }
0x2e: {  	s31 =	simm.s32 $0x1480;
	[sflag:s21] =	ssyncadd.s32 $0xFFFFC180  }
0x2f: {  	[spmem:s2] =	stream.indirect.scatter.add.f32 [tilespmem:s19], [sflag:$0x3], $0x80, s31, s16, $0xb8;
	[tilespmem:$0x1E800] =	vst v63  }
0x30: {  	_ =	swait.ge [sflag:s14], $0x3E80  }
0x31: {  	[sflag:s14] =	ssyncset.done $0x0  }
0x32: {  	s26 =	simm.s32 $0x180;
	s25 =	simm.s32 $0x400;
	[sflag:s14] =	ssyncadd.s32 $0xFFFFC180  }
.LBB2_2:
0x33: {  	[tilespmem:s19], [sflag:$0x2] =	stream.indirect.gather [hbm4b:s5+s16], $0x80, s26, s16, $0xb8;
	[tilespmem:$0x1E800] =	vst v63  }
0x34: {  	s26 =	smov.u32 s25  }
0x35: {  	p0 =	sne.s32 s25, $0x4800;
	s25 =	sadd.s32 $0x400, s25;
	_ =	swait.ge [sflag:s20], $0x3E80  }
0x36: {  	s26 =	sshra.s32 s26, $0x2;
	[sflag:s20] =	ssyncset.done $0x0  }
0x37: {  	s28 =	sadd.s32 $0x1400, s26;
	[sflag:s20] =	ssyncadd.s32 $0xFFFFC180  }
0x38: {  	[spmem:s2] =	stream.indirect.scatter.add.f32 [tilespmem:s17], [sflag:$0x3], $0x80, s28, s16, $0xb8;
	[tilespmem:$0x1E800] =	vst v63  }
0x39: {  	_ =	swait.ge [sflag:s14], $0x3E80  }
0x3a: {  	[sflag:s14] =	ssyncset.done $0x0  }
0x3b: {  	s28 =	sadd.s32 $0x100, s26;
	[sflag:s14] =	ssyncadd.s32 $0xFFFFC180  }
0x3c: {  	[tilespmem:s17], [sflag:$0x1] =	stream.indirect.gather [hbm4b:s5+s16], $0x80, s28, s16, $0xb8;
	[tilespmem:$0x1E800] =	vst v63  }
0x3d: {  	_ =	swait.ge [sflag:s21], $0x3E80  }
0x3e: {  	[sflag:s21] =	ssyncset.done $0x0  }
.Ltmp0:
0x3f: {  	s28 =	sadd.s32 $0x1480, s26;
	[sflag:s21] =	ssyncadd.s32 $0xFFFFC180;
	(pc) =	sbr.rel @p0 .LBB2_2-.Ltmp0, $4  }
0x40: {  	[spmem:s2] =	stream.indirect.scatter.add.f32 [tilespmem:s19], [sflag:$0x3], $0x80, s28, s16, $0xb8;
	[tilespmem:$0x1E800] =	vst v63  }
0x41: {  	_ =	swait.ge [sflag:s14], $0x3E80  }
0x42: {  	[sflag:s14] =	ssyncset.done $0x0  }
0x43: {  	s26 =	sadd.s32 $0x180, s26;
	[sflag:s14] =	ssyncadd.s32 $0xFFFFC180  }
0x44: {  	[tilespmem:s19], [sflag:$0x2] =	stream.indirect.gather [hbm4b:s5+s16], $0x80, s26, s16, $0xb8;
	[tilespmem:$0x1E800] =	vst v63  }
0x45: {  	_ =	swait.ge [sflag:s20], $0x3E80  }
0x46: {  	[sflag:s20] =	ssyncset.done $0x0  }
0x47: {  	[sflag:s20] =	ssyncadd.s32 $0xFFFFC180  }
0x48: {  	[spmem:s2] =	stream.indirect.scatter.add.f32 [tilespmem:s17], [sflag:$0x3], $0x80, s22, s16, $0xb8;
	[tilespmem:$0x1E800] =	vst v63  }
0x49: {  	_ =	swait.ge [sflag:s14], $0x3E80  }
0x4a: {  	[sflag:s14] =	ssyncset.done $0x0  }
0x4b: {  	[sflag:s14] =	ssyncadd.s32 $0xFFFFC180  }
0x4c: {  	_ =	swait.ge [sflag:s21], $0x3E80  }
0x4d: {  	[sflag:s21] =	ssyncset.done $0x0  }
0x4e: {  	[sflag:s21] =	ssyncadd.s32 $0xFFFFC180  }
0x4f: {  	[spmem:s2] =	stream.indirect.scatter.add.f32 [tilespmem:s19], [sflag:$0x3], $0x80, s23, s16, $0xb8;
	[tilespmem:$0x1E800] =	vst v63  }
0x50: {  	_ =	swait.ge [sflag:s14], $0x3E80  }
0x51: {  	[sflag:s14] =	ssyncset.done $0x0  }
0x52: {  	s25 =	simm.s32 $0x0;
	[sflag:s14] =	ssyncadd.s32 $0xFFFFC180  }
0x53: {  	[tilespmem:s25], [sflag:$0x3] =	stream.linear.gather [hbm4b:s9+s25], $0x1400, $0x38;
	[tilespmem:$0x1E800] =	vst v63  }
0x54: {  	_ =	swait.ge [sflag:s14], $0x1400  }
0x55: {  	[sflag:s14] =	ssyncset.done $0x0  }
0x56: {  	[sflag:s14] =	ssyncadd.s32 $0xFFFFEC00  }
0x57: {  	[tilespmem:s15], [sflag:$0x3] =	stream.linear.gather [hbm4b:s10+s25], $0x1400, $0x38;
	[tilespmem:$0x1E800] =	vst v63  }
0x58: {  	_ =	swait.ge [sflag:s14], $0x1400  }
0x59: {  	[sflag:s14] =	ssyncset.done $0x0  }
0x5a: {  	[sflag:s14] =	ssyncadd.s32 $0xFFFFEC00  }
0x5b: {  	[tilespmem:s17], [sflag:$0x1] =	stream.indirect.gather [hbm4b:s5+s16], $0x80, s25, s16, $0xb8;
	[tilespmem:$0x1E800] =	vst v63  }
0x5c: {  	_ = 	snop  }
0x5d: {  	[tilespmem:s19], [sflag:$0x2] =	stream.indirect.gather [hbm4b:s5+s16], $0x80, s18, s16, $0xb8;
	[tilespmem:$0x1E800] =	vst v63  }
0x5e: {  	_ =	swait.ge [sflag:s20], $0x3E80  }
0x5f: {  	[sflag:s20] =	ssyncset.done $0x0  }
0x60: {  	s29 =	simm.s32 $0x1400;
	[sflag:s20] =	ssyncadd.s32 $0xFFFFC180  }
0x61: {  	[spmem:s2] =	stream.indirect.scatter.add.f32 [tilespmem:s17], [sflag:$0x3], $0x80, s29, s16, $0xb8;
	[tilespmem:$0x1E800] =	vst v63  }
0x62: {  	_ =	swait.ge [sflag:s14], $0x3E80  }
0x63: {  	[sflag:s14] =	ssyncset.done $0x0  }
0x64: {  	s30 =	simm.s32 $0x100;
	[sflag:s14] =	ssyncadd.s32 $0xFFFFC180  }
0x65: {  	[tilespmem:s17], [sflag:$0x1] =	stream.indirect.gather [hbm4b:s5+s16], $0x80, s30, s16, $0xb8;
	[tilespmem:$0x1E800] =	vst v63  }
0x66: {  	_ =	swait.ge [sflag:s21], $0x3E80  }
0x67: {  	[sflag:s21] =	ssyncset.done $0x0  }
0x68: {  	s31 =	simm.s32 $0x1480;
	[sflag:s21] =	ssyncadd.s32 $0xFFFFC180  }
0x69: {  	[spmem:s2] =	stream.indirect.scatter.add.f32 [tilespmem:s19], [sflag:$0x3], $0x80, s31, s16, $0xb8;
	[tilespmem:$0x1E800] =	vst v63  }
0x6a: {  	_ =	swait.ge [sflag:s14], $0x3E80  }
0x6b: {  	[sflag:s14] =	ssyncset.done $0x0  }
0x6c: {  	s26 =	simm.s32 $0x180;
	s25 =	simm.s32 $0x400;
	[sflag:s14] =	ssyncadd.s32 $0xFFFFC180  }
.LBB2_4:
0x6d: {  	[tilespmem:s19], [sflag:$0x2] =	stream.indirect.gather [hbm4b:s5+s16], $0x80, s26, s16, $0xb8;
	[tilespmem:$0x1E800] =	vst v63  }
0x6e: {  	s26 =	smov.u32 s25  }
0x6f: {  	p0 =	sne.s32 s25, $0x4800;
	s25 =	sadd.s32 $0x400, s25;
	_ =	swait.ge [sflag:s20], $0x3E80  }
0x70: {  	s26 =	sshra.s32 s26, $0x2;
	[sflag:s20] =	ssyncset.done $0x0  }
0x71: {  	s28 =	sadd.s32 $0x1400, s26;
	[sflag:s20] =	ssyncadd.s32 $0xFFFFC180  }
0x72: {  	[spmem:s2] =	stream.indirect.scatter.add.f32 [tilespmem:s17], [sflag:$0x3], $0x80, s28, s16, $0xb8;
	[tilespmem:$0x1E800] =	vst v63  }
0x73: {  	_ =	swait.ge [sflag:s14], $0x3E80  }
0x74: {  	[sflag:s14] =	ssyncset.done $0x0  }
0x75: {  	s28 =	sadd.s32 $0x100, s26;
	[sflag:s14] =	ssyncadd.s32 $0xFFFFC180  }
0x76: {  	[tilespmem:s17], [sflag:$0x1] =	stream.indirect.gather [hbm4b:s5+s16], $0x80, s28, s16, $0xb8;
	[tilespmem:$0x1E800] =	vst v63  }
0x77: {  	_ =	swait.ge [sflag:s21], $0x3E80  }
0x78: {  	[sflag:s21] =	ssyncset.done $0x0  }
.Ltmp1:
0x79: {  	s28 =	sadd.s32 $0x1480, s26;
	[sflag:s21] =	ssyncadd.s32 $0xFFFFC180;
	(pc) =	sbr.rel @p0 .LBB2_4-.Ltmp1, $4  }
0x7a: {  	[spmem:s2] =	stream.indirect.scatter.add.f32 [tilespmem:s19], [sflag:$0x3], $0x80, s28, s16, $0xb8;
	[tilespmem:$0x1E800] =	vst v63  }
0x7b: {  	_ =	swait.ge [sflag:s14], $0x3E80  }
0x7c: {  	[sflag:s14] =	ssyncset.done $0x0  }
0x7d: {  	s26 =	sadd.s32 $0x180, s26;
	[sflag:s14] =	ssyncadd.s32 $0xFFFFC180  }
0x7e: {  	[tilespmem:s19], [sflag:$0x2] =	stream.indirect.gather [hbm4b:s5+s16], $0x80, s26, s16, $0xb8;
	[tilespmem:$0x1E800] =	vst v63  }
0x7f: {  	_ =	swait.ge [sflag:s20], $0x3E80  }
0x80: {  	[sflag:s20] =	ssyncset.done $0x0  }
0x81: {  	[sflag:s20] =	ssyncadd.s32 $0xFFFFC180  }
0x82: {  	[spmem:s2] =	stream.indirect.scatter.add.f32 [tilespmem:s17], [sflag:$0x3], $0x80, s22, s16, $0xb8;
	[tilespmem:$0x1E800] =	vst v63  }
0x83: {  	_ =	swait.ge [sflag:s14], $0x3E80  }
0x84: {  	[sflag:s14] =	ssyncset.done $0x0  }
0x85: {  	[sflag:s14] =	ssyncadd.s32 $0xFFFFC180  }
0x86: {  	_ =	swait.ge [sflag:s21], $0x3E80  }
0x87: {  	[sflag:s21] =	ssyncset.done $0x0  }
0x88: {  	[sflag:s21] =	ssyncadd.s32 $0xFFFFC180  }
0x89: {  	[spmem:s2] =	stream.indirect.scatter.add.f32 [tilespmem:s19], [sflag:$0x3], $0x80, s23, s16, $0xb8;
	[tilespmem:$0x1E800] =	vst v63  }
0x8a: {  	_ =	swait.ge [sflag:s14], $0x3E80  }
0x8b: {  	s24 =	sadd.s32 $0x1, s24;
	[sflag:s14] =	ssyncset.done $0x0  }
0x8c: {  	p0 =	sne.s32 s24, s12;
	[sflag:s14] =	ssyncadd.s32 $0xFFFFC180  }
.Ltmp2:
0x8d: {  	[bflag:$0x0] =	sbarrier.arrive $0xFFFF;
	(pc) =	sbr.rel @p0 .LBB2_1-.Ltmp2, $4  }
0x8e: {  	[hbm:s11], [sflag:s6] =	dma.local [spmem:s13], $0x2800  }
0x8f: {  	_ =	swait.ge [sflag:s14], $0x2800  }
0x90: {  	[sflag:s14] =	ssyncset.done $0x0  }
0x91: {  	[sflag:s14] =	ssyncadd.s32 $0xFFFFD800  }
0x92: {  	_ =	sfence.sel $0x180000  }
0x93: {  	[bflag:$0x0] =	sbarrier.arrive $0xFFFF  }
0x94: {  	p0 =	sne.s32 s3, $0x0;
	_ =	strace $0x90000047  }
0x95: {  	s0 =	sadd.s32 @!p0 $0x100000, s0;
	[bflag:$0x2] =	sbarrier.arrive $0xFFFF  }
0x96: {  	[sflag:s0] =	ssyncadd.tile.s32 @!p0 $0x1;
	_ =	shalt  }
.Lfunc_end2:
_tile_overlayer_lowered:
.L_overlay_start_2:
0x97: {  	(tag) =	ssettag $0x2  }
0x98: {  	s0 =	rddreg [dreg:$0x0];
	s2 =	stileid.u32  }
0x99: {  	s1 =	rddreg [dreg:$0x1];
	p0 =	sne.s32 s2, $0x0  }
0x9a: {  	s3 =	rddreg [dreg:$0x2];
	[bflag:$0x3] =	sbarrier.arrive $0xFFFF;
	s2 =	simm.s32 @!p0 $0x1C03  }
0x9b: {  	[timem:s3], [sflag:s2] =	dma.local @!p0 [hbm:s0], s1  }
0x9c: {  	s0 =	simm.s32 @!p0 $0x3  }
0x9d: {  	_ =	swait.ge @!p0 [sflag:s0], s1  }
0x9e: {  	s1 =	ssub.s32 @!p0 $0x0, s1;
	[sflag:s0] =	ssyncset.done @!p0 $0x0  }
0x9f: {  	[sflag:s0] =	ssyncadd.s32 @!p0 s1  }
0xa0: {  	[bflag:$0x3] =	sbarrier.arrive $0xFFFF  }
0xa1: {  	_ =	shalt  }

</sc_bundles>
